<compile_context>
chip_gen: v7x
topology: tpu7x:2x2x1
jax: 0.10.2.dev20260603
libtpu: 0.0.44.dev20260713+nightly
codegen_flags: <defaults>
</compile_context>

<pallas_src>
import functools

import jax
import jax.numpy as jnp
from jax import lax
from jax.experimental import pallas as pl
from jax.experimental.pallas import tpu as pltpu
from jax.experimental.pallas import tpu_sc as plsc

N_NODES = 10000
FEAT = 128
NC = 2
NS = 16
NW = NC * NS
CHUNK = 64
BLK = 16
NBUF = 4
NP = 10112
ROWS_PER_TILE = NP // NS


def _make_agg(c0: int, c1: int):
    mesh = plsc.VectorSubcoreMesh(core_axis_name="c", subcore_axis_name="s",
                                  num_cores=NC, num_subcores=NS)

    def body(h, src, dst, zeros, agg_out, src_v, dst_v, *rest):
        rows = rest[:NBUF]
        acc = rest[NBUF]
        gsem = rest[NBUF + 1:2 * NBUF + 1]
        ssem = rest[2 * NBUF + 1:3 * NBUF + 1]
        cid = lax.axis_index("c")
        sid = lax.axis_index("s")
        wid = sid * NC + cid
        base = sid * ROWS_PER_TILE

        pltpu.sync_copy(zeros.at[pl.ds(base, ROWS_PER_TILE)],
                        acc.at[pl.ds(base, ROWS_PER_TILE)])
        plsc.subcore_barrier()

        def step(blk, _):
            pltpu.sync_copy(src.at[wid, pl.ds(blk * BLK, BLK)], src_v)
            pltpu.sync_copy(dst.at[wid, pl.ds(blk * BLK, BLK)], dst_v)
            g = [None] * NBUF
            pend_s = {}
            for j in range(min(NBUF - 1, BLK)):
                g[j] = pltpu.async_copy(h.at[src_v.at[j]], rows[j], gsem[j])
            for k in range(BLK):
                b = k % NBUF
                g[b].wait()
                nxt = k + NBUF - 1
                if nxt < BLK:
                    nb = nxt % NBUF
                    if nb in pend_s:
                        pend_s.pop(nb).wait()
                    g[nb] = pltpu.async_copy(
                        h.at[src_v.at[nxt]], rows[nb], gsem[nb])
                pend_s[b] = pltpu.async_copy(
                    rows[b], acc.at[dst_v.at[k]], ssem[b], add=True)
            for d in pend_s.values():
                d.wait()
            return 0
        nblk = jnp.where(cid == 0, c0 // BLK, c1 // BLK)
        lax.fori_loop(0, nblk, step, 0)

        plsc.subcore_barrier()
        pltpu.sync_copy(acc.at[pl.ds(base, ROWS_PER_TILE)],
                        agg_out.at[cid, pl.ds(base, ROWS_PER_TILE)])

    return pl.kernel(
        body,
        out_type=jax.ShapeDtypeStruct((NC, NP, FEAT), jnp.float32),
        mesh=mesh,
        scratch_types=(
            [pltpu.VMEM((BLK, CHUNK), jnp.int32),
             pltpu.VMEM((BLK, CHUNK), jnp.int32)]
            + [pltpu.VMEM((CHUNK, FEAT), jnp.float32)
               for _ in range(NBUF)]
            + [pltpu.VMEM_SHARED((NP, FEAT), jnp.float32)]
            + [pltpu.SemaphoreType.DMA for _ in range(2 * NBUF)]
        ),
    )


def _make_cnt(num_chunks: int):
    mesh = plsc.VectorSubcoreMesh(core_axis_name="c", subcore_axis_name="s",
                                  num_cores=NC, num_subcores=NS)

    def body(dst, zeros, ones, cnt_out, dst_v, ones_v, acc, sem):
        cid = lax.axis_index("c")
        sid = lax.axis_index("s")
        wid = sid * NC + cid
        base = sid * ROWS_PER_TILE

        pltpu.sync_copy(zeros.at[pl.ds(base, ROWS_PER_TILE)],
                        acc.at[pl.ds(base, ROWS_PER_TILE)])
        pltpu.sync_copy(ones, ones_v)
        plsc.subcore_barrier()

        def step(blk, _):
            pltpu.sync_copy(dst.at[wid, pl.ds(blk * BLK, BLK)], dst_v)
            descs = [
                pltpu.async_copy(ones_v, acc.at[dst_v.at[k]], sem, add=True)
                for k in range(BLK)
            ]
            for d in descs:
                d.wait()
            return 0
        lax.fori_loop(0, num_chunks // BLK, step, 0)

        plsc.subcore_barrier()
        pltpu.sync_copy(acc.at[pl.ds(base, ROWS_PER_TILE)],
                        cnt_out.at[cid, pl.ds(base, ROWS_PER_TILE)])

    return pl.kernel(
        body,
        out_type=jax.ShapeDtypeStruct((NC, NP, FEAT), jnp.float32),
        mesh=mesh,
        scratch_types=[
            pltpu.VMEM((BLK, CHUNK), jnp.int32),
            pltpu.VMEM((CHUNK, FEAT), jnp.float32),
            pltpu.VMEM_SHARED((NP, FEAT), jnp.float32),
            pltpu.SemaphoreType.DMA,
        ],
    )


def _tc_layer1(agg, cnt, x, w_t, b):
    n = x.shape[0]
    blk = 1000
    grid = n // blk

    def body(agg_ref, cnt_ref, x_ref, w_ref, b_ref, out_ref):
        a = agg_ref[0] + agg_ref[1]
        c = cnt_ref[0][:, :1] + cnt_ref[1][:, :1]
        mean = a / jnp.maximum(c, 1.0)
        sel = jnp.where(c > 0, mean, x_ref[...])
        acc = jnp.dot(sel, w_ref[...], preferred_element_type=jnp.float32)
        out_ref[...] = jnp.tanh(acc + b_ref[...])

    return pl.pallas_call(
        body,
        grid=(grid,),
        in_specs=[
            pl.BlockSpec((NC, blk, FEAT), lambda i: (0, i, 0)),
            pl.BlockSpec((NC, blk, FEAT), lambda i: (0, i, 0)),
            pl.BlockSpec((blk, FEAT), lambda i: (i, 0)),
            pl.BlockSpec((FEAT, FEAT), lambda i: (0, 0)),
            pl.BlockSpec((1, FEAT), lambda i: (0, 0)),
        ],
        out_specs=pl.BlockSpec((blk, FEAT), lambda i: (i, 0)),
        out_shape=jax.ShapeDtypeStruct((n, FEAT), jnp.float32),
    )(agg, cnt, x, w_t, b)


def _tc_layer23(agg, cnt, h1, w2_t, b2, w3_t, b3):
    n = h1.shape[0]
    blk = 1000
    grid = n // blk

    def body(agg_ref, cnt_ref, h_ref, w2_ref, b2_ref, w3_ref, b3_ref,
             out_ref):
        a = agg_ref[0] + agg_ref[1]
        c = cnt_ref[0][:, :1] + cnt_ref[1][:, :1]
        mean = a / jnp.maximum(c, 1.0)
        sel = jnp.where(c > 0, mean, h_ref[...])
        h2 = jnp.tanh(
            jnp.dot(sel, w2_ref[...], preferred_element_type=jnp.float32)
            + b2_ref[...])
        out_ref[...] = (
            jnp.dot(h2, w3_ref[...], preferred_element_type=jnp.float32)
            + b3_ref[...])

    return pl.pallas_call(
        body,
        grid=(grid,),
        in_specs=[
            pl.BlockSpec((NC, blk, FEAT), lambda i: (0, i, 0)),
            pl.BlockSpec((NC, blk, FEAT), lambda i: (0, i, 0)),
            pl.BlockSpec((blk, FEAT), lambda i: (i, 0)),
            pl.BlockSpec((FEAT, FEAT), lambda i: (0, 0)),
            pl.BlockSpec((1, FEAT), lambda i: (0, 0)),
            pl.BlockSpec((FEAT, FEAT), lambda i: (0, 0)),
            pl.BlockSpec((1, FEAT), lambda i: (0, 0)),
        ],
        out_specs=pl.BlockSpec((blk, FEAT), lambda i: (i, 0)),
        out_shape=jax.ShapeDtypeStruct((n, FEAT), jnp.float32),
    )(agg, cnt, h1, w2_t, b2, w3_t, b3)


def _pack(s, d, n, rows, cols):
    total = rows * cols * CHUNK
    pad = total - s.shape[0]
    dummy_dst = n + (jnp.arange(pad, dtype=jnp.int32) % (NP - n))
    s = jnp.concatenate([s, jnp.zeros((pad,), jnp.int32)])
    d = jnp.concatenate([d, dummy_dst])
    return (s.reshape(rows, cols, CHUNK), d.reshape(rows, cols, CHUNK))


def kernel(x, edge_index, W1, b1, W2, b2, W3, b3):
    n = x.shape[0]
    e = edge_index.shape[1]

    per_tile = -(-e // (NW * CHUNK * BLK)) * CHUNK * BLK
    num_chunks = per_tile // CHUNK
    _, dst_sym = _pack(edge_index[0], edge_index[1], n, NW, num_chunks)

    c_total = -(-e // (NS * CHUNK * BLK)) * BLK
    c0 = (c_total * 19 // 20) // BLK * BLK
    c1 = c_total - c0
    cmax = max(c0, c1)
    e0 = NS * c0 * CHUNK
    s0, d0 = _pack(edge_index[0, :e0], edge_index[1, :e0], n, NS, c0)
    s1, d1 = _pack(edge_index[0, e0:], edge_index[1, e0:], n, NS, c1)

    def _widen(a, c):
        if c < cmax:
            fill_s = jnp.zeros((NS, cmax - c, CHUNK), jnp.int32)
            return jnp.concatenate([a, fill_s], axis=1)
        return a

    src = jnp.stack([_widen(s0, c0), _widen(s1, c1)], axis=1)
    src = src.reshape(NW, cmax, CHUNK)
    dst_parts = [_widen(d0, c0), _widen(d1, c1)]
    dst = jnp.stack(dst_parts, axis=1).reshape(NW, cmax, CHUNK)

    zeros = jnp.zeros((NP, FEAT), jnp.float32)
    ones = jnp.ones((CHUNK, FEAT), jnp.float32)

    agg_k = _make_agg(c0, c1)
    cnt_k = _make_cnt(num_chunks)

    w1_t = W1.T
    w2_t = W2.T
    w3_t = jnp.zeros((FEAT, FEAT), jnp.float32).at[:, :W3.shape[0]].set(W3.T)
    b1r = b1.reshape(1, FEAT)
    b2r = b2.reshape(1, FEAT)
    b3r = jnp.zeros((1, FEAT), jnp.float32).at[0, :W3.shape[0]].set(b3)

    cnt = cnt_k(dst_sym, zeros, ones)
    agg1 = agg_k(x, src, dst, zeros)
    h1 = _tc_layer1(agg1, cnt, x, w1_t, b1r)
    agg2 = agg_k(h1, src, dst, zeros)
    out = _tc_layer23(agg2, cnt, h1, w2_t, b2r, w3_t, b3r)
    return out[:, :W3.shape[0]]

# --- scband reference (transcript-rebuilt; emitter-appended) ---
"""Pipeline reference for scband-hybrid-graph-classifier-65481071404084 (READ-ONLY COPY).

The authoritative reference and input builder live on the scoring server;
editing this copy changes nothing except your own understanding.
"""

import jax, jax.numpy as jnp
import numpy as np

N = 10000          # n_nodes
E = 320000         # directed edges (avg_degree=32)
ARCH = [128, 128, 128, 16]


def setup_inputs(seed: int = 0) -> dict:
    key = jax.random.key(seed)
    ks = jax.random.split(key, 10)
    x = jax.random.normal(ks[0], (N, ARCH[0]), dtype=jnp.float32)
    # adjacency as a directed edge list (symmetrized random graph equivalent)
    src = jax.random.randint(ks[1], (E // 2,), 0, N, dtype=jnp.int32)
    dst = jax.random.randint(ks[2], (E // 2,), 0, N, dtype=jnp.int32)
    edge_index = jnp.stack([jnp.concatenate([src, dst]),
                            jnp.concatenate([dst, src])], axis=0)  # [2, E]
    W1 = jax.random.normal(ks[3], (ARCH[1], ARCH[0]), dtype=jnp.float32) * 0.05
    b1 = jax.random.normal(ks[4], (ARCH[1],), dtype=jnp.float32) * 0.05
    W2 = jax.random.normal(ks[5], (ARCH[2], ARCH[1]), dtype=jnp.float32) * 0.05
    b2 = jax.random.normal(ks[6], (ARCH[2],), dtype=jnp.float32) * 0.05
    W3 = jax.random.normal(ks[7], (ARCH[3], ARCH[2]), dtype=jnp.float32) * 0.05
    b3 = jax.random.normal(ks[8], (ARCH[3],), dtype=jnp.float32) * 0.05
    return {"x": x, "edge_index": edge_index,
            "W1": W1, "b1": b1, "W2": W2, "b2": b2, "W3": W3, "b3": b3}


def _neighbor_mean(h, src, dst):
    # agg[i] = mean of h over neighbors of i; fall back to h[i] if no neighbors
    msg_sum = jax.ops.segment_sum(h[src], dst, num_segments=N)
    cnt = jax.ops.segment_sum(jnp.ones((src.shape[0], 1), h.dtype), dst,
                              num_segments=N)
    return jnp.where(cnt > 0, msg_sum / jnp.maximum(cnt, 1.0), h)


def reference(x, edge_index, W1, b1, W2, b2, W3, b3):
    src = edge_index[0]
    dst = edge_index[1]
    # layer 1: aggregate -> linear -> tanh
    agg = _neighbor_mean(x, src, dst)
    h = jnp.tanh(agg @ W1.T + b1)
    # layer 2: aggregate -> linear -> tanh
    agg = _neighbor_mean(h, src, dst)
    h = jnp.tanh(agg @ W2.T + b2)
    # final classifier layer (no aggregation, matches layers[-1])
    logits = h @ W3.T + b3
    return logits

if __name__ == "__main__":
    import jax
    _d = setup_inputs()
    print(jax.jit(kernel)(*tuple(_d.values())))

</pallas_src>

<mosaic_0001>
#map = affine_map<(d0, d1) -> (0, 0, 0)>
#map1 = affine_map<(d0, d1) -> (0, 0)>
module attributes {stable_mosaic.version = 14 : i64} {
  func.func @body(%arg0: i32, %arg1: i32, %arg2: memref<32x160x64xi32, #tpu.memory_space<hbm>>, %arg3: memref<10112x128xf32, #tpu.memory_space<hbm>>, %arg4: memref<64x128xf32, #tpu.memory_space<hbm>>, %arg5: memref<2x10112x128xf32, #tpu.memory_space<hbm>>, %arg6: memref<16x64xi32, #tpu.memory_space<vmem>>, %arg7: memref<64x128xf32, #tpu.memory_space<vmem>>, %arg8: memref<10112x128xf32, #tpu.memory_space<vmem_shared>>, %arg9: memref<!tpu.dma_semaphore, #tpu.memory_space<semaphore_mem>>) attributes {dimension_semantics = [#tpu.dimension_semantics<core_parallel>, #tpu.dimension_semantics<subcore_parallel>], iteration_bounds = array<i64: 2, 16>, scalar_prefetch = 0 : i64, scratch_operands = 4 : i64, tpu.core_type = #tpu.core_type<sc_vector_subcore>, window_params = [{transform_indices = #map}, {transform_indices = #map1}, {transform_indices = #map1}, {transform_indices = #map}]} {
    %mul3A = arith.constant 2 : i32
    %mul3A_0 = arith.muli %arg1, %mul3A : i32
    %add3A = arith.addi %mul3A_0, %arg0 : i32
    %mul3A_1 = arith.constant 632 : i32
    %mul3A_2 = arith.muli %arg1, %mul3A_1 : i32
    "tpu.region"() ({
      %run_scoped3A = tpu.sem_alloc : memref<!tpu.dma_semaphore, #tpu.memory_space<semaphore_mem>>
      %dma_start3A = arith.constant 0 : i32
      %dma_start3A_10 = tpu.memref_slice %arg8[%mul3A_2, %dma_start3A] : memref<10112x128xf32, #tpu.memory_space<vmem_shared>> -> memref<632x128xf32, #tpu.memory_space<vmem_shared>>
      %dma_start3A_11 = arith.constant 0 : i32
      %dma_start3A_12 = tpu.memref_slice %arg3[%mul3A_2, %dma_start3A_11] : memref<10112x128xf32, #tpu.memory_space<hbm>> -> memref<632x128xf32, #tpu.memory_space<hbm>>
      tpu.enqueue_dma source(%dma_start3A_12 : memref<632x128xf32, #tpu.memory_space<hbm>>) target(%dma_start3A_10 : memref<632x128xf32, #tpu.memory_space<vmem_shared>>) target_semaphore(%run_scoped3A : memref<!tpu.dma_semaphore, #tpu.memory_space<semaphore_mem>>)
      %dma_wait3A = arith.constant 0 : i32
      %dma_wait3A_13 = tpu.memref_slice %arg8[%mul3A_2, %dma_wait3A] : memref<10112x128xf32, #tpu.memory_space<vmem_shared>> -> memref<632x128xf32, #tpu.memory_space<vmem_shared>>
      %dma_wait3A_14 = arith.constant 0 : i32
      %dma_wait3A_15 = tpu.memref_slice %arg3[%mul3A_2, %dma_wait3A_14] : memref<10112x128xf32, #tpu.memory_space<hbm>> -> memref<632x128xf32, #tpu.memory_space<hbm>>
      tpu.wait_dma2 semaphore(%run_scoped3A : memref<!tpu.dma_semaphore, #tpu.memory_space<semaphore_mem>>) src(%dma_wait3A_15 : memref<632x128xf32, #tpu.memory_space<hbm>>) dst(%dma_wait3A_13 : memref<632x128xf32, #tpu.memory_space<vmem_shared>>)
      tpu.yield
    }) : () -> ()
    "tpu.region"() ({
      %run_scoped3A = tpu.sem_alloc : memref<!tpu.dma_semaphore, #tpu.memory_space<semaphore_mem>>
      tpu.enqueue_dma source(%arg4 : memref<64x128xf32, #tpu.memory_space<hbm>>) target(%arg7 : memref<64x128xf32, #tpu.memory_space<vmem>>) target_semaphore(%run_scoped3A : memref<!tpu.dma_semaphore, #tpu.memory_space<semaphore_mem>>)
      tpu.wait_dma2 semaphore(%run_scoped3A : memref<!tpu.dma_semaphore, #tpu.memory_space<semaphore_mem>>) src(%arg4 : memref<64x128xf32, #tpu.memory_space<hbm>>) dst(%arg7 : memref<64x128xf32, #tpu.memory_space<vmem>>)
      tpu.yield
    }) : () -> ()
    %barrier3A = arith.constant 0 : index
    tpu.barrier barrier_id(%barrier3A)
    %scan3A = arith.constant 0 : i32
    %scan3A_3 = arith.constant 0 : i32
    %scan3A_4 = arith.constant 10 : i32
    %scan3A_5 = arith.addi %scan3A_3, %scan3A_4 : i32
    %scan3A_6 = arith.constant 1 : i32
    %scan3A_7 = scf.for %scan3A_10 = %scan3A_3 to %scan3A_5 step %scan3A_6 iter_args(%scan3A_11 = %scan3A) -> (i32)  : i32 {
      %mul3A_12 = arith.constant 16 : i32
      %mul3A_13 = arith.muli %scan3A_10, %mul3A_12 : i32
      "tpu.region"() ({
        %run_scoped3A = tpu.sem_alloc : memref<!tpu.dma_semaphore, #tpu.memory_space<semaphore_mem>>
        %dma_start3A_237 = arith.constant 0 : i32
        %dma_start3A_238 = tpu.memref_slice %arg2[%add3A, %mul3A_13, %dma_start3A_237] : memref<32x160x64xi32, #tpu.memory_space<hbm>> -> memref<1x16x64xi32, #tpu.memory_space<hbm>>
        %dma_start3A_239 = tpu.memref_squeeze %dma_start3A_238 : memref<1x16x64xi32, #tpu.memory_space<hbm>> -> memref<16x64xi32, #tpu.memory_space<hbm>>
        %dma_start3A_240 = arith.constant 0 : i32
        %dma_start3A_241 = tpu.memref_slice %arg2[%add3A, %mul3A_13, %dma_start3A_240] : memref<32x160x64xi32, #tpu.memory_space<hbm>> -> memref<1x16x64xi32, #tpu.memory_space<hbm>>
        %dma_start3A_242 = tpu.memref_squeeze %dma_start3A_241 : memref<1x16x64xi32, #tpu.memory_space<hbm>> -> memref<16x64xi32, #tpu.memory_space<hbm>>
        tpu.enqueue_dma source(%dma_start3A_242 : memref<16x64xi32, #tpu.memory_space<hbm>>) target(%arg6 : memref<16x64xi32, #tpu.memory_space<vmem>>) target_semaphore(%run_scoped3A : memref<!tpu.dma_semaphore, #tpu.memory_space<semaphore_mem>>)
        %dma_wait3A_243 = arith.constant 0 : i32
        %dma_wait3A_244 = tpu.memref_slice %arg2[%add3A, %mul3A_13, %dma_wait3A_243] : memref<32x160x64xi32, #tpu.memory_space<hbm>> -> memref<1x16x64xi32, #tpu.memory_space<hbm>>
        %dma_wait3A_245 = tpu.memref_squeeze %dma_wait3A_244 : memref<1x16x64xi32, #tpu.memory_space<hbm>> -> memref<16x64xi32, #tpu.memory_space<hbm>>
        %dma_wait3A_246 = arith.constant 0 : i32
        %dma_wait3A_247 = tpu.memref_slice %arg2[%add3A, %mul3A_13, %dma_wait3A_246] : memref<32x160x64xi32, #tpu.memory_space<hbm>> -> memref<1x16x64xi32, #tpu.memory_space<hbm>>
        %dma_wait3A_248 = tpu.memref_squeeze %dma_wait3A_247 : memref<1x16x64xi32, #tpu.memory_space<hbm>> -> memref<16x64xi32, #tpu.memory_space<hbm>>
        tpu.wait_dma2 semaphore(%run_scoped3A : memref<!tpu.dma_semaphore, #tpu.memory_space<semaphore_mem>>) src(%dma_wait3A_248 : memref<16x64xi32, #tpu.memory_space<hbm>>) dst(%arg6 : memref<16x64xi32, #tpu.memory_space<vmem>>)
        tpu.yield
      }) : () -> ()
      %dma_start3A = arith.constant 0 : i32
      %dma_start3A_14 = arith.constant 0 : i32
      %dma_start3A_15 = tpu.memref_slice %arg6[%dma_start3A, %dma_start3A_14] : memref<16x64xi32, #tpu.memory_space<vmem>> -> memref<1x64xi32, #tpu.memory_space<vmem>>
      %dma_start3A_16 = tpu.memref_squeeze %dma_start3A_15 : memref<1x64xi32, #tpu.memory_space<vmem>> -> memref<64xi32, #tpu.memory_space<vmem>>
      %dma_start3A_17 = arith.constant 0 : i32
      %dma_start3A_18 = arith.constant 0 : i32
      %dma_start3A_19 = tpu.memref_slice %arg8[%dma_start3A_17, %dma_start3A_18] : memref<10112x128xf32, #tpu.memory_space<vmem_shared>> -> memref<10112x128xf32, #tpu.memory_space<vmem_shared>>
      tpu.enqueue_indirect_dma source(%arg7 : memref<64x128xf32, #tpu.memory_space<vmem>>) target(%dma_start3A_19 : memref<10112x128xf32, #tpu.memory_space<vmem_shared>>) offsets(%dma_start3A_16 : memref<64xi32, #tpu.memory_space<vmem>>) semaphore(%arg9 : memref<!tpu.dma_semaphore, #tpu.memory_space<semaphore_mem>>) {add = true}
      %dma_start3A_20 = arith.constant 1 : i32
      %dma_start3A_21 = arith.constant 0 : i32
      %dma_start3A_22 = tpu.memref_slice %arg6[%dma_start3A_20, %dma_start3A_21] : memref<16x64xi32, #tpu.memory_space<vmem>> -> memref<1x64xi32, #tpu.memory_space<vmem>>
      %dma_start3A_23 = tpu.memref_squeeze %dma_start3A_22 : memref<1x64xi32, #tpu.memory_space<vmem>> -> memref<64xi32, #tpu.memory_space<vmem>>
      %dma_start3A_24 = arith.constant 0 : i32
      %dma_start3A_25 = arith.constant 0 : i32
      %dma_start3A_26 = tpu.memref_slice %arg8[%dma_start3A_24, %dma_start3A_25] : memref<10112x128xf32, #tpu.memory_space<vmem_shared>> -> memref<10112x128xf32, #tpu.memory_space<vmem_shared>>
      tpu.enqueue_indirect_dma source(%arg7 : memref<64x128xf32, #tpu.memory_space<vmem>>) target(%dma_start3A_26 : memref<10112x128xf32, #tpu.memory_space<vmem_shared>>) offsets(%dma_start3A_23 : memref<64xi32, #tpu.memory_space<vmem>>) semaphore(%arg9 : memref<!tpu.dma_semaphore, #tpu.memory_space<semaphore_mem>>) {add = true}
      %dma_start3A_27 = arith.constant 2 : i32
      %dma_start3A_28 = arith.constant 0 : i32
      %dma_start3A_29 = tpu.memref_slice %arg6[%dma_start3A_27, %dma_start3A_28] : memref<16x64xi32, #tpu.memory_space<vmem>> -> memref<1x64xi32, #tpu.memory_space<vmem>>
      %dma_start3A_30 = tpu.memref_squeeze %dma_start3A_29 : memref<1x64xi32, #tpu.memory_space<vmem>> -> memref<64xi32, #tpu.memory_space<vmem>>
      %dma_start3A_31 = arith.constant 0 : i32
      %dma_start3A_32 = arith.constant 0 : i32
      %dma_start3A_33 = tpu.memref_slice %arg8[%dma_start3A_31, %dma_start3A_32] : memref<10112x128xf32, #tpu.memory_space<vmem_shared>> -> memref<10112x128xf32, #tpu.memory_space<vmem_shared>>
      tpu.enqueue_indirect_dma source(%arg7 : memref<64x128xf32, #tpu.memory_space<vmem>>) target(%dma_start3A_33 : memref<10112x128xf32, #tpu.memory_space<vmem_shared>>) offsets(%dma_start3A_30 : memref<64xi32, #tpu.memory_space<vmem>>) semaphore(%arg9 : memref<!tpu.dma_semaphore, #tpu.memory_space<semaphore_mem>>) {add = true}
      %dma_start3A_34 = arith.constant 3 : i32
      %dma_start3A_35 = arith.constant 0 : i32
      %dma_start3A_36 = tpu.memref_slice %arg6[%dma_start3A_34, %dma_start3A_35] : memref<16x64xi32, #tpu.memory_space<vmem>> -> memref<1x64xi32, #tpu.memory_space<vmem>>
      %dma_start3A_37 = tpu.memref_squeeze %dma_start3A_36 : memref<1x64xi32, #tpu.memory_space<vmem>> -> memref<64xi32, #tpu.memory_space<vmem>>
      %dma_start3A_38 = arith.constant 0 : i32
      %dma_start3A_39 = arith.constant 0 : i32
      %dma_start3A_40 = tpu.memref_slice %arg8[%dma_start3A_38, %dma_start3A_39] : memref<10112x128xf32, #tpu.memory_space<vmem_shared>> -> memref<10112x128xf32, #tpu.memory_space<vmem_shared>>
      tpu.enqueue_indirect_dma source(%arg7 : memref<64x128xf32, #tpu.memory_space<vmem>>) target(%dma_start3A_40 : memref<10112x128xf32, #tpu.memory_space<vmem_shared>>) offsets(%dma_start3A_37 : memref<64xi32, #tpu.memory_space<vmem>>) semaphore(%arg9 : memref<!tpu.dma_semaphore, #tpu.memory_space<semaphore_mem>>) {add = true}
      %dma_start3A_41 = arith.constant 4 : i32
      %dma_start3A_42 = arith.constant 0 : i32
      %dma_start3A_43 = tpu.memref_slice %arg6[%dma_start3A_41, %dma_start3A_42] : memref<16x64xi32, #tpu.memory_space<vmem>> -> memref<1x64xi32, #tpu.memory_space<vmem>>
      %dma_start3A_44 = tpu.memref_squeeze %dma_start3A_43 : memref<1x64xi32, #tpu.memory_space<vmem>> -> memref<64xi32, #tpu.memory_space<vmem>>
      %dma_start3A_45 = arith.constant 0 : i32
      %dma_start3A_46 = arith.constant 0 : i32
      %dma_start3A_47 = tpu.memref_slice %arg8[%dma_start3A_45, %dma_start3A_46] : memref<10112x128xf32, #tpu.memory_space<vmem_shared>> -> memref<10112x128xf32, #tpu.memory_space<vmem_shared>>
      tpu.enqueue_indirect_dma source(%arg7 : memref<64x128xf32, #tpu.memory_space<vmem>>) target(%dma_start3A_47 : memref<10112x128xf32, #tpu.memory_space<vmem_shared>>) offsets(%dma_start3A_44 : memref<64xi32, #tpu.memory_space<vmem>>) semaphore(%arg9 : memref<!tpu.dma_semaphore, #tpu.memory_space<semaphore_mem>>) {add = true}
      %dma_start3A_48 = arith.constant 5 : i32
      %dma_start3A_49 = arith.constant 0 : i32
      %dma_start3A_50 = tpu.memref_slice %arg6[%dma_start3A_48, %dma_start3A_49] : memref<16x64xi32, #tpu.memory_space<vmem>> -> memref<1x64xi32, #tpu.memory_space<vmem>>
      %dma_start3A_51 = tpu.memref_squeeze %dma_start3A_50 : memref<1x64xi32, #tpu.memory_space<vmem>> -> memref<64xi32, #tpu.memory_space<vmem>>
      %dma_start3A_52 = arith.constant 0 : i32
      %dma_start3A_53 = arith.constant 0 : i32
      %dma_start3A_54 = tpu.memref_slice %arg8[%dma_start3A_52, %dma_start3A_53] : memref<10112x128xf32, #tpu.memory_space<vmem_shared>> -> memref<10112x128xf32, #tpu.memory_space<vmem_shared>>
      tpu.enqueue_indirect_dma source(%arg7 : memref<64x128xf32, #tpu.memory_space<vmem>>) target(%dma_start3A_54 : memref<10112x128xf32, #tpu.memory_space<vmem_shared>>) offsets(%dma_start3A_51 : memref<64xi32, #tpu.memory_space<vmem>>) semaphore(%arg9 : memref<!tpu.dma_semaphore, #tpu.memory_space<semaphore_mem>>) {add = true}
      %dma_start3A_55 = arith.constant 6 : i32
      %dma_start3A_56 = arith.constant 0 : i32
      %dma_start3A_57 = tpu.memref_slice %arg6[%dma_start3A_55, %dma_start3A_56] : memref<16x64xi32, #tpu.memory_space<vmem>> -> memref<1x64xi32, #tpu.memory_space<vmem>>
      %dma_start3A_58 = tpu.memref_squeeze %dma_start3A_57 : memref<1x64xi32, #tpu.memory_space<vmem>> -> memref<64xi32, #tpu.memory_space<vmem>>
      %dma_start3A_59 = arith.constant 0 : i32
      %dma_start3A_60 = arith.constant 0 : i32
      %dma_start3A_61 = tpu.memref_slice %arg8[%dma_start3A_59, %dma_start3A_60] : memref<10112x128xf32, #tpu.memory_space<vmem_shared>> -> memref<10112x128xf32, #tpu.memory_space<vmem_shared>>
      tpu.enqueue_indirect_dma source(%arg7 : memref<64x128xf32, #tpu.memory_space<vmem>>) target(%dma_start3A_61 : memref<10112x128xf32, #tpu.memory_space<vmem_shared>>) offsets(%dma_start3A_58 : memref<64xi32, #tpu.memory_space<vmem>>) semaphore(%arg9 : memref<!tpu.dma_semaphore, #tpu.memory_space<semaphore_mem>>) {add = true}
      %dma_start3A_62 = arith.constant 7 : i32
      %dma_start3A_63 = arith.constant 0 : i32
      %dma_start3A_64 = tpu.memref_slice %arg6[%dma_start3A_62, %dma_start3A_63] : memref<16x64xi32, #tpu.memory_space<vmem>> -> memref<1x64xi32, #tpu.memory_space<vmem>>
      %dma_start3A_65 = tpu.memref_squeeze %dma_start3A_64 : memref<1x64xi32, #tpu.memory_space<vmem>> -> memref<64xi32, #tpu.memory_space<vmem>>
      %dma_start3A_66 = arith.constant 0 : i32
      %dma_start3A_67 = arith.constant 0 : i32
      %dma_start3A_68 = tpu.memref_slice %arg8[%dma_start3A_66, %dma_start3A_67] : memref<10112x128xf32, #tpu.memory_space<vmem_shared>> -> memref<10112x128xf32, #tpu.memory_space<vmem_shared>>
      tpu.enqueue_indirect_dma source(%arg7 : memref<64x128xf32, #tpu.memory_space<vmem>>) target(%dma_start3A_68 : memref<10112x128xf32, #tpu.memory_space<vmem_shared>>) offsets(%dma_start3A_65 : memref<64xi32, #tpu.memory_space<vmem>>) semaphore(%arg9 : memref<!tpu.dma_semaphore, #tpu.memory_space<semaphore_mem>>) {add = true}
      %dma_start3A_69 = arith.constant 8 : i32
      %dma_start3A_70 = arith.constant 0 : i32
      %dma_start3A_71 = tpu.memref_slice %arg6[%dma_start3A_69, %dma_start3A_70] : memref<16x64xi32, #tpu.memory_space<vmem>> -> memref<1x64xi32, #tpu.memory_space<vmem>>
      %dma_start3A_72 = tpu.memref_squeeze %dma_start3A_71 : memref<1x64xi32, #tpu.memory_space<vmem>> -> memref<64xi32, #tpu.memory_space<vmem>>
      %dma_start3A_73 = arith.constant 0 : i32
      %dma_start3A_74 = arith.constant 0 : i32
      %dma_start3A_75 = tpu.memref_slice %arg8[%dma_start3A_73, %dma_start3A_74] : memref<10112x128xf32, #tpu.memory_space<vmem_shared>> -> memref<10112x128xf32, #tpu.memory_space<vmem_shared>>
      tpu.enqueue_indirect_dma source(%arg7 : memref<64x128xf32, #tpu.memory_space<vmem>>) target(%dma_start3A_75 : memref<10112x128xf32, #tpu.memory_space<vmem_shared>>) offsets(%dma_start3A_72 : memref<64xi32, #tpu.memory_space<vmem>>) semaphore(%arg9 : memref<!tpu.dma_semaphore, #tpu.memory_space<semaphore_mem>>) {add = true}
      %dma_start3A_76 = arith.constant 9 : i32
      %dma_start3A_77 = arith.constant 0 : i32
      %dma_start3A_78 = tpu.memref_slice %arg6[%dma_start3A_76, %dma_start3A_77] : memref<16x64xi32, #tpu.memory_space<vmem>> -> memref<1x64xi32, #tpu.memory_space<vmem>>
      %dma_start3A_79 = tpu.memref_squeeze %dma_start3A_78 : memref<1x64xi32, #tpu.memory_space<vmem>> -> memref<64xi32, #tpu.memory_space<vmem>>
      %dma_start3A_80 = arith.constant 0 : i32
      %dma_start3A_81 = arith.constant 0 : i32
      %dma_start3A_82 = tpu.memref_slice %arg8[%dma_start3A_80, %dma_start3A_81] : memref<10112x128xf32, #tpu.memory_space<vmem_shared>> -> memref<10112x128xf32, #tpu.memory_space<vmem_shared>>
      tpu.enqueue_indirect_dma source(%arg7 : memref<64x128xf32, #tpu.memory_space<vmem>>) target(%dma_start3A_82 : memref<10112x128xf32, #tpu.memory_space<vmem_shared>>) offsets(%dma_start3A_79 : memref<64xi32, #tpu.memory_space<vmem>>) semaphore(%arg9 : memref<!tpu.dma_semaphore, #tpu.memory_space<semaphore_mem>>) {add = true}
      %dma_start3A_83 = arith.constant 10 : i32
      %dma_start3A_84 = arith.constant 0 : i32
      %dma_start3A_85 = tpu.memref_slice %arg6[%dma_start3A_83, %dma_start3A_84] : memref<16x64xi32, #tpu.memory_space<vmem>> -> memref<1x64xi32, #tpu.memory_space<vmem>>
      %dma_start3A_86 = tpu.memref_squeeze %dma_start3A_85 : memref<1x64xi32, #tpu.memory_space<vmem>> -> memref<64xi32, #tpu.memory_space<vmem>>
      %dma_start3A_87 = arith.constant 0 : i32
      %dma_start3A_88 = arith.constant 0 : i32
      %dma_start3A_89 = tpu.memref_slice %arg8[%dma_start3A_87, %dma_start3A_88] : memref<10112x128xf32, #tpu.memory_space<vmem_shared>> -> memref<10112x128xf32, #tpu.memory_space<vmem_shared>>
      tpu.enqueue_indirect_dma source(%arg7 : memref<64x128xf32, #tpu.memory_space<vmem>>) target(%dma_start3A_89 : memref<10112x128xf32, #tpu.memory_space<vmem_shared>>) offsets(%dma_start3A_86 : memref<64xi32, #tpu.memory_space<vmem>>) semaphore(%arg9 : memref<!tpu.dma_semaphore, #tpu.memory_space<semaphore_mem>>) {add = true}
      %dma_start3A_90 = arith.constant 11 : i32
      %dma_start3A_91 = arith.constant 0 : i32
      %dma_start3A_92 = tpu.memref_slice %arg6[%dma_start3A_90, %dma_start3A_91] : memref<16x64xi32, #tpu.memory_space<vmem>> -> memref<1x64xi32, #tpu.memory_space<vmem>>
      %dma_start3A_93 = tpu.memref_squeeze %dma_start3A_92 : memref<1x64xi32, #tpu.memory_space<vmem>> -> memref<64xi32, #tpu.memory_space<vmem>>
      %dma_start3A_94 = arith.constant 0 : i32
      %dma_start3A_95 = arith.constant 0 : i32
      %dma_start3A_96 = tpu.memref_slice %arg8[%dma_start3A_94, %dma_start3A_95] : memref<10112x128xf32, #tpu.memory_space<vmem_shared>> -> memref<10112x128xf32, #tpu.memory_space<vmem_shared>>
      tpu.enqueue_indirect_dma source(%arg7 : memref<64x128xf32, #tpu.memory_space<vmem>>) target(%dma_start3A_96 : memref<10112x128xf32, #tpu.memory_space<vmem_shared>>) offsets(%dma_start3A_93 : memref<64xi32, #tpu.memory_space<vmem>>) semaphore(%arg9 : memref<!tpu.dma_semaphore, #tpu.memory_space<semaphore_mem>>) {add = true}
      %dma_start3A_97 = arith.constant 12 : i32
      %dma_start3A_98 = arith.constant 0 : i32
      %dma_start3A_99 = tpu.memref_slice %arg6[%dma_start3A_97, %dma_start3A_98] : memref<16x64xi32, #tpu.memory_space<vmem>> -> memref<1x64xi32, #tpu.memory_space<vmem>>
      %dma_start3A_100 = tpu.memref_squeeze %dma_start3A_99 : memref<1x64xi32, #tpu.memory_space<vmem>> -> memref<64xi32, #tpu.memory_space<vmem>>
      %dma_start3A_101 = arith.constant 0 : i32
      %dma_start3A_102 = arith.constant 0 : i32
      %dma_start3A_103 = tpu.memref_slice %arg8[%dma_start3A_101, %dma_start3A_102] : memref<10112x128xf32, #tpu.memory_space<vmem_shared>> -> memref<10112x128xf32, #tpu.memory_space<vmem_shared>>
      tpu.enqueue_indirect_dma source(%arg7 : memref<64x128xf32, #tpu.memory_space<vmem>>) target(%dma_start3A_103 : memref<10112x128xf32, #tpu.memory_space<vmem_shared>>) offsets(%dma_start3A_100 : memref<64xi32, #tpu.memory_space<vmem>>) semaphore(%arg9 : memref<!tpu.dma_semaphore, #tpu.memory_space<semaphore_mem>>) {add = true}
      %dma_start3A_104 = arith.constant 13 : i32
      %dma_start3A_105 = arith.constant 0 : i32
      %dma_start3A_106 = tpu.memref_slice %arg6[%dma_start3A_104, %dma_start3A_105] : memref<16x64xi32, #tpu.memory_space<vmem>> -> memref<1x64xi32, #tpu.memory_space<vmem>>
      %dma_start3A_107 = tpu.memref_squeeze %dma_start3A_106 : memref<1x64xi32, #tpu.memory_space<vmem>> -> memref<64xi32, #tpu.memory_space<vmem>>
      %dma_start3A_108 = arith.constant 0 : i32
      %dma_start3A_109 = arith.constant 0 : i32
      %dma_start3A_110 = tpu.memref_slice %arg8[%dma_start3A_108, %dma_start3A_109] : memref<10112x128xf32, #tpu.memory_space<vmem_shared>> -> memref<10112x128xf32, #tpu.memory_space<vmem_shared>>
      tpu.enqueue_indirect_dma source(%arg7 : memref<64x128xf32, #tpu.memory_space<vmem>>) target(%dma_start3A_110 : memref<10112x128xf32, #tpu.memory_space<vmem_shared>>) offsets(%dma_start3A_107 : memref<64xi32, #tpu.memory_space<vmem>>) semaphore(%arg9 : memref<!tpu.dma_semaphore, #tpu.memory_space<semaphore_mem>>) {add = true}
      %dma_start3A_111 = arith.constant 14 : i32
      %dma_start3A_112 = arith.constant 0 : i32
      %dma_start3A_113 = tpu.memref_slice %arg6[%dma_start3A_111, %dma_start3A_112] : memref<16x64xi32, #tpu.memory_space<vmem>> -> memref<1x64xi32, #tpu.memory_space<vmem>>
      %dma_start3A_114 = tpu.memref_squeeze %dma_start3A_113 : memref<1x64xi32, #tpu.memory_space<vmem>> -> memref<64xi32, #tpu.memory_space<vmem>>
      %dma_start3A_115 = arith.constant 0 : i32
      %dma_start3A_116 = arith.constant 0 : i32
      %dma_start3A_117 = tpu.memref_slice %arg8[%dma_start3A_115, %dma_start3A_116] : memref<10112x128xf32, #tpu.memory_space<vmem_shared>> -> memref<10112x128xf32, #tpu.memory_space<vmem_shared>>
      tpu.enqueue_indirect_dma source(%arg7 : memref<64x128xf32, #tpu.memory_space<vmem>>) target(%dma_start3A_117 : memref<10112x128xf32, #tpu.memory_space<vmem_shared>>) offsets(%dma_start3A_114 : memref<64xi32, #tpu.memory_space<vmem>>) semaphore(%arg9 : memref<!tpu.dma_semaphore, #tpu.memory_space<semaphore_mem>>) {add = true}
      %dma_start3A_118 = arith.constant 15 : i32
      %dma_start3A_119 = arith.constant 0 : i32
      %dma_start3A_120 = tpu.memref_slice %arg6[%dma_start3A_118, %dma_start3A_119] : memref<16x64xi32, #tpu.memory_space<vmem>> -> memref<1x64xi32, #tpu.memory_space<vmem>>
      %dma_start3A_121 = tpu.memref_squeeze %dma_start3A_120 : memref<1x64xi32, #tpu.memory_space<vmem>> -> memref<64xi32, #tpu.memory_space<vmem>>
      %dma_start3A_122 = arith.constant 0 : i32
      %dma_start3A_123 = arith.constant 0 : i32
      %dma_start3A_124 = tpu.memref_slice %arg8[%dma_start3A_122, %dma_start3A_123] : memref<10112x128xf32, #tpu.memory_space<vmem_shared>> -> memref<10112x128xf32, #tpu.memory_space<vmem_shared>>
      tpu.enqueue_indirect_dma source(%arg7 : memref<64x128xf32, #tpu.memory_space<vmem>>) target(%dma_start3A_124 : memref<10112x128xf32, #tpu.memory_space<vmem_shared>>) offsets(%dma_start3A_121 : memref<64xi32, #tpu.memory_space<vmem>>) semaphore(%arg9 : memref<!tpu.dma_semaphore, #tpu.memory_space<semaphore_mem>>) {add = true}
      %dma_wait3A = arith.constant 0 : i32
      %dma_wait3A_125 = arith.constant 0 : i32
      %dma_wait3A_126 = tpu.memref_slice %arg6[%dma_wait3A, %dma_wait3A_125] : memref<16x64xi32, #tpu.memory_space<vmem>> -> memref<1x64xi32, #tpu.memory_space<vmem>>
      %dma_wait3A_127 = tpu.memref_squeeze %dma_wait3A_126 : memref<1x64xi32, #tpu.memory_space<vmem>> -> memref<64xi32, #tpu.memory_space<vmem>>
      %dma_wait3A_128 = arith.constant 0 : i32
      %dma_wait3A_129 = arith.constant 0 : i32
      %dma_wait3A_130 = tpu.memref_slice %arg8[%dma_wait3A_128, %dma_wait3A_129] : memref<10112x128xf32, #tpu.memory_space<vmem_shared>> -> memref<10112x128xf32, #tpu.memory_space<vmem_shared>>
      tpu.wait_indirect_dma semaphore(%arg9 : memref<!tpu.dma_semaphore, #tpu.memory_space<semaphore_mem>>) src(%arg7 : memref<64x128xf32, #tpu.memory_space<vmem>>) dst(%dma_wait3A_130 : memref<10112x128xf32, #tpu.memory_space<vmem_shared>>)
      %dma_wait3A_131 = arith.constant 1 : i32
      %dma_wait3A_132 = arith.constant 0 : i32
      %dma_wait3A_133 = tpu.memref_slice %arg6[%dma_wait3A_131, %dma_wait3A_132] : memref<16x64xi32, #tpu.memory_space<vmem>> -> memref<1x64xi32, #tpu.memory_space<vmem>>
      %dma_wait3A_134 = tpu.memref_squeeze %dma_wait3A_133 : memref<1x64xi32, #tpu.memory_space<vmem>> -> memref<64xi32, #tpu.memory_space<vmem>>
      %dma_wait3A_135 = arith.constant 0 : i32
      %dma_wait3A_136 = arith.constant 0 : i32
      %dma_wait3A_137 = tpu.memref_slice %arg8[%dma_wait3A_135, %dma_wait3A_136] : memref<10112x128xf32, #tpu.memory_space<vmem_shared>> -> memref<10112x128xf32, #tpu.memory_space<vmem_shared>>
      tpu.wait_indirect_dma semaphore(%arg9 : memref<!tpu.dma_semaphore, #tpu.memory_space<semaphore_mem>>) src(%arg7 : memref<64x128xf32, #tpu.memory_space<vmem>>) dst(%dma_wait3A_137 : memref<10112x128xf32, #tpu.memory_space<vmem_shared>>)
      %dma_wait3A_138 = arith.constant 2 : i32
      %dma_wait3A_139 = arith.constant 0 : i32
      %dma_wait3A_140 = tpu.memref_slice %arg6[%dma_wait3A_138, %dma_wait3A_139] : memref<16x64xi32, #tpu.memory_space<vmem>> -> memref<1x64xi32, #tpu.memory_space<vmem>>
      %dma_wait3A_141 = tpu.memref_squeeze %dma_wait3A_140 : memref<1x64xi32, #tpu.memory_space<vmem>> -> memref<64xi32, #tpu.memory_space<vmem>>
      %dma_wait3A_142 = arith.constant 0 : i32
      %dma_wait3A_143 = arith.constant 0 : i32
      %dma_wait3A_144 = tpu.memref_slice %arg8[%dma_wait3A_142, %dma_wait3A_143] : memref<10112x128xf32, #tpu.memory_space<vmem_shared>> -> memref<10112x128xf32, #tpu.memory_space<vmem_shared>>
      tpu.wait_indirect_dma semaphore(%arg9 : memref<!tpu.dma_semaphore, #tpu.memory_space<semaphore_mem>>) src(%arg7 : memref<64x128xf32, #tpu.memory_space<vmem>>) dst(%dma_wait3A_144 : memref<10112x128xf32, #tpu.memory_space<vmem_shared>>)
      %dma_wait3A_145 = arith.constant 3 : i32
      %dma_wait3A_146 = arith.constant 0 : i32
      %dma_wait3A_147 = tpu.memref_slice %arg6[%dma_wait3A_145, %dma_wait3A_146] : memref<16x64xi32, #tpu.memory_space<vmem>> -> memref<1x64xi32, #tpu.memory_space<vmem>>
      %dma_wait3A_148 = tpu.memref_squeeze %dma_wait3A_147 : memref<1x64xi32, #tpu.memory_space<vmem>> -> memref<64xi32, #tpu.memory_space<vmem>>
      %dma_wait3A_149 = arith.constant 0 : i32
      %dma_wait3A_150 = arith.constant 0 : i32
      %dma_wait3A_151 = tpu.memref_slice %arg8[%dma_wait3A_149, %dma_wait3A_150] : memref<10112x128xf32, #tpu.memory_space<vmem_shared>> -> memref<10112x128xf32, #tpu.memory_space<vmem_shared>>
      tpu.wait_indirect_dma semaphore(%arg9 : memref<!tpu.dma_semaphore, #tpu.memory_space<semaphore_mem>>) src(%arg7 : memref<64x128xf32, #tpu.memory_space<vmem>>) dst(%dma_wait3A_151 : memref<10112x128xf32, #tpu.memory_space<vmem_shared>>)
      %dma_wait3A_152 = arith.constant 4 : i32
      %dma_wait3A_153 = arith.constant 0 : i32
      %dma_wait3A_154 = tpu.memref_slice %arg6[%dma_wait3A_152, %dma_wait3A_153] : memref<16x64xi32, #tpu.memory_space<vmem>> -> memref<1x64xi32, #tpu.memory_space<vmem>>
      %dma_wait3A_155 = tpu.memref_squeeze %dma_wait3A_154 : memref<1x64xi32, #tpu.memory_space<vmem>> -> memref<64xi32, #tpu.memory_space<vmem>>
      %dma_wait3A_156 = arith.constant 0 : i32
      %dma_wait3A_157 = arith.constant 0 : i32
      %dma_wait3A_158 = tpu.memref_slice %arg8[%dma_wait3A_156, %dma_wait3A_157] : memref<10112x128xf32, #tpu.memory_space<vmem_shared>> -> memref<10112x128xf32, #tpu.memory_space<vmem_shared>>
      tpu.wait_indirect_dma semaphore(%arg9 : memref<!tpu.dma_semaphore, #tpu.memory_space<semaphore_mem>>) src(%arg7 : memref<64x128xf32, #tpu.memory_space<vmem>>) dst(%dma_wait3A_158 : memref<10112x128xf32, #tpu.memory_space<vmem_shared>>)
      %dma_wait3A_159 = arith.constant 5 : i32
      %dma_wait3A_160 = arith.constant 0 : i32
      %dma_wait3A_161 = tpu.memref_slice %arg6[%dma_wait3A_159, %dma_wait3A_160] : memref<16x64xi32, #tpu.memory_space<vmem>> -> memref<1x64xi32, #tpu.memory_space<vmem>>
      %dma_wait3A_162 = tpu.memref_squeeze %dma_wait3A_161 : memref<1x64xi32, #tpu.memory_space<vmem>> -> memref<64xi32, #tpu.memory_space<vmem>>
      %dma_wait3A_163 = arith.constant 0 : i32
      %dma_wait3A_164 = arith.constant 0 : i32
      %dma_wait3A_165 = tpu.memref_slice %arg8[%dma_wait3A_163, %dma_wait3A_164] : memref<10112x128xf32, #tpu.memory_space<vmem_shared>> -> memref<10112x128xf32, #tpu.memory_space<vmem_shared>>
      tpu.wait_indirect_dma semaphore(%arg9 : memref<!tpu.dma_semaphore, #tpu.memory_space<semaphore_mem>>) src(%arg7 : memref<64x128xf32, #tpu.memory_space<vmem>>) dst(%dma_wait3A_165 : memref<10112x128xf32, #tpu.memory_space<vmem_shared>>)
      %dma_wait3A_166 = arith.constant 6 : i32
      %dma_wait3A_167 = arith.constant 0 : i32
      %dma_wait3A_168 = tpu.memref_slice %arg6[%dma_wait3A_166, %dma_wait3A_167] : memref<16x64xi32, #tpu.memory_space<vmem>> -> memref<1x64xi32, #tpu.memory_space<vmem>>
      %dma_wait3A_169 = tpu.memref_squeeze %dma_wait3A_168 : memref<1x64xi32, #tpu.memory_space<vmem>> -> memref<64xi32, #tpu.memory_space<vmem>>
      %dma_wait3A_170 = arith.constant 0 : i32
      %dma_wait3A_171 = arith.constant 0 : i32
      %dma_wait3A_172 = tpu.memref_slice %arg8[%dma_wait3A_170, %dma_wait3A_171] : memref<10112x128xf32, #tpu.memory_space<vmem_shared>> -> memref<10112x128xf32, #tpu.memory_space<vmem_shared>>
      tpu.wait_indirect_dma semaphore(%arg9 : memref<!tpu.dma_semaphore, #tpu.memory_space<semaphore_mem>>) src(%arg7 : memref<64x128xf32, #tpu.memory_space<vmem>>) dst(%dma_wait3A_172 : memref<10112x128xf32, #tpu.memory_space<vmem_shared>>)
      %dma_wait3A_173 = arith.constant 7 : i32
      %dma_wait3A_174 = arith.constant 0 : i32
      %dma_wait3A_175 = tpu.memref_slice %arg6[%dma_wait3A_173, %dma_wait3A_174] : memref<16x64xi32, #tpu.memory_space<vmem>> -> memref<1x64xi32, #tpu.memory_space<vmem>>
      %dma_wait3A_176 = tpu.memref_squeeze %dma_wait3A_175 : memref<1x64xi32, #tpu.memory_space<vmem>> -> memref<64xi32, #tpu.memory_space<vmem>>
      %dma_wait3A_177 = arith.constant 0 : i32
      %dma_wait3A_178 = arith.constant 0 : i32
      %dma_wait3A_179 = tpu.memref_slice %arg8[%dma_wait3A_177, %dma_wait3A_178] : memref<10112x128xf32, #tpu.memory_space<vmem_shared>> -> memref<10112x128xf32, #tpu.memory_space<vmem_shared>>
      tpu.wait_indirect_dma semaphore(%arg9 : memref<!tpu.dma_semaphore, #tpu.memory_space<semaphore_mem>>) src(%arg7 : memref<64x128xf32, #tpu.memory_space<vmem>>) dst(%dma_wait3A_179 : memref<10112x128xf32, #tpu.memory_space<vmem_shared>>)
      %dma_wait3A_180 = arith.constant 8 : i32
      %dma_wait3A_181 = arith.constant 0 : i32
      %dma_wait3A_182 = tpu.memref_slice %arg6[%dma_wait3A_180, %dma_wait3A_181] : memref<16x64xi32, #tpu.memory_space<vmem>> -> memref<1x64xi32, #tpu.memory_space<vmem>>
      %dma_wait3A_183 = tpu.memref_squeeze %dma_wait3A_182 : memref<1x64xi32, #tpu.memory_space<vmem>> -> memref<64xi32, #tpu.memory_space<vmem>>
      %dma_wait3A_184 = arith.constant 0 : i32
      %dma_wait3A_185 = arith.constant 0 : i32
      %dma_wait3A_186 = tpu.memref_slice %arg8[%dma_wait3A_184, %dma_wait3A_185] : memref<10112x128xf32, #tpu.memory_space<vmem_shared>> -> memref<10112x128xf32, #tpu.memory_space<vmem_shared>>
      tpu.wait_indirect_dma semaphore(%arg9 : memref<!tpu.dma_semaphore, #tpu.memory_space<semaphore_mem>>) src(%arg7 : memref<64x128xf32, #tpu.memory_space<vmem>>) dst(%dma_wait3A_186 : memref<10112x128xf32, #tpu.memory_space<vmem_shared>>)
      %dma_wait3A_187 = arith.constant 9 : i32
      %dma_wait3A_188 = arith.constant 0 : i32
      %dma_wait3A_189 = tpu.memref_slice %arg6[%dma_wait3A_187, %dma_wait3A_188] : memref<16x64xi32, #tpu.memory_space<vmem>> -> memref<1x64xi32, #tpu.memory_space<vmem>>
      %dma_wait3A_190 = tpu.memref_squeeze %dma_wait3A_189 : memref<1x64xi32, #tpu.memory_space<vmem>> -> memref<64xi32, #tpu.memory_space<vmem>>
      %dma_wait3A_191 = arith.constant 0 : i32
      %dma_wait3A_192 = arith.constant 0 : i32
      %dma_wait3A_193 = tpu.memref_slice %arg8[%dma_wait3A_191, %dma_wait3A_192] : memref<10112x128xf32, #tpu.memory_space<vmem_shared>> -> memref<10112x128xf32, #tpu.memory_space<vmem_shared>>
      tpu.wait_indirect_dma semaphore(%arg9 : memref<!tpu.dma_semaphore, #tpu.memory_space<semaphore_mem>>) src(%arg7 : memref<64x128xf32, #tpu.memory_space<vmem>>) dst(%dma_wait3A_193 : memref<10112x128xf32, #tpu.memory_space<vmem_shared>>)
      %dma_wait3A_194 = arith.constant 10 : i32
      %dma_wait3A_195 = arith.constant 0 : i32
      %dma_wait3A_196 = tpu.memref_slice %arg6[%dma_wait3A_194, %dma_wait3A_195] : memref<16x64xi32, #tpu.memory_space<vmem>> -> memref<1x64xi32, #tpu.memory_space<vmem>>
      %dma_wait3A_197 = tpu.memref_squeeze %dma_wait3A_196 : memref<1x64xi32, #tpu.memory_space<vmem>> -> memref<64xi32, #tpu.memory_space<vmem>>
      %dma_wait3A_198 = arith.constant 0 : i32
      %dma_wait3A_199 = arith.constant 0 : i32
      %dma_wait3A_200 = tpu.memref_slice %arg8[%dma_wait3A_198, %dma_wait3A_199] : memref<10112x128xf32, #tpu.memory_space<vmem_shared>> -> memref<10112x128xf32, #tpu.memory_space<vmem_shared>>
      tpu.wait_indirect_dma semaphore(%arg9 : memref<!tpu.dma_semaphore, #tpu.memory_space<semaphore_mem>>) src(%arg7 : memref<64x128xf32, #tpu.memory_space<vmem>>) dst(%dma_wait3A_200 : memref<10112x128xf32, #tpu.memory_space<vmem_shared>>)
      %dma_wait3A_201 = arith.constant 11 : i32
      %dma_wait3A_202 = arith.constant 0 : i32
      %dma_wait3A_203 = tpu.memref_slice %arg6[%dma_wait3A_201, %dma_wait3A_202] : memref<16x64xi32, #tpu.memory_space<vmem>> -> memref<1x64xi32, #tpu.memory_space<vmem>>
      %dma_wait3A_204 = tpu.memref_squeeze %dma_wait3A_203 : memref<1x64xi32, #tpu.memory_space<vmem>> -> memref<64xi32, #tpu.memory_space<vmem>>
      %dma_wait3A_205 = arith.constant 0 : i32
      %dma_wait3A_206 = arith.constant 0 : i32
      %dma_wait3A_207 = tpu.memref_slice %arg8[%dma_wait3A_205, %dma_wait3A_206] : memref<10112x128xf32, #tpu.memory_space<vmem_shared>> -> memref<10112x128xf32, #tpu.memory_space<vmem_shared>>
      tpu.wait_indirect_dma semaphore(%arg9 : memref<!tpu.dma_semaphore, #tpu.memory_space<semaphore_mem>>) src(%arg7 : memref<64x128xf32, #tpu.memory_space<vmem>>) dst(%dma_wait3A_207 : memref<10112x128xf32, #tpu.memory_space<vmem_shared>>)
      %dma_wait3A_208 = arith.constant 12 : i32
      %dma_wait3A_209 = arith.constant 0 : i32
      %dma_wait3A_210 = tpu.memref_slice %arg6[%dma_wait3A_208, %dma_wait3A_209] : memref<16x64xi32, #tpu.memory_space<vmem>> -> memref<1x64xi32, #tpu.memory_space<vmem>>
      %dma_wait3A_211 = tpu.memref_squeeze %dma_wait3A_210 : memref<1x64xi32, #tpu.memory_space<vmem>> -> memref<64xi32, #tpu.memory_space<vmem>>
      %dma_wait3A_212 = arith.constant 0 : i32
      %dma_wait3A_213 = arith.constant 0 : i32
      %dma_wait3A_214 = tpu.memref_slice %arg8[%dma_wait3A_212, %dma_wait3A_213] : memref<10112x128xf32, #tpu.memory_space<vmem_shared>> -> memref<10112x128xf32, #tpu.memory_space<vmem_shared>>
      tpu.wait_indirect_dma semaphore(%arg9 : memref<!tpu.dma_semaphore, #tpu.memory_space<semaphore_mem>>) src(%arg7 : memref<64x128xf32, #tpu.memory_space<vmem>>) dst(%dma_wait3A_214 : memref<10112x128xf32, #tpu.memory_space<vmem_shared>>)
      %dma_wait3A_215 = arith.constant 13 : i32
      %dma_wait3A_216 = arith.constant 0 : i32
      %dma_wait3A_217 = tpu.memref_slice %arg6[%dma_wait3A_215, %dma_wait3A_216] : memref<16x64xi32, #tpu.memory_space<vmem>> -> memref<1x64xi32, #tpu.memory_space<vmem>>
      %dma_wait3A_218 = tpu.memref_squeeze %dma_wait3A_217 : memref<1x64xi32, #tpu.memory_space<vmem>> -> memref<64xi32, #tpu.memory_space<vmem>>
      %dma_wait3A_219 = arith.constant 0 : i32
      %dma_wait3A_220 = arith.constant 0 : i32
      %dma_wait3A_221 = tpu.memref_slice %arg8[%dma_wait3A_219, %dma_wait3A_220] : memref<10112x128xf32, #tpu.memory_space<vmem_shared>> -> memref<10112x128xf32, #tpu.memory_space<vmem_shared>>
      tpu.wait_indirect_dma semaphore(%arg9 : memref<!tpu.dma_semaphore, #tpu.memory_space<semaphore_mem>>) src(%arg7 : memref<64x128xf32, #tpu.memory_space<vmem>>) dst(%dma_wait3A_221 : memref<10112x128xf32, #tpu.memory_space<vmem_shared>>)
      %dma_wait3A_222 = arith.constant 14 : i32
      %dma_wait3A_223 = arith.constant 0 : i32
      %dma_wait3A_224 = tpu.memref_slice %arg6[%dma_wait3A_222, %dma_wait3A_223] : memref<16x64xi32, #tpu.memory_space<vmem>> -> memref<1x64xi32, #tpu.memory_space<vmem>>
      %dma_wait3A_225 = tpu.memref_squeeze %dma_wait3A_224 : memref<1x64xi32, #tpu.memory_space<vmem>> -> memref<64xi32, #tpu.memory_space<vmem>>
      %dma_wait3A_226 = arith.constant 0 : i32
      %dma_wait3A_227 = arith.constant 0 : i32
      %dma_wait3A_228 = tpu.memref_slice %arg8[%dma_wait3A_226, %dma_wait3A_227] : memref<10112x128xf32, #tpu.memory_space<vmem_shared>> -> memref<10112x128xf32, #tpu.memory_space<vmem_shared>>
      tpu.wait_indirect_dma semaphore(%arg9 : memref<!tpu.dma_semaphore, #tpu.memory_space<semaphore_mem>>) src(%arg7 : memref<64x128xf32, #tpu.memory_space<vmem>>) dst(%dma_wait3A_228 : memref<10112x128xf32, #tpu.memory_space<vmem_shared>>)
      %dma_wait3A_229 = arith.constant 15 : i32
      %dma_wait3A_230 = arith.constant 0 : i32
      %dma_wait3A_231 = tpu.memref_slice %arg6[%dma_wait3A_229, %dma_wait3A_230] : memref<16x64xi32, #tpu.memory_space<vmem>> -> memref<1x64xi32, #tpu.memory_space<vmem>>
      %dma_wait3A_232 = tpu.memref_squeeze %dma_wait3A_231 : memref<1x64xi32, #tpu.memory_space<vmem>> -> memref<64xi32, #tpu.memory_space<vmem>>
      %dma_wait3A_233 = arith.constant 0 : i32
      %dma_wait3A_234 = arith.constant 0 : i32
      %dma_wait3A_235 = tpu.memref_slice %arg8[%dma_wait3A_233, %dma_wait3A_234] : memref<10112x128xf32, #tpu.memory_space<vmem_shared>> -> memref<10112x128xf32, #tpu.memory_space<vmem_shared>>
      tpu.wait_indirect_dma semaphore(%arg9 : memref<!tpu.dma_semaphore, #tpu.memory_space<semaphore_mem>>) src(%arg7 : memref<64x128xf32, #tpu.memory_space<vmem>>) dst(%dma_wait3A_235 : memref<10112x128xf32, #tpu.memory_space<vmem_shared>>)
      %scan3A_236 = arith.constant 0 : i32
      scf.yield %scan3A_236 : i32
    }
    %scan3A_8 = arith.constant 10 : i32
    %barrier3A_9 = arith.constant 0 : index
    tpu.barrier barrier_id(%barrier3A_9)
    "tpu.region"() ({
      %run_scoped3A = tpu.sem_alloc : memref<!tpu.dma_semaphore, #tpu.memory_space<semaphore_mem>>
      %dma_start3A = arith.constant 0 : i32
      %dma_start3A_10 = tpu.memref_slice %arg5[%arg0, %mul3A_2, %dma_start3A] : memref<2x10112x128xf32, #tpu.memory_space<hbm>> -> memref<1x632x128xf32, #tpu.memory_space<hbm>>
      %dma_start3A_11 = tpu.memref_squeeze %dma_start3A_10 : memref<1x632x128xf32, #tpu.memory_space<hbm>> -> memref<632x128xf32, #tpu.memory_space<hbm>>
      %dma_start3A_12 = arith.constant 0 : i32
      %dma_start3A_13 = tpu.memref_slice %arg8[%mul3A_2, %dma_start3A_12] : memref<10112x128xf32, #tpu.memory_space<vmem_shared>> -> memref<632x128xf32, #tpu.memory_space<vmem_shared>>
      tpu.enqueue_dma source(%dma_start3A_13 : memref<632x128xf32, #tpu.memory_space<vmem_shared>>) target(%dma_start3A_11 : memref<632x128xf32, #tpu.memory_space<hbm>>) target_semaphore(%run_scoped3A : memref<!tpu.dma_semaphore, #tpu.memory_space<semaphore_mem>>)
      %dma_wait3A = arith.constant 0 : i32
      %dma_wait3A_14 = tpu.memref_slice %arg5[%arg0, %mul3A_2, %dma_wait3A] : memref<2x10112x128xf32, #tpu.memory_space<hbm>> -> memref<1x632x128xf32, #tpu.memory_space<hbm>>
      %dma_wait3A_15 = tpu.memref_squeeze %dma_wait3A_14 : memref<1x632x128xf32, #tpu.memory_space<hbm>> -> memref<632x128xf32, #tpu.memory_space<hbm>>
      %dma_wait3A_16 = arith.constant 0 : i32
      %dma_wait3A_17 = tpu.memref_slice %arg8[%mul3A_2, %dma_wait3A_16] : memref<10112x128xf32, #tpu.memory_space<vmem_shared>> -> memref<632x128xf32, #tpu.memory_space<vmem_shared>>
      tpu.wait_dma2 semaphore(%run_scoped3A : memref<!tpu.dma_semaphore, #tpu.memory_space<semaphore_mem>>) src(%dma_wait3A_17 : memref<632x128xf32, #tpu.memory_space<vmem_shared>>) dst(%dma_wait3A_15 : memref<632x128xf32, #tpu.memory_space<hbm>>)
      tpu.yield
    }) : () -> ()
    return
  }
}

#map = affine_map<(d0, d1) -> (0, 0)>
#map1 = affine_map<(d0, d1) -> (0, 0, 0)>
module attributes {stable_mosaic.version = 14 : i64} {
  func.func @body(%arg0: i32, %arg1: i32, %arg2: memref<10000x128xf32, #tpu.memory_space<hbm>>, %arg3: memref<32x304x64xi32, #tpu.memory_space<hbm>>, %arg4: memref<32x304x64xi32, #tpu.memory_space<hbm>>, %arg5: memref<10112x128xf32, #tpu.memory_space<hbm>>, %arg6: memref<2x10112x128xf32, #tpu.memory_space<hbm>>, %arg7: memref<16x64xi32, #tpu.memory_space<vmem>>, %arg8: memref<16x64xi32, #tpu.memory_space<vmem>>, %arg9: memref<64x128xf32, #tpu.memory_space<vmem>>, %arg10: memref<64x128xf32, #tpu.memory_space<vmem>>, %arg11: memref<64x128xf32, #tpu.memory_space<vmem>>, %arg12: memref<64x128xf32, #tpu.memory_space<vmem>>, %arg13: memref<10112x128xf32, #tpu.memory_space<vmem_shared>>, %arg14: memref<!tpu.dma_semaphore, #tpu.memory_space<semaphore_mem>>, %arg15: memref<!tpu.dma_semaphore, #tpu.memory_space<semaphore_mem>>, %arg16: memref<!tpu.dma_semaphore, #tpu.memory_space<semaphore_mem>>, %arg17: memref<!tpu.dma_semaphore, #tpu.memory_space<semaphore_mem>>, %arg18: memref<!tpu.dma_semaphore, #tpu.memory_space<semaphore_mem>>, %arg19: memref<!tpu.dma_semaphore, #tpu.memory_space<semaphore_mem>>, %arg20: memref<!tpu.dma_semaphore, #tpu.memory_space<semaphore_mem>>, %arg21: memref<!tpu.dma_semaphore, #tpu.memory_space<semaphore_mem>>) attributes {dimension_semantics = [#tpu.dimension_semantics<core_parallel>, #tpu.dimension_semantics<subcore_parallel>], iteration_bounds = array<i64: 2, 16>, scalar_prefetch = 0 : i64, scratch_operands = 15 : i64, tpu.core_type = #tpu.core_type<sc_vector_subcore>, window_params = [{transform_indices = #map}, {transform_indices = #map1}, {transform_indices = #map1}, {transform_indices = #map}, {transform_indices = #map1}]} {
    %mul3A = arith.constant 2 : i32
    %mul3A_0 = arith.muli %arg1, %mul3A : i32
    %add3A = arith.addi %mul3A_0, %arg0 : i32
    %mul3A_1 = arith.constant 632 : i32
    %mul3A_2 = arith.muli %arg1, %mul3A_1 : i32
    "tpu.region"() ({
      %run_scoped3A = tpu.sem_alloc : memref<!tpu.dma_semaphore, #tpu.memory_space<semaphore_mem>>
      %dma_start3A = arith.constant 0 : i32
      %dma_start3A_17 = tpu.memref_slice %arg13[%mul3A_2, %dma_start3A] : memref<10112x128xf32, #tpu.memory_space<vmem_shared>> -> memref<632x128xf32, #tpu.memory_space<vmem_shared>>
      %dma_start3A_18 = arith.constant 0 : i32
      %dma_start3A_19 = tpu.memref_slice %arg5[%mul3A_2, %dma_start3A_18] : memref<10112x128xf32, #tpu.memory_space<hbm>> -> memref<632x128xf32, #tpu.memory_space<hbm>>
      tpu.enqueue_dma source(%dma_start3A_19 : memref<632x128xf32, #tpu.memory_space<hbm>>) target(%dma_start3A_17 : memref<632x128xf32, #tpu.memory_space<vmem_shared>>) target_semaphore(%run_scoped3A : memref<!tpu.dma_semaphore, #tpu.memory_space<semaphore_mem>>)
      %dma_wait3A = arith.constant 0 : i32
      %dma_wait3A_20 = tpu.memref_slice %arg13[%mul3A_2, %dma_wait3A] : memref<10112x128xf32, #tpu.memory_space<vmem_shared>> -> memref<632x128xf32, #tpu.memory_space<vmem_shared>>
      %dma_wait3A_21 = arith.constant 0 : i32
      %dma_wait3A_22 = tpu.memref_slice %arg5[%mul3A_2, %dma_wait3A_21] : memref<10112x128xf32, #tpu.memory_space<hbm>> -> memref<632x128xf32, #tpu.memory_space<hbm>>
      tpu.wait_dma2 semaphore(%run_scoped3A : memref<!tpu.dma_semaphore, #tpu.memory_space<semaphore_mem>>) src(%dma_wait3A_22 : memref<632x128xf32, #tpu.memory_space<hbm>>) dst(%dma_wait3A_20 : memref<632x128xf32, #tpu.memory_space<vmem_shared>>)
      tpu.yield
    }) : () -> ()
    %barrier3A = arith.constant 0 : index
    tpu.barrier barrier_id(%barrier3A)
    %eq3A = arith.constant 0 : i32
    %eq3A_3 = arith.cmpi eq, %arg0, %eq3A : i32
    %jit3A = arith.constant 19 : i32
    %jit3A_4 = arith.constant 1 : i32
    %select_n3A = arith.select %eq3A_3, %jit3A, %jit3A_4 : i32
    %while3A = arith.constant 0 : i32
    %while3A_5 = arith.constant 0 : i32
    %while3A_6 = arith.subi %select_n3A, %while3A : i32
    %while3A_7 = arith.addi %while3A, %while3A_6 : i32
    %while3A_8 = arith.constant 1 : i32
    %while3A_9 = arith.divsi %while3A_6, %while3A_8 : i32
    %while3A_10 = arith.muli %while3A_9, %while3A_8 : i32
    %while3A_11 = arith.addi %while3A, %while3A_10 : i32
    %while3A_12 = arith.constant 1 : i32
    %while3A_13 = scf.for %while3A_17 = %while3A to %while3A_11 step %while3A_12 iter_args(%while3A_18 = %while3A_5) -> (i32)  : i32 {
      %mul3A_19 = arith.constant 16 : i32
      %mul3A_20 = arith.muli %while3A_17, %mul3A_19 : i32
      "tpu.region"() ({
        %run_scoped3A = tpu.sem_alloc : memref<!tpu.dma_semaphore, #tpu.memory_space<semaphore_mem>>
        %dma_start3A_470 = arith.constant 0 : i32
        %dma_start3A_471 = tpu.memref_slice %arg3[%add3A, %mul3A_20, %dma_start3A_470] : memref<32x304x64xi32, #tpu.memory_space<hbm>> -> memref<1x16x64xi32, #tpu.memory_space<hbm>>
        %dma_start3A_472 = tpu.memref_squeeze %dma_start3A_471 : memref<1x16x64xi32, #tpu.memory_space<hbm>> -> memref<16x64xi32, #tpu.memory_space<hbm>>
        %dma_start3A_473 = arith.constant 0 : i32
        %dma_start3A_474 = tpu.memref_slice %arg3[%add3A, %mul3A_20, %dma_start3A_473] : memref<32x304x64xi32, #tpu.memory_space<hbm>> -> memref<1x16x64xi32, #tpu.memory_space<hbm>>
        %dma_start3A_475 = tpu.memref_squeeze %dma_start3A_474 : memref<1x16x64xi32, #tpu.memory_space<hbm>> -> memref<16x64xi32, #tpu.memory_space<hbm>>
        tpu.enqueue_dma source(%dma_start3A_475 : memref<16x64xi32, #tpu.memory_space<hbm>>) target(%arg7 : memref<16x64xi32, #tpu.memory_space<vmem>>) target_semaphore(%run_scoped3A : memref<!tpu.dma_semaphore, #tpu.memory_space<semaphore_mem>>)
        %dma_wait3A_476 = arith.constant 0 : i32
        %dma_wait3A_477 = tpu.memref_slice %arg3[%add3A, %mul3A_20, %dma_wait3A_476] : memref<32x304x64xi32, #tpu.memory_space<hbm>> -> memref<1x16x64xi32, #tpu.memory_space<hbm>>
        %dma_wait3A_478 = tpu.memref_squeeze %dma_wait3A_477 : memref<1x16x64xi32, #tpu.memory_space<hbm>> -> memref<16x64xi32, #tpu.memory_space<hbm>>
        %dma_wait3A_479 = arith.constant 0 : i32
        %dma_wait3A_480 = tpu.memref_slice %arg3[%add3A, %mul3A_20, %dma_wait3A_479] : memref<32x304x64xi32, #tpu.memory_space<hbm>> -> memref<1x16x64xi32, #tpu.memory_space<hbm>>
        %dma_wait3A_481 = tpu.memref_squeeze %dma_wait3A_480 : memref<1x16x64xi32, #tpu.memory_space<hbm>> -> memref<16x64xi32, #tpu.memory_space<hbm>>
        tpu.wait_dma2 semaphore(%run_scoped3A : memref<!tpu.dma_semaphore, #tpu.memory_space<semaphore_mem>>) src(%dma_wait3A_481 : memref<16x64xi32, #tpu.memory_space<hbm>>) dst(%arg7 : memref<16x64xi32, #tpu.memory_space<vmem>>)
        tpu.yield
      }) : () -> ()
      %mul3A_21 = arith.constant 16 : i32
      %mul3A_22 = arith.muli %while3A_17, %mul3A_21 : i32
      "tpu.region"() ({
        %run_scoped3A = tpu.sem_alloc : memref<!tpu.dma_semaphore, #tpu.memory_space<semaphore_mem>>
        %dma_start3A_470 = arith.constant 0 : i32
        %dma_start3A_471 = tpu.memref_slice %arg4[%add3A, %mul3A_22, %dma_start3A_470] : memref<32x304x64xi32, #tpu.memory_space<hbm>> -> memref<1x16x64xi32, #tpu.memory_space<hbm>>
        %dma_start3A_472 = tpu.memref_squeeze %dma_start3A_471 : memref<1x16x64xi32, #tpu.memory_space<hbm>> -> memref<16x64xi32, #tpu.memory_space<hbm>>
        %dma_start3A_473 = arith.constant 0 : i32
        %dma_start3A_474 = tpu.memref_slice %arg4[%add3A, %mul3A_22, %dma_start3A_473] : memref<32x304x64xi32, #tpu.memory_space<hbm>> -> memref<1x16x64xi32, #tpu.memory_space<hbm>>
        %dma_start3A_475 = tpu.memref_squeeze %dma_start3A_474 : memref<1x16x64xi32, #tpu.memory_space<hbm>> -> memref<16x64xi32, #tpu.memory_space<hbm>>
        tpu.enqueue_dma source(%dma_start3A_475 : memref<16x64xi32, #tpu.memory_space<hbm>>) target(%arg8 : memref<16x64xi32, #tpu.memory_space<vmem>>) target_semaphore(%run_scoped3A : memref<!tpu.dma_semaphore, #tpu.memory_space<semaphore_mem>>)
        %dma_wait3A_476 = arith.constant 0 : i32
        %dma_wait3A_477 = tpu.memref_slice %arg4[%add3A, %mul3A_22, %dma_wait3A_476] : memref<32x304x64xi32, #tpu.memory_space<hbm>> -> memref<1x16x64xi32, #tpu.memory_space<hbm>>
        %dma_wait3A_478 = tpu.memref_squeeze %dma_wait3A_477 : memref<1x16x64xi32, #tpu.memory_space<hbm>> -> memref<16x64xi32, #tpu.memory_space<hbm>>
        %dma_wait3A_479 = arith.constant 0 : i32
        %dma_wait3A_480 = tpu.memref_slice %arg4[%add3A, %mul3A_22, %dma_wait3A_479] : memref<32x304x64xi32, #tpu.memory_space<hbm>> -> memref<1x16x64xi32, #tpu.memory_space<hbm>>
        %dma_wait3A_481 = tpu.memref_squeeze %dma_wait3A_480 : memref<1x16x64xi32, #tpu.memory_space<hbm>> -> memref<16x64xi32, #tpu.memory_space<hbm>>
        tpu.wait_dma2 semaphore(%run_scoped3A : memref<!tpu.dma_semaphore, #tpu.memory_space<semaphore_mem>>) src(%dma_wait3A_481 : memref<16x64xi32, #tpu.memory_space<hbm>>) dst(%arg8 : memref<16x64xi32, #tpu.memory_space<vmem>>)
        tpu.yield
      }) : () -> ()
      %dma_start3A = arith.constant 0 : i32
      %dma_start3A_23 = arith.constant 0 : i32
      %dma_start3A_24 = tpu.memref_slice %arg7[%dma_start3A, %dma_start3A_23] : memref<16x64xi32, #tpu.memory_space<vmem>> -> memref<1x64xi32, #tpu.memory_space<vmem>>
      %dma_start3A_25 = tpu.memref_squeeze %dma_start3A_24 : memref<1x64xi32, #tpu.memory_space<vmem>> -> memref<64xi32, #tpu.memory_space<vmem>>
      %dma_start3A_26 = arith.constant 0 : i32
      %dma_start3A_27 = arith.constant 0 : i32
      %dma_start3A_28 = tpu.memref_slice %arg2[%dma_start3A_26, %dma_start3A_27] : memref<10000x128xf32, #tpu.memory_space<hbm>> -> memref<10000x128xf32, #tpu.memory_space<hbm>>
      tpu.enqueue_indirect_dma source(%dma_start3A_28 : memref<10000x128xf32, #tpu.memory_space<hbm>>) target(%arg9 : memref<64x128xf32, #tpu.memory_space<vmem>>) offsets(%dma_start3A_25 : memref<64xi32, #tpu.memory_space<vmem>>) semaphore(%arg14 : memref<!tpu.dma_semaphore, #tpu.memory_space<semaphore_mem>>)
      %dma_start3A_29 = arith.constant 1 : i32
      %dma_start3A_30 = arith.constant 0 : i32
      %dma_start3A_31 = tpu.memref_slice %arg7[%dma_start3A_29, %dma_start3A_30] : memref<16x64xi32, #tpu.memory_space<vmem>> -> memref<1x64xi32, #tpu.memory_space<vmem>>
      %dma_start3A_32 = tpu.memref_squeeze %dma_start3A_31 : memref<1x64xi32, #tpu.memory_space<vmem>> -> memref<64xi32, #tpu.memory_space<vmem>>
      %dma_start3A_33 = arith.constant 0 : i32
      %dma_start3A_34 = arith.constant 0 : i32
      %dma_start3A_35 = tpu.memref_slice %arg2[%dma_start3A_33, %dma_start3A_34] : memref<10000x128xf32, #tpu.memory_space<hbm>> -> memref<10000x128xf32, #tpu.memory_space<hbm>>
      tpu.enqueue_indirect_dma source(%dma_start3A_35 : memref<10000x128xf32, #tpu.memory_space<hbm>>) target(%arg10 : memref<64x128xf32, #tpu.memory_space<vmem>>) offsets(%dma_start3A_32 : memref<64xi32, #tpu.memory_space<vmem>>) semaphore(%arg15 : memref<!tpu.dma_semaphore, #tpu.memory_space<semaphore_mem>>)
      %dma_start3A_36 = arith.constant 2 : i32
      %dma_start3A_37 = arith.constant 0 : i32
      %dma_start3A_38 = tpu.memref_slice %arg7[%dma_start3A_36, %dma_start3A_37] : memref<16x64xi32, #tpu.memory_space<vmem>> -> memref<1x64xi32, #tpu.memory_space<vmem>>
      %dma_start3A_39 = tpu.memref_squeeze %dma_start3A_38 : memref<1x64xi32, #tpu.memory_space<vmem>> -> memref<64xi32, #tpu.memory_space<vmem>>
      %dma_start3A_40 = arith.constant 0 : i32
      %dma_start3A_41 = arith.constant 0 : i32
      %dma_start3A_42 = tpu.memref_slice %arg2[%dma_start3A_40, %dma_start3A_41] : memref<10000x128xf32, #tpu.memory_space<hbm>> -> memref<10000x128xf32, #tpu.memory_space<hbm>>
      tpu.enqueue_indirect_dma source(%dma_start3A_42 : memref<10000x128xf32, #tpu.memory_space<hbm>>) target(%arg11 : memref<64x128xf32, #tpu.memory_space<vmem>>) offsets(%dma_start3A_39 : memref<64xi32, #tpu.memory_space<vmem>>) semaphore(%arg16 : memref<!tpu.dma_semaphore, #tpu.memory_space<semaphore_mem>>)
      %dma_wait3A = arith.constant 0 : i32
      %dma_wait3A_43 = arith.constant 0 : i32
      %dma_wait3A_44 = tpu.memref_slice %arg7[%dma_wait3A, %dma_wait3A_43] : memref<16x64xi32, #tpu.memory_space<vmem>> -> memref<1x64xi32, #tpu.memory_space<vmem>>
      %dma_wait3A_45 = tpu.memref_squeeze %dma_wait3A_44 : memref<1x64xi32, #tpu.memory_space<vmem>> -> memref<64xi32, #tpu.memory_space<vmem>>
      %dma_wait3A_46 = arith.constant 0 : i32
      %dma_wait3A_47 = arith.constant 0 : i32
      %dma_wait3A_48 = tpu.memref_slice %arg2[%dma_wait3A_46, %dma_wait3A_47] : memref<10000x128xf32, #tpu.memory_space<hbm>> -> memref<10000x128xf32, #tpu.memory_space<hbm>>
      tpu.wait_indirect_dma semaphore(%arg14 : memref<!tpu.dma_semaphore, #tpu.memory_space<semaphore_mem>>) src(%dma_wait3A_48 : memref<10000x128xf32, #tpu.memory_space<hbm>>) dst(%arg9 : memref<64x128xf32, #tpu.memory_space<vmem>>)
      %dma_start3A_49 = arith.constant 3 : i32
      %dma_start3A_50 = arith.constant 0 : i32
      %dma_start3A_51 = tpu.memref_slice %arg7[%dma_start3A_49, %dma_start3A_50] : memref<16x64xi32, #tpu.memory_space<vmem>> -> memref<1x64xi32, #tpu.memory_space<vmem>>
      %dma_start3A_52 = tpu.memref_squeeze %dma_start3A_51 : memref<1x64xi32, #tpu.memory_space<vmem>> -> memref<64xi32, #tpu.memory_space<vmem>>
      %dma_start3A_53 = arith.constant 0 : i32
      %dma_start3A_54 = arith.constant 0 : i32
      %dma_start3A_55 = tpu.memref_slice %arg2[%dma_start3A_53, %dma_start3A_54] : memref<10000x128xf32, #tpu.memory_space<hbm>> -> memref<10000x128xf32, #tpu.memory_space<hbm>>
      tpu.enqueue_indirect_dma source(%dma_start3A_55 : memref<10000x128xf32, #tpu.memory_space<hbm>>) target(%arg12 : memref<64x128xf32, #tpu.memory_space<vmem>>) offsets(%dma_start3A_52 : memref<64xi32, #tpu.memory_space<vmem>>) semaphore(%arg17 : memref<!tpu.dma_semaphore, #tpu.memory_space<semaphore_mem>>)
      %dma_start3A_56 = arith.constant 0 : i32
      %dma_start3A_57 = arith.constant 0 : i32
      %dma_start3A_58 = tpu.memref_slice %arg8[%dma_start3A_56, %dma_start3A_57] : memref<16x64xi32, #tpu.memory_space<vmem>> -> memref<1x64xi32, #tpu.memory_space<vmem>>
      %dma_start3A_59 = tpu.memref_squeeze %dma_start3A_58 : memref<1x64xi32, #tpu.memory_space<vmem>> -> memref<64xi32, #tpu.memory_space<vmem>>
      %dma_start3A_60 = arith.constant 0 : i32
      %dma_start3A_61 = arith.constant 0 : i32
      %dma_start3A_62 = tpu.memref_slice %arg13[%dma_start3A_60, %dma_start3A_61] : memref<10112x128xf32, #tpu.memory_space<vmem_shared>> -> memref<10112x128xf32, #tpu.memory_space<vmem_shared>>
      tpu.enqueue_indirect_dma source(%arg9 : memref<64x128xf32, #tpu.memory_space<vmem>>) target(%dma_start3A_62 : memref<10112x128xf32, #tpu.memory_space<vmem_shared>>) offsets(%dma_start3A_59 : memref<64xi32, #tpu.memory_space<vmem>>) semaphore(%arg18 : memref<!tpu.dma_semaphore, #tpu.memory_space<semaphore_mem>>) {add = true}
      %dma_wait3A_63 = arith.constant 1 : i32
      %dma_wait3A_64 = arith.constant 0 : i32
      %dma_wait3A_65 = tpu.memref_slice %arg7[%dma_wait3A_63, %dma_wait3A_64] : memref<16x64xi32, #tpu.memory_space<vmem>> -> memref<1x64xi32, #tpu.memory_space<vmem>>
      %dma_wait3A_66 = tpu.memref_squeeze %dma_wait3A_65 : memref<1x64xi32, #tpu.memory_space<vmem>> -> memref<64xi32, #tpu.memory_space<vmem>>
      %dma_wait3A_67 = arith.constant 0 : i32
      %dma_wait3A_68 = arith.constant 0 : i32
      %dma_wait3A_69 = tpu.memref_slice %arg2[%dma_wait3A_67, %dma_wait3A_68] : memref<10000x128xf32, #tpu.memory_space<hbm>> -> memref<10000x128xf32, #tpu.memory_space<hbm>>
      tpu.wait_indirect_dma semaphore(%arg15 : memref<!tpu.dma_semaphore, #tpu.memory_space<semaphore_mem>>) src(%dma_wait3A_69 : memref<10000x128xf32, #tpu.memory_space<hbm>>) dst(%arg10 : memref<64x128xf32, #tpu.memory_space<vmem>>)
      %dma_wait3A_70 = arith.constant 0 : i32
      %dma_wait3A_71 = arith.constant 0 : i32
      %dma_wait3A_72 = tpu.memref_slice %arg8[%dma_wait3A_70, %dma_wait3A_71] : memref<16x64xi32, #tpu.memory_space<vmem>> -> memref<1x64xi32, #tpu.memory_space<vmem>>
      %dma_wait3A_73 = tpu.memref_squeeze %dma_wait3A_72 : memref<1x64xi32, #tpu.memory_space<vmem>> -> memref<64xi32, #tpu.memory_space<vmem>>
      %dma_wait3A_74 = arith.constant 0 : i32
      %dma_wait3A_75 = arith.constant 0 : i32
      %dma_wait3A_76 = tpu.memref_slice %arg13[%dma_wait3A_74, %dma_wait3A_75] : memref<10112x128xf32, #tpu.memory_space<vmem_shared>> -> memref<10112x128xf32, #tpu.memory_space<vmem_shared>>
      tpu.wait_indirect_dma semaphore(%arg18 : memref<!tpu.dma_semaphore, #tpu.memory_space<semaphore_mem>>) src(%arg9 : memref<64x128xf32, #tpu.memory_space<vmem>>) dst(%dma_wait3A_76 : memref<10112x128xf32, #tpu.memory_space<vmem_shared>>)
      %dma_start3A_77 = arith.constant 4 : i32
      %dma_start3A_78 = arith.constant 0 : i32
      %dma_start3A_79 = tpu.memref_slice %arg7[%dma_start3A_77, %dma_start3A_78] : memref<16x64xi32, #tpu.memory_space<vmem>> -> memref<1x64xi32, #tpu.memory_space<vmem>>
      %dma_start3A_80 = tpu.memref_squeeze %dma_start3A_79 : memref<1x64xi32, #tpu.memory_space<vmem>> -> memref<64xi32, #tpu.memory_space<vmem>>
      %dma_start3A_81 = arith.constant 0 : i32
      %dma_start3A_82 = arith.constant 0 : i32
      %dma_start3A_83 = tpu.memref_slice %arg2[%dma_start3A_81, %dma_start3A_82] : memref<10000x128xf32, #tpu.memory_space<hbm>> -> memref<10000x128xf32, #tpu.memory_space<hbm>>
      tpu.enqueue_indirect_dma source(%dma_start3A_83 : memref<10000x128xf32, #tpu.memory_space<hbm>>) target(%arg9 : memref<64x128xf32, #tpu.memory_space<vmem>>) offsets(%dma_start3A_80 : memref<64xi32, #tpu.memory_space<vmem>>) semaphore(%arg14 : memref<!tpu.dma_semaphore, #tpu.memory_space<semaphore_mem>>)
      %dma_start3A_84 = arith.constant 1 : i32
      %dma_start3A_85 = arith.constant 0 : i32
      %dma_start3A_86 = tpu.memref_slice %arg8[%dma_start3A_84, %dma_start3A_85] : memref<16x64xi32, #tpu.memory_space<vmem>> -> memref<1x64xi32, #tpu.memory_space<vmem>>
      %dma_start3A_87 = tpu.memref_squeeze %dma_start3A_86 : memref<1x64xi32, #tpu.memory_space<vmem>> -> memref<64xi32, #tpu.memory_space<vmem>>
      %dma_start3A_88 = arith.constant 0 : i32
      %dma_start3A_89 = arith.constant 0 : i32
      %dma_start3A_90 = tpu.memref_slice %arg13[%dma_start3A_88, %dma_start3A_89] : memref<10112x128xf32, #tpu.memory_space<vmem_shared>> -> memref<10112x128xf32, #tpu.memory_space<vmem_shared>>
      tpu.enqueue_indirect_dma source(%arg10 : memref<64x128xf32, #tpu.memory_space<vmem>>) target(%dma_start3A_90 : memref<10112x128xf32, #tpu.memory_space<vmem_shared>>) offsets(%dma_start3A_87 : memref<64xi32, #tpu.memory_space<vmem>>) semaphore(%arg19 : memref<!tpu.dma_semaphore, #tpu.memory_space<semaphore_mem>>) {add = true}
      %dma_wait3A_91 = arith.constant 2 : i32
      %dma_wait3A_92 = arith.constant 0 : i32
      %dma_wait3A_93 = tpu.memref_slice %arg7[%dma_wait3A_91, %dma_wait3A_92] : memref<16x64xi32, #tpu.memory_space<vmem>> -> memref<1x64xi32, #tpu.memory_space<vmem>>
      %dma_wait3A_94 = tpu.memref_squeeze %dma_wait3A_93 : memref<1x64xi32, #tpu.memory_space<vmem>> -> memref<64xi32, #tpu.memory_space<vmem>>
      %dma_wait3A_95 = arith.constant 0 : i32
      %dma_wait3A_96 = arith.constant 0 : i32
      %dma_wait3A_97 = tpu.memref_slice %arg2[%dma_wait3A_95, %dma_wait3A_96] : memref<10000x128xf32, #tpu.memory_space<hbm>> -> memref<10000x128xf32, #tpu.memory_space<hbm>>
      tpu.wait_indirect_dma semaphore(%arg16 : memref<!tpu.dma_semaphore, #tpu.memory_space<semaphore_mem>>) src(%dma_wait3A_97 : memref<10000x128xf32, #tpu.memory_space<hbm>>) dst(%arg11 : memref<64x128xf32, #tpu.memory_space<vmem>>)
      %dma_wait3A_98 = arith.constant 1 : i32
      %dma_wait3A_99 = arith.constant 0 : i32
      %dma_wait3A_100 = tpu.memref_slice %arg8[%dma_wait3A_98, %dma_wait3A_99] : memref<16x64xi32, #tpu.memory_space<vmem>> -> memref<1x64xi32, #tpu.memory_space<vmem>>
      %dma_wait3A_101 = tpu.memref_squeeze %dma_wait3A_100 : memref<1x64xi32, #tpu.memory_space<vmem>> -> memref<64xi32, #tpu.memory_space<vmem>>
      %dma_wait3A_102 = arith.constant 0 : i32
      %dma_wait3A_103 = arith.constant 0 : i32
      %dma_wait3A_104 = tpu.memref_slice %arg13[%dma_wait3A_102, %dma_wait3A_103] : memref<10112x128xf32, #tpu.memory_space<vmem_shared>> -> memref<10112x128xf32, #tpu.memory_space<vmem_shared>>
      tpu.wait_indirect_dma semaphore(%arg19 : memref<!tpu.dma_semaphore, #tpu.memory_space<semaphore_mem>>) src(%arg10 : memref<64x128xf32, #tpu.memory_space<vmem>>) dst(%dma_wait3A_104 : memref<10112x128xf32, #tpu.memory_space<vmem_shared>>)
      %dma_start3A_105 = arith.constant 5 : i32
      %dma_start3A_106 = arith.constant 0 : i32
      %dma_start3A_107 = tpu.memref_slice %arg7[%dma_start3A_105, %dma_start3A_106] : memref<16x64xi32, #tpu.memory_space<vmem>> -> memref<1x64xi32, #tpu.memory_space<vmem>>
      %dma_start3A_108 = tpu.memref_squeeze %dma_start3A_107 : memref<1x64xi32, #tpu.memory_space<vmem>> -> memref<64xi32, #tpu.memory_space<vmem>>
      %dma_start3A_109 = arith.constant 0 : i32
      %dma_start3A_110 = arith.constant 0 : i32
      %dma_start3A_111 = tpu.memref_slice %arg2[%dma_start3A_109, %dma_start3A_110] : memref<10000x128xf32, #tpu.memory_space<hbm>> -> memref<10000x128xf32, #tpu.memory_space<hbm>>
      tpu.enqueue_indirect_dma source(%dma_start3A_111 : memref<10000x128xf32, #tpu.memory_space<hbm>>) target(%arg10 : memref<64x128xf32, #tpu.memory_space<vmem>>) offsets(%dma_start3A_108 : memref<64xi32, #tpu.memory_space<vmem>>) semaphore(%arg15 : memref<!tpu.dma_semaphore, #tpu.memory_space<semaphore_mem>>)
      %dma_start3A_112 = arith.constant 2 : i32
      %dma_start3A_113 = arith.constant 0 : i32
      %dma_start3A_114 = tpu.memref_slice %arg8[%dma_start3A_112, %dma_start3A_113] : memref<16x64xi32, #tpu.memory_space<vmem>> -> memref<1x64xi32, #tpu.memory_space<vmem>>
      %dma_start3A_115 = tpu.memref_squeeze %dma_start3A_114 : memref<1x64xi32, #tpu.memory_space<vmem>> -> memref<64xi32, #tpu.memory_space<vmem>>
      %dma_start3A_116 = arith.constant 0 : i32
      %dma_start3A_117 = arith.constant 0 : i32
      %dma_start3A_118 = tpu.memref_slice %arg13[%dma_start3A_116, %dma_start3A_117] : memref<10112x128xf32, #tpu.memory_space<vmem_shared>> -> memref<10112x128xf32, #tpu.memory_space<vmem_shared>>
      tpu.enqueue_indirect_dma source(%arg11 : memref<64x128xf32, #tpu.memory_space<vmem>>) target(%dma_start3A_118 : memref<10112x128xf32, #tpu.memory_space<vmem_shared>>) offsets(%dma_start3A_115 : memref<64xi32, #tpu.memory_space<vmem>>) semaphore(%arg20 : memref<!tpu.dma_semaphore, #tpu.memory_space<semaphore_mem>>) {add = true}
      %dma_wait3A_119 = arith.constant 3 : i32
      %dma_wait3A_120 = arith.constant 0 : i32
      %dma_wait3A_121 = tpu.memref_slice %arg7[%dma_wait3A_119, %dma_wait3A_120] : memref<16x64xi32, #tpu.memory_space<vmem>> -> memref<1x64xi32, #tpu.memory_space<vmem>>
      %dma_wait3A_122 = tpu.memref_squeeze %dma_wait3A_121 : memref<1x64xi32, #tpu.memory_space<vmem>> -> memref<64xi32, #tpu.memory_space<vmem>>
      %dma_wait3A_123 = arith.constant 0 : i32
      %dma_wait3A_124 = arith.constant 0 : i32
      %dma_wait3A_125 = tpu.memref_slice %arg2[%dma_wait3A_123, %dma_wait3A_124] : memref<10000x128xf32, #tpu.memory_space<hbm>> -> memref<10000x128xf32, #tpu.memory_space<hbm>>
      tpu.wait_indirect_dma semaphore(%arg17 : memref<!tpu.dma_semaphore, #tpu.memory_space<semaphore_mem>>) src(%dma_wait3A_125 : memref<10000x128xf32, #tpu.memory_space<hbm>>) dst(%arg12 : memref<64x128xf32, #tpu.memory_space<vmem>>)
      %dma_wait3A_126 = arith.constant 2 : i32
      %dma_wait3A_127 = arith.constant 0 : i32
      %dma_wait3A_128 = tpu.memref_slice %arg8[%dma_wait3A_126, %dma_wait3A_127] : memref<16x64xi32, #tpu.memory_space<vmem>> -> memref<1x64xi32, #tpu.memory_space<vmem>>
      %dma_wait3A_129 = tpu.memref_squeeze %dma_wait3A_128 : memref<1x64xi32, #tpu.memory_space<vmem>> -> memref<64xi32, #tpu.memory_space<vmem>>
      %dma_wait3A_130 = arith.constant 0 : i32
      %dma_wait3A_131 = arith.constant 0 : i32
      %dma_wait3A_132 = tpu.memref_slice %arg13[%dma_wait3A_130, %dma_wait3A_131] : memref<10112x128xf32, #tpu.memory_space<vmem_shared>> -> memref<10112x128xf32, #tpu.memory_space<vmem_shared>>
      tpu.wait_indirect_dma semaphore(%arg20 : memref<!tpu.dma_semaphore, #tpu.memory_space<semaphore_mem>>) src(%arg11 : memref<64x128xf32, #tpu.memory_space<vmem>>) dst(%dma_wait3A_132 : memref<10112x128xf32, #tpu.memory_space<vmem_shared>>)
      %dma_start3A_133 = arith.constant 6 : i32
      %dma_start3A_134 = arith.constant 0 : i32
      %dma_start3A_135 = tpu.memref_slice %arg7[%dma_start3A_133, %dma_start3A_134] : memref<16x64xi32, #tpu.memory_space<vmem>> -> memref<1x64xi32, #tpu.memory_space<vmem>>
      %dma_start3A_136 = tpu.memref_squeeze %dma_start3A_135 : memref<1x64xi32, #tpu.memory_space<vmem>> -> memref<64xi32, #tpu.memory_space<vmem>>
      %dma_start3A_137 = arith.constant 0 : i32
      %dma_start3A_138 = arith.constant 0 : i32
      %dma_start3A_139 = tpu.memref_slice %arg2[%dma_start3A_137, %dma_start3A_138] : memref<10000x128xf32, #tpu.memory_space<hbm>> -> memref<10000x128xf32, #tpu.memory_space<hbm>>
      tpu.enqueue_indirect_dma source(%dma_start3A_139 : memref<10000x128xf32, #tpu.memory_space<hbm>>) target(%arg11 : memref<64x128xf32, #tpu.memory_space<vmem>>) offsets(%dma_start3A_136 : memref<64xi32, #tpu.memory_space<vmem>>) semaphore(%arg16 : memref<!tpu.dma_semaphore, #tpu.memory_space<semaphore_mem>>)
      %dma_start3A_140 = arith.constant 3 : i32
      %dma_start3A_141 = arith.constant 0 : i32
      %dma_start3A_142 = tpu.memref_slice %arg8[%dma_start3A_140, %dma_start3A_141] : memref<16x64xi32, #tpu.memory_space<vmem>> -> memref<1x64xi32, #tpu.memory_space<vmem>>
      %dma_start3A_143 = tpu.memref_squeeze %dma_start3A_142 : memref<1x64xi32, #tpu.memory_space<vmem>> -> memref<64xi32, #tpu.memory_space<vmem>>
      %dma_start3A_144 = arith.constant 0 : i32
      %dma_start3A_145 = arith.constant 0 : i32
      %dma_start3A_146 = tpu.memref_slice %arg13[%dma_start3A_144, %dma_start3A_145] : memref<10112x128xf32, #tpu.memory_space<vmem_shared>> -> memref<10112x128xf32, #tpu.memory_space<vmem_shared>>
      tpu.enqueue_indirect_dma source(%arg12 : memref<64x128xf32, #tpu.memory_space<vmem>>) target(%dma_start3A_146 : memref<10112x128xf32, #tpu.memory_space<vmem_shared>>) offsets(%dma_start3A_143 : memref<64xi32, #tpu.memory_space<vmem>>) semaphore(%arg21 : memref<!tpu.dma_semaphore, #tpu.memory_space<semaphore_mem>>) {add = true}
      %dma_wait3A_147 = arith.constant 4 : i32
      %dma_wait3A_148 = arith.constant 0 : i32
      %dma_wait3A_149 = tpu.memref_slice %arg7[%dma_wait3A_147, %dma_wait3A_148] : memref<16x64xi32, #tpu.memory_space<vmem>> -> memref<1x64xi32, #tpu.memory_space<vmem>>
      %dma_wait3A_150 = tpu.memref_squeeze %dma_wait3A_149 : memref<1x64xi32, #tpu.memory_space<vmem>> -> memref<64xi32, #tpu.memory_space<vmem>>
      %dma_wait3A_151 = arith.constant 0 : i32
      %dma_wait3A_152 = arith.constant 0 : i32
      %dma_wait3A_153 = tpu.memref_slice %arg2[%dma_wait3A_151, %dma_wait3A_152] : memref<10000x128xf32, #tpu.memory_space<hbm>> -> memref<10000x128xf32, #tpu.memory_space<hbm>>
      tpu.wait_indirect_dma semaphore(%arg14 : memref<!tpu.dma_semaphore, #tpu.memory_space<semaphore_mem>>) src(%dma_wait3A_153 : memref<10000x128xf32, #tpu.memory_space<hbm>>) dst(%arg9 : memref<64x128xf32, #tpu.memory_space<vmem>>)
      %dma_wait3A_154 = arith.constant 3 : i32
      %dma_wait3A_155 = arith.constant 0 : i32
      %dma_wait3A_156 = tpu.memref_slice %arg8[%dma_wait3A_154, %dma_wait3A_155] : memref<16x64xi32, #tpu.memory_space<vmem>> -> memref<1x64xi32, #tpu.memory_space<vmem>>
      %dma_wait3A_157 = tpu.memref_squeeze %dma_wait3A_156 : memref<1x64xi32, #tpu.memory_space<vmem>> -> memref<64xi32, #tpu.memory_space<vmem>>
      %dma_wait3A_158 = arith.constant 0 : i32
      %dma_wait3A_159 = arith.constant 0 : i32
      %dma_wait3A_160 = tpu.memref_slice %arg13[%dma_wait3A_158, %dma_wait3A_159] : memref<10112x128xf32, #tpu.memory_space<vmem_shared>> -> memref<10112x128xf32, #tpu.memory_space<vmem_shared>>
      tpu.wait_indirect_dma semaphore(%arg21 : memref<!tpu.dma_semaphore, #tpu.memory_space<semaphore_mem>>) src(%arg12 : memref<64x128xf32, #tpu.memory_space<vmem>>) dst(%dma_wait3A_160 : memref<10112x128xf32, #tpu.memory_space<vmem_shared>>)
      %dma_start3A_161 = arith.constant 7 : i32
      %dma_start3A_162 = arith.constant 0 : i32
      %dma_start3A_163 = tpu.memref_slice %arg7[%dma_start3A_161, %dma_start3A_162] : memref<16x64xi32, #tpu.memory_space<vmem>> -> memref<1x64xi32, #tpu.memory_space<vmem>>
      %dma_start3A_164 = tpu.memref_squeeze %dma_start3A_163 : memref<1x64xi32, #tpu.memory_space<vmem>> -> memref<64xi32, #tpu.memory_space<vmem>>
      %dma_start3A_165 = arith.constant 0 : i32
      %dma_start3A_166 = arith.constant 0 : i32
      %dma_start3A_167 = tpu.memref_slice %arg2[%dma_start3A_165, %dma_start3A_166] : memref<10000x128xf32, #tpu.memory_space<hbm>> -> memref<10000x128xf32, #tpu.memory_space<hbm>>
      tpu.enqueue_indirect_dma source(%dma_start3A_167 : memref<10000x128xf32, #tpu.memory_space<hbm>>) target(%arg12 : memref<64x128xf32, #tpu.memory_space<vmem>>) offsets(%dma_start3A_164 : memref<64xi32, #tpu.memory_space<vmem>>) semaphore(%arg17 : memref<!tpu.dma_semaphore, #tpu.memory_space<semaphore_mem>>)
      %dma_start3A_168 = arith.constant 4 : i32
      %dma_start3A_169 = arith.constant 0 : i32
      %dma_start3A_170 = tpu.memref_slice %arg8[%dma_start3A_168, %dma_start3A_169] : memref<16x64xi32, #tpu.memory_space<vmem>> -> memref<1x64xi32, #tpu.memory_space<vmem>>
      %dma_start3A_171 = tpu.memref_squeeze %dma_start3A_170 : memref<1x64xi32, #tpu.memory_space<vmem>> -> memref<64xi32, #tpu.memory_space<vmem>>
      %dma_start3A_172 = arith.constant 0 : i32
      %dma_start3A_173 = arith.constant 0 : i32
      %dma_start3A_174 = tpu.memref_slice %arg13[%dma_start3A_172, %dma_start3A_173] : memref<10112x128xf32, #tpu.memory_space<vmem_shared>> -> memref<10112x128xf32, #tpu.memory_space<vmem_shared>>
      tpu.enqueue_indirect_dma source(%arg9 : memref<64x128xf32, #tpu.memory_space<vmem>>) target(%dma_start3A_174 : memref<10112x128xf32, #tpu.memory_space<vmem_shared>>) offsets(%dma_start3A_171 : memref<64xi32, #tpu.memory_space<vmem>>) semaphore(%arg18 : memref<!tpu.dma_semaphore, #tpu.memory_space<semaphore_mem>>) {add = true}
      %dma_wait3A_175 = arith.constant 5 : i32
      %dma_wait3A_176 = arith.constant 0 : i32
      %dma_wait3A_177 = tpu.memref_slice %arg7[%dma_wait3A_175, %dma_wait3A_176] : memref<16x64xi32, #tpu.memory_space<vmem>> -> memref<1x64xi32, #tpu.memory_space<vmem>>
      %dma_wait3A_178 = tpu.memref_squeeze %dma_wait3A_177 : memref<1x64xi32, #tpu.memory_space<vmem>> -> memref<64xi32, #tpu.memory_space<vmem>>
      %dma_wait3A_179 = arith.constant 0 : i32
      %dma_wait3A_180 = arith.constant 0 : i32
      %dma_wait3A_181 = tpu.memref_slice %arg2[%dma_wait3A_179, %dma_wait3A_180] : memref<10000x128xf32, #tpu.memory_space<hbm>> -> memref<10000x128xf32, #tpu.memory_space<hbm>>
      tpu.wait_indirect_dma semaphore(%arg15 : memref<!tpu.dma_semaphore, #tpu.memory_space<semaphore_mem>>) src(%dma_wait3A_181 : memref<10000x128xf32, #tpu.memory_space<hbm>>) dst(%arg10 : memref<64x128xf32, #tpu.memory_space<vmem>>)
      %dma_wait3A_182 = arith.constant 4 : i32
      %dma_wait3A_183 = arith.constant 0 : i32
      %dma_wait3A_184 = tpu.memref_slice %arg8[%dma_wait3A_182, %dma_wait3A_183] : memref<16x64xi32, #tpu.memory_space<vmem>> -> memref<1x64xi32, #tpu.memory_space<vmem>>
      %dma_wait3A_185 = tpu.memref_squeeze %dma_wait3A_184 : memref<1x64xi32, #tpu.memory_space<vmem>> -> memref<64xi32, #tpu.memory_space<vmem>>
      %dma_wait3A_186 = arith.constant 0 : i32
      %dma_wait3A_187 = arith.constant 0 : i32
      %dma_wait3A_188 = tpu.memref_slice %arg13[%dma_wait3A_186, %dma_wait3A_187] : memref<10112x128xf32, #tpu.memory_space<vmem_shared>> -> memref<10112x128xf32, #tpu.memory_space<vmem_shared>>
      tpu.wait_indirect_dma semaphore(%arg18 : memref<!tpu.dma_semaphore, #tpu.memory_space<semaphore_mem>>) src(%arg9 : memref<64x128xf32, #tpu.memory_space<vmem>>) dst(%dma_wait3A_188 : memref<10112x128xf32, #tpu.memory_space<vmem_shared>>)
      %dma_start3A_189 = arith.constant 8 : i32
      %dma_start3A_190 = arith.constant 0 : i32
      %dma_start3A_191 = tpu.memref_slice %arg7[%dma_start3A_189, %dma_start3A_190] : memref<16x64xi32, #tpu.memory_space<vmem>> -> memref<1x64xi32, #tpu.memory_space<vmem>>
      %dma_start3A_192 = tpu.memref_squeeze %dma_start3A_191 : memref<1x64xi32, #tpu.memory_space<vmem>> -> memref<64xi32, #tpu.memory_space<vmem>>
      %dma_start3A_193 = arith.constant 0 : i32
      %dma_start3A_194 = arith.constant 0 : i32
      %dma_start3A_195 = tpu.memref_slice %arg2[%dma_start3A_193, %dma_start3A_194] : memref<10000x128xf32, #tpu.memory_space<hbm>> -> memref<10000x128xf32, #tpu.memory_space<hbm>>
      tpu.enqueue_indirect_dma source(%dma_start3A_195 : memref<10000x128xf32, #tpu.memory_space<hbm>>) target(%arg9 : memref<64x128xf32, #tpu.memory_space<vmem>>) offsets(%dma_start3A_192 : memref<64xi32, #tpu.memory_space<vmem>>) semaphore(%arg14 : memref<!tpu.dma_semaphore, #tpu.memory_space<semaphore_mem>>)
      %dma_start3A_196 = arith.constant 5 : i32
      %dma_start3A_197 = arith.constant 0 : i32
      %dma_start3A_198 = tpu.memref_slice %arg8[%dma_start3A_196, %dma_start3A_197] : memref<16x64xi32, #tpu.memory_space<vmem>> -> memref<1x64xi32, #tpu.memory_space<vmem>>
      %dma_start3A_199 = tpu.memref_squeeze %dma_start3A_198 : memref<1x64xi32, #tpu.memory_space<vmem>> -> memref<64xi32, #tpu.memory_space<vmem>>
      %dma_start3A_200 = arith.constant 0 : i32
      %dma_start3A_201 = arith.constant 0 : i32
      %dma_start3A_202 = tpu.memref_slice %arg13[%dma_start3A_200, %dma_start3A_201] : memref<10112x128xf32, #tpu.memory_space<vmem_shared>> -> memref<10112x128xf32, #tpu.memory_space<vmem_shared>>
      tpu.enqueue_indirect_dma source(%arg10 : memref<64x128xf32, #tpu.memory_space<vmem>>) target(%dma_start3A_202 : memref<10112x128xf32, #tpu.memory_space<vmem_shared>>) offsets(%dma_start3A_199 : memref<64xi32, #tpu.memory_space<vmem>>) semaphore(%arg19 : memref<!tpu.dma_semaphore, #tpu.memory_space<semaphore_mem>>) {add = true}
      %dma_wait3A_203 = arith.constant 6 : i32
      %dma_wait3A_204 = arith.constant 0 : i32
      %dma_wait3A_205 = tpu.memref_slice %arg7[%dma_wait3A_203, %dma_wait3A_204] : memref<16x64xi32, #tpu.memory_space<vmem>> -> memref<1x64xi32, #tpu.memory_space<vmem>>
      %dma_wait3A_206 = tpu.memref_squeeze %dma_wait3A_205 : memref<1x64xi32, #tpu.memory_space<vmem>> -> memref<64xi32, #tpu.memory_space<vmem>>
      %dma_wait3A_207 = arith.constant 0 : i32
      %dma_wait3A_208 = arith.constant 0 : i32
      %dma_wait3A_209 = tpu.memref_slice %arg2[%dma_wait3A_207, %dma_wait3A_208] : memref<10000x128xf32, #tpu.memory_space<hbm>> -> memref<10000x128xf32, #tpu.memory_space<hbm>>
      tpu.wait_indirect_dma semaphore(%arg16 : memref<!tpu.dma_semaphore, #tpu.memory_space<semaphore_mem>>) src(%dma_wait3A_209 : memref<10000x128xf32, #tpu.memory_space<hbm>>) dst(%arg11 : memref<64x128xf32, #tpu.memory_space<vmem>>)
      %dma_wait3A_210 = arith.constant 5 : i32
      %dma_wait3A_211 = arith.constant 0 : i32
      %dma_wait3A_212 = tpu.memref_slice %arg8[%dma_wait3A_210, %dma_wait3A_211] : memref<16x64xi32, #tpu.memory_space<vmem>> -> memref<1x64xi32, #tpu.memory_space<vmem>>
      %dma_wait3A_213 = tpu.memref_squeeze %dma_wait3A_212 : memref<1x64xi32, #tpu.memory_space<vmem>> -> memref<64xi32, #tpu.memory_space<vmem>>
      %dma_wait3A_214 = arith.constant 0 : i32
      %dma_wait3A_215 = arith.constant 0 : i32
      %dma_wait3A_216 = tpu.memref_slice %arg13[%dma_wait3A_214, %dma_wait3A_215] : memref<10112x128xf32, #tpu.memory_space<vmem_shared>> -> memref<10112x128xf32, #tpu.memory_space<vmem_shared>>
      tpu.wait_indirect_dma semaphore(%arg19 : memref<!tpu.dma_semaphore, #tpu.memory_space<semaphore_mem>>) src(%arg10 : memref<64x128xf32, #tpu.memory_space<vmem>>) dst(%dma_wait3A_216 : memref<10112x128xf32, #tpu.memory_space<vmem_shared>>)
      %dma_start3A_217 = arith.constant 9 : i32
      %dma_start3A_218 = arith.constant 0 : i32
      %dma_start3A_219 = tpu.memref_slice %arg7[%dma_start3A_217, %dma_start3A_218] : memref<16x64xi32, #tpu.memory_space<vmem>> -> memref<1x64xi32, #tpu.memory_space<vmem>>
      %dma_start3A_220 = tpu.memref_squeeze %dma_start3A_219 : memref<1x64xi32, #tpu.memory_space<vmem>> -> memref<64xi32, #tpu.memory_space<vmem>>
      %dma_start3A_221 = arith.constant 0 : i32
      %dma_start3A_222 = arith.constant 0 : i32
      %dma_start3A_223 = tpu.memref_slice %arg2[%dma_start3A_221, %dma_start3A_222] : memref<10000x128xf32, #tpu.memory_space<hbm>> -> memref<10000x128xf32, #tpu.memory_space<hbm>>
      tpu.enqueue_indirect_dma source(%dma_start3A_223 : memref<10000x128xf32, #tpu.memory_space<hbm>>) target(%arg10 : memref<64x128xf32, #tpu.memory_space<vmem>>) offsets(%dma_start3A_220 : memref<64xi32, #tpu.memory_space<vmem>>) semaphore(%arg15 : memref<!tpu.dma_semaphore, #tpu.memory_space<semaphore_mem>>)
      %dma_start3A_224 = arith.constant 6 : i32
      %dma_start3A_225 = arith.constant 0 : i32
      %dma_start3A_226 = tpu.memref_slice %arg8[%dma_start3A_224, %dma_start3A_225] : memref<16x64xi32, #tpu.memory_space<vmem>> -> memref<1x64xi32, #tpu.memory_space<vmem>>
      %dma_start3A_227 = tpu.memref_squeeze %dma_start3A_226 : memref<1x64xi32, #tpu.memory_space<vmem>> -> memref<64xi32, #tpu.memory_space<vmem>>
      %dma_start3A_228 = arith.constant 0 : i32
      %dma_start3A_229 = arith.constant 0 : i32
      %dma_start3A_230 = tpu.memref_slice %arg13[%dma_start3A_228, %dma_start3A_229] : memref<10112x128xf32, #tpu.memory_space<vmem_shared>> -> memref<10112x128xf32, #tpu.memory_space<vmem_shared>>
      tpu.enqueue_indirect_dma source(%arg11 : memref<64x128xf32, #tpu.memory_space<vmem>>) target(%dma_start3A_230 : memref<10112x128xf32, #tpu.memory_space<vmem_shared>>) offsets(%dma_start3A_227 : memref<64xi32, #tpu.memory_space<vmem>>) semaphore(%arg20 : memref<!tpu.dma_semaphore, #tpu.memory_space<semaphore_mem>>) {add = true}
      %dma_wait3A_231 = arith.constant 7 : i32
      %dma_wait3A_232 = arith.constant 0 : i32
      %dma_wait3A_233 = tpu.memref_slice %arg7[%dma_wait3A_231, %dma_wait3A_232] : memref<16x64xi32, #tpu.memory_space<vmem>> -> memref<1x64xi32, #tpu.memory_space<vmem>>
      %dma_wait3A_234 = tpu.memref_squeeze %dma_wait3A_233 : memref<1x64xi32, #tpu.memory_space<vmem>> -> memref<64xi32, #tpu.memory_space<vmem>>
      %dma_wait3A_235 = arith.constant 0 : i32
      %dma_wait3A_236 = arith.constant 0 : i32
      %dma_wait3A_237 = tpu.memref_slice %arg2[%dma_wait3A_235, %dma_wait3A_236] : memref<10000x128xf32, #tpu.memory_space<hbm>> -> memref<10000x128xf32, #tpu.memory_space<hbm>>
      tpu.wait_indirect_dma semaphore(%arg17 : memref<!tpu.dma_semaphore, #tpu.memory_space<semaphore_mem>>) src(%dma_wait3A_237 : memref<10000x128xf32, #tpu.memory_space<hbm>>) dst(%arg12 : memref<64x128xf32, #tpu.memory_space<vmem>>)
      %dma_wait3A_238 = arith.constant 6 : i32
      %dma_wait3A_239 = arith.constant 0 : i32
      %dma_wait3A_240 = tpu.memref_slice %arg8[%dma_wait3A_238, %dma_wait3A_239] : memref<16x64xi32, #tpu.memory_space<vmem>> -> memref<1x64xi32, #tpu.memory_space<vmem>>
      %dma_wait3A_241 = tpu.memref_squeeze %dma_wait3A_240 : memref<1x64xi32, #tpu.memory_space<vmem>> -> memref<64xi32, #tpu.memory_space<vmem>>
      %dma_wait3A_242 = arith.constant 0 : i32
      %dma_wait3A_243 = arith.constant 0 : i32
      %dma_wait3A_244 = tpu.memref_slice %arg13[%dma_wait3A_242, %dma_wait3A_243] : memref<10112x128xf32, #tpu.memory_space<vmem_shared>> -> memref<10112x128xf32, #tpu.memory_space<vmem_shared>>
      tpu.wait_indirect_dma semaphore(%arg20 : memref<!tpu.dma_semaphore, #tpu.memory_space<semaphore_mem>>) src(%arg11 : memref<64x128xf32, #tpu.memory_space<vmem>>) dst(%dma_wait3A_244 : memref<10112x128xf32, #tpu.memory_space<vmem_shared>>)
      %dma_start3A_245 = arith.constant 10 : i32
      %dma_start3A_246 = arith.constant 0 : i32
      %dma_start3A_247 = tpu.memref_slice %arg7[%dma_start3A_245, %dma_start3A_246] : memref<16x64xi32, #tpu.memory_space<vmem>> -> memref<1x64xi32, #tpu.memory_space<vmem>>
      %dma_start3A_248 = tpu.memref_squeeze %dma_start3A_247 : memref<1x64xi32, #tpu.memory_space<vmem>> -> memref<64xi32, #tpu.memory_space<vmem>>
      %dma_start3A_249 = arith.constant 0 : i32
      %dma_start3A_250 = arith.constant 0 : i32
      %dma_start3A_251 = tpu.memref_slice %arg2[%dma_start3A_249, %dma_start3A_250] : memref<10000x128xf32, #tpu.memory_space<hbm>> -> memref<10000x128xf32, #tpu.memory_space<hbm>>
      tpu.enqueue_indirect_dma source(%dma_start3A_251 : memref<10000x128xf32, #tpu.memory_space<hbm>>) target(%arg11 : memref<64x128xf32, #tpu.memory_space<vmem>>) offsets(%dma_start3A_248 : memref<64xi32, #tpu.memory_space<vmem>>) semaphore(%arg16 : memref<!tpu.dma_semaphore, #tpu.memory_space<semaphore_mem>>)
      %dma_start3A_252 = arith.constant 7 : i32
      %dma_start3A_253 = arith.constant 0 : i32
      %dma_start3A_254 = tpu.memref_slice %arg8[%dma_start3A_252, %dma_start3A_253] : memref<16x64xi32, #tpu.memory_space<vmem>> -> memref<1x64xi32, #tpu.memory_space<vmem>>
      %dma_start3A_255 = tpu.memref_squeeze %dma_start3A_254 : memref<1x64xi32, #tpu.memory_space<vmem>> -> memref<64xi32, #tpu.memory_space<vmem>>
      %dma_start3A_256 = arith.constant 0 : i32
      %dma_start3A_257 = arith.constant 0 : i32
      %dma_start3A_258 = tpu.memref_slice %arg13[%dma_start3A_256, %dma_start3A_257] : memref<10112x128xf32, #tpu.memory_space<vmem_shared>> -> memref<10112x128xf32, #tpu.memory_space<vmem_shared>>
      tpu.enqueue_indirect_dma source(%arg12 : memref<64x128xf32, #tpu.memory_space<vmem>>) target(%dma_start3A_258 : memref<10112x128xf32, #tpu.memory_space<vmem_shared>>) offsets(%dma_start3A_255 : memref<64xi32, #tpu.memory_space<vmem>>) semaphore(%arg21 : memref<!tpu.dma_semaphore, #tpu.memory_space<semaphore_mem>>) {add = true}
      %dma_wait3A_259 = arith.constant 8 : i32
      %dma_wait3A_260 = arith.constant 0 : i32
      %dma_wait3A_261 = tpu.memref_slice %arg7[%dma_wait3A_259, %dma_wait3A_260] : memref<16x64xi32, #tpu.memory_space<vmem>> -> memref<1x64xi32, #tpu.memory_space<vmem>>
      %dma_wait3A_262 = tpu.memref_squeeze %dma_wait3A_261 : memref<1x64xi32, #tpu.memory_space<vmem>> -> memref<64xi32, #tpu.memory_space<vmem>>
      %dma_wait3A_263 = arith.constant 0 : i32
      %dma_wait3A_264 = arith.constant 0 : i32
      %dma_wait3A_265 = tpu.memref_slice %arg2[%dma_wait3A_263, %dma_wait3A_264] : memref<10000x128xf32, #tpu.memory_space<hbm>> -> memref<10000x128xf32, #tpu.memory_space<hbm>>
      tpu.wait_indirect_dma semaphore(%arg14 : memref<!tpu.dma_semaphore, #tpu.memory_space<semaphore_mem>>) src(%dma_wait3A_265 : memref<10000x128xf32, #tpu.memory_space<hbm>>) dst(%arg9 : memref<64x128xf32, #tpu.memory_space<vmem>>)
      %dma_wait3A_266 = arith.constant 7 : i32
      %dma_wait3A_267 = arith.constant 0 : i32
      %dma_wait3A_268 = tpu.memref_slice %arg8[%dma_wait3A_266, %dma_wait3A_267] : memref<16x64xi32, #tpu.memory_space<vmem>> -> memref<1x64xi32, #tpu.memory_space<vmem>>
      %dma_wait3A_269 = tpu.memref_squeeze %dma_wait3A_268 : memref<1x64xi32, #tpu.memory_space<vmem>> -> memref<64xi32, #tpu.memory_space<vmem>>
      %dma_wait3A_270 = arith.constant 0 : i32
      %dma_wait3A_271 = arith.constant 0 : i32
      %dma_wait3A_272 = tpu.memref_slice %arg13[%dma_wait3A_270, %dma_wait3A_271] : memref<10112x128xf32, #tpu.memory_space<vmem_shared>> -> memref<10112x128xf32, #tpu.memory_space<vmem_shared>>
      tpu.wait_indirect_dma semaphore(%arg21 : memref<!tpu.dma_semaphore, #tpu.memory_space<semaphore_mem>>) src(%arg12 : memref<64x128xf32, #tpu.memory_space<vmem>>) dst(%dma_wait3A_272 : memref<10112x128xf32, #tpu.memory_space<vmem_shared>>)
      %dma_start3A_273 = arith.constant 11 : i32
      %dma_start3A_274 = arith.constant 0 : i32
      %dma_start3A_275 = tpu.memref_slice %arg7[%dma_start3A_273, %dma_start3A_274] : memref<16x64xi32, #tpu.memory_space<vmem>> -> memref<1x64xi32, #tpu.memory_space<vmem>>
      %dma_start3A_276 = tpu.memref_squeeze %dma_start3A_275 : memref<1x64xi32, #tpu.memory_space<vmem>> -> memref<64xi32, #tpu.memory_space<vmem>>
      %dma_start3A_277 = arith.constant 0 : i32
      %dma_start3A_278 = arith.constant 0 : i32
      %dma_start3A_279 = tpu.memref_slice %arg2[%dma_start3A_277, %dma_start3A_278] : memref<10000x128xf32, #tpu.memory_space<hbm>> -> memref<10000x128xf32, #tpu.memory_space<hbm>>
      tpu.enqueue_indirect_dma source(%dma_start3A_279 : memref<10000x128xf32, #tpu.memory_space<hbm>>) target(%arg12 : memref<64x128xf32, #tpu.memory_space<vmem>>) offsets(%dma_start3A_276 : memref<64xi32, #tpu.memory_space<vmem>>) semaphore(%arg17 : memref<!tpu.dma_semaphore, #tpu.memory_space<semaphore_mem>>)
      %dma_start3A_280 = arith.constant 8 : i32
      %dma_start3A_281 = arith.constant 0 : i32
      %dma_start3A_282 = tpu.memref_slice %arg8[%dma_start3A_280, %dma_start3A_281] : memref<16x64xi32, #tpu.memory_space<vmem>> -> memref<1x64xi32, #tpu.memory_space<vmem>>
      %dma_start3A_283 = tpu.memref_squeeze %dma_start3A_282 : memref<1x64xi32, #tpu.memory_space<vmem>> -> memref<64xi32, #tpu.memory_space<vmem>>
      %dma_start3A_284 = arith.constant 0 : i32
      %dma_start3A_285 = arith.constant 0 : i32
      %dma_start3A_286 = tpu.memref_slice %arg13[%dma_start3A_284, %dma_start3A_285] : memref<10112x128xf32, #tpu.memory_space<vmem_shared>> -> memref<10112x128xf32, #tpu.memory_space<vmem_shared>>
      tpu.enqueue_indirect_dma source(%arg9 : memref<64x128xf32, #tpu.memory_space<vmem>>) target(%dma_start3A_286 : memref<10112x128xf32, #tpu.memory_space<vmem_shared>>) offsets(%dma_start3A_283 : memref<64xi32, #tpu.memory_space<vmem>>) semaphore(%arg18 : memref<!tpu.dma_semaphore, #tpu.memory_space<semaphore_mem>>) {add = true}
      %dma_wait3A_287 = arith.constant 9 : i32
      %dma_wait3A_288 = arith.constant 0 : i32
      %dma_wait3A_289 = tpu.memref_slice %arg7[%dma_wait3A_287, %dma_wait3A_288] : memref<16x64xi32, #tpu.memory_space<vmem>> -> memref<1x64xi32, #tpu.memory_space<vmem>>
      %dma_wait3A_290 = tpu.memref_squeeze %dma_wait3A_289 : memref<1x64xi32, #tpu.memory_space<vmem>> -> memref<64xi32, #tpu.memory_space<vmem>>
      %dma_wait3A_291 = arith.constant 0 : i32
      %dma_wait3A_292 = arith.constant 0 : i32
      %dma_wait3A_293 = tpu.memref_slice %arg2[%dma_wait3A_291, %dma_wait3A_292] : memref<10000x128xf32, #tpu.memory_space<hbm>> -> memref<10000x128xf32, #tpu.memory_space<hbm>>
      tpu.wait_indirect_dma semaphore(%arg15 : memref<!tpu.dma_semaphore, #tpu.memory_space<semaphore_mem>>) src(%dma_wait3A_293 : memref<10000x128xf32, #tpu.memory_space<hbm>>) dst(%arg10 : memref<64x128xf32, #tpu.memory_space<vmem>>)
      %dma_wait3A_294 = arith.constant 8 : i32
      %dma_wait3A_295 = arith.constant 0 : i32
      %dma_wait3A_296 = tpu.memref_slice %arg8[%dma_wait3A_294, %dma_wait3A_295] : memref<16x64xi32, #tpu.memory_space<vmem>> -> memref<1x64xi32, #tpu.memory_space<vmem>>
      %dma_wait3A_297 = tpu.memref_squeeze %dma_wait3A_296 : memref<1x64xi32, #tpu.memory_space<vmem>> -> memref<64xi32, #tpu.memory_space<vmem>>
      %dma_wait3A_298 = arith.constant 0 : i32
      %dma_wait3A_299 = arith.constant 0 : i32
      %dma_wait3A_300 = tpu.memref_slice %arg13[%dma_wait3A_298, %dma_wait3A_299] : memref<10112x128xf32, #tpu.memory_space<vmem_shared>> -> memref<10112x128xf32, #tpu.memory_space<vmem_shared>>
      tpu.wait_indirect_dma semaphore(%arg18 : memref<!tpu.dma_semaphore, #tpu.memory_space<semaphore_mem>>) src(%arg9 : memref<64x128xf32, #tpu.memory_space<vmem>>) dst(%dma_wait3A_300 : memref<10112x128xf32, #tpu.memory_space<vmem_shared>>)
      %dma_start3A_301 = arith.constant 12 : i32
      %dma_start3A_302 = arith.constant 0 : i32
      %dma_start3A_303 = tpu.memref_slice %arg7[%dma_start3A_301, %dma_start3A_302] : memref<16x64xi32, #tpu.memory_space<vmem>> -> memref<1x64xi32, #tpu.memory_space<vmem>>
      %dma_start3A_304 = tpu.memref_squeeze %dma_start3A_303 : memref<1x64xi32, #tpu.memory_space<vmem>> -> memref<64xi32, #tpu.memory_space<vmem>>
      %dma_start3A_305 = arith.constant 0 : i32
      %dma_start3A_306 = arith.constant 0 : i32
      %dma_start3A_307 = tpu.memref_slice %arg2[%dma_start3A_305, %dma_start3A_306] : memref<10000x128xf32, #tpu.memory_space<hbm>> -> memref<10000x128xf32, #tpu.memory_space<hbm>>
      tpu.enqueue_indirect_dma source(%dma_start3A_307 : memref<10000x128xf32, #tpu.memory_space<hbm>>) target(%arg9 : memref<64x128xf32, #tpu.memory_space<vmem>>) offsets(%dma_start3A_304 : memref<64xi32, #tpu.memory_space<vmem>>) semaphore(%arg14 : memref<!tpu.dma_semaphore, #tpu.memory_space<semaphore_mem>>)
      %dma_start3A_308 = arith.constant 9 : i32
      %dma_start3A_309 = arith.constant 0 : i32
      %dma_start3A_310 = tpu.memref_slice %arg8[%dma_start3A_308, %dma_start3A_309] : memref<16x64xi32, #tpu.memory_space<vmem>> -> memref<1x64xi32, #tpu.memory_space<vmem>>
      %dma_start3A_311 = tpu.memref_squeeze %dma_start3A_310 : memref<1x64xi32, #tpu.memory_space<vmem>> -> memref<64xi32, #tpu.memory_space<vmem>>
      %dma_start3A_312 = arith.constant 0 : i32
      %dma_start3A_313 = arith.constant 0 : i32
      %dma_start3A_314 = tpu.memref_slice %arg13[%dma_start3A_312, %dma_start3A_313] : memref<10112x128xf32, #tpu.memory_space<vmem_shared>> -> memref<10112x128xf32, #tpu.memory_space<vmem_shared>>
      tpu.enqueue_indirect_dma source(%arg10 : memref<64x128xf32, #tpu.memory_space<vmem>>) target(%dma_start3A_314 : memref<10112x128xf32, #tpu.memory_space<vmem_shared>>) offsets(%dma_start3A_311 : memref<64xi32, #tpu.memory_space<vmem>>) semaphore(%arg19 : memref<!tpu.dma_semaphore, #tpu.memory_space<semaphore_mem>>) {add = true}
      %dma_wait3A_315 = arith.constant 10 : i32
      %dma_wait3A_316 = arith.constant 0 : i32
      %dma_wait3A_317 = tpu.memref_slice %arg7[%dma_wait3A_315, %dma_wait3A_316] : memref<16x64xi32, #tpu.memory_space<vmem>> -> memref<1x64xi32, #tpu.memory_space<vmem>>
      %dma_wait3A_318 = tpu.memref_squeeze %dma_wait3A_317 : memref<1x64xi32, #tpu.memory_space<vmem>> -> memref<64xi32, #tpu.memory_space<vmem>>
      %dma_wait3A_319 = arith.constant 0 : i32
      %dma_wait3A_320 = arith.constant 0 : i32
      %dma_wait3A_321 = tpu.memref_slice %arg2[%dma_wait3A_319, %dma_wait3A_320] : memref<10000x128xf32, #tpu.memory_space<hbm>> -> memref<10000x128xf32, #tpu.memory_space<hbm>>
      tpu.wait_indirect_dma semaphore(%arg16 : memref<!tpu.dma_semaphore, #tpu.memory_space<semaphore_mem>>) src(%dma_wait3A_321 : memref<10000x128xf32, #tpu.memory_space<hbm>>) dst(%arg11 : memref<64x128xf32, #tpu.memory_space<vmem>>)
      %dma_wait3A_322 = arith.constant 9 : i32
      %dma_wait3A_323 = arith.constant 0 : i32
      %dma_wait3A_324 = tpu.memref_slice %arg8[%dma_wait3A_322, %dma_wait3A_323] : memref<16x64xi32, #tpu.memory_space<vmem>> -> memref<1x64xi32, #tpu.memory_space<vmem>>
      %dma_wait3A_325 = tpu.memref_squeeze %dma_wait3A_324 : memref<1x64xi32, #tpu.memory_space<vmem>> -> memref<64xi32, #tpu.memory_space<vmem>>
      %dma_wait3A_326 = arith.constant 0 : i32
      %dma_wait3A_327 = arith.constant 0 : i32
      %dma_wait3A_328 = tpu.memref_slice %arg13[%dma_wait3A_326, %dma_wait3A_327] : memref<10112x128xf32, #tpu.memory_space<vmem_shared>> -> memref<10112x128xf32, #tpu.memory_space<vmem_shared>>
      tpu.wait_indirect_dma semaphore(%arg19 : memref<!tpu.dma_semaphore, #tpu.memory_space<semaphore_mem>>) src(%arg10 : memref<64x128xf32, #tpu.memory_space<vmem>>) dst(%dma_wait3A_328 : memref<10112x128xf32, #tpu.memory_space<vmem_shared>>)
      %dma_start3A_329 = arith.constant 13 : i32
      %dma_start3A_330 = arith.constant 0 : i32
      %dma_start3A_331 = tpu.memref_slice %arg7[%dma_start3A_329, %dma_start3A_330] : memref<16x64xi32, #tpu.memory_space<vmem>> -> memref<1x64xi32, #tpu.memory_space<vmem>>
      %dma_start3A_332 = tpu.memref_squeeze %dma_start3A_331 : memref<1x64xi32, #tpu.memory_space<vmem>> -> memref<64xi32, #tpu.memory_space<vmem>>
      %dma_start3A_333 = arith.constant 0 : i32
      %dma_start3A_334 = arith.constant 0 : i32
      %dma_start3A_335 = tpu.memref_slice %arg2[%dma_start3A_333, %dma_start3A_334] : memref<10000x128xf32, #tpu.memory_space<hbm>> -> memref<10000x128xf32, #tpu.memory_space<hbm>>
      tpu.enqueue_indirect_dma source(%dma_start3A_335 : memref<10000x128xf32, #tpu.memory_space<hbm>>) target(%arg10 : memref<64x128xf32, #tpu.memory_space<vmem>>) offsets(%dma_start3A_332 : memref<64xi32, #tpu.memory_space<vmem>>) semaphore(%arg15 : memref<!tpu.dma_semaphore, #tpu.memory_space<semaphore_mem>>)
      %dma_start3A_336 = arith.constant 10 : i32
      %dma_start3A_337 = arith.constant 0 : i32
      %dma_start3A_338 = tpu.memref_slice %arg8[%dma_start3A_336, %dma_start3A_337] : memref<16x64xi32, #tpu.memory_space<vmem>> -> memref<1x64xi32, #tpu.memory_space<vmem>>
      %dma_start3A_339 = tpu.memref_squeeze %dma_start3A_338 : memref<1x64xi32, #tpu.memory_space<vmem>> -> memref<64xi32, #tpu.memory_space<vmem>>
      %dma_start3A_340 = arith.constant 0 : i32
      %dma_start3A_341 = arith.constant 0 : i32
      %dma_start3A_342 = tpu.memref_slice %arg13[%dma_start3A_340, %dma_start3A_341] : memref<10112x128xf32, #tpu.memory_space<vmem_shared>> -> memref<10112x128xf32, #tpu.memory_space<vmem_shared>>
      tpu.enqueue_indirect_dma source(%arg11 : memref<64x128xf32, #tpu.memory_space<vmem>>) target(%dma_start3A_342 : memref<10112x128xf32, #tpu.memory_space<vmem_shared>>) offsets(%dma_start3A_339 : memref<64xi32, #tpu.memory_space<vmem>>) semaphore(%arg20 : memref<!tpu.dma_semaphore, #tpu.memory_space<semaphore_mem>>) {add = true}
      %dma_wait3A_343 = arith.constant 11 : i32
      %dma_wait3A_344 = arith.constant 0 : i32
      %dma_wait3A_345 = tpu.memref_slice %arg7[%dma_wait3A_343, %dma_wait3A_344] : memref<16x64xi32, #tpu.memory_space<vmem>> -> memref<1x64xi32, #tpu.memory_space<vmem>>
      %dma_wait3A_346 = tpu.memref_squeeze %dma_wait3A_345 : memref<1x64xi32, #tpu.memory_space<vmem>> -> memref<64xi32, #tpu.memory_space<vmem>>
      %dma_wait3A_347 = arith.constant 0 : i32
      %dma_wait3A_348 = arith.constant 0 : i32
      %dma_wait3A_349 = tpu.memref_slice %arg2[%dma_wait3A_347, %dma_wait3A_348] : memref<10000x128xf32, #tpu.memory_space<hbm>> -> memref<10000x128xf32, #tpu.memory_space<hbm>>
      tpu.wait_indirect_dma semaphore(%arg17 : memref<!tpu.dma_semaphore, #tpu.memory_space<semaphore_mem>>) src(%dma_wait3A_349 : memref<10000x128xf32, #tpu.memory_space<hbm>>) dst(%arg12 : memref<64x128xf32, #tpu.memory_space<vmem>>)
      %dma_wait3A_350 = arith.constant 10 : i32
      %dma_wait3A_351 = arith.constant 0 : i32
      %dma_wait3A_352 = tpu.memref_slice %arg8[%dma_wait3A_350, %dma_wait3A_351] : memref<16x64xi32, #tpu.memory_space<vmem>> -> memref<1x64xi32, #tpu.memory_space<vmem>>
      %dma_wait3A_353 = tpu.memref_squeeze %dma_wait3A_352 : memref<1x64xi32, #tpu.memory_space<vmem>> -> memref<64xi32, #tpu.memory_space<vmem>>
      %dma_wait3A_354 = arith.constant 0 : i32
      %dma_wait3A_355 = arith.constant 0 : i32
      %dma_wait3A_356 = tpu.memref_slice %arg13[%dma_wait3A_354, %dma_wait3A_355] : memref<10112x128xf32, #tpu.memory_space<vmem_shared>> -> memref<10112x128xf32, #tpu.memory_space<vmem_shared>>
      tpu.wait_indirect_dma semaphore(%arg20 : memref<!tpu.dma_semaphore, #tpu.memory_space<semaphore_mem>>) src(%arg11 : memref<64x128xf32, #tpu.memory_space<vmem>>) dst(%dma_wait3A_356 : memref<10112x128xf32, #tpu.memory_space<vmem_shared>>)
      %dma_start3A_357 = arith.constant 14 : i32
      %dma_start3A_358 = arith.constant 0 : i32
      %dma_start3A_359 = tpu.memref_slice %arg7[%dma_start3A_357, %dma_start3A_358] : memref<16x64xi32, #tpu.memory_space<vmem>> -> memref<1x64xi32, #tpu.memory_space<vmem>>
      %dma_start3A_360 = tpu.memref_squeeze %dma_start3A_359 : memref<1x64xi32, #tpu.memory_space<vmem>> -> memref<64xi32, #tpu.memory_space<vmem>>
      %dma_start3A_361 = arith.constant 0 : i32
      %dma_start3A_362 = arith.constant 0 : i32
      %dma_start3A_363 = tpu.memref_slice %arg2[%dma_start3A_361, %dma_start3A_362] : memref<10000x128xf32, #tpu.memory_space<hbm>> -> memref<10000x128xf32, #tpu.memory_space<hbm>>
      tpu.enqueue_indirect_dma source(%dma_start3A_363 : memref<10000x128xf32, #tpu.memory_space<hbm>>) target(%arg11 : memref<64x128xf32, #tpu.memory_space<vmem>>) offsets(%dma_start3A_360 : memref<64xi32, #tpu.memory_space<vmem>>) semaphore(%arg16 : memref<!tpu.dma_semaphore, #tpu.memory_space<semaphore_mem>>)
      %dma_start3A_364 = arith.constant 11 : i32
      %dma_start3A_365 = arith.constant 0 : i32
      %dma_start3A_366 = tpu.memref_slice %arg8[%dma_start3A_364, %dma_start3A_365] : memref<16x64xi32, #tpu.memory_space<vmem>> -> memref<1x64xi32, #tpu.memory_space<vmem>>
      %dma_start3A_367 = tpu.memref_squeeze %dma_start3A_366 : memref<1x64xi32, #tpu.memory_space<vmem>> -> memref<64xi32, #tpu.memory_space<vmem>>
      %dma_start3A_368 = arith.constant 0 : i32
      %dma_start3A_369 = arith.constant 0 : i32
      %dma_start3A_370 = tpu.memref_slice %arg13[%dma_start3A_368, %dma_start3A_369] : memref<10112x128xf32, #tpu.memory_space<vmem_shared>> -> memref<10112x128xf32, #tpu.memory_space<vmem_shared>>
      tpu.enqueue_indirect_dma source(%arg12 : memref<64x128xf32, #tpu.memory_space<vmem>>) target(%dma_start3A_370 : memref<10112x128xf32, #tpu.memory_space<vmem_shared>>) offsets(%dma_start3A_367 : memref<64xi32, #tpu.memory_space<vmem>>) semaphore(%arg21 : memref<!tpu.dma_semaphore, #tpu.memory_space<semaphore_mem>>) {add = true}
      %dma_wait3A_371 = arith.constant 12 : i32
      %dma_wait3A_372 = arith.constant 0 : i32
      %dma_wait3A_373 = tpu.memref_slice %arg7[%dma_wait3A_371, %dma_wait3A_372] : memref<16x64xi32, #tpu.memory_space<vmem>> -> memref<1x64xi32, #tpu.memory_space<vmem>>
      %dma_wait3A_374 = tpu.memref_squeeze %dma_wait3A_373 : memref<1x64xi32, #tpu.memory_space<vmem>> -> memref<64xi32, #tpu.memory_space<vmem>>
      %dma_wait3A_375 = arith.constant 0 : i32
      %dma_wait3A_376 = arith.constant 0 : i32
      %dma_wait3A_377 = tpu.memref_slice %arg2[%dma_wait3A_375, %dma_wait3A_376] : memref<10000x128xf32, #tpu.memory_space<hbm>> -> memref<10000x128xf32, #tpu.memory_space<hbm>>
      tpu.wait_indirect_dma semaphore(%arg14 : memref<!tpu.dma_semaphore, #tpu.memory_space<semaphore_mem>>) src(%dma_wait3A_377 : memref<10000x128xf32, #tpu.memory_space<hbm>>) dst(%arg9 : memref<64x128xf32, #tpu.memory_space<vmem>>)
      %dma_wait3A_378 = arith.constant 11 : i32
      %dma_wait3A_379 = arith.constant 0 : i32
      %dma_wait3A_380 = tpu.memref_slice %arg8[%dma_wait3A_378, %dma_wait3A_379] : memref<16x64xi32, #tpu.memory_space<vmem>> -> memref<1x64xi32, #tpu.memory_space<vmem>>
      %dma_wait3A_381 = tpu.memref_squeeze %dma_wait3A_380 : memref<1x64xi32, #tpu.memory_space<vmem>> -> memref<64xi32, #tpu.memory_space<vmem>>
      %dma_wait3A_382 = arith.constant 0 : i32
      %dma_wait3A_383 = arith.constant 0 : i32
      %dma_wait3A_384 = tpu.memref_slice %arg13[%dma_wait3A_382, %dma_wait3A_383] : memref<10112x128xf32, #tpu.memory_space<vmem_shared>> -> memref<10112x128xf32, #tpu.memory_space<vmem_shared>>
      tpu.wait_indirect_dma semaphore(%arg21 : memref<!tpu.dma_semaphore, #tpu.memory_space<semaphore_mem>>) src(%arg12 : memref<64x128xf32, #tpu.memory_space<vmem>>) dst(%dma_wait3A_384 : memref<10112x128xf32, #tpu.memory_space<vmem_shared>>)
      %dma_start3A_385 = arith.constant 15 : i32
      %dma_start3A_386 = arith.constant 0 : i32
      %dma_start3A_387 = tpu.memref_slice %arg7[%dma_start3A_385, %dma_start3A_386] : memref<16x64xi32, #tpu.memory_space<vmem>> -> memref<1x64xi32, #tpu.memory_space<vmem>>
      %dma_start3A_388 = tpu.memref_squeeze %dma_start3A_387 : memref<1x64xi32, #tpu.memory_space<vmem>> -> memref<64xi32, #tpu.memory_space<vmem>>
      %dma_start3A_389 = arith.constant 0 : i32
      %dma_start3A_390 = arith.constant 0 : i32
      %dma_start3A_391 = tpu.memref_slice %arg2[%dma_start3A_389, %dma_start3A_390] : memref<10000x128xf32, #tpu.memory_space<hbm>> -> memref<10000x128xf32, #tpu.memory_space<hbm>>
      tpu.enqueue_indirect_dma source(%dma_start3A_391 : memref<10000x128xf32, #tpu.memory_space<hbm>>) target(%arg12 : memref<64x128xf32, #tpu.memory_space<vmem>>) offsets(%dma_start3A_388 : memref<64xi32, #tpu.memory_space<vmem>>) semaphore(%arg17 : memref<!tpu.dma_semaphore, #tpu.memory_space<semaphore_mem>>)
      %dma_start3A_392 = arith.constant 12 : i32
      %dma_start3A_393 = arith.constant 0 : i32
      %dma_start3A_394 = tpu.memref_slice %arg8[%dma_start3A_392, %dma_start3A_393] : memref<16x64xi32, #tpu.memory_space<vmem>> -> memref<1x64xi32, #tpu.memory_space<vmem>>
      %dma_start3A_395 = tpu.memref_squeeze %dma_start3A_394 : memref<1x64xi32, #tpu.memory_space<vmem>> -> memref<64xi32, #tpu.memory_space<vmem>>
      %dma_start3A_396 = arith.constant 0 : i32
      %dma_start3A_397 = arith.constant 0 : i32
      %dma_start3A_398 = tpu.memref_slice %arg13[%dma_start3A_396, %dma_start3A_397] : memref<10112x128xf32, #tpu.memory_space<vmem_shared>> -> memref<10112x128xf32, #tpu.memory_space<vmem_shared>>
      tpu.enqueue_indirect_dma source(%arg9 : memref<64x128xf32, #tpu.memory_space<vmem>>) target(%dma_start3A_398 : memref<10112x128xf32, #tpu.memory_space<vmem_shared>>) offsets(%dma_start3A_395 : memref<64xi32, #tpu.memory_space<vmem>>) semaphore(%arg18 : memref<!tpu.dma_semaphore, #tpu.memory_space<semaphore_mem>>) {add = true}
      %dma_wait3A_399 = arith.constant 13 : i32
      %dma_wait3A_400 = arith.constant 0 : i32
      %dma_wait3A_401 = tpu.memref_slice %arg7[%dma_wait3A_399, %dma_wait3A_400] : memref<16x64xi32, #tpu.memory_space<vmem>> -> memref<1x64xi32, #tpu.memory_space<vmem>>
      %dma_wait3A_402 = tpu.memref_squeeze %dma_wait3A_401 : memref<1x64xi32, #tpu.memory_space<vmem>> -> memref<64xi32, #tpu.memory_space<vmem>>
      %dma_wait3A_403 = arith.constant 0 : i32
      %dma_wait3A_404 = arith.constant 0 : i32
      %dma_wait3A_405 = tpu.memref_slice %arg2[%dma_wait3A_403, %dma_wait3A_404] : memref<10000x128xf32, #tpu.memory_space<hbm>> -> memref<10000x128xf32, #tpu.memory_space<hbm>>
      tpu.wait_indirect_dma semaphore(%arg15 : memref<!tpu.dma_semaphore, #tpu.memory_space<semaphore_mem>>) src(%dma_wait3A_405 : memref<10000x128xf32, #tpu.memory_space<hbm>>) dst(%arg10 : memref<64x128xf32, #tpu.memory_space<vmem>>)
      %dma_start3A_406 = arith.constant 13 : i32
      %dma_start3A_407 = arith.constant 0 : i32
      %dma_start3A_408 = tpu.memref_slice %arg8[%dma_start3A_406, %dma_start3A_407] : memref<16x64xi32, #tpu.memory_space<vmem>> -> memref<1x64xi32, #tpu.memory_space<vmem>>
      %dma_start3A_409 = tpu.memref_squeeze %dma_start3A_408 : memref<1x64xi32, #tpu.memory_space<vmem>> -> memref<64xi32, #tpu.memory_space<vmem>>
      %dma_start3A_410 = arith.constant 0 : i32
      %dma_start3A_411 = arith.constant 0 : i32
      %dma_start3A_412 = tpu.memref_slice %arg13[%dma_start3A_410, %dma_start3A_411] : memref<10112x128xf32, #tpu.memory_space<vmem_shared>> -> memref<10112x128xf32, #tpu.memory_space<vmem_shared>>
      tpu.enqueue_indirect_dma source(%arg10 : memref<64x128xf32, #tpu.memory_space<vmem>>) target(%dma_start3A_412 : memref<10112x128xf32, #tpu.memory_space<vmem_shared>>) offsets(%dma_start3A_409 : memref<64xi32, #tpu.memory_space<vmem>>) semaphore(%arg19 : memref<!tpu.dma_semaphore, #tpu.memory_space<semaphore_mem>>) {add = true}
      %dma_wait3A_413 = arith.constant 14 : i32
      %dma_wait3A_414 = arith.constant 0 : i32
      %dma_wait3A_415 = tpu.memref_slice %arg7[%dma_wait3A_413, %dma_wait3A_414] : memref<16x64xi32, #tpu.memory_space<vmem>> -> memref<1x64xi32, #tpu.memory_space<vmem>>
      %dma_wait3A_416 = tpu.memref_squeeze %dma_wait3A_415 : memref<1x64xi32, #tpu.memory_space<vmem>> -> memref<64xi32, #tpu.memory_space<vmem>>
      %dma_wait3A_417 = arith.constant 0 : i32
      %dma_wait3A_418 = arith.constant 0 : i32
      %dma_wait3A_419 = tpu.memref_slice %arg2[%dma_wait3A_417, %dma_wait3A_418] : memref<10000x128xf32, #tpu.memory_space<hbm>> -> memref<10000x128xf32, #tpu.memory_space<hbm>>
      tpu.wait_indirect_dma semaphore(%arg16 : memref<!tpu.dma_semaphore, #tpu.memory_space<semaphore_mem>>) src(%dma_wait3A_419 : memref<10000x128xf32, #tpu.memory_space<hbm>>) dst(%arg11 : memref<64x128xf32, #tpu.memory_space<vmem>>)
      %dma_start3A_420 = arith.constant 14 : i32
      %dma_start3A_421 = arith.constant 0 : i32
      %dma_start3A_422 = tpu.memref_slice %arg8[%dma_start3A_420, %dma_start3A_421] : memref<16x64xi32, #tpu.memory_space<vmem>> -> memref<1x64xi32, #tpu.memory_space<vmem>>
      %dma_start3A_423 = tpu.memref_squeeze %dma_start3A_422 : memref<1x64xi32, #tpu.memory_space<vmem>> -> memref<64xi32, #tpu.memory_space<vmem>>
      %dma_start3A_424 = arith.constant 0 : i32
      %dma_start3A_425 = arith.constant 0 : i32
      %dma_start3A_426 = tpu.memref_slice %arg13[%dma_start3A_424, %dma_start3A_425] : memref<10112x128xf32, #tpu.memory_space<vmem_shared>> -> memref<10112x128xf32, #tpu.memory_space<vmem_shared>>
      tpu.enqueue_indirect_dma source(%arg11 : memref<64x128xf32, #tpu.memory_space<vmem>>) target(%dma_start3A_426 : memref<10112x128xf32, #tpu.memory_space<vmem_shared>>) offsets(%dma_start3A_423 : memref<64xi32, #tpu.memory_space<vmem>>) semaphore(%arg20 : memref<!tpu.dma_semaphore, #tpu.memory_space<semaphore_mem>>) {add = true}
      %dma_wait3A_427 = arith.constant 15 : i32
      %dma_wait3A_428 = arith.constant 0 : i32
      %dma_wait3A_429 = tpu.memref_slice %arg7[%dma_wait3A_427, %dma_wait3A_428] : memref<16x64xi32, #tpu.memory_space<vmem>> -> memref<1x64xi32, #tpu.memory_space<vmem>>
      %dma_wait3A_430 = tpu.memref_squeeze %dma_wait3A_429 : memref<1x64xi32, #tpu.memory_space<vmem>> -> memref<64xi32, #tpu.memory_space<vmem>>
      %dma_wait3A_431 = arith.constant 0 : i32
      %dma_wait3A_432 = arith.constant 0 : i32
      %dma_wait3A_433 = tpu.memref_slice %arg2[%dma_wait3A_431, %dma_wait3A_432] : memref<10000x128xf32, #tpu.memory_space<hbm>> -> memref<10000x128xf32, #tpu.memory_space<hbm>>
      tpu.wait_indirect_dma semaphore(%arg17 : memref<!tpu.dma_semaphore, #tpu.memory_space<semaphore_mem>>) src(%dma_wait3A_433 : memref<10000x128xf32, #tpu.memory_space<hbm>>) dst(%arg12 : memref<64x128xf32, #tpu.memory_space<vmem>>)
      %dma_start3A_434 = arith.constant 15 : i32
      %dma_start3A_435 = arith.constant 0 : i32
      %dma_start3A_436 = tpu.memref_slice %arg8[%dma_start3A_434, %dma_start3A_435] : memref<16x64xi32, #tpu.memory_space<vmem>> -> memref<1x64xi32, #tpu.memory_space<vmem>>
      %dma_start3A_437 = tpu.memref_squeeze %dma_start3A_436 : memref<1x64xi32, #tpu.memory_space<vmem>> -> memref<64xi32, #tpu.memory_space<vmem>>
      %dma_start3A_438 = arith.constant 0 : i32
      %dma_start3A_439 = arith.constant 0 : i32
      %dma_start3A_440 = tpu.memref_slice %arg13[%dma_start3A_438, %dma_start3A_439] : memref<10112x128xf32, #tpu.memory_space<vmem_shared>> -> memref<10112x128xf32, #tpu.memory_space<vmem_shared>>
      tpu.enqueue_indirect_dma source(%arg12 : memref<64x128xf32, #tpu.memory_space<vmem>>) target(%dma_start3A_440 : memref<10112x128xf32, #tpu.memory_space<vmem_shared>>) offsets(%dma_start3A_437 : memref<64xi32, #tpu.memory_space<vmem>>) semaphore(%arg21 : memref<!tpu.dma_semaphore, #tpu.memory_space<semaphore_mem>>) {add = true}
      %dma_wait3A_441 = arith.constant 12 : i32
      %dma_wait3A_442 = arith.constant 0 : i32
      %dma_wait3A_443 = tpu.memref_slice %arg8[%dma_wait3A_441, %dma_wait3A_442] : memref<16x64xi32, #tpu.memory_space<vmem>> -> memref<1x64xi32, #tpu.memory_space<vmem>>
      %dma_wait3A_444 = tpu.memref_squeeze %dma_wait3A_443 : memref<1x64xi32, #tpu.memory_space<vmem>> -> memref<64xi32, #tpu.memory_space<vmem>>
      %dma_wait3A_445 = arith.constant 0 : i32
      %dma_wait3A_446 = arith.constant 0 : i32
      %dma_wait3A_447 = tpu.memref_slice %arg13[%dma_wait3A_445, %dma_wait3A_446] : memref<10112x128xf32, #tpu.memory_space<vmem_shared>> -> memref<10112x128xf32, #tpu.memory_space<vmem_shared>>
      tpu.wait_indirect_dma semaphore(%arg18 : memref<!tpu.dma_semaphore, #tpu.memory_space<semaphore_mem>>) src(%arg9 : memref<64x128xf32, #tpu.memory_space<vmem>>) dst(%dma_wait3A_447 : memref<10112x128xf32, #tpu.memory_space<vmem_shared>>)
      %dma_wait3A_448 = arith.constant 13 : i32
      %dma_wait3A_449 = arith.constant 0 : i32
      %dma_wait3A_450 = tpu.memref_slice %arg8[%dma_wait3A_448, %dma_wait3A_449] : memref<16x64xi32, #tpu.memory_space<vmem>> -> memref<1x64xi32, #tpu.memory_space<vmem>>
      %dma_wait3A_451 = tpu.memref_squeeze %dma_wait3A_450 : memref<1x64xi32, #tpu.memory_space<vmem>> -> memref<64xi32, #tpu.memory_space<vmem>>
      %dma_wait3A_452 = arith.constant 0 : i32
      %dma_wait3A_453 = arith.constant 0 : i32
      %dma_wait3A_454 = tpu.memref_slice %arg13[%dma_wait3A_452, %dma_wait3A_453] : memref<10112x128xf32, #tpu.memory_space<vmem_shared>> -> memref<10112x128xf32, #tpu.memory_space<vmem_shared>>
      tpu.wait_indirect_dma semaphore(%arg19 : memref<!tpu.dma_semaphore, #tpu.memory_space<semaphore_mem>>) src(%arg10 : memref<64x128xf32, #tpu.memory_space<vmem>>) dst(%dma_wait3A_454 : memref<10112x128xf32, #tpu.memory_space<vmem_shared>>)
      %dma_wait3A_455 = arith.constant 14 : i32
      %dma_wait3A_456 = arith.constant 0 : i32
      %dma_wait3A_457 = tpu.memref_slice %arg8[%dma_wait3A_455, %dma_wait3A_456] : memref<16x64xi32, #tpu.memory_space<vmem>> -> memref<1x64xi32, #tpu.memory_space<vmem>>
      %dma_wait3A_458 = tpu.memref_squeeze %dma_wait3A_457 : memref<1x64xi32, #tpu.memory_space<vmem>> -> memref<64xi32, #tpu.memory_space<vmem>>
      %dma_wait3A_459 = arith.constant 0 : i32
      %dma_wait3A_460 = arith.constant 0 : i32
      %dma_wait3A_461 = tpu.memref_slice %arg13[%dma_wait3A_459, %dma_wait3A_460] : memref<10112x128xf32, #tpu.memory_space<vmem_shared>> -> memref<10112x128xf32, #tpu.memory_space<vmem_shared>>
      tpu.wait_indirect_dma semaphore(%arg20 : memref<!tpu.dma_semaphore, #tpu.memory_space<semaphore_mem>>) src(%arg11 : memref<64x128xf32, #tpu.memory_space<vmem>>) dst(%dma_wait3A_461 : memref<10112x128xf32, #tpu.memory_space<vmem_shared>>)
      %dma_wait3A_462 = arith.constant 15 : i32
      %dma_wait3A_463 = arith.constant 0 : i32
      %dma_wait3A_464 = tpu.memref_slice %arg8[%dma_wait3A_462, %dma_wait3A_463] : memref<16x64xi32, #tpu.memory_space<vmem>> -> memref<1x64xi32, #tpu.memory_space<vmem>>
      %dma_wait3A_465 = tpu.memref_squeeze %dma_wait3A_464 : memref<1x64xi32, #tpu.memory_space<vmem>> -> memref<64xi32, #tpu.memory_space<vmem>>
      %dma_wait3A_466 = arith.constant 0 : i32
      %dma_wait3A_467 = arith.constant 0 : i32
      %dma_wait3A_468 = tpu.memref_slice %arg13[%dma_wait3A_466, %dma_wait3A_467] : memref<10112x128xf32, #tpu.memory_space<vmem_shared>> -> memref<10112x128xf32, #tpu.memory_space<vmem_shared>>
      tpu.wait_indirect_dma semaphore(%arg21 : memref<!tpu.dma_semaphore, #tpu.memory_space<semaphore_mem>>) src(%arg12 : memref<64x128xf32, #tpu.memory_space<vmem>>) dst(%dma_wait3A_468 : memref<10112x128xf32, #tpu.memory_space<vmem_shared>>)
      %while3A_469 = arith.constant 0 : i32
      scf.yield %while3A_469 : i32
    }
    %while3A_14 = arith.constant 1 : i32
    %while3A_15 = scf.for %while3A_17 = %while3A_11 to %while3A_7 step %while3A_14 iter_args(%while3A_18 = %while3A_13) -> (i32)  : i32 {
      %mul3A_19 = arith.constant 16 : i32
      %mul3A_20 = arith.muli %while3A_17, %mul3A_19 : i32
      "tpu.region"() ({
        %run_scoped3A = tpu.sem_alloc : memref<!tpu.dma_semaphore, #tpu.memory_space<semaphore_mem>>
        %dma_start3A_470 = arith.constant 0 : i32
        %dma_start3A_471 = tpu.memref_slice %arg3[%add3A, %mul3A_20, %dma_start3A_470] : memref<32x304x64xi32, #tpu.memory_space<hbm>> -> memref<1x16x64xi32, #tpu.memory_space<hbm>>
        %dma_start3A_472 = tpu.memref_squeeze %dma_start3A_471 : memref<1x16x64xi32, #tpu.memory_space<hbm>> -> memref<16x64xi32, #tpu.memory_space<hbm>>
        %dma_start3A_473 = arith.constant 0 : i32
        %dma_start3A_474 = tpu.memref_slice %arg3[%add3A, %mul3A_20, %dma_start3A_473] : memref<32x304x64xi32, #tpu.memory_space<hbm>> -> memref<1x16x64xi32, #tpu.memory_space<hbm>>
        %dma_start3A_475 = tpu.memref_squeeze %dma_start3A_474 : memref<1x16x64xi32, #tpu.memory_space<hbm>> -> memref<16x64xi32, #tpu.memory_space<hbm>>
        tpu.enqueue_dma source(%dma_start3A_475 : memref<16x64xi32, #tpu.memory_space<hbm>>) target(%arg7 : memref<16x64xi32, #tpu.memory_space<vmem>>) target_semaphore(%run_scoped3A : memref<!tpu.dma_semaphore, #tpu.memory_space<semaphore_mem>>)
        %dma_wait3A_476 = arith.constant 0 : i32
        %dma_wait3A_477 = tpu.memref_slice %arg3[%add3A, %mul3A_20, %dma_wait3A_476] : memref<32x304x64xi32, #tpu.memory_space<hbm>> -> memref<1x16x64xi32, #tpu.memory_space<hbm>>
        %dma_wait3A_478 = tpu.memref_squeeze %dma_wait3A_477 : memref<1x16x64xi32, #tpu.memory_space<hbm>> -> memref<16x64xi32, #tpu.memory_space<hbm>>
        %dma_wait3A_479 = arith.constant 0 : i32
        %dma_wait3A_480 = tpu.memref_slice %arg3[%add3A, %mul3A_20, %dma_wait3A_479] : memref<32x304x64xi32, #tpu.memory_space<hbm>> -> memref<1x16x64xi32, #tpu.memory_space<hbm>>
        %dma_wait3A_481 = tpu.memref_squeeze %dma_wait3A_480 : memref<1x16x64xi32, #tpu.memory_space<hbm>> -> memref<16x64xi32, #tpu.memory_space<hbm>>
        tpu.wait_dma2 semaphore(%run_scoped3A : memref<!tpu.dma_semaphore, #tpu.memory_space<semaphore_mem>>) src(%dma_wait3A_481 : memref<16x64xi32, #tpu.memory_space<hbm>>) dst(%arg7 : memref<16x64xi32, #tpu.memory_space<vmem>>)
        tpu.yield
      }) : () -> ()
      %mul3A_21 = arith.constant 16 : i32
      %mul3A_22 = arith.muli %while3A_17, %mul3A_21 : i32
      "tpu.region"() ({
        %run_scoped3A = tpu.sem_alloc : memref<!tpu.dma_semaphore, #tpu.memory_space<semaphore_mem>>
        %dma_start3A_470 = arith.constant 0 : i32
        %dma_start3A_471 = tpu.memref_slice %arg4[%add3A, %mul3A_22, %dma_start3A_470] : memref<32x304x64xi32, #tpu.memory_space<hbm>> -> memref<1x16x64xi32, #tpu.memory_space<hbm>>
        %dma_start3A_472 = tpu.memref_squeeze %dma_start3A_471 : memref<1x16x64xi32, #tpu.memory_space<hbm>> -> memref<16x64xi32, #tpu.memory_space<hbm>>
        %dma_start3A_473 = arith.constant 0 : i32
        %dma_start3A_474 = tpu.memref_slice %arg4[%add3A, %mul3A_22, %dma_start3A_473] : memref<32x304x64xi32, #tpu.memory_space<hbm>> -> memref<1x16x64xi32, #tpu.memory_space<hbm>>
        %dma_start3A_475 = tpu.memref_squeeze %dma_start3A_474 : memref<1x16x64xi32, #tpu.memory_space<hbm>> -> memref<16x64xi32, #tpu.memory_space<hbm>>
        tpu.enqueue_dma source(%dma_start3A_475 : memref<16x64xi32, #tpu.memory_space<hbm>>) target(%arg8 : memref<16x64xi32, #tpu.memory_space<vmem>>) target_semaphore(%run_scoped3A : memref<!tpu.dma_semaphore, #tpu.memory_space<semaphore_mem>>)
        %dma_wait3A_476 = arith.constant 0 : i32
        %dma_wait3A_477 = tpu.memref_slice %arg4[%add3A, %mul3A_22, %dma_wait3A_476] : memref<32x304x64xi32, #tpu.memory_space<hbm>> -> memref<1x16x64xi32, #tpu.memory_space<hbm>>
        %dma_wait3A_478 = tpu.memref_squeeze %dma_wait3A_477 : memref<1x16x64xi32, #tpu.memory_space<hbm>> -> memref<16x64xi32, #tpu.memory_space<hbm>>
        %dma_wait3A_479 = arith.constant 0 : i32
        %dma_wait3A_480 = tpu.memref_slice %arg4[%add3A, %mul3A_22, %dma_wait3A_479] : memref<32x304x64xi32, #tpu.memory_space<hbm>> -> memref<1x16x64xi32, #tpu.memory_space<hbm>>
        %dma_wait3A_481 = tpu.memref_squeeze %dma_wait3A_480 : memref<1x16x64xi32, #tpu.memory_space<hbm>> -> memref<16x64xi32, #tpu.memory_space<hbm>>
        tpu.wait_dma2 semaphore(%run_scoped3A : memref<!tpu.dma_semaphore, #tpu.memory_space<semaphore_mem>>) src(%dma_wait3A_481 : memref<16x64xi32, #tpu.memory_space<hbm>>) dst(%arg8 : memref<16x64xi32, #tpu.memory_space<vmem>>)
        tpu.yield
      }) : () -> ()
      %dma_start3A = arith.constant 0 : i32
      %dma_start3A_23 = arith.constant 0 : i32
      %dma_start3A_24 = tpu.memref_slice %arg7[%dma_start3A, %dma_start3A_23] : memref<16x64xi32, #tpu.memory_space<vmem>> -> memref<1x64xi32, #tpu.memory_space<vmem>>
      %dma_start3A_25 = tpu.memref_squeeze %dma_start3A_24 : memref<1x64xi32, #tpu.memory_space<vmem>> -> memref<64xi32, #tpu.memory_space<vmem>>
      %dma_start3A_26 = arith.constant 0 : i32
      %dma_start3A_27 = arith.constant 0 : i32
      %dma_start3A_28 = tpu.memref_slice %arg2[%dma_start3A_26, %dma_start3A_27] : memref<10000x128xf32, #tpu.memory_space<hbm>> -> memref<10000x128xf32, #tpu.memory_space<hbm>>
      tpu.enqueue_indirect_dma source(%dma_start3A_28 : memref<10000x128xf32, #tpu.memory_space<hbm>>) target(%arg9 : memref<64x128xf32, #tpu.memory_space<vmem>>) offsets(%dma_start3A_25 : memref<64xi32, #tpu.memory_space<vmem>>) semaphore(%arg14 : memref<!tpu.dma_semaphore, #tpu.memory_space<semaphore_mem>>)
      %dma_start3A_29 = arith.constant 1 : i32
      %dma_start3A_30 = arith.constant 0 : i32
      %dma_start3A_31 = tpu.memref_slice %arg7[%dma_start3A_29, %dma_start3A_30] : memref<16x64xi32, #tpu.memory_space<vmem>> -> memref<1x64xi32, #tpu.memory_space<vmem>>
      %dma_start3A_32 = tpu.memref_squeeze %dma_start3A_31 : memref<1x64xi32, #tpu.memory_space<vmem>> -> memref<64xi32, #tpu.memory_space<vmem>>
      %dma_start3A_33 = arith.constant 0 : i32
      %dma_start3A_34 = arith.constant 0 : i32
      %dma_start3A_35 = tpu.memref_slice %arg2[%dma_start3A_33, %dma_start3A_34] : memref<10000x128xf32, #tpu.memory_space<hbm>> -> memref<10000x128xf32, #tpu.memory_space<hbm>>
      tpu.enqueue_indirect_dma source(%dma_start3A_35 : memref<10000x128xf32, #tpu.memory_space<hbm>>) target(%arg10 : memref<64x128xf32, #tpu.memory_space<vmem>>) offsets(%dma_start3A_32 : memref<64xi32, #tpu.memory_space<vmem>>) semaphore(%arg15 : memref<!tpu.dma_semaphore, #tpu.memory_space<semaphore_mem>>)
      %dma_start3A_36 = arith.constant 2 : i32
      %dma_start3A_37 = arith.constant 0 : i32
      %dma_start3A_38 = tpu.memref_slice %arg7[%dma_start3A_36, %dma_start3A_37] : memref<16x64xi32, #tpu.memory_space<vmem>> -> memref<1x64xi32, #tpu.memory_space<vmem>>
      %dma_start3A_39 = tpu.memref_squeeze %dma_start3A_38 : memref<1x64xi32, #tpu.memory_space<vmem>> -> memref<64xi32, #tpu.memory_space<vmem>>
      %dma_start3A_40 = arith.constant 0 : i32
      %dma_start3A_41 = arith.constant 0 : i32
      %dma_start3A_42 = tpu.memref_slice %arg2[%dma_start3A_40, %dma_start3A_41] : memref<10000x128xf32, #tpu.memory_space<hbm>> -> memref<10000x128xf32, #tpu.memory_space<hbm>>
      tpu.enqueue_indirect_dma source(%dma_start3A_42 : memref<10000x128xf32, #tpu.memory_space<hbm>>) target(%arg11 : memref<64x128xf32, #tpu.memory_space<vmem>>) offsets(%dma_start3A_39 : memref<64xi32, #tpu.memory_space<vmem>>) semaphore(%arg16 : memref<!tpu.dma_semaphore, #tpu.memory_space<semaphore_mem>>)
      %dma_wait3A = arith.constant 0 : i32
      %dma_wait3A_43 = arith.constant 0 : i32
      %dma_wait3A_44 = tpu.memref_slice %arg7[%dma_wait3A, %dma_wait3A_43] : memref<16x64xi32, #tpu.memory_space<vmem>> -> memref<1x64xi32, #tpu.memory_space<vmem>>
      %dma_wait3A_45 = tpu.memref_squeeze %dma_wait3A_44 : memref<1x64xi32, #tpu.memory_space<vmem>> -> memref<64xi32, #tpu.memory_space<vmem>>
      %dma_wait3A_46 = arith.constant 0 : i32
      %dma_wait3A_47 = arith.constant 0 : i32
      %dma_wait3A_48 = tpu.memref_slice %arg2[%dma_wait3A_46, %dma_wait3A_47] : memref<10000x128xf32, #tpu.memory_space<hbm>> -> memref<10000x128xf32, #tpu.memory_space<hbm>>
      tpu.wait_indirect_dma semaphore(%arg14 : memref<!tpu.dma_semaphore, #tpu.memory_space<semaphore_mem>>) src(%dma_wait3A_48 : memref<10000x128xf32, #tpu.memory_space<hbm>>) dst(%arg9 : memref<64x128xf32, #tpu.memory_space<vmem>>)
      %dma_start3A_49 = arith.constant 3 : i32
      %dma_start3A_50 = arith.constant 0 : i32
      %dma_start3A_51 = tpu.memref_slice %arg7[%dma_start3A_49, %dma_start3A_50] : memref<16x64xi32, #tpu.memory_space<vmem>> -> memref<1x64xi32, #tpu.memory_space<vmem>>
      %dma_start3A_52 = tpu.memref_squeeze %dma_start3A_51 : memref<1x64xi32, #tpu.memory_space<vmem>> -> memref<64xi32, #tpu.memory_space<vmem>>
      %dma_start3A_53 = arith.constant 0 : i32
      %dma_start3A_54 = arith.constant 0 : i32
      %dma_start3A_55 = tpu.memref_slice %arg2[%dma_start3A_53, %dma_start3A_54] : memref<10000x128xf32, #tpu.memory_space<hbm>> -> memref<10000x128xf32, #tpu.memory_space<hbm>>
      tpu.enqueue_indirect_dma source(%dma_start3A_55 : memref<10000x128xf32, #tpu.memory_space<hbm>>) target(%arg12 : memref<64x128xf32, #tpu.memory_space<vmem>>) offsets(%dma_start3A_52 : memref<64xi32, #tpu.memory_space<vmem>>) semaphore(%arg17 : memref<!tpu.dma_semaphore, #tpu.memory_space<semaphore_mem>>)
      %dma_start3A_56 = arith.constant 0 : i32
      %dma_start3A_57 = arith.constant 0 : i32
      %dma_start3A_58 = tpu.memref_slice %arg8[%dma_start3A_56, %dma_start3A_57] : memref<16x64xi32, #tpu.memory_space<vmem>> -> memref<1x64xi32, #tpu.memory_space<vmem>>
      %dma_start3A_59 = tpu.memref_squeeze %dma_start3A_58 : memref<1x64xi32, #tpu.memory_space<vmem>> -> memref<64xi32, #tpu.memory_space<vmem>>
      %dma_start3A_60 = arith.constant 0 : i32
      %dma_start3A_61 = arith.constant 0 : i32
      %dma_start3A_62 = tpu.memref_slice %arg13[%dma_start3A_60, %dma_start3A_61] : memref<10112x128xf32, #tpu.memory_space<vmem_shared>> -> memref<10112x128xf32, #tpu.memory_space<vmem_shared>>
      tpu.enqueue_indirect_dma source(%arg9 : memref<64x128xf32, #tpu.memory_space<vmem>>) target(%dma_start3A_62 : memref<10112x128xf32, #tpu.memory_space<vmem_shared>>) offsets(%dma_start3A_59 : memref<64xi32, #tpu.memory_space<vmem>>) semaphore(%arg18 : memref<!tpu.dma_semaphore, #tpu.memory_space<semaphore_mem>>) {add = true}
      %dma_wait3A_63 = arith.constant 1 : i32
      %dma_wait3A_64 = arith.constant 0 : i32
      %dma_wait3A_65 = tpu.memref_slice %arg7[%dma_wait3A_63, %dma_wait3A_64] : memref<16x64xi32, #tpu.memory_space<vmem>> -> memref<1x64xi32, #tpu.memory_space<vmem>>
      %dma_wait3A_66 = tpu.memref_squeeze %dma_wait3A_65 : memref<1x64xi32, #tpu.memory_space<vmem>> -> memref<64xi32, #tpu.memory_space<vmem>>
      %dma_wait3A_67 = arith.constant 0 : i32
      %dma_wait3A_68 = arith.constant 0 : i32
      %dma_wait3A_69 = tpu.memref_slice %arg2[%dma_wait3A_67, %dma_wait3A_68] : memref<10000x128xf32, #tpu.memory_space<hbm>> -> memref<10000x128xf32, #tpu.memory_space<hbm>>
      tpu.wait_indirect_dma semaphore(%arg15 : memref<!tpu.dma_semaphore, #tpu.memory_space<semaphore_mem>>) src(%dma_wait3A_69 : memref<10000x128xf32, #tpu.memory_space<hbm>>) dst(%arg10 : memref<64x128xf32, #tpu.memory_space<vmem>>)
      %dma_wait3A_70 = arith.constant 0 : i32
      %dma_wait3A_71 = arith.constant 0 : i32
      %dma_wait3A_72 = tpu.memref_slice %arg8[%dma_wait3A_70, %dma_wait3A_71] : memref<16x64xi32, #tpu.memory_space<vmem>> -> memref<1x64xi32, #tpu.memory_space<vmem>>
      %dma_wait3A_73 = tpu.memref_squeeze %dma_wait3A_72 : memref<1x64xi32, #tpu.memory_space<vmem>> -> memref<64xi32, #tpu.memory_space<vmem>>
      %dma_wait3A_74 = arith.constant 0 : i32
      %dma_wait3A_75 = arith.constant 0 : i32
      %dma_wait3A_76 = tpu.memref_slice %arg13[%dma_wait3A_74, %dma_wait3A_75] : memref<10112x128xf32, #tpu.memory_space<vmem_shared>> -> memref<10112x128xf32, #tpu.memory_space<vmem_shared>>
      tpu.wait_indirect_dma semaphore(%arg18 : memref<!tpu.dma_semaphore, #tpu.memory_space<semaphore_mem>>) src(%arg9 : memref<64x128xf32, #tpu.memory_space<vmem>>) dst(%dma_wait3A_76 : memref<10112x128xf32, #tpu.memory_space<vmem_shared>>)
      %dma_start3A_77 = arith.constant 4 : i32
      %dma_start3A_78 = arith.constant 0 : i32
      %dma_start3A_79 = tpu.memref_slice %arg7[%dma_start3A_77, %dma_start3A_78] : memref<16x64xi32, #tpu.memory_space<vmem>> -> memref<1x64xi32, #tpu.memory_space<vmem>>
      %dma_start3A_80 = tpu.memref_squeeze %dma_start3A_79 : memref<1x64xi32, #tpu.memory_space<vmem>> -> memref<64xi32, #tpu.memory_space<vmem>>
      %dma_start3A_81 = arith.constant 0 : i32
      %dma_start3A_82 = arith.constant 0 : i32
      %dma_start3A_83 = tpu.memref_slice %arg2[%dma_start3A_81, %dma_start3A_82] : memref<10000x128xf32, #tpu.memory_space<hbm>> -> memref<10000x128xf32, #tpu.memory_space<hbm>>
      tpu.enqueue_indirect_dma source(%dma_start3A_83 : memref<10000x128xf32, #tpu.memory_space<hbm>>) target(%arg9 : memref<64x128xf32, #tpu.memory_space<vmem>>) offsets(%dma_start3A_80 : memref<64xi32, #tpu.memory_space<vmem>>) semaphore(%arg14 : memref<!tpu.dma_semaphore, #tpu.memory_space<semaphore_mem>>)
      %dma_start3A_84 = arith.constant 1 : i32
      %dma_start3A_85 = arith.constant 0 : i32
      %dma_start3A_86 = tpu.memref_slice %arg8[%dma_start3A_84, %dma_start3A_85] : memref<16x64xi32, #tpu.memory_space<vmem>> -> memref<1x64xi32, #tpu.memory_space<vmem>>
      %dma_start3A_87 = tpu.memref_squeeze %dma_start3A_86 : memref<1x64xi32, #tpu.memory_space<vmem>> -> memref<64xi32, #tpu.memory_space<vmem>>
      %dma_start3A_88 = arith.constant 0 : i32
      %dma_start3A_89 = arith.constant 0 : i32
      %dma_start3A_90 = tpu.memref_slice %arg13[%dma_start3A_88, %dma_start3A_89] : memref<10112x128xf32, #tpu.memory_space<vmem_shared>> -> memref<10112x128xf32, #tpu.memory_space<vmem_shared>>
      tpu.enqueue_indirect_dma source(%arg10 : memref<64x128xf32, #tpu.memory_space<vmem>>) target(%dma_start3A_90 : memref<10112x128xf32, #tpu.memory_space<vmem_shared>>) offsets(%dma_start3A_87 : memref<64xi32, #tpu.memory_space<vmem>>) semaphore(%arg19 : memref<!tpu.dma_semaphore, #tpu.memory_space<semaphore_mem>>) {add = true}
      %dma_wait3A_91 = arith.constant 2 : i32
      %dma_wait3A_92 = arith.constant 0 : i32
      %dma_wait3A_93 = tpu.memref_slice %arg7[%dma_wait3A_91, %dma_wait3A_92] : memref<16x64xi32, #tpu.memory_space<vmem>> -> memref<1x64xi32, #tpu.memory_space<vmem>>
      %dma_wait3A_94 = tpu.memref_squeeze %dma_wait3A_93 : memref<1x64xi32, #tpu.memory_space<vmem>> -> memref<64xi32, #tpu.memory_space<vmem>>
      %dma_wait3A_95 = arith.constant 0 : i32
      %dma_wait3A_96 = arith.constant 0 : i32
      %dma_wait3A_97 = tpu.memref_slice %arg2[%dma_wait3A_95, %dma_wait3A_96] : memref<10000x128xf32, #tpu.memory_space<hbm>> -> memref<10000x128xf32, #tpu.memory_space<hbm>>
      tpu.wait_indirect_dma semaphore(%arg16 : memref<!tpu.dma_semaphore, #tpu.memory_space<semaphore_mem>>) src(%dma_wait3A_97 : memref<10000x128xf32, #tpu.memory_space<hbm>>) dst(%arg11 : memref<64x128xf32, #tpu.memory_space<vmem>>)
      %dma_wait3A_98 = arith.constant 1 : i32
      %dma_wait3A_99 = arith.constant 0 : i32
      %dma_wait3A_100 = tpu.memref_slice %arg8[%dma_wait3A_98, %dma_wait3A_99] : memref<16x64xi32, #tpu.memory_space<vmem>> -> memref<1x64xi32, #tpu.memory_space<vmem>>
      %dma_wait3A_101 = tpu.memref_squeeze %dma_wait3A_100 : memref<1x64xi32, #tpu.memory_space<vmem>> -> memref<64xi32, #tpu.memory_space<vmem>>
      %dma_wait3A_102 = arith.constant 0 : i32
      %dma_wait3A_103 = arith.constant 0 : i32
      %dma_wait3A_104 = tpu.memref_slice %arg13[%dma_wait3A_102, %dma_wait3A_103] : memref<10112x128xf32, #tpu.memory_space<vmem_shared>> -> memref<10112x128xf32, #tpu.memory_space<vmem_shared>>
      tpu.wait_indirect_dma semaphore(%arg19 : memref<!tpu.dma_semaphore, #tpu.memory_space<semaphore_mem>>) src(%arg10 : memref<64x128xf32, #tpu.memory_space<vmem>>) dst(%dma_wait3A_104 : memref<10112x128xf32, #tpu.memory_space<vmem_shared>>)
      %dma_start3A_105 = arith.constant 5 : i32
      %dma_start3A_106 = arith.constant 0 : i32
      %dma_start3A_107 = tpu.memref_slice %arg7[%dma_start3A_105, %dma_start3A_106] : memref<16x64xi32, #tpu.memory_space<vmem>> -> memref<1x64xi32, #tpu.memory_space<vmem>>
      %dma_start3A_108 = tpu.memref_squeeze %dma_start3A_107 : memref<1x64xi32, #tpu.memory_space<vmem>> -> memref<64xi32, #tpu.memory_space<vmem>>
      %dma_start3A_109 = arith.constant 0 : i32
      %dma_start3A_110 = arith.constant 0 : i32
      %dma_start3A_111 = tpu.memref_slice %arg2[%dma_start3A_109, %dma_start3A_110] : memref<10000x128xf32, #tpu.memory_space<hbm>> -> memref<10000x128xf32, #tpu.memory_space<hbm>>
      tpu.enqueue_indirect_dma source(%dma_start3A_111 : memref<10000x128xf32, #tpu.memory_space<hbm>>) target(%arg10 : memref<64x128xf32, #tpu.memory_space<vmem>>) offsets(%dma_start3A_108 : memref<64xi32, #tpu.memory_space<vmem>>) semaphore(%arg15 : memref<!tpu.dma_semaphore, #tpu.memory_space<semaphore_mem>>)
      %dma_start3A_112 = arith.constant 2 : i32
      %dma_start3A_113 = arith.constant 0 : i32
      %dma_start3A_114 = tpu.memref_slice %arg8[%dma_start3A_112, %dma_start3A_113] : memref<16x64xi32, #tpu.memory_space<vmem>> -> memref<1x64xi32, #tpu.memory_space<vmem>>
      %dma_start3A_115 = tpu.memref_squeeze %dma_start3A_114 : memref<1x64xi32, #tpu.memory_space<vmem>> -> memref<64xi32, #tpu.memory_space<vmem>>
      %dma_start3A_116 = arith.constant 0 : i32
      %dma_start3A_117 = arith.constant 0 : i32
      %dma_start3A_118 = tpu.memref_slice %arg13[%dma_start3A_116, %dma_start3A_117] : memref<10112x128xf32, #tpu.memory_space<vmem_shared>> -> memref<10112x128xf32, #tpu.memory_space<vmem_shared>>
      tpu.enqueue_indirect_dma source(%arg11 : memref<64x128xf32, #tpu.memory_space<vmem>>) target(%dma_start3A_118 : memref<10112x128xf32, #tpu.memory_space<vmem_shared>>) offsets(%dma_start3A_115 : memref<64xi32, #tpu.memory_space<vmem>>) semaphore(%arg20 : memref<!tpu.dma_semaphore, #tpu.memory_space<semaphore_mem>>) {add = true}
      %dma_wait3A_119 = arith.constant 3 : i32
      %dma_wait3A_120 = arith.constant 0 : i32
      %dma_wait3A_121 = tpu.memref_slice %arg7[%dma_wait3A_119, %dma_wait3A_120] : memref<16x64xi32, #tpu.memory_space<vmem>> -> memref<1x64xi32, #tpu.memory_space<vmem>>
      %dma_wait3A_122 = tpu.memref_squeeze %dma_wait3A_121 : memref<1x64xi32, #tpu.memory_space<vmem>> -> memref<64xi32, #tpu.memory_space<vmem>>
      %dma_wait3A_123 = arith.constant 0 : i32
      %dma_wait3A_124 = arith.constant 0 : i32
      %dma_wait3A_125 = tpu.memref_slice %arg2[%dma_wait3A_123, %dma_wait3A_124] : memref<10000x128xf32, #tpu.memory_space<hbm>> -> memref<10000x128xf32, #tpu.memory_space<hbm>>
      tpu.wait_indirect_dma semaphore(%arg17 : memref<!tpu.dma_semaphore, #tpu.memory_space<semaphore_mem>>) src(%dma_wait3A_125 : memref<10000x128xf32, #tpu.memory_space<hbm>>) dst(%arg12 : memref<64x128xf32, #tpu.memory_space<vmem>>)
      %dma_wait3A_126 = arith.constant 2 : i32
      %dma_wait3A_127 = arith.constant 0 : i32
      %dma_wait3A_128 = tpu.memref_slice %arg8[%dma_wait3A_126, %dma_wait3A_127] : memref<16x64xi32, #tpu.memory_space<vmem>> -> memref<1x64xi32, #tpu.memory_space<vmem>>
      %dma_wait3A_129 = tpu.memref_squeeze %dma_wait3A_128 : memref<1x64xi32, #tpu.memory_space<vmem>> -> memref<64xi32, #tpu.memory_space<vmem>>
      %dma_wait3A_130 = arith.constant 0 : i32
      %dma_wait3A_131 = arith.constant 0 : i32
      %dma_wait3A_132 = tpu.memref_slice %arg13[%dma_wait3A_130, %dma_wait3A_131] : memref<10112x128xf32, #tpu.memory_space<vmem_shared>> -> memref<10112x128xf32, #tpu.memory_space<vmem_shared>>
      tpu.wait_indirect_dma semaphore(%arg20 : memref<!tpu.dma_semaphore, #tpu.memory_space<semaphore_mem>>) src(%arg11 : memref<64x128xf32, #tpu.memory_space<vmem>>) dst(%dma_wait3A_132 : memref<10112x128xf32, #tpu.memory_space<vmem_shared>>)
      %dma_start3A_133 = arith.constant 6 : i32
      %dma_start3A_134 = arith.constant 0 : i32
      %dma_start3A_135 = tpu.memref_slice %arg7[%dma_start3A_133, %dma_start3A_134] : memref<16x64xi32, #tpu.memory_space<vmem>> -> memref<1x64xi32, #tpu.memory_space<vmem>>
      %dma_start3A_136 = tpu.memref_squeeze %dma_start3A_135 : memref<1x64xi32, #tpu.memory_space<vmem>> -> memref<64xi32, #tpu.memory_space<vmem>>
      %dma_start3A_137 = arith.constant 0 : i32
      %dma_start3A_138 = arith.constant 0 : i32
      %dma_start3A_139 = tpu.memref_slice %arg2[%dma_start3A_137, %dma_start3A_138] : memref<10000x128xf32, #tpu.memory_space<hbm>> -> memref<10000x128xf32, #tpu.memory_space<hbm>>
      tpu.enqueue_indirect_dma source(%dma_start3A_139 : memref<10000x128xf32, #tpu.memory_space<hbm>>) target(%arg11 : memref<64x128xf32, #tpu.memory_space<vmem>>) offsets(%dma_start3A_136 : memref<64xi32, #tpu.memory_space<vmem>>) semaphore(%arg16 : memref<!tpu.dma_semaphore, #tpu.memory_space<semaphore_mem>>)
      %dma_start3A_140 = arith.constant 3 : i32
      %dma_start3A_141 = arith.constant 0 : i32
      %dma_start3A_142 = tpu.memref_slice %arg8[%dma_start3A_140, %dma_start3A_141] : memref<16x64xi32, #tpu.memory_space<vmem>> -> memref<1x64xi32, #tpu.memory_space<vmem>>
      %dma_start3A_143 = tpu.memref_squeeze %dma_start3A_142 : memref<1x64xi32, #tpu.memory_space<vmem>> -> memref<64xi32, #tpu.memory_space<vmem>>
      %dma_start3A_144 = arith.constant 0 : i32
      %dma_start3A_145 = arith.constant 0 : i32
      %dma_start3A_146 = tpu.memref_slice %arg13[%dma_start3A_144, %dma_start3A_145] : memref<10112x128xf32, #tpu.memory_space<vmem_shared>> -> memref<10112x128xf32, #tpu.memory_space<vmem_shared>>
      tpu.enqueue_indirect_dma source(%arg12 : memref<64x128xf32, #tpu.memory_space<vmem>>) target(%dma_start3A_146 : memref<10112x128xf32, #tpu.memory_space<vmem_shared>>) offsets(%dma_start3A_143 : memref<64xi32, #tpu.memory_space<vmem>>) semaphore(%arg21 : memref<!tpu.dma_semaphore, #tpu.memory_space<semaphore_mem>>) {add = true}
      %dma_wait3A_147 = arith.constant 4 : i32
      %dma_wait3A_148 = arith.constant 0 : i32
      %dma_wait3A_149 = tpu.memref_slice %arg7[%dma_wait3A_147, %dma_wait3A_148] : memref<16x64xi32, #tpu.memory_space<vmem>> -> memref<1x64xi32, #tpu.memory_space<vmem>>
      %dma_wait3A_150 = tpu.memref_squeeze %dma_wait3A_149 : memref<1x64xi32, #tpu.memory_space<vmem>> -> memref<64xi32, #tpu.memory_space<vmem>>
      %dma_wait3A_151 = arith.constant 0 : i32
      %dma_wait3A_152 = arith.constant 0 : i32
      %dma_wait3A_153 = tpu.memref_slice %arg2[%dma_wait3A_151, %dma_wait3A_152] : memref<10000x128xf32, #tpu.memory_space<hbm>> -> memref<10000x128xf32, #tpu.memory_space<hbm>>
      tpu.wait_indirect_dma semaphore(%arg14 : memref<!tpu.dma_semaphore, #tpu.memory_space<semaphore_mem>>) src(%dma_wait3A_153 : memref<10000x128xf32, #tpu.memory_space<hbm>>) dst(%arg9 : memref<64x128xf32, #tpu.memory_space<vmem>>)
      %dma_wait3A_154 = arith.constant 3 : i32
      %dma_wait3A_155 = arith.constant 0 : i32
      %dma_wait3A_156 = tpu.memref_slice %arg8[%dma_wait3A_154, %dma_wait3A_155] : memref<16x64xi32, #tpu.memory_space<vmem>> -> memref<1x64xi32, #tpu.memory_space<vmem>>
      %dma_wait3A_157 = tpu.memref_squeeze %dma_wait3A_156 : memref<1x64xi32, #tpu.memory_space<vmem>> -> memref<64xi32, #tpu.memory_space<vmem>>
      %dma_wait3A_158 = arith.constant 0 : i32
      %dma_wait3A_159 = arith.constant 0 : i32
      %dma_wait3A_160 = tpu.memref_slice %arg13[%dma_wait3A_158, %dma_wait3A_159] : memref<10112x128xf32, #tpu.memory_space<vmem_shared>> -> memref<10112x128xf32, #tpu.memory_space<vmem_shared>>
      tpu.wait_indirect_dma semaphore(%arg21 : memref<!tpu.dma_semaphore, #tpu.memory_space<semaphore_mem>>) src(%arg12 : memref<64x128xf32, #tpu.memory_space<vmem>>) dst(%dma_wait3A_160 : memref<10112x128xf32, #tpu.memory_space<vmem_shared>>)
      %dma_start3A_161 = arith.constant 7 : i32
      %dma_start3A_162 = arith.constant 0 : i32
      %dma_start3A_163 = tpu.memref_slice %arg7[%dma_start3A_161, %dma_start3A_162] : memref<16x64xi32, #tpu.memory_space<vmem>> -> memref<1x64xi32, #tpu.memory_space<vmem>>
      %dma_start3A_164 = tpu.memref_squeeze %dma_start3A_163 : memref<1x64xi32, #tpu.memory_space<vmem>> -> memref<64xi32, #tpu.memory_space<vmem>>
      %dma_start3A_165 = arith.constant 0 : i32
      %dma_start3A_166 = arith.constant 0 : i32
      %dma_start3A_167 = tpu.memref_slice %arg2[%dma_start3A_165, %dma_start3A_166] : memref<10000x128xf32, #tpu.memory_space<hbm>> -> memref<10000x128xf32, #tpu.memory_space<hbm>>
      tpu.enqueue_indirect_dma source(%dma_start3A_167 : memref<10000x128xf32, #tpu.memory_space<hbm>>) target(%arg12 : memref<64x128xf32, #tpu.memory_space<vmem>>) offsets(%dma_start3A_164 : memref<64xi32, #tpu.memory_space<vmem>>) semaphore(%arg17 : memref<!tpu.dma_semaphore, #tpu.memory_space<semaphore_mem>>)
      %dma_start3A_168 = arith.constant 4 : i32
      %dma_start3A_169 = arith.constant 0 : i32
      %dma_start3A_170 = tpu.memref_slice %arg8[%dma_start3A_168, %dma_start3A_169] : memref<16x64xi32, #tpu.memory_space<vmem>> -> memref<1x64xi32, #tpu.memory_space<vmem>>
      %dma_start3A_171 = tpu.memref_squeeze %dma_start3A_170 : memref<1x64xi32, #tpu.memory_space<vmem>> -> memref<64xi32, #tpu.memory_space<vmem>>
      %dma_start3A_172 = arith.constant 0 : i32
      %dma_start3A_173 = arith.constant 0 : i32
      %dma_start3A_174 = tpu.memref_slice %arg13[%dma_start3A_172, %dma_start3A_173] : memref<10112x128xf32, #tpu.memory_space<vmem_shared>> -> memref<10112x128xf32, #tpu.memory_space<vmem_shared>>
      tpu.enqueue_indirect_dma source(%arg9 : memref<64x128xf32, #tpu.memory_space<vmem>>) target(%dma_start3A_174 : memref<10112x128xf32, #tpu.memory_space<vmem_shared>>) offsets(%dma_start3A_171 : memref<64xi32, #tpu.memory_space<vmem>>) semaphore(%arg18 : memref<!tpu.dma_semaphore, #tpu.memory_space<semaphore_mem>>) {add = true}
      %dma_wait3A_175 = arith.constant 5 : i32
      %dma_wait3A_176 = arith.constant 0 : i32
      %dma_wait3A_177 = tpu.memref_slice %arg7[%dma_wait3A_175, %dma_wait3A_176] : memref<16x64xi32, #tpu.memory_space<vmem>> -> memref<1x64xi32, #tpu.memory_space<vmem>>
      %dma_wait3A_178 = tpu.memref_squeeze %dma_wait3A_177 : memref<1x64xi32, #tpu.memory_space<vmem>> -> memref<64xi32, #tpu.memory_space<vmem>>
      %dma_wait3A_179 = arith.constant 0 : i32
      %dma_wait3A_180 = arith.constant 0 : i32
      %dma_wait3A_181 = tpu.memref_slice %arg2[%dma_wait3A_179, %dma_wait3A_180] : memref<10000x128xf32, #tpu.memory_space<hbm>> -> memref<10000x128xf32, #tpu.memory_space<hbm>>
      tpu.wait_indirect_dma semaphore(%arg15 : memref<!tpu.dma_semaphore, #tpu.memory_space<semaphore_mem>>) src(%dma_wait3A_181 : memref<10000x128xf32, #tpu.memory_space<hbm>>) dst(%arg10 : memref<64x128xf32, #tpu.memory_space<vmem>>)
      %dma_wait3A_182 = arith.constant 4 : i32
      %dma_wait3A_183 = arith.constant 0 : i32
      %dma_wait3A_184 = tpu.memref_slice %arg8[%dma_wait3A_182, %dma_wait3A_183] : memref<16x64xi32, #tpu.memory_space<vmem>> -> memref<1x64xi32, #tpu.memory_space<vmem>>
      %dma_wait3A_185 = tpu.memref_squeeze %dma_wait3A_184 : memref<1x64xi32, #tpu.memory_space<vmem>> -> memref<64xi32, #tpu.memory_space<vmem>>
      %dma_wait3A_186 = arith.constant 0 : i32
      %dma_wait3A_187 = arith.constant 0 : i32
      %dma_wait3A_188 = tpu.memref_slice %arg13[%dma_wait3A_186, %dma_wait3A_187] : memref<10112x128xf32, #tpu.memory_space<vmem_shared>> -> memref<10112x128xf32, #tpu.memory_space<vmem_shared>>
      tpu.wait_indirect_dma semaphore(%arg18 : memref<!tpu.dma_semaphore, #tpu.memory_space<semaphore_mem>>) src(%arg9 : memref<64x128xf32, #tpu.memory_space<vmem>>) dst(%dma_wait3A_188 : memref<10112x128xf32, #tpu.memory_space<vmem_shared>>)
      %dma_start3A_189 = arith.constant 8 : i32
      %dma_start3A_190 = arith.constant 0 : i32
      %dma_start3A_191 = tpu.memref_slice %arg7[%dma_start3A_189, %dma_start3A_190] : memref<16x64xi32, #tpu.memory_space<vmem>> -> memref<1x64xi32, #tpu.memory_space<vmem>>
      %dma_start3A_192 = tpu.memref_squeeze %dma_start3A_191 : memref<1x64xi32, #tpu.memory_space<vmem>> -> memref<64xi32, #tpu.memory_space<vmem>>
      %dma_start3A_193 = arith.constant 0 : i32
      %dma_start3A_194 = arith.constant 0 : i32
      %dma_start3A_195 = tpu.memref_slice %arg2[%dma_start3A_193, %dma_start3A_194] : memref<10000x128xf32, #tpu.memory_space<hbm>> -> memref<10000x128xf32, #tpu.memory_space<hbm>>
      tpu.enqueue_indirect_dma source(%dma_start3A_195 : memref<10000x128xf32, #tpu.memory_space<hbm>>) target(%arg9 : memref<64x128xf32, #tpu.memory_space<vmem>>) offsets(%dma_start3A_192 : memref<64xi32, #tpu.memory_space<vmem>>) semaphore(%arg14 : memref<!tpu.dma_semaphore, #tpu.memory_space<semaphore_mem>>)
      %dma_start3A_196 = arith.constant 5 : i32
      %dma_start3A_197 = arith.constant 0 : i32
      %dma_start3A_198 = tpu.memref_slice %arg8[%dma_start3A_196, %dma_start3A_197] : memref<16x64xi32, #tpu.memory_space<vmem>> -> memref<1x64xi32, #tpu.memory_space<vmem>>
      %dma_start3A_199 = tpu.memref_squeeze %dma_start3A_198 : memref<1x64xi32, #tpu.memory_space<vmem>> -> memref<64xi32, #tpu.memory_space<vmem>>
      %dma_start3A_200 = arith.constant 0 : i32
      %dma_start3A_201 = arith.constant 0 : i32
      %dma_start3A_202 = tpu.memref_slice %arg13[%dma_start3A_200, %dma_start3A_201] : memref<10112x128xf32, #tpu.memory_space<vmem_shared>> -> memref<10112x128xf32, #tpu.memory_space<vmem_shared>>
      tpu.enqueue_indirect_dma source(%arg10 : memref<64x128xf32, #tpu.memory_space<vmem>>) target(%dma_start3A_202 : memref<10112x128xf32, #tpu.memory_space<vmem_shared>>) offsets(%dma_start3A_199 : memref<64xi32, #tpu.memory_space<vmem>>) semaphore(%arg19 : memref<!tpu.dma_semaphore, #tpu.memory_space<semaphore_mem>>) {add = true}
      %dma_wait3A_203 = arith.constant 6 : i32
      %dma_wait3A_204 = arith.constant 0 : i32
      %dma_wait3A_205 = tpu.memref_slice %arg7[%dma_wait3A_203, %dma_wait3A_204] : memref<16x64xi32, #tpu.memory_space<vmem>> -> memref<1x64xi32, #tpu.memory_space<vmem>>
      %dma_wait3A_206 = tpu.memref_squeeze %dma_wait3A_205 : memref<1x64xi32, #tpu.memory_space<vmem>> -> memref<64xi32, #tpu.memory_space<vmem>>
      %dma_wait3A_207 = arith.constant 0 : i32
      %dma_wait3A_208 = arith.constant 0 : i32
      %dma_wait3A_209 = tpu.memref_slice %arg2[%dma_wait3A_207, %dma_wait3A_208] : memref<10000x128xf32, #tpu.memory_space<hbm>> -> memref<10000x128xf32, #tpu.memory_space<hbm>>
      tpu.wait_indirect_dma semaphore(%arg16 : memref<!tpu.dma_semaphore, #tpu.memory_space<semaphore_mem>>) src(%dma_wait3A_209 : memref<10000x128xf32, #tpu.memory_space<hbm>>) dst(%arg11 : memref<64x128xf32, #tpu.memory_space<vmem>>)
      %dma_wait3A_210 = arith.constant 5 : i32
      %dma_wait3A_211 = arith.constant 0 : i32
      %dma_wait3A_212 = tpu.memref_slice %arg8[%dma_wait3A_210, %dma_wait3A_211] : memref<16x64xi32, #tpu.memory_space<vmem>> -> memref<1x64xi32, #tpu.memory_space<vmem>>
      %dma_wait3A_213 = tpu.memref_squeeze %dma_wait3A_212 : memref<1x64xi32, #tpu.memory_space<vmem>> -> memref<64xi32, #tpu.memory_space<vmem>>
      %dma_wait3A_214 = arith.constant 0 : i32
      %dma_wait3A_215 = arith.constant 0 : i32
      %dma_wait3A_216 = tpu.memref_slice %arg13[%dma_wait3A_214, %dma_wait3A_215] : memref<10112x128xf32, #tpu.memory_space<vmem_shared>> -> memref<10112x128xf32, #tpu.memory_space<vmem_shared>>
      tpu.wait_indirect_dma semaphore(%arg19 : memref<!tpu.dma_semaphore, #tpu.memory_space<semaphore_mem>>) src(%arg10 : memref<64x128xf32, #tpu.memory_space<vmem>>) dst(%dma_wait3A_216 : memref<10112x128xf32, #tpu.memory_space<vmem_shared>>)
      %dma_start3A_217 = arith.constant 9 : i32
      %dma_start3A_218 = arith.constant 0 : i32
      %dma_start3A_219 = tpu.memref_slice %arg7[%dma_start3A_217, %dma_start3A_218] : memref<16x64xi32, #tpu.memory_space<vmem>> -> memref<1x64xi32, #tpu.memory_space<vmem>>
      %dma_start3A_220 = tpu.memref_squeeze %dma_start3A_219 : memref<1x64xi32, #tpu.memory_space<vmem>> -> memref<64xi32, #tpu.memory_space<vmem>>
      %dma_start3A_221 = arith.constant 0 : i32
      %dma_start3A_222 = arith.constant 0 : i32
      %dma_start3A_223 = tpu.memref_slice %arg2[%dma_start3A_221, %dma_start3A_222] : memref<10000x128xf32, #tpu.memory_space<hbm>> -> memref<10000x128xf32, #tpu.memory_space<hbm>>
      tpu.enqueue_indirect_dma source(%dma_start3A_223 : memref<10000x128xf32, #tpu.memory_space<hbm>>) target(%arg10 : memref<64x128xf32, #tpu.memory_space<vmem>>) offsets(%dma_start3A_220 : memref<64xi32, #tpu.memory_space<vmem>>) semaphore(%arg15 : memref<!tpu.dma_semaphore, #tpu.memory_space<semaphore_mem>>)
      %dma_start3A_224 = arith.constant 6 : i32
      %dma_start3A_225 = arith.constant 0 : i32
      %dma_start3A_226 = tpu.memref_slice %arg8[%dma_start3A_224, %dma_start3A_225] : memref<16x64xi32, #tpu.memory_space<vmem>> -> memref<1x64xi32, #tpu.memory_space<vmem>>
      %dma_start3A_227 = tpu.memref_squeeze %dma_start3A_226 : memref<1x64xi32, #tpu.memory_space<vmem>> -> memref<64xi32, #tpu.memory_space<vmem>>
      %dma_start3A_228 = arith.constant 0 : i32
      %dma_start3A_229 = arith.constant 0 : i32
      %dma_start3A_230 = tpu.memref_slice %arg13[%dma_start3A_228, %dma_start3A_229] : memref<10112x128xf32, #tpu.memory_space<vmem_shared>> -> memref<10112x128xf32, #tpu.memory_space<vmem_shared>>
      tpu.enqueue_indirect_dma source(%arg11 : memref<64x128xf32, #tpu.memory_space<vmem>>) target(%dma_start3A_230 : memref<10112x128xf32, #tpu.memory_space<vmem_shared>>) offsets(%dma_start3A_227 : memref<64xi32, #tpu.memory_space<vmem>>) semaphore(%arg20 : memref<!tpu.dma_semaphore, #tpu.memory_space<semaphore_mem>>) {add = true}
      %dma_wait3A_231 = arith.constant 7 : i32
      %dma_wait3A_232 = arith.constant 0 : i32
      %dma_wait3A_233 = tpu.memref_slice %arg7[%dma_wait3A_231, %dma_wait3A_232] : memref<16x64xi32, #tpu.memory_space<vmem>> -> memref<1x64xi32, #tpu.memory_space<vmem>>
      %dma_wait3A_234 = tpu.memref_squeeze %dma_wait3A_233 : memref<1x64xi32, #tpu.memory_space<vmem>> -> memref<64xi32, #tpu.memory_space<vmem>>
      %dma_wait3A_235 = arith.constant 0 : i32
      %dma_wait3A_236 = arith.constant 0 : i32
      %dma_wait3A_237 = tpu.memref_slice %arg2[%dma_wait3A_235, %dma_wait3A_236] : memref<10000x128xf32, #tpu.memory_space<hbm>> -> memref<10000x128xf32, #tpu.memory_space<hbm>>
      tpu.wait_indirect_dma semaphore(%arg17 : memref<!tpu.dma_semaphore, #tpu.memory_space<semaphore_mem>>) src(%dma_wait3A_237 : memref<10000x128xf32, #tpu.memory_space<hbm>>) dst(%arg12 : memref<64x128xf32, #tpu.memory_space<vmem>>)
      %dma_wait3A_238 = arith.constant 6 : i32
      %dma_wait3A_239 = arith.constant 0 : i32
      %dma_wait3A_240 = tpu.memref_slice %arg8[%dma_wait3A_238, %dma_wait3A_239] : memref<16x64xi32, #tpu.memory_space<vmem>> -> memref<1x64xi32, #tpu.memory_space<vmem>>
      %dma_wait3A_241 = tpu.memref_squeeze %dma_wait3A_240 : memref<1x64xi32, #tpu.memory_space<vmem>> -> memref<64xi32, #tpu.memory_space<vmem>>
      %dma_wait3A_242 = arith.constant 0 : i32
      %dma_wait3A_243 = arith.constant 0 : i32
      %dma_wait3A_244 = tpu.memref_slice %arg13[%dma_wait3A_242, %dma_wait3A_243] : memref<10112x128xf32, #tpu.memory_space<vmem_shared>> -> memref<10112x128xf32, #tpu.memory_space<vmem_shared>>
      tpu.wait_indirect_dma semaphore(%arg20 : memref<!tpu.dma_semaphore, #tpu.memory_space<semaphore_mem>>) src(%arg11 : memref<64x128xf32, #tpu.memory_space<vmem>>) dst(%dma_wait3A_244 : memref<10112x128xf32, #tpu.memory_space<vmem_shared>>)
      %dma_start3A_245 = arith.constant 10 : i32
      %dma_start3A_246 = arith.constant 0 : i32
      %dma_start3A_247 = tpu.memref_slice %arg7[%dma_start3A_245, %dma_start3A_246] : memref<16x64xi32, #tpu.memory_space<vmem>> -> memref<1x64xi32, #tpu.memory_space<vmem>>
      %dma_start3A_248 = tpu.memref_squeeze %dma_start3A_247 : memref<1x64xi32, #tpu.memory_space<vmem>> -> memref<64xi32, #tpu.memory_space<vmem>>
      %dma_start3A_249 = arith.constant 0 : i32
      %dma_start3A_250 = arith.constant 0 : i32
      %dma_start3A_251 = tpu.memref_slice %arg2[%dma_start3A_249, %dma_start3A_250] : memref<10000x128xf32, #tpu.memory_space<hbm>> -> memref<10000x128xf32, #tpu.memory_space<hbm>>
      tpu.enqueue_indirect_dma source(%dma_start3A_251 : memref<10000x128xf32, #tpu.memory_space<hbm>>) target(%arg11 : memref<64x128xf32, #tpu.memory_space<vmem>>) offsets(%dma_start3A_248 : memref<64xi32, #tpu.memory_space<vmem>>) semaphore(%arg16 : memref<!tpu.dma_semaphore, #tpu.memory_space<semaphore_mem>>)
      %dma_start3A_252 = arith.constant 7 : i32
      %dma_start3A_253 = arith.constant 0 : i32
      %dma_start3A_254 = tpu.memref_slice %arg8[%dma_start3A_252, %dma_start3A_253] : memref<16x64xi32, #tpu.memory_space<vmem>> -> memref<1x64xi32, #tpu.memory_space<vmem>>
      %dma_start3A_255 = tpu.memref_squeeze %dma_start3A_254 : memref<1x64xi32, #tpu.memory_space<vmem>> -> memref<64xi32, #tpu.memory_space<vmem>>
      %dma_start3A_256 = arith.constant 0 : i32
      %dma_start3A_257 = arith.constant 0 : i32
      %dma_start3A_258 = tpu.memref_slice %arg13[%dma_start3A_256, %dma_start3A_257] : memref<10112x128xf32, #tpu.memory_space<vmem_shared>> -> memref<10112x128xf32, #tpu.memory_space<vmem_shared>>
      tpu.enqueue_indirect_dma source(%arg12 : memref<64x128xf32, #tpu.memory_space<vmem>>) target(%dma_start3A_258 : memref<10112x128xf32, #tpu.memory_space<vmem_shared>>) offsets(%dma_start3A_255 : memref<64xi32, #tpu.memory_space<vmem>>) semaphore(%arg21 : memref<!tpu.dma_semaphore, #tpu.memory_space<semaphore_mem>>) {add = true}
      %dma_wait3A_259 = arith.constant 8 : i32
      %dma_wait3A_260 = arith.constant 0 : i32
      %dma_wait3A_261 = tpu.memref_slice %arg7[%dma_wait3A_259, %dma_wait3A_260] : memref<16x64xi32, #tpu.memory_space<vmem>> -> memref<1x64xi32, #tpu.memory_space<vmem>>
      %dma_wait3A_262 = tpu.memref_squeeze %dma_wait3A_261 : memref<1x64xi32, #tpu.memory_space<vmem>> -> memref<64xi32, #tpu.memory_space<vmem>>
      %dma_wait3A_263 = arith.constant 0 : i32
      %dma_wait3A_264 = arith.constant 0 : i32
      %dma_wait3A_265 = tpu.memref_slice %arg2[%dma_wait3A_263, %dma_wait3A_264] : memref<10000x128xf32, #tpu.memory_space<hbm>> -> memref<10000x128xf32, #tpu.memory_space<hbm>>
      tpu.wait_indirect_dma semaphore(%arg14 : memref<!tpu.dma_semaphore, #tpu.memory_space<semaphore_mem>>) src(%dma_wait3A_265 : memref<10000x128xf32, #tpu.memory_space<hbm>>) dst(%arg9 : memref<64x128xf32, #tpu.memory_space<vmem>>)
      %dma_wait3A_266 = arith.constant 7 : i32
      %dma_wait3A_267 = arith.constant 0 : i32
      %dma_wait3A_268 = tpu.memref_slice %arg8[%dma_wait3A_266, %dma_wait3A_267] : memref<16x64xi32, #tpu.memory_space<vmem>> -> memref<1x64xi32, #tpu.memory_space<vmem>>
      %dma_wait3A_269 = tpu.memref_squeeze %dma_wait3A_268 : memref<1x64xi32, #tpu.memory_space<vmem>> -> memref<64xi32, #tpu.memory_space<vmem>>
      %dma_wait3A_270 = arith.constant 0 : i32
      %dma_wait3A_271 = arith.constant 0 : i32
      %dma_wait3A_272 = tpu.memref_slice %arg13[%dma_wait3A_270, %dma_wait3A_271] : memref<10112x128xf32, #tpu.memory_space<vmem_shared>> -> memref<10112x128xf32, #tpu.memory_space<vmem_shared>>
      tpu.wait_indirect_dma semaphore(%arg21 : memref<!tpu.dma_semaphore, #tpu.memory_space<semaphore_mem>>) src(%arg12 : memref<64x128xf32, #tpu.memory_space<vmem>>) dst(%dma_wait3A_272 : memref<10112x128xf32, #tpu.memory_space<vmem_shared>>)
      %dma_start3A_273 = arith.constant 11 : i32
      %dma_start3A_274 = arith.constant 0 : i32
      %dma_start3A_275 = tpu.memref_slice %arg7[%dma_start3A_273, %dma_start3A_274] : memref<16x64xi32, #tpu.memory_space<vmem>> -> memref<1x64xi32, #tpu.memory_space<vmem>>
      %dma_start3A_276 = tpu.memref_squeeze %dma_start3A_275 : memref<1x64xi32, #tpu.memory_space<vmem>> -> memref<64xi32, #tpu.memory_space<vmem>>
      %dma_start3A_277 = arith.constant 0 : i32
      %dma_start3A_278 = arith.constant 0 : i32
      %dma_start3A_279 = tpu.memref_slice %arg2[%dma_start3A_277, %dma_start3A_278] : memref<10000x128xf32, #tpu.memory_space<hbm>> -> memref<10000x128xf32, #tpu.memory_space<hbm>>
      tpu.enqueue_indirect_dma source(%dma_start3A_279 : memref<10000x128xf32, #tpu.memory_space<hbm>>) target(%arg12 : memref<64x128xf32, #tpu.memory_space<vmem>>) offsets(%dma_start3A_276 : memref<64xi32, #tpu.memory_space<vmem>>) semaphore(%arg17 : memref<!tpu.dma_semaphore, #tpu.memory_space<semaphore_mem>>)
      %dma_start3A_280 = arith.constant 8 : i32
      %dma_start3A_281 = arith.constant 0 : i32
      %dma_start3A_282 = tpu.memref_slice %arg8[%dma_start3A_280, %dma_start3A_281] : memref<16x64xi32, #tpu.memory_space<vmem>> -> memref<1x64xi32, #tpu.memory_space<vmem>>
      %dma_start3A_283 = tpu.memref_squeeze %dma_start3A_282 : memref<1x64xi32, #tpu.memory_space<vmem>> -> memref<64xi32, #tpu.memory_space<vmem>>
      %dma_start3A_284 = arith.constant 0 : i32
      %dma_start3A_285 = arith.constant 0 : i32
      %dma_start3A_286 = tpu.memref_slice %arg13[%dma_start3A_284, %dma_start3A_285] : memref<10112x128xf32, #tpu.memory_space<vmem_shared>> -> memref<10112x128xf32, #tpu.memory_space<vmem_shared>>
      tpu.enqueue_indirect_dma source(%arg9 : memref<64x128xf32, #tpu.memory_space<vmem>>) target(%dma_start3A_286 : memref<10112x128xf32, #tpu.memory_space<vmem_shared>>) offsets(%dma_start3A_283 : memref<64xi32, #tpu.memory_space<vmem>>) semaphore(%arg18 : memref<!tpu.dma_semaphore, #tpu.memory_space<semaphore_mem>>) {add = true}
      %dma_wait3A_287 = arith.constant 9 : i32
      %dma_wait3A_288 = arith.constant 0 : i32
      %dma_wait3A_289 = tpu.memref_slice %arg7[%dma_wait3A_287, %dma_wait3A_288] : memref<16x64xi32, #tpu.memory_space<vmem>> -> memref<1x64xi32, #tpu.memory_space<vmem>>
      %dma_wait3A_290 = tpu.memref_squeeze %dma_wait3A_289 : memref<1x64xi32, #tpu.memory_space<vmem>> -> memref<64xi32, #tpu.memory_space<vmem>>
      %dma_wait3A_291 = arith.constant 0 : i32
      %dma_wait3A_292 = arith.constant 0 : i32
      %dma_wait3A_293 = tpu.memref_slice %arg2[%dma_wait3A_291, %dma_wait3A_292] : memref<10000x128xf32, #tpu.memory_space<hbm>> -> memref<10000x128xf32, #tpu.memory_space<hbm>>
      tpu.wait_indirect_dma semaphore(%arg15 : memref<!tpu.dma_semaphore, #tpu.memory_space<semaphore_mem>>) src(%dma_wait3A_293 : memref<10000x128xf32, #tpu.memory_space<hbm>>) dst(%arg10 : memref<64x128xf32, #tpu.memory_space<vmem>>)
      %dma_wait3A_294 = arith.constant 8 : i32
      %dma_wait3A_295 = arith.constant 0 : i32
      %dma_wait3A_296 = tpu.memref_slice %arg8[%dma_wait3A_294, %dma_wait3A_295] : memref<16x64xi32, #tpu.memory_space<vmem>> -> memref<1x64xi32, #tpu.memory_space<vmem>>
      %dma_wait3A_297 = tpu.memref_squeeze %dma_wait3A_296 : memref<1x64xi32, #tpu.memory_space<vmem>> -> memref<64xi32, #tpu.memory_space<vmem>>
      %dma_wait3A_298 = arith.constant 0 : i32
      %dma_wait3A_299 = arith.constant 0 : i32
      %dma_wait3A_300 = tpu.memref_slice %arg13[%dma_wait3A_298, %dma_wait3A_299] : memref<10112x128xf32, #tpu.memory_space<vmem_shared>> -> memref<10112x128xf32, #tpu.memory_space<vmem_shared>>
      tpu.wait_indirect_dma semaphore(%arg18 : memref<!tpu.dma_semaphore, #tpu.memory_space<semaphore_mem>>) src(%arg9 : memref<64x128xf32, #tpu.memory_space<vmem>>) dst(%dma_wait3A_300 : memref<10112x128xf32, #tpu.memory_space<vmem_shared>>)
      %dma_start3A_301 = arith.constant 12 : i32
      %dma_start3A_302 = arith.constant 0 : i32
      %dma_start3A_303 = tpu.memref_slice %arg7[%dma_start3A_301, %dma_start3A_302] : memref<16x64xi32, #tpu.memory_space<vmem>> -> memref<1x64xi32, #tpu.memory_space<vmem>>
      %dma_start3A_304 = tpu.memref_squeeze %dma_start3A_303 : memref<1x64xi32, #tpu.memory_space<vmem>> -> memref<64xi32, #tpu.memory_space<vmem>>
      %dma_start3A_305 = arith.constant 0 : i32
      %dma_start3A_306 = arith.constant 0 : i32
      %dma_start3A_307 = tpu.memref_slice %arg2[%dma_start3A_305, %dma_start3A_306] : memref<10000x128xf32, #tpu.memory_space<hbm>> -> memref<10000x128xf32, #tpu.memory_space<hbm>>
      tpu.enqueue_indirect_dma source(%dma_start3A_307 : memref<10000x128xf32, #tpu.memory_space<hbm>>) target(%arg9 : memref<64x128xf32, #tpu.memory_space<vmem>>) offsets(%dma_start3A_304 : memref<64xi32, #tpu.memory_space<vmem>>) semaphore(%arg14 : memref<!tpu.dma_semaphore, #tpu.memory_space<semaphore_mem>>)
      %dma_start3A_308 = arith.constant 9 : i32
      %dma_start3A_309 = arith.constant 0 : i32
      %dma_start3A_310 = tpu.memref_slice %arg8[%dma_start3A_308, %dma_start3A_309] : memref<16x64xi32, #tpu.memory_space<vmem>> -> memref<1x64xi32, #tpu.memory_space<vmem>>
      %dma_start3A_311 = tpu.memref_squeeze %dma_start3A_310 : memref<1x64xi32, #tpu.memory_space<vmem>> -> memref<64xi32, #tpu.memory_space<vmem>>
      %dma_start3A_312 = arith.constant 0 : i32
      %dma_start3A_313 = arith.constant 0 : i32
      %dma_start3A_314 = tpu.memref_slice %arg13[%dma_start3A_312, %dma_start3A_313] : memref<10112x128xf32, #tpu.memory_space<vmem_shared>> -> memref<10112x128xf32, #tpu.memory_space<vmem_shared>>
      tpu.enqueue_indirect_dma source(%arg10 : memref<64x128xf32, #tpu.memory_space<vmem>>) target(%dma_start3A_314 : memref<10112x128xf32, #tpu.memory_space<vmem_shared>>) offsets(%dma_start3A_311 : memref<64xi32, #tpu.memory_space<vmem>>) semaphore(%arg19 : memref<!tpu.dma_semaphore, #tpu.memory_space<semaphore_mem>>) {add = true}
      %dma_wait3A_315 = arith.constant 10 : i32
      %dma_wait3A_316 = arith.constant 0 : i32
      %dma_wait3A_317 = tpu.memref_slice %arg7[%dma_wait3A_315, %dma_wait3A_316] : memref<16x64xi32, #tpu.memory_space<vmem>> -> memref<1x64xi32, #tpu.memory_space<vmem>>
      %dma_wait3A_318 = tpu.memref_squeeze %dma_wait3A_317 : memref<1x64xi32, #tpu.memory_space<vmem>> -> memref<64xi32, #tpu.memory_space<vmem>>
      %dma_wait3A_319 = arith.constant 0 : i32
      %dma_wait3A_320 = arith.constant 0 : i32
      %dma_wait3A_321 = tpu.memref_slice %arg2[%dma_wait3A_319, %dma_wait3A_320] : memref<10000x128xf32, #tpu.memory_space<hbm>> -> memref<10000x128xf32, #tpu.memory_space<hbm>>
      tpu.wait_indirect_dma semaphore(%arg16 : memref<!tpu.dma_semaphore, #tpu.memory_space<semaphore_mem>>) src(%dma_wait3A_321 : memref<10000x128xf32, #tpu.memory_space<hbm>>) dst(%arg11 : memref<64x128xf32, #tpu.memory_space<vmem>>)
      %dma_wait3A_322 = arith.constant 9 : i32
      %dma_wait3A_323 = arith.constant 0 : i32
      %dma_wait3A_324 = tpu.memref_slice %arg8[%dma_wait3A_322, %dma_wait3A_323] : memref<16x64xi32, #tpu.memory_space<vmem>> -> memref<1x64xi32, #tpu.memory_space<vmem>>
      %dma_wait3A_325 = tpu.memref_squeeze %dma_wait3A_324 : memref<1x64xi32, #tpu.memory_space<vmem>> -> memref<64xi32, #tpu.memory_space<vmem>>
      %dma_wait3A_326 = arith.constant 0 : i32
      %dma_wait3A_327 = arith.constant 0 : i32
      %dma_wait3A_328 = tpu.memref_slice %arg13[%dma_wait3A_326, %dma_wait3A_327] : memref<10112x128xf32, #tpu.memory_space<vmem_shared>> -> memref<10112x128xf32, #tpu.memory_space<vmem_shared>>
      tpu.wait_indirect_dma semaphore(%arg19 : memref<!tpu.dma_semaphore, #tpu.memory_space<semaphore_mem>>) src(%arg10 : memref<64x128xf32, #tpu.memory_space<vmem>>) dst(%dma_wait3A_328 : memref<10112x128xf32, #tpu.memory_space<vmem_shared>>)
      %dma_start3A_329 = arith.constant 13 : i32
      %dma_start3A_330 = arith.constant 0 : i32
      %dma_start3A_331 = tpu.memref_slice %arg7[%dma_start3A_329, %dma_start3A_330] : memref<16x64xi32, #tpu.memory_space<vmem>> -> memref<1x64xi32, #tpu.memory_space<vmem>>
      %dma_start3A_332 = tpu.memref_squeeze %dma_start3A_331 : memref<1x64xi32, #tpu.memory_space<vmem>> -> memref<64xi32, #tpu.memory_space<vmem>>
      %dma_start3A_333 = arith.constant 0 : i32
      %dma_start3A_334 = arith.constant 0 : i32
      %dma_start3A_335 = tpu.memref_slice %arg2[%dma_start3A_333, %dma_start3A_334] : memref<10000x128xf32, #tpu.memory_space<hbm>> -> memref<10000x128xf32, #tpu.memory_space<hbm>>
      tpu.enqueue_indirect_dma source(%dma_start3A_335 : memref<10000x128xf32, #tpu.memory_space<hbm>>) target(%arg10 : memref<64x128xf32, #tpu.memory_space<vmem>>) offsets(%dma_start3A_332 : memref<64xi32, #tpu.memory_space<vmem>>) semaphore(%arg15 : memref<!tpu.dma_semaphore, #tpu.memory_space<semaphore_mem>>)
      %dma_start3A_336 = arith.constant 10 : i32
      %dma_start3A_337 = arith.constant 0 : i32
      %dma_start3A_338 = tpu.memref_slice %arg8[%dma_start3A_336, %dma_start3A_337] : memref<16x64xi32, #tpu.memory_space<vmem>> -> memref<1x64xi32, #tpu.memory_space<vmem>>
      %dma_start3A_339 = tpu.memref_squeeze %dma_start3A_338 : memref<1x64xi32, #tpu.memory_space<vmem>> -> memref<64xi32, #tpu.memory_space<vmem>>
      %dma_start3A_340 = arith.constant 0 : i32
      %dma_start3A_341 = arith.constant 0 : i32
      %dma_start3A_342 = tpu.memref_slice %arg13[%dma_start3A_340, %dma_start3A_341] : memref<10112x128xf32, #tpu.memory_space<vmem_shared>> -> memref<10112x128xf32, #tpu.memory_space<vmem_shared>>
      tpu.enqueue_indirect_dma source(%arg11 : memref<64x128xf32, #tpu.memory_space<vmem>>) target(%dma_start3A_342 : memref<10112x128xf32, #tpu.memory_space<vmem_shared>>) offsets(%dma_start3A_339 : memref<64xi32, #tpu.memory_space<vmem>>) semaphore(%arg20 : memref<!tpu.dma_semaphore, #tpu.memory_space<semaphore_mem>>) {add = true}
      %dma_wait3A_343 = arith.constant 11 : i32
      %dma_wait3A_344 = arith.constant 0 : i32
      %dma_wait3A_345 = tpu.memref_slice %arg7[%dma_wait3A_343, %dma_wait3A_344] : memref<16x64xi32, #tpu.memory_space<vmem>> -> memref<1x64xi32, #tpu.memory_space<vmem>>
      %dma_wait3A_346 = tpu.memref_squeeze %dma_wait3A_345 : memref<1x64xi32, #tpu.memory_space<vmem>> -> memref<64xi32, #tpu.memory_space<vmem>>
      %dma_wait3A_347 = arith.constant 0 : i32
      %dma_wait3A_348 = arith.constant 0 : i32
      %dma_wait3A_349 = tpu.memref_slice %arg2[%dma_wait3A_347, %dma_wait3A_348] : memref<10000x128xf32, #tpu.memory_space<hbm>> -> memref<10000x128xf32, #tpu.memory_space<hbm>>
      tpu.wait_indirect_dma semaphore(%arg17 : memref<!tpu.dma_semaphore, #tpu.memory_space<semaphore_mem>>) src(%dma_wait3A_349 : memref<10000x128xf32, #tpu.memory_space<hbm>>) dst(%arg12 : memref<64x128xf32, #tpu.memory_space<vmem>>)
      %dma_wait3A_350 = arith.constant 10 : i32
      %dma_wait3A_351 = arith.constant 0 : i32
      %dma_wait3A_352 = tpu.memref_slice %arg8[%dma_wait3A_350, %dma_wait3A_351] : memref<16x64xi32, #tpu.memory_space<vmem>> -> memref<1x64xi32, #tpu.memory_space<vmem>>
      %dma_wait3A_353 = tpu.memref_squeeze %dma_wait3A_352 : memref<1x64xi32, #tpu.memory_space<vmem>> -> memref<64xi32, #tpu.memory_space<vmem>>
      %dma_wait3A_354 = arith.constant 0 : i32
      %dma_wait3A_355 = arith.constant 0 : i32
      %dma_wait3A_356 = tpu.memref_slice %arg13[%dma_wait3A_354, %dma_wait3A_355] : memref<10112x128xf32, #tpu.memory_space<vmem_shared>> -> memref<10112x128xf32, #tpu.memory_space<vmem_shared>>
      tpu.wait_indirect_dma semaphore(%arg20 : memref<!tpu.dma_semaphore, #tpu.memory_space<semaphore_mem>>) src(%arg11 : memref<64x128xf32, #tpu.memory_space<vmem>>) dst(%dma_wait3A_356 : memref<10112x128xf32, #tpu.memory_space<vmem_shared>>)
      %dma_start3A_357 = arith.constant 14 : i32
      %dma_start3A_358 = arith.constant 0 : i32
      %dma_start3A_359 = tpu.memref_slice %arg7[%dma_start3A_357, %dma_start3A_358] : memref<16x64xi32, #tpu.memory_space<vmem>> -> memref<1x64xi32, #tpu.memory_space<vmem>>
      %dma_start3A_360 = tpu.memref_squeeze %dma_start3A_359 : memref<1x64xi32, #tpu.memory_space<vmem>> -> memref<64xi32, #tpu.memory_space<vmem>>
      %dma_start3A_361 = arith.constant 0 : i32
      %dma_start3A_362 = arith.constant 0 : i32
      %dma_start3A_363 = tpu.memref_slice %arg2[%dma_start3A_361, %dma_start3A_362] : memref<10000x128xf32, #tpu.memory_space<hbm>> -> memref<10000x128xf32, #tpu.memory_space<hbm>>
      tpu.enqueue_indirect_dma source(%dma_start3A_363 : memref<10000x128xf32, #tpu.memory_space<hbm>>) target(%arg11 : memref<64x128xf32, #tpu.memory_space<vmem>>) offsets(%dma_start3A_360 : memref<64xi32, #tpu.memory_space<vmem>>) semaphore(%arg16 : memref<!tpu.dma_semaphore, #tpu.memory_space<semaphore_mem>>)
      %dma_start3A_364 = arith.constant 11 : i32
      %dma_start3A_365 = arith.constant 0 : i32
      %dma_start3A_366 = tpu.memref_slice %arg8[%dma_start3A_364, %dma_start3A_365] : memref<16x64xi32, #tpu.memory_space<vmem>> -> memref<1x64xi32, #tpu.memory_space<vmem>>
      %dma_start3A_367 = tpu.memref_squeeze %dma_start3A_366 : memref<1x64xi32, #tpu.memory_space<vmem>> -> memref<64xi32, #tpu.memory_space<vmem>>
      %dma_start3A_368 = arith.constant 0 : i32
      %dma_start3A_369 = arith.constant 0 : i32
      %dma_start3A_370 = tpu.memref_slice %arg13[%dma_start3A_368, %dma_start3A_369] : memref<10112x128xf32, #tpu.memory_space<vmem_shared>> -> memref<10112x128xf32, #tpu.memory_space<vmem_shared>>
      tpu.enqueue_indirect_dma source(%arg12 : memref<64x128xf32, #tpu.memory_space<vmem>>) target(%dma_start3A_370 : memref<10112x128xf32, #tpu.memory_space<vmem_shared>>) offsets(%dma_start3A_367 : memref<64xi32, #tpu.memory_space<vmem>>) semaphore(%arg21 : memref<!tpu.dma_semaphore, #tpu.memory_space<semaphore_mem>>) {add = true}
      %dma_wait3A_371 = arith.constant 12 : i32
      %dma_wait3A_372 = arith.constant 0 : i32
      %dma_wait3A_373 = tpu.memref_slice %arg7[%dma_wait3A_371, %dma_wait3A_372] : memref<16x64xi32, #tpu.memory_space<vmem>> -> memref<1x64xi32, #tpu.memory_space<vmem>>
      %dma_wait3A_374 = tpu.memref_squeeze %dma_wait3A_373 : memref<1x64xi32, #tpu.memory_space<vmem>> -> memref<64xi32, #tpu.memory_space<vmem>>
      %dma_wait3A_375 = arith.constant 0 : i32
      %dma_wait3A_376 = arith.constant 0 : i32
      %dma_wait3A_377 = tpu.memref_slice %arg2[%dma_wait3A_375, %dma_wait3A_376] : memref<10000x128xf32, #tpu.memory_space<hbm>> -> memref<10000x128xf32, #tpu.memory_space<hbm>>
      tpu.wait_indirect_dma semaphore(%arg14 : memref<!tpu.dma_semaphore, #tpu.memory_space<semaphore_mem>>) src(%dma_wait3A_377 : memref<10000x128xf32, #tpu.memory_space<hbm>>) dst(%arg9 : memref<64x128xf32, #tpu.memory_space<vmem>>)
      %dma_wait3A_378 = arith.constant 11 : i32
      %dma_wait3A_379 = arith.constant 0 : i32
      %dma_wait3A_380 = tpu.memref_slice %arg8[%dma_wait3A_378, %dma_wait3A_379] : memref<16x64xi32, #tpu.memory_space<vmem>> -> memref<1x64xi32, #tpu.memory_space<vmem>>
      %dma_wait3A_381 = tpu.memref_squeeze %dma_wait3A_380 : memref<1x64xi32, #tpu.memory_space<vmem>> -> memref<64xi32, #tpu.memory_space<vmem>>
      %dma_wait3A_382 = arith.constant 0 : i32
      %dma_wait3A_383 = arith.constant 0 : i32
      %dma_wait3A_384 = tpu.memref_slice %arg13[%dma_wait3A_382, %dma_wait3A_383] : memref<10112x128xf32, #tpu.memory_space<vmem_shared>> -> memref<10112x128xf32, #tpu.memory_space<vmem_shared>>
      tpu.wait_indirect_dma semaphore(%arg21 : memref<!tpu.dma_semaphore, #tpu.memory_space<semaphore_mem>>) src(%arg12 : memref<64x128xf32, #tpu.memory_space<vmem>>) dst(%dma_wait3A_384 : memref<10112x128xf32, #tpu.memory_space<vmem_shared>>)
      %dma_start3A_385 = arith.constant 15 : i32
      %dma_start3A_386 = arith.constant 0 : i32
      %dma_start3A_387 = tpu.memref_slice %arg7[%dma_start3A_385, %dma_start3A_386] : memref<16x64xi32, #tpu.memory_space<vmem>> -> memref<1x64xi32, #tpu.memory_space<vmem>>
      %dma_start3A_388 = tpu.memref_squeeze %dma_start3A_387 : memref<1x64xi32, #tpu.memory_space<vmem>> -> memref<64xi32, #tpu.memory_space<vmem>>
      %dma_start3A_389 = arith.constant 0 : i32
      %dma_start3A_390 = arith.constant 0 : i32
      %dma_start3A_391 = tpu.memref_slice %arg2[%dma_start3A_389, %dma_start3A_390] : memref<10000x128xf32, #tpu.memory_space<hbm>> -> memref<10000x128xf32, #tpu.memory_space<hbm>>
      tpu.enqueue_indirect_dma source(%dma_start3A_391 : memref<10000x128xf32, #tpu.memory_space<hbm>>) target(%arg12 : memref<64x128xf32, #tpu.memory_space<vmem>>) offsets(%dma_start3A_388 : memref<64xi32, #tpu.memory_space<vmem>>) semaphore(%arg17 : memref<!tpu.dma_semaphore, #tpu.memory_space<semaphore_mem>>)
      %dma_start3A_392 = arith.constant 12 : i32
      %dma_start3A_393 = arith.constant 0 : i32
      %dma_start3A_394 = tpu.memref_slice %arg8[%dma_start3A_392, %dma_start3A_393] : memref<16x64xi32, #tpu.memory_space<vmem>> -> memref<1x64xi32, #tpu.memory_space<vmem>>
      %dma_start3A_395 = tpu.memref_squeeze %dma_start3A_394 : memref<1x64xi32, #tpu.memory_space<vmem>> -> memref<64xi32, #tpu.memory_space<vmem>>
      %dma_start3A_396 = arith.constant 0 : i32
      %dma_start3A_397 = arith.constant 0 : i32
      %dma_start3A_398 = tpu.memref_slice %arg13[%dma_start3A_396, %dma_start3A_397] : memref<10112x128xf32, #tpu.memory_space<vmem_shared>> -> memref<10112x128xf32, #tpu.memory_space<vmem_shared>>
      tpu.enqueue_indirect_dma source(%arg9 : memref<64x128xf32, #tpu.memory_space<vmem>>) target(%dma_start3A_398 : memref<10112x128xf32, #tpu.memory_space<vmem_shared>>) offsets(%dma_start3A_395 : memref<64xi32, #tpu.memory_space<vmem>>) semaphore(%arg18 : memref<!tpu.dma_semaphore, #tpu.memory_space<semaphore_mem>>) {add = true}
      %dma_wait3A_399 = arith.constant 13 : i32
      %dma_wait3A_400 = arith.constant 0 : i32
      %dma_wait3A_401 = tpu.memref_slice %arg7[%dma_wait3A_399, %dma_wait3A_400] : memref<16x64xi32, #tpu.memory_space<vmem>> -> memref<1x64xi32, #tpu.memory_space<vmem>>
      %dma_wait3A_402 = tpu.memref_squeeze %dma_wait3A_401 : memref<1x64xi32, #tpu.memory_space<vmem>> -> memref<64xi32, #tpu.memory_space<vmem>>
      %dma_wait3A_403 = arith.constant 0 : i32
      %dma_wait3A_404 = arith.constant 0 : i32
      %dma_wait3A_405 = tpu.memref_slice %arg2[%dma_wait3A_403, %dma_wait3A_404] : memref<10000x128xf32, #tpu.memory_space<hbm>> -> memref<10000x128xf32, #tpu.memory_space<hbm>>
      tpu.wait_indirect_dma semaphore(%arg15 : memref<!tpu.dma_semaphore, #tpu.memory_space<semaphore_mem>>) src(%dma_wait3A_405 : memref<10000x128xf32, #tpu.memory_space<hbm>>) dst(%arg10 : memref<64x128xf32, #tpu.memory_space<vmem>>)
      %dma_start3A_406 = arith.constant 13 : i32
      %dma_start3A_407 = arith.constant 0 : i32
      %dma_start3A_408 = tpu.memref_slice %arg8[%dma_start3A_406, %dma_start3A_407] : memref<16x64xi32, #tpu.memory_space<vmem>> -> memref<1x64xi32, #tpu.memory_space<vmem>>
      %dma_start3A_409 = tpu.memref_squeeze %dma_start3A_408 : memref<1x64xi32, #tpu.memory_space<vmem>> -> memref<64xi32, #tpu.memory_space<vmem>>
      %dma_start3A_410 = arith.constant 0 : i32
      %dma_start3A_411 = arith.constant 0 : i32
      %dma_start3A_412 = tpu.memref_slice %arg13[%dma_start3A_410, %dma_start3A_411] : memref<10112x128xf32, #tpu.memory_space<vmem_shared>> -> memref<10112x128xf32, #tpu.memory_space<vmem_shared>>
      tpu.enqueue_indirect_dma source(%arg10 : memref<64x128xf32, #tpu.memory_space<vmem>>) target(%dma_start3A_412 : memref<10112x128xf32, #tpu.memory_space<vmem_shared>>) offsets(%dma_start3A_409 : memref<64xi32, #tpu.memory_space<vmem>>) semaphore(%arg19 : memref<!tpu.dma_semaphore, #tpu.memory_space<semaphore_mem>>) {add = true}
      %dma_wait3A_413 = arith.constant 14 : i32
      %dma_wait3A_414 = arith.constant 0 : i32
      %dma_wait3A_415 = tpu.memref_slice %arg7[%dma_wait3A_413, %dma_wait3A_414] : memref<16x64xi32, #tpu.memory_space<vmem>> -> memref<1x64xi32, #tpu.memory_space<vmem>>
      %dma_wait3A_416 = tpu.memref_squeeze %dma_wait3A_415 : memref<1x64xi32, #tpu.memory_space<vmem>> -> memref<64xi32, #tpu.memory_space<vmem>>
      %dma_wait3A_417 = arith.constant 0 : i32
      %dma_wait3A_418 = arith.constant 0 : i32
      %dma_wait3A_419 = tpu.memref_slice %arg2[%dma_wait3A_417, %dma_wait3A_418] : memref<10000x128xf32, #tpu.memory_space<hbm>> -> memref<10000x128xf32, #tpu.memory_space<hbm>>
      tpu.wait_indirect_dma semaphore(%arg16 : memref<!tpu.dma_semaphore, #tpu.memory_space<semaphore_mem>>) src(%dma_wait3A_419 : memref<10000x128xf32, #tpu.memory_space<hbm>>) dst(%arg11 : memref<64x128xf32, #tpu.memory_space<vmem>>)
      %dma_start3A_420 = arith.constant 14 : i32
      %dma_start3A_421 = arith.constant 0 : i32
      %dma_start3A_422 = tpu.memref_slice %arg8[%dma_start3A_420, %dma_start3A_421] : memref<16x64xi32, #tpu.memory_space<vmem>> -> memref<1x64xi32, #tpu.memory_space<vmem>>
      %dma_start3A_423 = tpu.memref_squeeze %dma_start3A_422 : memref<1x64xi32, #tpu.memory_space<vmem>> -> memref<64xi32, #tpu.memory_space<vmem>>
      %dma_start3A_424 = arith.constant 0 : i32
      %dma_start3A_425 = arith.constant 0 : i32
      %dma_start3A_426 = tpu.memref_slice %arg13[%dma_start3A_424, %dma_start3A_425] : memref<10112x128xf32, #tpu.memory_space<vmem_shared>> -> memref<10112x128xf32, #tpu.memory_space<vmem_shared>>
      tpu.enqueue_indirect_dma source(%arg11 : memref<64x128xf32, #tpu.memory_space<vmem>>) target(%dma_start3A_426 : memref<10112x128xf32, #tpu.memory_space<vmem_shared>>) offsets(%dma_start3A_423 : memref<64xi32, #tpu.memory_space<vmem>>) semaphore(%arg20 : memref<!tpu.dma_semaphore, #tpu.memory_space<semaphore_mem>>) {add = true}
      %dma_wait3A_427 = arith.constant 15 : i32
      %dma_wait3A_428 = arith.constant 0 : i32
      %dma_wait3A_429 = tpu.memref_slice %arg7[%dma_wait3A_427, %dma_wait3A_428] : memref<16x64xi32, #tpu.memory_space<vmem>> -> memref<1x64xi32, #tpu.memory_space<vmem>>
      %dma_wait3A_430 = tpu.memref_squeeze %dma_wait3A_429 : memref<1x64xi32, #tpu.memory_space<vmem>> -> memref<64xi32, #tpu.memory_space<vmem>>
      %dma_wait3A_431 = arith.constant 0 : i32
      %dma_wait3A_432 = arith.constant 0 : i32
      %dma_wait3A_433 = tpu.memref_slice %arg2[%dma_wait3A_431, %dma_wait3A_432] : memref<10000x128xf32, #tpu.memory_space<hbm>> -> memref<10000x128xf32, #tpu.memory_space<hbm>>
      tpu.wait_indirect_dma semaphore(%arg17 : memref<!tpu.dma_semaphore, #tpu.memory_space<semaphore_mem>>) src(%dma_wait3A_433 : memref<10000x128xf32, #tpu.memory_space<hbm>>) dst(%arg12 : memref<64x128xf32, #tpu.memory_space<vmem>>)
      %dma_start3A_434 = arith.constant 15 : i32
      %dma_start3A_435 = arith.constant 0 : i32
      %dma_start3A_436 = tpu.memref_slice %arg8[%dma_start3A_434, %dma_start3A_435] : memref<16x64xi32, #tpu.memory_space<vmem>> -> memref<1x64xi32, #tpu.memory_space<vmem>>
      %dma_start3A_437 = tpu.memref_squeeze %dma_start3A_436 : memref<1x64xi32, #tpu.memory_space<vmem>> -> memref<64xi32, #tpu.memory_space<vmem>>
      %dma_start3A_438 = arith.constant 0 : i32
      %dma_start3A_439 = arith.constant 0 : i32
      %dma_start3A_440 = tpu.memref_slice %arg13[%dma_start3A_438, %dma_start3A_439] : memref<10112x128xf32, #tpu.memory_space<vmem_shared>> -> memref<10112x128xf32, #tpu.memory_space<vmem_shared>>
      tpu.enqueue_indirect_dma source(%arg12 : memref<64x128xf32, #tpu.memory_space<vmem>>) target(%dma_start3A_440 : memref<10112x128xf32, #tpu.memory_space<vmem_shared>>) offsets(%dma_start3A_437 : memref<64xi32, #tpu.memory_space<vmem>>) semaphore(%arg21 : memref<!tpu.dma_semaphore, #tpu.memory_space<semaphore_mem>>) {add = true}
      %dma_wait3A_441 = arith.constant 12 : i32
      %dma_wait3A_442 = arith.constant 0 : i32
      %dma_wait3A_443 = tpu.memref_slice %arg8[%dma_wait3A_441, %dma_wait3A_442] : memref<16x64xi32, #tpu.memory_space<vmem>> -> memref<1x64xi32, #tpu.memory_space<vmem>>
      %dma_wait3A_444 = tpu.memref_squeeze %dma_wait3A_443 : memref<1x64xi32, #tpu.memory_space<vmem>> -> memref<64xi32, #tpu.memory_space<vmem>>
      %dma_wait3A_445 = arith.constant 0 : i32
      %dma_wait3A_446 = arith.constant 0 : i32
      %dma_wait3A_447 = tpu.memref_slice %arg13[%dma_wait3A_445, %dma_wait3A_446] : memref<10112x128xf32, #tpu.memory_space<vmem_shared>> -> memref<10112x128xf32, #tpu.memory_space<vmem_shared>>
      tpu.wait_indirect_dma semaphore(%arg18 : memref<!tpu.dma_semaphore, #tpu.memory_space<semaphore_mem>>) src(%arg9 : memref<64x128xf32, #tpu.memory_space<vmem>>) dst(%dma_wait3A_447 : memref<10112x128xf32, #tpu.memory_space<vmem_shared>>)
      %dma_wait3A_448 = arith.constant 13 : i32
      %dma_wait3A_449 = arith.constant 0 : i32
      %dma_wait3A_450 = tpu.memref_slice %arg8[%dma_wait3A_448, %dma_wait3A_449] : memref<16x64xi32, #tpu.memory_space<vmem>> -> memref<1x64xi32, #tpu.memory_space<vmem>>
      %dma_wait3A_451 = tpu.memref_squeeze %dma_wait3A_450 : memref<1x64xi32, #tpu.memory_space<vmem>> -> memref<64xi32, #tpu.memory_space<vmem>>
      %dma_wait3A_452 = arith.constant 0 : i32
      %dma_wait3A_453 = arith.constant 0 : i32
      %dma_wait3A_454 = tpu.memref_slice %arg13[%dma_wait3A_452, %dma_wait3A_453] : memref<10112x128xf32, #tpu.memory_space<vmem_shared>> -> memref<10112x128xf32, #tpu.memory_space<vmem_shared>>
      tpu.wait_indirect_dma semaphore(%arg19 : memref<!tpu.dma_semaphore, #tpu.memory_space<semaphore_mem>>) src(%arg10 : memref<64x128xf32, #tpu.memory_space<vmem>>) dst(%dma_wait3A_454 : memref<10112x128xf32, #tpu.memory_space<vmem_shared>>)
      %dma_wait3A_455 = arith.constant 14 : i32
      %dma_wait3A_456 = arith.constant 0 : i32
      %dma_wait3A_457 = tpu.memref_slice %arg8[%dma_wait3A_455, %dma_wait3A_456] : memref<16x64xi32, #tpu.memory_space<vmem>> -> memref<1x64xi32, #tpu.memory_space<vmem>>
      %dma_wait3A_458 = tpu.memref_squeeze %dma_wait3A_457 : memref<1x64xi32, #tpu.memory_space<vmem>> -> memref<64xi32, #tpu.memory_space<vmem>>
      %dma_wait3A_459 = arith.constant 0 : i32
      %dma_wait3A_460 = arith.constant 0 : i32
      %dma_wait3A_461 = tpu.memref_slice %arg13[%dma_wait3A_459, %dma_wait3A_460] : memref<10112x128xf32, #tpu.memory_space<vmem_shared>> -> memref<10112x128xf32, #tpu.memory_space<vmem_shared>>
      tpu.wait_indirect_dma semaphore(%arg20 : memref<!tpu.dma_semaphore, #tpu.memory_space<semaphore_mem>>) src(%arg11 : memref<64x128xf32, #tpu.memory_space<vmem>>) dst(%dma_wait3A_461 : memref<10112x128xf32, #tpu.memory_space<vmem_shared>>)
      %dma_wait3A_462 = arith.constant 15 : i32
      %dma_wait3A_463 = arith.constant 0 : i32
      %dma_wait3A_464 = tpu.memref_slice %arg8[%dma_wait3A_462, %dma_wait3A_463] : memref<16x64xi32, #tpu.memory_space<vmem>> -> memref<1x64xi32, #tpu.memory_space<vmem>>
      %dma_wait3A_465 = tpu.memref_squeeze %dma_wait3A_464 : memref<1x64xi32, #tpu.memory_space<vmem>> -> memref<64xi32, #tpu.memory_space<vmem>>
      %dma_wait3A_466 = arith.constant 0 : i32
      %dma_wait3A_467 = arith.constant 0 : i32
      %dma_wait3A_468 = tpu.memref_slice %arg13[%dma_wait3A_466, %dma_wait3A_467] : memref<10112x128xf32, #tpu.memory_space<vmem_shared>> -> memref<10112x128xf32, #tpu.memory_space<vmem_shared>>
      tpu.wait_indirect_dma semaphore(%arg21 : memref<!tpu.dma_semaphore, #tpu.memory_space<semaphore_mem>>) src(%arg12 : memref<64x128xf32, #tpu.memory_space<vmem>>) dst(%dma_wait3A_468 : memref<10112x128xf32, #tpu.memory_space<vmem_shared>>)
      %while3A_469 = arith.constant 0 : i32
      scf.yield %while3A_469 : i32
    }
    %barrier3A_16 = arith.constant 0 : index
    tpu.barrier barrier_id(%barrier3A_16)
    "tpu.region"() ({
      %run_scoped3A = tpu.sem_alloc : memref<!tpu.dma_semaphore, #tpu.memory_space<semaphore_mem>>
      %dma_start3A = arith.constant 0 : i32
      %dma_start3A_17 = tpu.memref_slice %arg6[%arg0, %mul3A_2, %dma_start3A] : memref<2x10112x128xf32, #tpu.memory_space<hbm>> -> memref<1x632x128xf32, #tpu.memory_space<hbm>>
      %dma_start3A_18 = tpu.memref_squeeze %dma_start3A_17 : memref<1x632x128xf32, #tpu.memory_space<hbm>> -> memref<632x128xf32, #tpu.memory_space<hbm>>
      %dma_start3A_19 = arith.constant 0 : i32
      %dma_start3A_20 = tpu.memref_slice %arg13[%mul3A_2, %dma_start3A_19] : memref<10112x128xf32, #tpu.memory_space<vmem_shared>> -> memref<632x128xf32, #tpu.memory_space<vmem_shared>>
      tpu.enqueue_dma source(%dma_start3A_20 : memref<632x128xf32, #tpu.memory_space<vmem_shared>>) target(%dma_start3A_18 : memref<632x128xf32, #tpu.memory_space<hbm>>) target_semaphore(%run_scoped3A : memref<!tpu.dma_semaphore, #tpu.memory_space<semaphore_mem>>)
      %dma_wait3A = arith.constant 0 : i32
      %dma_wait3A_21 = tpu.memref_slice %arg6[%arg0, %mul3A_2, %dma_wait3A] : memref<2x10112x128xf32, #tpu.memory_space<hbm>> -> memref<1x632x128xf32, #tpu.memory_space<hbm>>
      %dma_wait3A_22 = tpu.memref_squeeze %dma_wait3A_21 : memref<1x632x128xf32, #tpu.memory_space<hbm>> -> memref<632x128xf32, #tpu.memory_space<hbm>>
      %dma_wait3A_23 = arith.constant 0 : i32
      %dma_wait3A_24 = tpu.memref_slice %arg13[%mul3A_2, %dma_wait3A_23] : memref<10112x128xf32, #tpu.memory_space<vmem_shared>> -> memref<632x128xf32, #tpu.memory_space<vmem_shared>>
      tpu.wait_dma2 semaphore(%run_scoped3A : memref<!tpu.dma_semaphore, #tpu.memory_space<semaphore_mem>>) src(%dma_wait3A_24 : memref<632x128xf32, #tpu.memory_space<vmem_shared>>) dst(%dma_wait3A_22 : memref<632x128xf32, #tpu.memory_space<hbm>>)
      tpu.yield
    }) : () -> ()
    return
  }
}

#map = affine_map<(d0, d1) -> (0, 0)>
#map1 = affine_map<(d0, d1) -> (0, 0, 0)>
module attributes {stable_mosaic.version = 14 : i64} {
  func.func @body(%arg0: i32, %arg1: i32, %arg2: memref<10000x128xf32, #tpu.memory_space<hbm>>, %arg3: memref<32x304x64xi32, #tpu.memory_space<hbm>>, %arg4: memref<32x304x64xi32, #tpu.memory_space<hbm>>, %arg5: memref<10112x128xf32, #tpu.memory_space<hbm>>, %arg6: memref<2x10112x128xf32, #tpu.memory_space<hbm>>, %arg7: memref<16x64xi32, #tpu.memory_space<vmem>>, %arg8: memref<16x64xi32, #tpu.memory_space<vmem>>, %arg9: memref<64x128xf32, #tpu.memory_space<vmem>>, %arg10: memref<64x128xf32, #tpu.memory_space<vmem>>, %arg11: memref<64x128xf32, #tpu.memory_space<vmem>>, %arg12: memref<64x128xf32, #tpu.memory_space<vmem>>, %arg13: memref<10112x128xf32, #tpu.memory_space<vmem_shared>>, %arg14: memref<!tpu.dma_semaphore, #tpu.memory_space<semaphore_mem>>, %arg15: memref<!tpu.dma_semaphore, #tpu.memory_space<semaphore_mem>>, %arg16: memref<!tpu.dma_semaphore, #tpu.memory_space<semaphore_mem>>, %arg17: memref<!tpu.dma_semaphore, #tpu.memory_space<semaphore_mem>>, %arg18: memref<!tpu.dma_semaphore, #tpu.memory_space<semaphore_mem>>, %arg19: memref<!tpu.dma_semaphore, #tpu.memory_space<semaphore_mem>>, %arg20: memref<!tpu.dma_semaphore, #tpu.memory_space<semaphore_mem>>, %arg21: memref<!tpu.dma_semaphore, #tpu.memory_space<semaphore_mem>>) attributes {dimension_semantics = [#tpu.dimension_semantics<core_parallel>, #tpu.dimension_semantics<subcore_parallel>], iteration_bounds = array<i64: 2, 16>, scalar_prefetch = 0 : i64, scratch_operands = 15 : i64, tpu.core_type = #tpu.core_type<sc_vector_subcore>, window_params = [{transform_indices = #map}, {transform_indices = #map1}, {transform_indices = #map1}, {transform_indices = #map}, {transform_indices = #map1}]} {
    %mul3A = arith.constant 2 : i32
    %mul3A_0 = arith.muli %arg1, %mul3A : i32
    %add3A = arith.addi %mul3A_0, %arg0 : i32
    %mul3A_1 = arith.constant 632 : i32
    %mul3A_2 = arith.muli %arg1, %mul3A_1 : i32
    "tpu.region"() ({
      %run_scoped3A = tpu.sem_alloc : memref<!tpu.dma_semaphore, #tpu.memory_space<semaphore_mem>>
      %dma_start3A = arith.constant 0 : i32
      %dma_start3A_17 = tpu.memref_slice %arg13[%mul3A_2, %dma_start3A] : memref<10112x128xf32, #tpu.memory_space<vmem_shared>> -> memref<632x128xf32, #tpu.memory_space<vmem_shared>>
      %dma_start3A_18 = arith.constant 0 : i32
      %dma_start3A_19 = tpu.memref_slice %arg5[%mul3A_2, %dma_start3A_18] : memref<10112x128xf32, #tpu.memory_space<hbm>> -> memref<632x128xf32, #tpu.memory_space<hbm>>
      tpu.enqueue_dma source(%dma_start3A_19 : memref<632x128xf32, #tpu.memory_space<hbm>>) target(%dma_start3A_17 : memref<632x128xf32, #tpu.memory_space<vmem_shared>>) target_semaphore(%run_scoped3A : memref<!tpu.dma_semaphore, #tpu.memory_space<semaphore_mem>>)
      %dma_wait3A = arith.constant 0 : i32
      %dma_wait3A_20 = tpu.memref_slice %arg13[%mul3A_2, %dma_wait3A] : memref<10112x128xf32, #tpu.memory_space<vmem_shared>> -> memref<632x128xf32, #tpu.memory_space<vmem_shared>>
      %dma_wait3A_21 = arith.constant 0 : i32
      %dma_wait3A_22 = tpu.memref_slice %arg5[%mul3A_2, %dma_wait3A_21] : memref<10112x128xf32, #tpu.memory_space<hbm>> -> memref<632x128xf32, #tpu.memory_space<hbm>>
      tpu.wait_dma2 semaphore(%run_scoped3A : memref<!tpu.dma_semaphore, #tpu.memory_space<semaphore_mem>>) src(%dma_wait3A_22 : memref<632x128xf32, #tpu.memory_space<hbm>>) dst(%dma_wait3A_20 : memref<632x128xf32, #tpu.memory_space<vmem_shared>>)
      tpu.yield
    }) : () -> ()
    %barrier3A = arith.constant 0 : index
    tpu.barrier barrier_id(%barrier3A)
    %eq3A = arith.constant 0 : i32
    %eq3A_3 = arith.cmpi eq, %arg0, %eq3A : i32
    %jit3A = arith.constant 19 : i32
    %jit3A_4 = arith.constant 1 : i32
    %select_n3A = arith.select %eq3A_3, %jit3A, %jit3A_4 : i32
    %while3A = arith.constant 0 : i32
    %while3A_5 = arith.constant 0 : i32
    %while3A_6 = arith.subi %select_n3A, %while3A : i32
    %while3A_7 = arith.addi %while3A, %while3A_6 : i32
    %while3A_8 = arith.constant 1 : i32
    %while3A_9 = arith.divsi %while3A_6, %while3A_8 : i32
    %while3A_10 = arith.muli %while3A_9, %while3A_8 : i32
    %while3A_11 = arith.addi %while3A, %while3A_10 : i32
    %while3A_12 = arith.constant 1 : i32
    %while3A_13 = scf.for %while3A_17 = %while3A to %while3A_11 step %while3A_12 iter_args(%while3A_18 = %while3A_5) -> (i32)  : i32 {
      %mul3A_19 = arith.constant 16 : i32
      %mul3A_20 = arith.muli %while3A_17, %mul3A_19 : i32
      "tpu.region"() ({
        %run_scoped3A = tpu.sem_alloc : memref<!tpu.dma_semaphore, #tpu.memory_space<semaphore_mem>>
        %dma_start3A_470 = arith.constant 0 : i32
        %dma_start3A_471 = tpu.memref_slice %arg3[%add3A, %mul3A_20, %dma_start3A_470] : memref<32x304x64xi32, #tpu.memory_space<hbm>> -> memref<1x16x64xi32, #tpu.memory_space<hbm>>
        %dma_start3A_472 = tpu.memref_squeeze %dma_start3A_471 : memref<1x16x64xi32, #tpu.memory_space<hbm>> -> memref<16x64xi32, #tpu.memory_space<hbm>>
        %dma_start3A_473 = arith.constant 0 : i32
        %dma_start3A_474 = tpu.memref_slice %arg3[%add3A, %mul3A_20, %dma_start3A_473] : memref<32x304x64xi32, #tpu.memory_space<hbm>> -> memref<1x16x64xi32, #tpu.memory_space<hbm>>
        %dma_start3A_475 = tpu.memref_squeeze %dma_start3A_474 : memref<1x16x64xi32, #tpu.memory_space<hbm>> -> memref<16x64xi32, #tpu.memory_space<hbm>>
        tpu.enqueue_dma source(%dma_start3A_475 : memref<16x64xi32, #tpu.memory_space<hbm>>) target(%arg7 : memref<16x64xi32, #tpu.memory_space<vmem>>) target_semaphore(%run_scoped3A : memref<!tpu.dma_semaphore, #tpu.memory_space<semaphore_mem>>)
        %dma_wait3A_476 = arith.constant 0 : i32
        %dma_wait3A_477 = tpu.memref_slice %arg3[%add3A, %mul3A_20, %dma_wait3A_476] : memref<32x304x64xi32, #tpu.memory_space<hbm>> -> memref<1x16x64xi32, #tpu.memory_space<hbm>>
        %dma_wait3A_478 = tpu.memref_squeeze %dma_wait3A_477 : memref<1x16x64xi32, #tpu.memory_space<hbm>> -> memref<16x64xi32, #tpu.memory_space<hbm>>
        %dma_wait3A_479 = arith.constant 0 : i32
        %dma_wait3A_480 = tpu.memref_slice %arg3[%add3A, %mul3A_20, %dma_wait3A_479] : memref<32x304x64xi32, #tpu.memory_space<hbm>> -> memref<1x16x64xi32, #tpu.memory_space<hbm>>
        %dma_wait3A_481 = tpu.memref_squeeze %dma_wait3A_480 : memref<1x16x64xi32, #tpu.memory_space<hbm>> -> memref<16x64xi32, #tpu.memory_space<hbm>>
        tpu.wait_dma2 semaphore(%run_scoped3A : memref<!tpu.dma_semaphore, #tpu.memory_space<semaphore_mem>>) src(%dma_wait3A_481 : memref<16x64xi32, #tpu.memory_space<hbm>>) dst(%arg7 : memref<16x64xi32, #tpu.memory_space<vmem>>)
        tpu.yield
      }) : () -> ()
      %mul3A_21 = arith.constant 16 : i32
      %mul3A_22 = arith.muli %while3A_17, %mul3A_21 : i32
      "tpu.region"() ({
        %run_scoped3A = tpu.sem_alloc : memref<!tpu.dma_semaphore, #tpu.memory_space<semaphore_mem>>
        %dma_start3A_470 = arith.constant 0 : i32
        %dma_start3A_471 = tpu.memref_slice %arg4[%add3A, %mul3A_22, %dma_start3A_470] : memref<32x304x64xi32, #tpu.memory_space<hbm>> -> memref<1x16x64xi32, #tpu.memory_space<hbm>>
        %dma_start3A_472 = tpu.memref_squeeze %dma_start3A_471 : memref<1x16x64xi32, #tpu.memory_space<hbm>> -> memref<16x64xi32, #tpu.memory_space<hbm>>
        %dma_start3A_473 = arith.constant 0 : i32
        %dma_start3A_474 = tpu.memref_slice %arg4[%add3A, %mul3A_22, %dma_start3A_473] : memref<32x304x64xi32, #tpu.memory_space<hbm>> -> memref<1x16x64xi32, #tpu.memory_space<hbm>>
        %dma_start3A_475 = tpu.memref_squeeze %dma_start3A_474 : memref<1x16x64xi32, #tpu.memory_space<hbm>> -> memref<16x64xi32, #tpu.memory_space<hbm>>
        tpu.enqueue_dma source(%dma_start3A_475 : memref<16x64xi32, #tpu.memory_space<hbm>>) target(%arg8 : memref<16x64xi32, #tpu.memory_space<vmem>>) target_semaphore(%run_scoped3A : memref<!tpu.dma_semaphore, #tpu.memory_space<semaphore_mem>>)
        %dma_wait3A_476 = arith.constant 0 : i32
        %dma_wait3A_477 = tpu.memref_slice %arg4[%add3A, %mul3A_22, %dma_wait3A_476] : memref<32x304x64xi32, #tpu.memory_space<hbm>> -> memref<1x16x64xi32, #tpu.memory_space<hbm>>
        %dma_wait3A_478 = tpu.memref_squeeze %dma_wait3A_477 : memref<1x16x64xi32, #tpu.memory_space<hbm>> -> memref<16x64xi32, #tpu.memory_space<hbm>>
        %dma_wait3A_479 = arith.constant 0 : i32
        %dma_wait3A_480 = tpu.memref_slice %arg4[%add3A, %mul3A_22, %dma_wait3A_479] : memref<32x304x64xi32, #tpu.memory_space<hbm>> -> memref<1x16x64xi32, #tpu.memory_space<hbm>>
        %dma_wait3A_481 = tpu.memref_squeeze %dma_wait3A_480 : memref<1x16x64xi32, #tpu.memory_space<hbm>> -> memref<16x64xi32, #tpu.memory_space<hbm>>
        tpu.wait_dma2 semaphore(%run_scoped3A : memref<!tpu.dma_semaphore, #tpu.memory_space<semaphore_mem>>) src(%dma_wait3A_481 : memref<16x64xi32, #tpu.memory_space<hbm>>) dst(%arg8 : memref<16x64xi32, #tpu.memory_space<vmem>>)
        tpu.yield
      }) : () -> ()
      %dma_start3A = arith.constant 0 : i32
      %dma_start3A_23 = arith.constant 0 : i32
      %dma_start3A_24 = tpu.memref_slice %arg7[%dma_start3A, %dma_start3A_23] : memref<16x64xi32, #tpu.memory_space<vmem>> -> memref<1x64xi32, #tpu.memory_space<vmem>>
      %dma_start3A_25 = tpu.memref_squeeze %dma_start3A_24 : memref<1x64xi32, #tpu.memory_space<vmem>> -> memref<64xi32, #tpu.memory_space<vmem>>
      %dma_start3A_26 = arith.constant 0 : i32
      %dma_start3A_27 = arith.constant 0 : i32
      %dma_start3A_28 = tpu.memref_slice %arg2[%dma_start3A_26, %dma_start3A_27] : memref<10000x128xf32, #tpu.memory_space<hbm>> -> memref<10000x128xf32, #tpu.memory_space<hbm>>
      tpu.enqueue_indirect_dma source(%dma_start3A_28 : memref<10000x128xf32, #tpu.memory_space<hbm>>) target(%arg9 : memref<64x128xf32, #tpu.memory_space<vmem>>) offsets(%dma_start3A_25 : memref<64xi32, #tpu.memory_space<vmem>>) semaphore(%arg14 : memref<!tpu.dma_semaphore, #tpu.memory_space<semaphore_mem>>)
      %dma_start3A_29 = arith.constant 1 : i32
      %dma_start3A_30 = arith.constant 0 : i32
      %dma_start3A_31 = tpu.memref_slice %arg7[%dma_start3A_29, %dma_start3A_30] : memref<16x64xi32, #tpu.memory_space<vmem>> -> memref<1x64xi32, #tpu.memory_space<vmem>>
      %dma_start3A_32 = tpu.memref_squeeze %dma_start3A_31 : memref<1x64xi32, #tpu.memory_space<vmem>> -> memref<64xi32, #tpu.memory_space<vmem>>
      %dma_start3A_33 = arith.constant 0 : i32
      %dma_start3A_34 = arith.constant 0 : i32
      %dma_start3A_35 = tpu.memref_slice %arg2[%dma_start3A_33, %dma_start3A_34] : memref<10000x128xf32, #tpu.memory_space<hbm>> -> memref<10000x128xf32, #tpu.memory_space<hbm>>
      tpu.enqueue_indirect_dma source(%dma_start3A_35 : memref<10000x128xf32, #tpu.memory_space<hbm>>) target(%arg10 : memref<64x128xf32, #tpu.memory_space<vmem>>) offsets(%dma_start3A_32 : memref<64xi32, #tpu.memory_space<vmem>>) semaphore(%arg15 : memref<!tpu.dma_semaphore, #tpu.memory_space<semaphore_mem>>)
      %dma_start3A_36 = arith.constant 2 : i32
      %dma_start3A_37 = arith.constant 0 : i32
      %dma_start3A_38 = tpu.memref_slice %arg7[%dma_start3A_36, %dma_start3A_37] : memref<16x64xi32, #tpu.memory_space<vmem>> -> memref<1x64xi32, #tpu.memory_space<vmem>>
      %dma_start3A_39 = tpu.memref_squeeze %dma_start3A_38 : memref<1x64xi32, #tpu.memory_space<vmem>> -> memref<64xi32, #tpu.memory_space<vmem>>
      %dma_start3A_40 = arith.constant 0 : i32
      %dma_start3A_41 = arith.constant 0 : i32
      %dma_start3A_42 = tpu.memref_slice %arg2[%dma_start3A_40, %dma_start3A_41] : memref<10000x128xf32, #tpu.memory_space<hbm>> -> memref<10000x128xf32, #tpu.memory_space<hbm>>
      tpu.enqueue_indirect_dma source(%dma_start3A_42 : memref<10000x128xf32, #tpu.memory_space<hbm>>) target(%arg11 : memref<64x128xf32, #tpu.memory_space<vmem>>) offsets(%dma_start3A_39 : memref<64xi32, #tpu.memory_space<vmem>>) semaphore(%arg16 : memref<!tpu.dma_semaphore, #tpu.memory_space<semaphore_mem>>)
      %dma_wait3A = arith.constant 0 : i32
      %dma_wait3A_43 = arith.constant 0 : i32
      %dma_wait3A_44 = tpu.memref_slice %arg7[%dma_wait3A, %dma_wait3A_43] : memref<16x64xi32, #tpu.memory_space<vmem>> -> memref<1x64xi32, #tpu.memory_space<vmem>>
      %dma_wait3A_45 = tpu.memref_squeeze %dma_wait3A_44 : memref<1x64xi32, #tpu.memory_space<vmem>> -> memref<64xi32, #tpu.memory_space<vmem>>
      %dma_wait3A_46 = arith.constant 0 : i32
      %dma_wait3A_47 = arith.constant 0 : i32
      %dma_wait3A_48 = tpu.memref_slice %arg2[%dma_wait3A_46, %dma_wait3A_47] : memref<10000x128xf32, #tpu.memory_space<hbm>> -> memref<10000x128xf32, #tpu.memory_space<hbm>>
      tpu.wait_indirect_dma semaphore(%arg14 : memref<!tpu.dma_semaphore, #tpu.memory_space<semaphore_mem>>) src(%dma_wait3A_48 : memref<10000x128xf32, #tpu.memory_space<hbm>>) dst(%arg9 : memref<64x128xf32, #tpu.memory_space<vmem>>)
      %dma_start3A_49 = arith.constant 3 : i32
      %dma_start3A_50 = arith.constant 0 : i32
      %dma_start3A_51 = tpu.memref_slice %arg7[%dma_start3A_49, %dma_start3A_50] : memref<16x64xi32, #tpu.memory_space<vmem>> -> memref<1x64xi32, #tpu.memory_space<vmem>>
      %dma_start3A_52 = tpu.memref_squeeze %dma_start3A_51 : memref<1x64xi32, #tpu.memory_space<vmem>> -> memref<64xi32, #tpu.memory_space<vmem>>
      %dma_start3A_53 = arith.constant 0 : i32
      %dma_start3A_54 = arith.constant 0 : i32
      %dma_start3A_55 = tpu.memref_slice %arg2[%dma_start3A_53, %dma_start3A_54] : memref<10000x128xf32, #tpu.memory_space<hbm>> -> memref<10000x128xf32, #tpu.memory_space<hbm>>
      tpu.enqueue_indirect_dma source(%dma_start3A_55 : memref<10000x128xf32, #tpu.memory_space<hbm>>) target(%arg12 : memref<64x128xf32, #tpu.memory_space<vmem>>) offsets(%dma_start3A_52 : memref<64xi32, #tpu.memory_space<vmem>>) semaphore(%arg17 : memref<!tpu.dma_semaphore, #tpu.memory_space<semaphore_mem>>)
      %dma_start3A_56 = arith.constant 0 : i32
      %dma_start3A_57 = arith.constant 0 : i32
      %dma_start3A_58 = tpu.memref_slice %arg8[%dma_start3A_56, %dma_start3A_57] : memref<16x64xi32, #tpu.memory_space<vmem>> -> memref<1x64xi32, #tpu.memory_space<vmem>>
      %dma_start3A_59 = tpu.memref_squeeze %dma_start3A_58 : memref<1x64xi32, #tpu.memory_space<vmem>> -> memref<64xi32, #tpu.memory_space<vmem>>
      %dma_start3A_60 = arith.constant 0 : i32
      %dma_start3A_61 = arith.constant 0 : i32
      %dma_start3A_62 = tpu.memref_slice %arg13[%dma_start3A_60, %dma_start3A_61] : memref<10112x128xf32, #tpu.memory_space<vmem_shared>> -> memref<10112x128xf32, #tpu.memory_space<vmem_shared>>
      tpu.enqueue_indirect_dma source(%arg9 : memref<64x128xf32, #tpu.memory_space<vmem>>) target(%dma_start3A_62 : memref<10112x128xf32, #tpu.memory_space<vmem_shared>>) offsets(%dma_start3A_59 : memref<64xi32, #tpu.memory_space<vmem>>) semaphore(%arg18 : memref<!tpu.dma_semaphore, #tpu.memory_space<semaphore_mem>>) {add = true}
      %dma_wait3A_63 = arith.constant 1 : i32
      %dma_wait3A_64 = arith.constant 0 : i32
      %dma_wait3A_65 = tpu.memref_slice %arg7[%dma_wait3A_63, %dma_wait3A_64] : memref<16x64xi32, #tpu.memory_space<vmem>> -> memref<1x64xi32, #tpu.memory_space<vmem>>
      %dma_wait3A_66 = tpu.memref_squeeze %dma_wait3A_65 : memref<1x64xi32, #tpu.memory_space<vmem>> -> memref<64xi32, #tpu.memory_space<vmem>>
      %dma_wait3A_67 = arith.constant 0 : i32
      %dma_wait3A_68 = arith.constant 0 : i32
      %dma_wait3A_69 = tpu.memref_slice %arg2[%dma_wait3A_67, %dma_wait3A_68] : memref<10000x128xf32, #tpu.memory_space<hbm>> -> memref<10000x128xf32, #tpu.memory_space<hbm>>
      tpu.wait_indirect_dma semaphore(%arg15 : memref<!tpu.dma_semaphore, #tpu.memory_space<semaphore_mem>>) src(%dma_wait3A_69 : memref<10000x128xf32, #tpu.memory_space<hbm>>) dst(%arg10 : memref<64x128xf32, #tpu.memory_space<vmem>>)
      %dma_wait3A_70 = arith.constant 0 : i32
      %dma_wait3A_71 = arith.constant 0 : i32
      %dma_wait3A_72 = tpu.memref_slice %arg8[%dma_wait3A_70, %dma_wait3A_71] : memref<16x64xi32, #tpu.memory_space<vmem>> -> memref<1x64xi32, #tpu.memory_space<vmem>>
      %dma_wait3A_73 = tpu.memref_squeeze %dma_wait3A_72 : memref<1x64xi32, #tpu.memory_space<vmem>> -> memref<64xi32, #tpu.memory_space<vmem>>
      %dma_wait3A_74 = arith.constant 0 : i32
      %dma_wait3A_75 = arith.constant 0 : i32
      %dma_wait3A_76 = tpu.memref_slice %arg13[%dma_wait3A_74, %dma_wait3A_75] : memref<10112x128xf32, #tpu.memory_space<vmem_shared>> -> memref<10112x128xf32, #tpu.memory_space<vmem_shared>>
      tpu.wait_indirect_dma semaphore(%arg18 : memref<!tpu.dma_semaphore, #tpu.memory_space<semaphore_mem>>) src(%arg9 : memref<64x128xf32, #tpu.memory_space<vmem>>) dst(%dma_wait3A_76 : memref<10112x128xf32, #tpu.memory_space<vmem_shared>>)
      %dma_start3A_77 = arith.constant 4 : i32
      %dma_start3A_78 = arith.constant 0 : i32
      %dma_start3A_79 = tpu.memref_slice %arg7[%dma_start3A_77, %dma_start3A_78] : memref<16x64xi32, #tpu.memory_space<vmem>> -> memref<1x64xi32, #tpu.memory_space<vmem>>
      %dma_start3A_80 = tpu.memref_squeeze %dma_start3A_79 : memref<1x64xi32, #tpu.memory_space<vmem>> -> memref<64xi32, #tpu.memory_space<vmem>>
      %dma_start3A_81 = arith.constant 0 : i32
      %dma_start3A_82 = arith.constant 0 : i32
      %dma_start3A_83 = tpu.memref_slice %arg2[%dma_start3A_81, %dma_start3A_82] : memref<10000x128xf32, #tpu.memory_space<hbm>> -> memref<10000x128xf32, #tpu.memory_space<hbm>>
      tpu.enqueue_indirect_dma source(%dma_start3A_83 : memref<10000x128xf32, #tpu.memory_space<hbm>>) target(%arg9 : memref<64x128xf32, #tpu.memory_space<vmem>>) offsets(%dma_start3A_80 : memref<64xi32, #tpu.memory_space<vmem>>) semaphore(%arg14 : memref<!tpu.dma_semaphore, #tpu.memory_space<semaphore_mem>>)
      %dma_start3A_84 = arith.constant 1 : i32
      %dma_start3A_85 = arith.constant 0 : i32
      %dma_start3A_86 = tpu.memref_slice %arg8[%dma_start3A_84, %dma_start3A_85] : memref<16x64xi32, #tpu.memory_space<vmem>> -> memref<1x64xi32, #tpu.memory_space<vmem>>
      %dma_start3A_87 = tpu.memref_squeeze %dma_start3A_86 : memref<1x64xi32, #tpu.memory_space<vmem>> -> memref<64xi32, #tpu.memory_space<vmem>>
      %dma_start3A_88 = arith.constant 0 : i32
      %dma_start3A_89 = arith.constant 0 : i32
      %dma_start3A_90 = tpu.memref_slice %arg13[%dma_start3A_88, %dma_start3A_89] : memref<10112x128xf32, #tpu.memory_space<vmem_shared>> -> memref<10112x128xf32, #tpu.memory_space<vmem_shared>>
      tpu.enqueue_indirect_dma source(%arg10 : memref<64x128xf32, #tpu.memory_space<vmem>>) target(%dma_start3A_90 : memref<10112x128xf32, #tpu.memory_space<vmem_shared>>) offsets(%dma_start3A_87 : memref<64xi32, #tpu.memory_space<vmem>>) semaphore(%arg19 : memref<!tpu.dma_semaphore, #tpu.memory_space<semaphore_mem>>) {add = true}
      %dma_wait3A_91 = arith.constant 2 : i32
      %dma_wait3A_92 = arith.constant 0 : i32
      %dma_wait3A_93 = tpu.memref_slice %arg7[%dma_wait3A_91, %dma_wait3A_92] : memref<16x64xi32, #tpu.memory_space<vmem>> -> memref<1x64xi32, #tpu.memory_space<vmem>>
      %dma_wait3A_94 = tpu.memref_squeeze %dma_wait3A_93 : memref<1x64xi32, #tpu.memory_space<vmem>> -> memref<64xi32, #tpu.memory_space<vmem>>
      %dma_wait3A_95 = arith.constant 0 : i32
      %dma_wait3A_96 = arith.constant 0 : i32
      %dma_wait3A_97 = tpu.memref_slice %arg2[%dma_wait3A_95, %dma_wait3A_96] : memref<10000x128xf32, #tpu.memory_space<hbm>> -> memref<10000x128xf32, #tpu.memory_space<hbm>>
      tpu.wait_indirect_dma semaphore(%arg16 : memref<!tpu.dma_semaphore, #tpu.memory_space<semaphore_mem>>) src(%dma_wait3A_97 : memref<10000x128xf32, #tpu.memory_space<hbm>>) dst(%arg11 : memref<64x128xf32, #tpu.memory_space<vmem>>)
      %dma_wait3A_98 = arith.constant 1 : i32
      %dma_wait3A_99 = arith.constant 0 : i32
      %dma_wait3A_100 = tpu.memref_slice %arg8[%dma_wait3A_98, %dma_wait3A_99] : memref<16x64xi32, #tpu.memory_space<vmem>> -> memref<1x64xi32, #tpu.memory_space<vmem>>
      %dma_wait3A_101 = tpu.memref_squeeze %dma_wait3A_100 : memref<1x64xi32, #tpu.memory_space<vmem>> -> memref<64xi32, #tpu.memory_space<vmem>>
      %dma_wait3A_102 = arith.constant 0 : i32
      %dma_wait3A_103 = arith.constant 0 : i32
      %dma_wait3A_104 = tpu.memref_slice %arg13[%dma_wait3A_102, %dma_wait3A_103] : memref<10112x128xf32, #tpu.memory_space<vmem_shared>> -> memref<10112x128xf32, #tpu.memory_space<vmem_shared>>
      tpu.wait_indirect_dma semaphore(%arg19 : memref<!tpu.dma_semaphore, #tpu.memory_space<semaphore_mem>>) src(%arg10 : memref<64x128xf32, #tpu.memory_space<vmem>>) dst(%dma_wait3A_104 : memref<10112x128xf32, #tpu.memory_space<vmem_shared>>)
      %dma_start3A_105 = arith.constant 5 : i32
      %dma_start3A_106 = arith.constant 0 : i32
      %dma_start3A_107 = tpu.memref_slice %arg7[%dma_start3A_105, %dma_start3A_106] : memref<16x64xi32, #tpu.memory_space<vmem>> -> memref<1x64xi32, #tpu.memory_space<vmem>>
      %dma_start3A_108 = tpu.memref_squeeze %dma_start3A_107 : memref<1x64xi32, #tpu.memory_space<vmem>> -> memref<64xi32, #tpu.memory_space<vmem>>
      %dma_start3A_109 = arith.constant 0 : i32
      %dma_start3A_110 = arith.constant 0 : i32
      %dma_start3A_111 = tpu.memref_slice %arg2[%dma_start3A_109, %dma_start3A_110] : memref<10000x128xf32, #tpu.memory_space<hbm>> -> memref<10000x128xf32, #tpu.memory_space<hbm>>
      tpu.enqueue_indirect_dma source(%dma_start3A_111 : memref<10000x128xf32, #tpu.memory_space<hbm>>) target(%arg10 : memref<64x128xf32, #tpu.memory_space<vmem>>) offsets(%dma_start3A_108 : memref<64xi32, #tpu.memory_space<vmem>>) semaphore(%arg15 : memref<!tpu.dma_semaphore, #tpu.memory_space<semaphore_mem>>)
      %dma_start3A_112 = arith.constant 2 : i32
      %dma_start3A_113 = arith.constant 0 : i32
      %dma_start3A_114 = tpu.memref_slice %arg8[%dma_start3A_112, %dma_start3A_113] : memref<16x64xi32, #tpu.memory_space<vmem>> -> memref<1x64xi32, #tpu.memory_space<vmem>>
      %dma_start3A_115 = tpu.memref_squeeze %dma_start3A_114 : memref<1x64xi32, #tpu.memory_space<vmem>> -> memref<64xi32, #tpu.memory_space<vmem>>
      %dma_start3A_116 = arith.constant 0 : i32
      %dma_start3A_117 = arith.constant 0 : i32
      %dma_start3A_118 = tpu.memref_slice %arg13[%dma_start3A_116, %dma_start3A_117] : memref<10112x128xf32, #tpu.memory_space<vmem_shared>> -> memref<10112x128xf32, #tpu.memory_space<vmem_shared>>
      tpu.enqueue_indirect_dma source(%arg11 : memref<64x128xf32, #tpu.memory_space<vmem>>) target(%dma_start3A_118 : memref<10112x128xf32, #tpu.memory_space<vmem_shared>>) offsets(%dma_start3A_115 : memref<64xi32, #tpu.memory_space<vmem>>) semaphore(%arg20 : memref<!tpu.dma_semaphore, #tpu.memory_space<semaphore_mem>>) {add = true}
      %dma_wait3A_119 = arith.constant 3 : i32
      %dma_wait3A_120 = arith.constant 0 : i32
      %dma_wait3A_121 = tpu.memref_slice %arg7[%dma_wait3A_119, %dma_wait3A_120] : memref<16x64xi32, #tpu.memory_space<vmem>> -> memref<1x64xi32, #tpu.memory_space<vmem>>
      %dma_wait3A_122 = tpu.memref_squeeze %dma_wait3A_121 : memref<1x64xi32, #tpu.memory_space<vmem>> -> memref<64xi32, #tpu.memory_space<vmem>>
      %dma_wait3A_123 = arith.constant 0 : i32
      %dma_wait3A_124 = arith.constant 0 : i32
      %dma_wait3A_125 = tpu.memref_slice %arg2[%dma_wait3A_123, %dma_wait3A_124] : memref<10000x128xf32, #tpu.memory_space<hbm>> -> memref<10000x128xf32, #tpu.memory_space<hbm>>
      tpu.wait_indirect_dma semaphore(%arg17 : memref<!tpu.dma_semaphore, #tpu.memory_space<semaphore_mem>>) src(%dma_wait3A_125 : memref<10000x128xf32, #tpu.memory_space<hbm>>) dst(%arg12 : memref<64x128xf32, #tpu.memory_space<vmem>>)
      %dma_wait3A_126 = arith.constant 2 : i32
      %dma_wait3A_127 = arith.constant 0 : i32
      %dma_wait3A_128 = tpu.memref_slice %arg8[%dma_wait3A_126, %dma_wait3A_127] : memref<16x64xi32, #tpu.memory_space<vmem>> -> memref<1x64xi32, #tpu.memory_space<vmem>>
      %dma_wait3A_129 = tpu.memref_squeeze %dma_wait3A_128 : memref<1x64xi32, #tpu.memory_space<vmem>> -> memref<64xi32, #tpu.memory_space<vmem>>
      %dma_wait3A_130 = arith.constant 0 : i32
      %dma_wait3A_131 = arith.constant 0 : i32
      %dma_wait3A_132 = tpu.memref_slice %arg13[%dma_wait3A_130, %dma_wait3A_131] : memref<10112x128xf32, #tpu.memory_space<vmem_shared>> -> memref<10112x128xf32, #tpu.memory_space<vmem_shared>>
      tpu.wait_indirect_dma semaphore(%arg20 : memref<!tpu.dma_semaphore, #tpu.memory_space<semaphore_mem>>) src(%arg11 : memref<64x128xf32, #tpu.memory_space<vmem>>) dst(%dma_wait3A_132 : memref<10112x128xf32, #tpu.memory_space<vmem_shared>>)
      %dma_start3A_133 = arith.constant 6 : i32
      %dma_start3A_134 = arith.constant 0 : i32
      %dma_start3A_135 = tpu.memref_slice %arg7[%dma_start3A_133, %dma_start3A_134] : memref<16x64xi32, #tpu.memory_space<vmem>> -> memref<1x64xi32, #tpu.memory_space<vmem>>
      %dma_start3A_136 = tpu.memref_squeeze %dma_start3A_135 : memref<1x64xi32, #tpu.memory_space<vmem>> -> memref<64xi32, #tpu.memory_space<vmem>>
      %dma_start3A_137 = arith.constant 0 : i32
      %dma_start3A_138 = arith.constant 0 : i32
      %dma_start3A_139 = tpu.memref_slice %arg2[%dma_start3A_137, %dma_start3A_138] : memref<10000x128xf32, #tpu.memory_space<hbm>> -> memref<10000x128xf32, #tpu.memory_space<hbm>>
      tpu.enqueue_indirect_dma source(%dma_start3A_139 : memref<10000x128xf32, #tpu.memory_space<hbm>>) target(%arg11 : memref<64x128xf32, #tpu.memory_space<vmem>>) offsets(%dma_start3A_136 : memref<64xi32, #tpu.memory_space<vmem>>) semaphore(%arg16 : memref<!tpu.dma_semaphore, #tpu.memory_space<semaphore_mem>>)
      %dma_start3A_140 = arith.constant 3 : i32
      %dma_start3A_141 = arith.constant 0 : i32
      %dma_start3A_142 = tpu.memref_slice %arg8[%dma_start3A_140, %dma_start3A_141] : memref<16x64xi32, #tpu.memory_space<vmem>> -> memref<1x64xi32, #tpu.memory_space<vmem>>
      %dma_start3A_143 = tpu.memref_squeeze %dma_start3A_142 : memref<1x64xi32, #tpu.memory_space<vmem>> -> memref<64xi32, #tpu.memory_space<vmem>>
      %dma_start3A_144 = arith.constant 0 : i32
      %dma_start3A_145 = arith.constant 0 : i32
      %dma_start3A_146 = tpu.memref_slice %arg13[%dma_start3A_144, %dma_start3A_145] : memref<10112x128xf32, #tpu.memory_space<vmem_shared>> -> memref<10112x128xf32, #tpu.memory_space<vmem_shared>>
      tpu.enqueue_indirect_dma source(%arg12 : memref<64x128xf32, #tpu.memory_space<vmem>>) target(%dma_start3A_146 : memref<10112x128xf32, #tpu.memory_space<vmem_shared>>) offsets(%dma_start3A_143 : memref<64xi32, #tpu.memory_space<vmem>>) semaphore(%arg21 : memref<!tpu.dma_semaphore, #tpu.memory_space<semaphore_mem>>) {add = true}
      %dma_wait3A_147 = arith.constant 4 : i32
      %dma_wait3A_148 = arith.constant 0 : i32
      %dma_wait3A_149 = tpu.memref_slice %arg7[%dma_wait3A_147, %dma_wait3A_148] : memref<16x64xi32, #tpu.memory_space<vmem>> -> memref<1x64xi32, #tpu.memory_space<vmem>>
      %dma_wait3A_150 = tpu.memref_squeeze %dma_wait3A_149 : memref<1x64xi32, #tpu.memory_space<vmem>> -> memref<64xi32, #tpu.memory_space<vmem>>
      %dma_wait3A_151 = arith.constant 0 : i32
      %dma_wait3A_152 = arith.constant 0 : i32
      %dma_wait3A_153 = tpu.memref_slice %arg2[%dma_wait3A_151, %dma_wait3A_152] : memref<10000x128xf32, #tpu.memory_space<hbm>> -> memref<10000x128xf32, #tpu.memory_space<hbm>>
      tpu.wait_indirect_dma semaphore(%arg14 : memref<!tpu.dma_semaphore, #tpu.memory_space<semaphore_mem>>) src(%dma_wait3A_153 : memref<10000x128xf32, #tpu.memory_space<hbm>>) dst(%arg9 : memref<64x128xf32, #tpu.memory_space<vmem>>)
      %dma_wait3A_154 = arith.constant 3 : i32
      %dma_wait3A_155 = arith.constant 0 : i32
      %dma_wait3A_156 = tpu.memref_slice %arg8[%dma_wait3A_154, %dma_wait3A_155] : memref<16x64xi32, #tpu.memory_space<vmem>> -> memref<1x64xi32, #tpu.memory_space<vmem>>
      %dma_wait3A_157 = tpu.memref_squeeze %dma_wait3A_156 : memref<1x64xi32, #tpu.memory_space<vmem>> -> memref<64xi32, #tpu.memory_space<vmem>>
      %dma_wait3A_158 = arith.constant 0 : i32
      %dma_wait3A_159 = arith.constant 0 : i32
      %dma_wait3A_160 = tpu.memref_slice %arg13[%dma_wait3A_158, %dma_wait3A_159] : memref<10112x128xf32, #tpu.memory_space<vmem_shared>> -> memref<10112x128xf32, #tpu.memory_space<vmem_shared>>
      tpu.wait_indirect_dma semaphore(%arg21 : memref<!tpu.dma_semaphore, #tpu.memory_space<semaphore_mem>>) src(%arg12 : memref<64x128xf32, #tpu.memory_space<vmem>>) dst(%dma_wait3A_160 : memref<10112x128xf32, #tpu.memory_space<vmem_shared>>)
      %dma_start3A_161 = arith.constant 7 : i32
      %dma_start3A_162 = arith.constant 0 : i32
      %dma_start3A_163 = tpu.memref_slice %arg7[%dma_start3A_161, %dma_start3A_162] : memref<16x64xi32, #tpu.memory_space<vmem>> -> memref<1x64xi32, #tpu.memory_space<vmem>>
      %dma_start3A_164 = tpu.memref_squeeze %dma_start3A_163 : memref<1x64xi32, #tpu.memory_space<vmem>> -> memref<64xi32, #tpu.memory_space<vmem>>
      %dma_start3A_165 = arith.constant 0 : i32
      %dma_start3A_166 = arith.constant 0 : i32
      %dma_start3A_167 = tpu.memref_slice %arg2[%dma_start3A_165, %dma_start3A_166] : memref<10000x128xf32, #tpu.memory_space<hbm>> -> memref<10000x128xf32, #tpu.memory_space<hbm>>
      tpu.enqueue_indirect_dma source(%dma_start3A_167 : memref<10000x128xf32, #tpu.memory_space<hbm>>) target(%arg12 : memref<64x128xf32, #tpu.memory_space<vmem>>) offsets(%dma_start3A_164 : memref<64xi32, #tpu.memory_space<vmem>>) semaphore(%arg17 : memref<!tpu.dma_semaphore, #tpu.memory_space<semaphore_mem>>)
      %dma_start3A_168 = arith.constant 4 : i32
      %dma_start3A_169 = arith.constant 0 : i32
      %dma_start3A_170 = tpu.memref_slice %arg8[%dma_start3A_168, %dma_start3A_169] : memref<16x64xi32, #tpu.memory_space<vmem>> -> memref<1x64xi32, #tpu.memory_space<vmem>>
      %dma_start3A_171 = tpu.memref_squeeze %dma_start3A_170 : memref<1x64xi32, #tpu.memory_space<vmem>> -> memref<64xi32, #tpu.memory_space<vmem>>
      %dma_start3A_172 = arith.constant 0 : i32
      %dma_start3A_173 = arith.constant 0 : i32
      %dma_start3A_174 = tpu.memref_slice %arg13[%dma_start3A_172, %dma_start3A_173] : memref<10112x128xf32, #tpu.memory_space<vmem_shared>> -> memref<10112x128xf32, #tpu.memory_space<vmem_shared>>
      tpu.enqueue_indirect_dma source(%arg9 : memref<64x128xf32, #tpu.memory_space<vmem>>) target(%dma_start3A_174 : memref<10112x128xf32, #tpu.memory_space<vmem_shared>>) offsets(%dma_start3A_171 : memref<64xi32, #tpu.memory_space<vmem>>) semaphore(%arg18 : memref<!tpu.dma_semaphore, #tpu.memory_space<semaphore_mem>>) {add = true}
      %dma_wait3A_175 = arith.constant 5 : i32
      %dma_wait3A_176 = arith.constant 0 : i32
      %dma_wait3A_177 = tpu.memref_slice %arg7[%dma_wait3A_175, %dma_wait3A_176] : memref<16x64xi32, #tpu.memory_space<vmem>> -> memref<1x64xi32, #tpu.memory_space<vmem>>
      %dma_wait3A_178 = tpu.memref_squeeze %dma_wait3A_177 : memref<1x64xi32, #tpu.memory_space<vmem>> -> memref<64xi32, #tpu.memory_space<vmem>>
      %dma_wait3A_179 = arith.constant 0 : i32
      %dma_wait3A_180 = arith.constant 0 : i32
      %dma_wait3A_181 = tpu.memref_slice %arg2[%dma_wait3A_179, %dma_wait3A_180] : memref<10000x128xf32, #tpu.memory_space<hbm>> -> memref<10000x128xf32, #tpu.memory_space<hbm>>
      tpu.wait_indirect_dma semaphore(%arg15 : memref<!tpu.dma_semaphore, #tpu.memory_space<semaphore_mem>>) src(%dma_wait3A_181 : memref<10000x128xf32, #tpu.memory_space<hbm>>) dst(%arg10 : memref<64x128xf32, #tpu.memory_space<vmem>>)
      %dma_wait3A_182 = arith.constant 4 : i32
      %dma_wait3A_183 = arith.constant 0 : i32
      %dma_wait3A_184 = tpu.memref_slice %arg8[%dma_wait3A_182, %dma_wait3A_183] : memref<16x64xi32, #tpu.memory_space<vmem>> -> memref<1x64xi32, #tpu.memory_space<vmem>>
      %dma_wait3A_185 = tpu.memref_squeeze %dma_wait3A_184 : memref<1x64xi32, #tpu.memory_space<vmem>> -> memref<64xi32, #tpu.memory_space<vmem>>
      %dma_wait3A_186 = arith.constant 0 : i32
      %dma_wait3A_187 = arith.constant 0 : i32
      %dma_wait3A_188 = tpu.memref_slice %arg13[%dma_wait3A_186, %dma_wait3A_187] : memref<10112x128xf32, #tpu.memory_space<vmem_shared>> -> memref<10112x128xf32, #tpu.memory_space<vmem_shared>>
      tpu.wait_indirect_dma semaphore(%arg18 : memref<!tpu.dma_semaphore, #tpu.memory_space<semaphore_mem>>) src(%arg9 : memref<64x128xf32, #tpu.memory_space<vmem>>) dst(%dma_wait3A_188 : memref<10112x128xf32, #tpu.memory_space<vmem_shared>>)
      %dma_start3A_189 = arith.constant 8 : i32
      %dma_start3A_190 = arith.constant 0 : i32
      %dma_start3A_191 = tpu.memref_slice %arg7[%dma_start3A_189, %dma_start3A_190] : memref<16x64xi32, #tpu.memory_space<vmem>> -> memref<1x64xi32, #tpu.memory_space<vmem>>
      %dma_start3A_192 = tpu.memref_squeeze %dma_start3A_191 : memref<1x64xi32, #tpu.memory_space<vmem>> -> memref<64xi32, #tpu.memory_space<vmem>>
      %dma_start3A_193 = arith.constant 0 : i32
      %dma_start3A_194 = arith.constant 0 : i32
      %dma_start3A_195 = tpu.memref_slice %arg2[%dma_start3A_193, %dma_start3A_194] : memref<10000x128xf32, #tpu.memory_space<hbm>> -> memref<10000x128xf32, #tpu.memory_space<hbm>>
      tpu.enqueue_indirect_dma source(%dma_start3A_195 : memref<10000x128xf32, #tpu.memory_space<hbm>>) target(%arg9 : memref<64x128xf32, #tpu.memory_space<vmem>>) offsets(%dma_start3A_192 : memref<64xi32, #tpu.memory_space<vmem>>) semaphore(%arg14 : memref<!tpu.dma_semaphore, #tpu.memory_space<semaphore_mem>>)
      %dma_start3A_196 = arith.constant 5 : i32
      %dma_start3A_197 = arith.constant 0 : i32
      %dma_start3A_198 = tpu.memref_slice %arg8[%dma_start3A_196, %dma_start3A_197] : memref<16x64xi32, #tpu.memory_space<vmem>> -> memref<1x64xi32, #tpu.memory_space<vmem>>
      %dma_start3A_199 = tpu.memref_squeeze %dma_start3A_198 : memref<1x64xi32, #tpu.memory_space<vmem>> -> memref<64xi32, #tpu.memory_space<vmem>>
      %dma_start3A_200 = arith.constant 0 : i32
      %dma_start3A_201 = arith.constant 0 : i32
      %dma_start3A_202 = tpu.memref_slice %arg13[%dma_start3A_200, %dma_start3A_201] : memref<10112x128xf32, #tpu.memory_space<vmem_shared>> -> memref<10112x128xf32, #tpu.memory_space<vmem_shared>>
      tpu.enqueue_indirect_dma source(%arg10 : memref<64x128xf32, #tpu.memory_space<vmem>>) target(%dma_start3A_202 : memref<10112x128xf32, #tpu.memory_space<vmem_shared>>) offsets(%dma_start3A_199 : memref<64xi32, #tpu.memory_space<vmem>>) semaphore(%arg19 : memref<!tpu.dma_semaphore, #tpu.memory_space<semaphore_mem>>) {add = true}
      %dma_wait3A_203 = arith.constant 6 : i32
      %dma_wait3A_204 = arith.constant 0 : i32
      %dma_wait3A_205 = tpu.memref_slice %arg7[%dma_wait3A_203, %dma_wait3A_204] : memref<16x64xi32, #tpu.memory_space<vmem>> -> memref<1x64xi32, #tpu.memory_space<vmem>>
      %dma_wait3A_206 = tpu.memref_squeeze %dma_wait3A_205 : memref<1x64xi32, #tpu.memory_space<vmem>> -> memref<64xi32, #tpu.memory_space<vmem>>
      %dma_wait3A_207 = arith.constant 0 : i32
      %dma_wait3A_208 = arith.constant 0 : i32
      %dma_wait3A_209 = tpu.memref_slice %arg2[%dma_wait3A_207, %dma_wait3A_208] : memref<10000x128xf32, #tpu.memory_space<hbm>> -> memref<10000x128xf32, #tpu.memory_space<hbm>>
      tpu.wait_indirect_dma semaphore(%arg16 : memref<!tpu.dma_semaphore, #tpu.memory_space<semaphore_mem>>) src(%dma_wait3A_209 : memref<10000x128xf32, #tpu.memory_space<hbm>>) dst(%arg11 : memref<64x128xf32, #tpu.memory_space<vmem>>)
      %dma_wait3A_210 = arith.constant 5 : i32
      %dma_wait3A_211 = arith.constant 0 : i32
      %dma_wait3A_212 = tpu.memref_slice %arg8[%dma_wait3A_210, %dma_wait3A_211] : memref<16x64xi32, #tpu.memory_space<vmem>> -> memref<1x64xi32, #tpu.memory_space<vmem>>
      %dma_wait3A_213 = tpu.memref_squeeze %dma_wait3A_212 : memref<1x64xi32, #tpu.memory_space<vmem>> -> memref<64xi32, #tpu.memory_space<vmem>>
      %dma_wait3A_214 = arith.constant 0 : i32
      %dma_wait3A_215 = arith.constant 0 : i32
      %dma_wait3A_216 = tpu.memref_slice %arg13[%dma_wait3A_214, %dma_wait3A_215] : memref<10112x128xf32, #tpu.memory_space<vmem_shared>> -> memref<10112x128xf32, #tpu.memory_space<vmem_shared>>
      tpu.wait_indirect_dma semaphore(%arg19 : memref<!tpu.dma_semaphore, #tpu.memory_space<semaphore_mem>>) src(%arg10 : memref<64x128xf32, #tpu.memory_space<vmem>>) dst(%dma_wait3A_216 : memref<10112x128xf32, #tpu.memory_space<vmem_shared>>)
      %dma_start3A_217 = arith.constant 9 : i32
      %dma_start3A_218 = arith.constant 0 : i32
      %dma_start3A_219 = tpu.memref_slice %arg7[%dma_start3A_217, %dma_start3A_218] : memref<16x64xi32, #tpu.memory_space<vmem>> -> memref<1x64xi32, #tpu.memory_space<vmem>>
      %dma_start3A_220 = tpu.memref_squeeze %dma_start3A_219 : memref<1x64xi32, #tpu.memory_space<vmem>> -> memref<64xi32, #tpu.memory_space<vmem>>
      %dma_start3A_221 = arith.constant 0 : i32
      %dma_start3A_222 = arith.constant 0 : i32
      %dma_start3A_223 = tpu.memref_slice %arg2[%dma_start3A_221, %dma_start3A_222] : memref<10000x128xf32, #tpu.memory_space<hbm>> -> memref<10000x128xf32, #tpu.memory_space<hbm>>
      tpu.enqueue_indirect_dma source(%dma_start3A_223 : memref<10000x128xf32, #tpu.memory_space<hbm>>) target(%arg10 : memref<64x128xf32, #tpu.memory_space<vmem>>) offsets(%dma_start3A_220 : memref<64xi32, #tpu.memory_space<vmem>>) semaphore(%arg15 : memref<!tpu.dma_semaphore, #tpu.memory_space<semaphore_mem>>)
      %dma_start3A_224 = arith.constant 6 : i32
      %dma_start3A_225 = arith.constant 0 : i32
      %dma_start3A_226 = tpu.memref_slice %arg8[%dma_start3A_224, %dma_start3A_225] : memref<16x64xi32, #tpu.memory_space<vmem>> -> memref<1x64xi32, #tpu.memory_space<vmem>>
      %dma_start3A_227 = tpu.memref_squeeze %dma_start3A_226 : memref<1x64xi32, #tpu.memory_space<vmem>> -> memref<64xi32, #tpu.memory_space<vmem>>
      %dma_start3A_228 = arith.constant 0 : i32
      %dma_start3A_229 = arith.constant 0 : i32
      %dma_start3A_230 = tpu.memref_slice %arg13[%dma_start3A_228, %dma_start3A_229] : memref<10112x128xf32, #tpu.memory_space<vmem_shared>> -> memref<10112x128xf32, #tpu.memory_space<vmem_shared>>
      tpu.enqueue_indirect_dma source(%arg11 : memref<64x128xf32, #tpu.memory_space<vmem>>) target(%dma_start3A_230 : memref<10112x128xf32, #tpu.memory_space<vmem_shared>>) offsets(%dma_start3A_227 : memref<64xi32, #tpu.memory_space<vmem>>) semaphore(%arg20 : memref<!tpu.dma_semaphore, #tpu.memory_space<semaphore_mem>>) {add = true}
      %dma_wait3A_231 = arith.constant 7 : i32
      %dma_wait3A_232 = arith.constant 0 : i32
      %dma_wait3A_233 = tpu.memref_slice %arg7[%dma_wait3A_231, %dma_wait3A_232] : memref<16x64xi32, #tpu.memory_space<vmem>> -> memref<1x64xi32, #tpu.memory_space<vmem>>
      %dma_wait3A_234 = tpu.memref_squeeze %dma_wait3A_233 : memref<1x64xi32, #tpu.memory_space<vmem>> -> memref<64xi32, #tpu.memory_space<vmem>>
      %dma_wait3A_235 = arith.constant 0 : i32
      %dma_wait3A_236 = arith.constant 0 : i32
      %dma_wait3A_237 = tpu.memref_slice %arg2[%dma_wait3A_235, %dma_wait3A_236] : memref<10000x128xf32, #tpu.memory_space<hbm>> -> memref<10000x128xf32, #tpu.memory_space<hbm>>
      tpu.wait_indirect_dma semaphore(%arg17 : memref<!tpu.dma_semaphore, #tpu.memory_space<semaphore_mem>>) src(%dma_wait3A_237 : memref<10000x128xf32, #tpu.memory_space<hbm>>) dst(%arg12 : memref<64x128xf32, #tpu.memory_space<vmem>>)
      %dma_wait3A_238 = arith.constant 6 : i32
      %dma_wait3A_239 = arith.constant 0 : i32
      %dma_wait3A_240 = tpu.memref_slice %arg8[%dma_wait3A_238, %dma_wait3A_239] : memref<16x64xi32, #tpu.memory_space<vmem>> -> memref<1x64xi32, #tpu.memory_space<vmem>>
      %dma_wait3A_241 = tpu.memref_squeeze %dma_wait3A_240 : memref<1x64xi32, #tpu.memory_space<vmem>> -> memref<64xi32, #tpu.memory_space<vmem>>
      %dma_wait3A_242 = arith.constant 0 : i32
      %dma_wait3A_243 = arith.constant 0 : i32
      %dma_wait3A_244 = tpu.memref_slice %arg13[%dma_wait3A_242, %dma_wait3A_243] : memref<10112x128xf32, #tpu.memory_space<vmem_shared>> -> memref<10112x128xf32, #tpu.memory_space<vmem_shared>>
      tpu.wait_indirect_dma semaphore(%arg20 : memref<!tpu.dma_semaphore, #tpu.memory_space<semaphore_mem>>) src(%arg11 : memref<64x128xf32, #tpu.memory_space<vmem>>) dst(%dma_wait3A_244 : memref<10112x128xf32, #tpu.memory_space<vmem_shared>>)
      %dma_start3A_245 = arith.constant 10 : i32
      %dma_start3A_246 = arith.constant 0 : i32
      %dma_start3A_247 = tpu.memref_slice %arg7[%dma_start3A_245, %dma_start3A_246] : memref<16x64xi32, #tpu.memory_space<vmem>> -> memref<1x64xi32, #tpu.memory_space<vmem>>
      %dma_start3A_248 = tpu.memref_squeeze %dma_start3A_247 : memref<1x64xi32, #tpu.memory_space<vmem>> -> memref<64xi32, #tpu.memory_space<vmem>>
      %dma_start3A_249 = arith.constant 0 : i32
      %dma_start3A_250 = arith.constant 0 : i32
      %dma_start3A_251 = tpu.memref_slice %arg2[%dma_start3A_249, %dma_start3A_250] : memref<10000x128xf32, #tpu.memory_space<hbm>> -> memref<10000x128xf32, #tpu.memory_space<hbm>>
      tpu.enqueue_indirect_dma source(%dma_start3A_251 : memref<10000x128xf32, #tpu.memory_space<hbm>>) target(%arg11 : memref<64x128xf32, #tpu.memory_space<vmem>>) offsets(%dma_start3A_248 : memref<64xi32, #tpu.memory_space<vmem>>) semaphore(%arg16 : memref<!tpu.dma_semaphore, #tpu.memory_space<semaphore_mem>>)
      %dma_start3A_252 = arith.constant 7 : i32
      %dma_start3A_253 = arith.constant 0 : i32
      %dma_start3A_254 = tpu.memref_slice %arg8[%dma_start3A_252, %dma_start3A_253] : memref<16x64xi32, #tpu.memory_space<vmem>> -> memref<1x64xi32, #tpu.memory_space<vmem>>
      %dma_start3A_255 = tpu.memref_squeeze %dma_start3A_254 : memref<1x64xi32, #tpu.memory_space<vmem>> -> memref<64xi32, #tpu.memory_space<vmem>>
      %dma_start3A_256 = arith.constant 0 : i32
      %dma_start3A_257 = arith.constant 0 : i32
      %dma_start3A_258 = tpu.memref_slice %arg13[%dma_start3A_256, %dma_start3A_257] : memref<10112x128xf32, #tpu.memory_space<vmem_shared>> -> memref<10112x128xf32, #tpu.memory_space<vmem_shared>>
      tpu.enqueue_indirect_dma source(%arg12 : memref<64x128xf32, #tpu.memory_space<vmem>>) target(%dma_start3A_258 : memref<10112x128xf32, #tpu.memory_space<vmem_shared>>) offsets(%dma_start3A_255 : memref<64xi32, #tpu.memory_space<vmem>>) semaphore(%arg21 : memref<!tpu.dma_semaphore, #tpu.memory_space<semaphore_mem>>) {add = true}
      %dma_wait3A_259 = arith.constant 8 : i32
      %dma_wait3A_260 = arith.constant 0 : i32
      %dma_wait3A_261 = tpu.memref_slice %arg7[%dma_wait3A_259, %dma_wait3A_260] : memref<16x64xi32, #tpu.memory_space<vmem>> -> memref<1x64xi32, #tpu.memory_space<vmem>>
      %dma_wait3A_262 = tpu.memref_squeeze %dma_wait3A_261 : memref<1x64xi32, #tpu.memory_space<vmem>> -> memref<64xi32, #tpu.memory_space<vmem>>
      %dma_wait3A_263 = arith.constant 0 : i32
      %dma_wait3A_264 = arith.constant 0 : i32
      %dma_wait3A_265 = tpu.memref_slice %arg2[%dma_wait3A_263, %dma_wait3A_264] : memref<10000x128xf32, #tpu.memory_space<hbm>> -> memref<10000x128xf32, #tpu.memory_space<hbm>>
      tpu.wait_indirect_dma semaphore(%arg14 : memref<!tpu.dma_semaphore, #tpu.memory_space<semaphore_mem>>) src(%dma_wait3A_265 : memref<10000x128xf32, #tpu.memory_space<hbm>>) dst(%arg9 : memref<64x128xf32, #tpu.memory_space<vmem>>)
      %dma_wait3A_266 = arith.constant 7 : i32
      %dma_wait3A_267 = arith.constant 0 : i32
      %dma_wait3A_268 = tpu.memref_slice %arg8[%dma_wait3A_266, %dma_wait3A_267] : memref<16x64xi32, #tpu.memory_space<vmem>> -> memref<1x64xi32, #tpu.memory_space<vmem>>
      %dma_wait3A_269 = tpu.memref_squeeze %dma_wait3A_268 : memref<1x64xi32, #tpu.memory_space<vmem>> -> memref<64xi32, #tpu.memory_space<vmem>>
      %dma_wait3A_270 = arith.constant 0 : i32
      %dma_wait3A_271 = arith.constant 0 : i32
      %dma_wait3A_272 = tpu.memref_slice %arg13[%dma_wait3A_270, %dma_wait3A_271] : memref<10112x128xf32, #tpu.memory_space<vmem_shared>> -> memref<10112x128xf32, #tpu.memory_space<vmem_shared>>
      tpu.wait_indirect_dma semaphore(%arg21 : memref<!tpu.dma_semaphore, #tpu.memory_space<semaphore_mem>>) src(%arg12 : memref<64x128xf32, #tpu.memory_space<vmem>>) dst(%dma_wait3A_272 : memref<10112x128xf32, #tpu.memory_space<vmem_shared>>)
      %dma_start3A_273 = arith.constant 11 : i32
      %dma_start3A_274 = arith.constant 0 : i32
      %dma_start3A_275 = tpu.memref_slice %arg7[%dma_start3A_273, %dma_start3A_274] : memref<16x64xi32, #tpu.memory_space<vmem>> -> memref<1x64xi32, #tpu.memory_space<vmem>>
      %dma_start3A_276 = tpu.memref_squeeze %dma_start3A_275 : memref<1x64xi32, #tpu.memory_space<vmem>> -> memref<64xi32, #tpu.memory_space<vmem>>
      %dma_start3A_277 = arith.constant 0 : i32
      %dma_start3A_278 = arith.constant 0 : i32
      %dma_start3A_279 = tpu.memref_slice %arg2[%dma_start3A_277, %dma_start3A_278] : memref<10000x128xf32, #tpu.memory_space<hbm>> -> memref<10000x128xf32, #tpu.memory_space<hbm>>
      tpu.enqueue_indirect_dma source(%dma_start3A_279 : memref<10000x128xf32, #tpu.memory_space<hbm>>) target(%arg12 : memref<64x128xf32, #tpu.memory_space<vmem>>) offsets(%dma_start3A_276 : memref<64xi32, #tpu.memory_space<vmem>>) semaphore(%arg17 : memref<!tpu.dma_semaphore, #tpu.memory_space<semaphore_mem>>)
      %dma_start3A_280 = arith.constant 8 : i32
      %dma_start3A_281 = arith.constant 0 : i32
      %dma_start3A_282 = tpu.memref_slice %arg8[%dma_start3A_280, %dma_start3A_281] : memref<16x64xi32, #tpu.memory_space<vmem>> -> memref<1x64xi32, #tpu.memory_space<vmem>>
      %dma_start3A_283 = tpu.memref_squeeze %dma_start3A_282 : memref<1x64xi32, #tpu.memory_space<vmem>> -> memref<64xi32, #tpu.memory_space<vmem>>
      %dma_start3A_284 = arith.constant 0 : i32
      %dma_start3A_285 = arith.constant 0 : i32
      %dma_start3A_286 = tpu.memref_slice %arg13[%dma_start3A_284, %dma_start3A_285] : memref<10112x128xf32, #tpu.memory_space<vmem_shared>> -> memref<10112x128xf32, #tpu.memory_space<vmem_shared>>
      tpu.enqueue_indirect_dma source(%arg9 : memref<64x128xf32, #tpu.memory_space<vmem>>) target(%dma_start3A_286 : memref<10112x128xf32, #tpu.memory_space<vmem_shared>>) offsets(%dma_start3A_283 : memref<64xi32, #tpu.memory_space<vmem>>) semaphore(%arg18 : memref<!tpu.dma_semaphore, #tpu.memory_space<semaphore_mem>>) {add = true}
      %dma_wait3A_287 = arith.constant 9 : i32
      %dma_wait3A_288 = arith.constant 0 : i32
      %dma_wait3A_289 = tpu.memref_slice %arg7[%dma_wait3A_287, %dma_wait3A_288] : memref<16x64xi32, #tpu.memory_space<vmem>> -> memref<1x64xi32, #tpu.memory_space<vmem>>
      %dma_wait3A_290 = tpu.memref_squeeze %dma_wait3A_289 : memref<1x64xi32, #tpu.memory_space<vmem>> -> memref<64xi32, #tpu.memory_space<vmem>>
      %dma_wait3A_291 = arith.constant 0 : i32
      %dma_wait3A_292 = arith.constant 0 : i32
      %dma_wait3A_293 = tpu.memref_slice %arg2[%dma_wait3A_291, %dma_wait3A_292] : memref<10000x128xf32, #tpu.memory_space<hbm>> -> memref<10000x128xf32, #tpu.memory_space<hbm>>
      tpu.wait_indirect_dma semaphore(%arg15 : memref<!tpu.dma_semaphore, #tpu.memory_space<semaphore_mem>>) src(%dma_wait3A_293 : memref<10000x128xf32, #tpu.memory_space<hbm>>) dst(%arg10 : memref<64x128xf32, #tpu.memory_space<vmem>>)
      %dma_wait3A_294 = arith.constant 8 : i32
      %dma_wait3A_295 = arith.constant 0 : i32
      %dma_wait3A_296 = tpu.memref_slice %arg8[%dma_wait3A_294, %dma_wait3A_295] : memref<16x64xi32, #tpu.memory_space<vmem>> -> memref<1x64xi32, #tpu.memory_space<vmem>>
      %dma_wait3A_297 = tpu.memref_squeeze %dma_wait3A_296 : memref<1x64xi32, #tpu.memory_space<vmem>> -> memref<64xi32, #tpu.memory_space<vmem>>
      %dma_wait3A_298 = arith.constant 0 : i32
      %dma_wait3A_299 = arith.constant 0 : i32
      %dma_wait3A_300 = tpu.memref_slice %arg13[%dma_wait3A_298, %dma_wait3A_299] : memref<10112x128xf32, #tpu.memory_space<vmem_shared>> -> memref<10112x128xf32, #tpu.memory_space<vmem_shared>>
      tpu.wait_indirect_dma semaphore(%arg18 : memref<!tpu.dma_semaphore, #tpu.memory_space<semaphore_mem>>) src(%arg9 : memref<64x128xf32, #tpu.memory_space<vmem>>) dst(%dma_wait3A_300 : memref<10112x128xf32, #tpu.memory_space<vmem_shared>>)
      %dma_start3A_301 = arith.constant 12 : i32
      %dma_start3A_302 = arith.constant 0 : i32
      %dma_start3A_303 = tpu.memref_slice %arg7[%dma_start3A_301, %dma_start3A_302] : memref<16x64xi32, #tpu.memory_space<vmem>> -> memref<1x64xi32, #tpu.memory_space<vmem>>
      %dma_start3A_304 = tpu.memref_squeeze %dma_start3A_303 : memref<1x64xi32, #tpu.memory_space<vmem>> -> memref<64xi32, #tpu.memory_space<vmem>>
      %dma_start3A_305 = arith.constant 0 : i32
      %dma_start3A_306 = arith.constant 0 : i32
      %dma_start3A_307 = tpu.memref_slice %arg2[%dma_start3A_305, %dma_start3A_306] : memref<10000x128xf32, #tpu.memory_space<hbm>> -> memref<10000x128xf32, #tpu.memory_space<hbm>>
      tpu.enqueue_indirect_dma source(%dma_start3A_307 : memref<10000x128xf32, #tpu.memory_space<hbm>>) target(%arg9 : memref<64x128xf32, #tpu.memory_space<vmem>>) offsets(%dma_start3A_304 : memref<64xi32, #tpu.memory_space<vmem>>) semaphore(%arg14 : memref<!tpu.dma_semaphore, #tpu.memory_space<semaphore_mem>>)
      %dma_start3A_308 = arith.constant 9 : i32
      %dma_start3A_309 = arith.constant 0 : i32
      %dma_start3A_310 = tpu.memref_slice %arg8[%dma_start3A_308, %dma_start3A_309] : memref<16x64xi32, #tpu.memory_space<vmem>> -> memref<1x64xi32, #tpu.memory_space<vmem>>
      %dma_start3A_311 = tpu.memref_squeeze %dma_start3A_310 : memref<1x64xi32, #tpu.memory_space<vmem>> -> memref<64xi32, #tpu.memory_space<vmem>>
      %dma_start3A_312 = arith.constant 0 : i32
      %dma_start3A_313 = arith.constant 0 : i32
      %dma_start3A_314 = tpu.memref_slice %arg13[%dma_start3A_312, %dma_start3A_313] : memref<10112x128xf32, #tpu.memory_space<vmem_shared>> -> memref<10112x128xf32, #tpu.memory_space<vmem_shared>>
      tpu.enqueue_indirect_dma source(%arg10 : memref<64x128xf32, #tpu.memory_space<vmem>>) target(%dma_start3A_314 : memref<10112x128xf32, #tpu.memory_space<vmem_shared>>) offsets(%dma_start3A_311 : memref<64xi32, #tpu.memory_space<vmem>>) semaphore(%arg19 : memref<!tpu.dma_semaphore, #tpu.memory_space<semaphore_mem>>) {add = true}
      %dma_wait3A_315 = arith.constant 10 : i32
      %dma_wait3A_316 = arith.constant 0 : i32
      %dma_wait3A_317 = tpu.memref_slice %arg7[%dma_wait3A_315, %dma_wait3A_316] : memref<16x64xi32, #tpu.memory_space<vmem>> -> memref<1x64xi32, #tpu.memory_space<vmem>>
      %dma_wait3A_318 = tpu.memref_squeeze %dma_wait3A_317 : memref<1x64xi32, #tpu.memory_space<vmem>> -> memref<64xi32, #tpu.memory_space<vmem>>
      %dma_wait3A_319 = arith.constant 0 : i32
      %dma_wait3A_320 = arith.constant 0 : i32
      %dma_wait3A_321 = tpu.memref_slice %arg2[%dma_wait3A_319, %dma_wait3A_320] : memref<10000x128xf32, #tpu.memory_space<hbm>> -> memref<10000x128xf32, #tpu.memory_space<hbm>>
      tpu.wait_indirect_dma semaphore(%arg16 : memref<!tpu.dma_semaphore, #tpu.memory_space<semaphore_mem>>) src(%dma_wait3A_321 : memref<10000x128xf32, #tpu.memory_space<hbm>>) dst(%arg11 : memref<64x128xf32, #tpu.memory_space<vmem>>)
      %dma_wait3A_322 = arith.constant 9 : i32
      %dma_wait3A_323 = arith.constant 0 : i32
      %dma_wait3A_324 = tpu.memref_slice %arg8[%dma_wait3A_322, %dma_wait3A_323] : memref<16x64xi32, #tpu.memory_space<vmem>> -> memref<1x64xi32, #tpu.memory_space<vmem>>
      %dma_wait3A_325 = tpu.memref_squeeze %dma_wait3A_324 : memref<1x64xi32, #tpu.memory_space<vmem>> -> memref<64xi32, #tpu.memory_space<vmem>>
      %dma_wait3A_326 = arith.constant 0 : i32
      %dma_wait3A_327 = arith.constant 0 : i32
      %dma_wait3A_328 = tpu.memref_slice %arg13[%dma_wait3A_326, %dma_wait3A_327] : memref<10112x128xf32, #tpu.memory_space<vmem_shared>> -> memref<10112x128xf32, #tpu.memory_space<vmem_shared>>
      tpu.wait_indirect_dma semaphore(%arg19 : memref<!tpu.dma_semaphore, #tpu.memory_space<semaphore_mem>>) src(%arg10 : memref<64x128xf32, #tpu.memory_space<vmem>>) dst(%dma_wait3A_328 : memref<10112x128xf32, #tpu.memory_space<vmem_shared>>)
      %dma_start3A_329 = arith.constant 13 : i32
      %dma_start3A_330 = arith.constant 0 : i32
      %dma_start3A_331 = tpu.memref_slice %arg7[%dma_start3A_329, %dma_start3A_330] : memref<16x64xi32, #tpu.memory_space<vmem>> -> memref<1x64xi32, #tpu.memory_space<vmem>>
      %dma_start3A_332 = tpu.memref_squeeze %dma_start3A_331 : memref<1x64xi32, #tpu.memory_space<vmem>> -> memref<64xi32, #tpu.memory_space<vmem>>
      %dma_start3A_333 = arith.constant 0 : i32
      %dma_start3A_334 = arith.constant 0 : i32
      %dma_start3A_335 = tpu.memref_slice %arg2[%dma_start3A_333, %dma_start3A_334] : memref<10000x128xf32, #tpu.memory_space<hbm>> -> memref<10000x128xf32, #tpu.memory_space<hbm>>
      tpu.enqueue_indirect_dma source(%dma_start3A_335 : memref<10000x128xf32, #tpu.memory_space<hbm>>) target(%arg10 : memref<64x128xf32, #tpu.memory_space<vmem>>) offsets(%dma_start3A_332 : memref<64xi32, #tpu.memory_space<vmem>>) semaphore(%arg15 : memref<!tpu.dma_semaphore, #tpu.memory_space<semaphore_mem>>)
      %dma_start3A_336 = arith.constant 10 : i32
      %dma_start3A_337 = arith.constant 0 : i32
      %dma_start3A_338 = tpu.memref_slice %arg8[%dma_start3A_336, %dma_start3A_337] : memref<16x64xi32, #tpu.memory_space<vmem>> -> memref<1x64xi32, #tpu.memory_space<vmem>>
      %dma_start3A_339 = tpu.memref_squeeze %dma_start3A_338 : memref<1x64xi32, #tpu.memory_space<vmem>> -> memref<64xi32, #tpu.memory_space<vmem>>
      %dma_start3A_340 = arith.constant 0 : i32
      %dma_start3A_341 = arith.constant 0 : i32
      %dma_start3A_342 = tpu.memref_slice %arg13[%dma_start3A_340, %dma_start3A_341] : memref<10112x128xf32, #tpu.memory_space<vmem_shared>> -> memref<10112x128xf32, #tpu.memory_space<vmem_shared>>
      tpu.enqueue_indirect_dma source(%arg11 : memref<64x128xf32, #tpu.memory_space<vmem>>) target(%dma_start3A_342 : memref<10112x128xf32, #tpu.memory_space<vmem_shared>>) offsets(%dma_start3A_339 : memref<64xi32, #tpu.memory_space<vmem>>) semaphore(%arg20 : memref<!tpu.dma_semaphore, #tpu.memory_space<semaphore_mem>>) {add = true}
      %dma_wait3A_343 = arith.constant 11 : i32
      %dma_wait3A_344 = arith.constant 0 : i32
      %dma_wait3A_345 = tpu.memref_slice %arg7[%dma_wait3A_343, %dma_wait3A_344] : memref<16x64xi32, #tpu.memory_space<vmem>> -> memref<1x64xi32, #tpu.memory_space<vmem>>
      %dma_wait3A_346 = tpu.memref_squeeze %dma_wait3A_345 : memref<1x64xi32, #tpu.memory_space<vmem>> -> memref<64xi32, #tpu.memory_space<vmem>>
      %dma_wait3A_347 = arith.constant 0 : i32
      %dma_wait3A_348 = arith.constant 0 : i32
      %dma_wait3A_349 = tpu.memref_slice %arg2[%dma_wait3A_347, %dma_wait3A_348] : memref<10000x128xf32, #tpu.memory_space<hbm>> -> memref<10000x128xf32, #tpu.memory_space<hbm>>
      tpu.wait_indirect_dma semaphore(%arg17 : memref<!tpu.dma_semaphore, #tpu.memory_space<semaphore_mem>>) src(%dma_wait3A_349 : memref<10000x128xf32, #tpu.memory_space<hbm>>) dst(%arg12 : memref<64x128xf32, #tpu.memory_space<vmem>>)
      %dma_wait3A_350 = arith.constant 10 : i32
      %dma_wait3A_351 = arith.constant 0 : i32
      %dma_wait3A_352 = tpu.memref_slice %arg8[%dma_wait3A_350, %dma_wait3A_351] : memref<16x64xi32, #tpu.memory_space<vmem>> -> memref<1x64xi32, #tpu.memory_space<vmem>>
      %dma_wait3A_353 = tpu.memref_squeeze %dma_wait3A_352 : memref<1x64xi32, #tpu.memory_space<vmem>> -> memref<64xi32, #tpu.memory_space<vmem>>
      %dma_wait3A_354 = arith.constant 0 : i32
      %dma_wait3A_355 = arith.constant 0 : i32
      %dma_wait3A_356 = tpu.memref_slice %arg13[%dma_wait3A_354, %dma_wait3A_355] : memref<10112x128xf32, #tpu.memory_space<vmem_shared>> -> memref<10112x128xf32, #tpu.memory_space<vmem_shared>>
      tpu.wait_indirect_dma semaphore(%arg20 : memref<!tpu.dma_semaphore, #tpu.memory_space<semaphore_mem>>) src(%arg11 : memref<64x128xf32, #tpu.memory_space<vmem>>) dst(%dma_wait3A_356 : memref<10112x128xf32, #tpu.memory_space<vmem_shared>>)
      %dma_start3A_357 = arith.constant 14 : i32
      %dma_start3A_358 = arith.constant 0 : i32
      %dma_start3A_359 = tpu.memref_slice %arg7[%dma_start3A_357, %dma_start3A_358] : memref<16x64xi32, #tpu.memory_space<vmem>> -> memref<1x64xi32, #tpu.memory_space<vmem>>
      %dma_start3A_360 = tpu.memref_squeeze %dma_start3A_359 : memref<1x64xi32, #tpu.memory_space<vmem>> -> memref<64xi32, #tpu.memory_space<vmem>>
      %dma_start3A_361 = arith.constant 0 : i32
      %dma_start3A_362 = arith.constant 0 : i32
      %dma_start3A_363 = tpu.memref_slice %arg2[%dma_start3A_361, %dma_start3A_362] : memref<10000x128xf32, #tpu.memory_space<hbm>> -> memref<10000x128xf32, #tpu.memory_space<hbm>>
      tpu.enqueue_indirect_dma source(%dma_start3A_363 : memref<10000x128xf32, #tpu.memory_space<hbm>>) target(%arg11 : memref<64x128xf32, #tpu.memory_space<vmem>>) offsets(%dma_start3A_360 : memref<64xi32, #tpu.memory_space<vmem>>) semaphore(%arg16 : memref<!tpu.dma_semaphore, #tpu.memory_space<semaphore_mem>>)
      %dma_start3A_364 = arith.constant 11 : i32
      %dma_start3A_365 = arith.constant 0 : i32
      %dma_start3A_366 = tpu.memref_slice %arg8[%dma_start3A_364, %dma_start3A_365] : memref<16x64xi32, #tpu.memory_space<vmem>> -> memref<1x64xi32, #tpu.memory_space<vmem>>
      %dma_start3A_367 = tpu.memref_squeeze %dma_start3A_366 : memref<1x64xi32, #tpu.memory_space<vmem>> -> memref<64xi32, #tpu.memory_space<vmem>>
      %dma_start3A_368 = arith.constant 0 : i32
      %dma_start3A_369 = arith.constant 0 : i32
      %dma_start3A_370 = tpu.memref_slice %arg13[%dma_start3A_368, %dma_start3A_369] : memref<10112x128xf32, #tpu.memory_space<vmem_shared>> -> memref<10112x128xf32, #tpu.memory_space<vmem_shared>>
      tpu.enqueue_indirect_dma source(%arg12 : memref<64x128xf32, #tpu.memory_space<vmem>>) target(%dma_start3A_370 : memref<10112x128xf32, #tpu.memory_space<vmem_shared>>) offsets(%dma_start3A_367 : memref<64xi32, #tpu.memory_space<vmem>>) semaphore(%arg21 : memref<!tpu.dma_semaphore, #tpu.memory_space<semaphore_mem>>) {add = true}
      %dma_wait3A_371 = arith.constant 12 : i32
      %dma_wait3A_372 = arith.constant 0 : i32
      %dma_wait3A_373 = tpu.memref_slice %arg7[%dma_wait3A_371, %dma_wait3A_372] : memref<16x64xi32, #tpu.memory_space<vmem>> -> memref<1x64xi32, #tpu.memory_space<vmem>>
      %dma_wait3A_374 = tpu.memref_squeeze %dma_wait3A_373 : memref<1x64xi32, #tpu.memory_space<vmem>> -> memref<64xi32, #tpu.memory_space<vmem>>
      %dma_wait3A_375 = arith.constant 0 : i32
      %dma_wait3A_376 = arith.constant 0 : i32
      %dma_wait3A_377 = tpu.memref_slice %arg2[%dma_wait3A_375, %dma_wait3A_376] : memref<10000x128xf32, #tpu.memory_space<hbm>> -> memref<10000x128xf32, #tpu.memory_space<hbm>>
      tpu.wait_indirect_dma semaphore(%arg14 : memref<!tpu.dma_semaphore, #tpu.memory_space<semaphore_mem>>) src(%dma_wait3A_377 : memref<10000x128xf32, #tpu.memory_space<hbm>>) dst(%arg9 : memref<64x128xf32, #tpu.memory_space<vmem>>)
      %dma_wait3A_378 = arith.constant 11 : i32
      %dma_wait3A_379 = arith.constant 0 : i32
      %dma_wait3A_380 = tpu.memref_slice %arg8[%dma_wait3A_378, %dma_wait3A_379] : memref<16x64xi32, #tpu.memory_space<vmem>> -> memref<1x64xi32, #tpu.memory_space<vmem>>
      %dma_wait3A_381 = tpu.memref_squeeze %dma_wait3A_380 : memref<1x64xi32, #tpu.memory_space<vmem>> -> memref<64xi32, #tpu.memory_space<vmem>>
      %dma_wait3A_382 = arith.constant 0 : i32
      %dma_wait3A_383 = arith.constant 0 : i32
      %dma_wait3A_384 = tpu.memref_slice %arg13[%dma_wait3A_382, %dma_wait3A_383] : memref<10112x128xf32, #tpu.memory_space<vmem_shared>> -> memref<10112x128xf32, #tpu.memory_space<vmem_shared>>
      tpu.wait_indirect_dma semaphore(%arg21 : memref<!tpu.dma_semaphore, #tpu.memory_space<semaphore_mem>>) src(%arg12 : memref<64x128xf32, #tpu.memory_space<vmem>>) dst(%dma_wait3A_384 : memref<10112x128xf32, #tpu.memory_space<vmem_shared>>)
      %dma_start3A_385 = arith.constant 15 : i32
      %dma_start3A_386 = arith.constant 0 : i32
      %dma_start3A_387 = tpu.memref_slice %arg7[%dma_start3A_385, %dma_start3A_386] : memref<16x64xi32, #tpu.memory_space<vmem>> -> memref<1x64xi32, #tpu.memory_space<vmem>>
      %dma_start3A_388 = tpu.memref_squeeze %dma_start3A_387 : memref<1x64xi32, #tpu.memory_space<vmem>> -> memref<64xi32, #tpu.memory_space<vmem>>
      %dma_start3A_389 = arith.constant 0 : i32
      %dma_start3A_390 = arith.constant 0 : i32
      %dma_start3A_391 = tpu.memref_slice %arg2[%dma_start3A_389, %dma_start3A_390] : memref<10000x128xf32, #tpu.memory_space<hbm>> -> memref<10000x128xf32, #tpu.memory_space<hbm>>
      tpu.enqueue_indirect_dma source(%dma_start3A_391 : memref<10000x128xf32, #tpu.memory_space<hbm>>) target(%arg12 : memref<64x128xf32, #tpu.memory_space<vmem>>) offsets(%dma_start3A_388 : memref<64xi32, #tpu.memory_space<vmem>>) semaphore(%arg17 : memref<!tpu.dma_semaphore, #tpu.memory_space<semaphore_mem>>)
      %dma_start3A_392 = arith.constant 12 : i32
      %dma_start3A_393 = arith.constant 0 : i32
      %dma_start3A_394 = tpu.memref_slice %arg8[%dma_start3A_392, %dma_start3A_393] : memref<16x64xi32, #tpu.memory_space<vmem>> -> memref<1x64xi32, #tpu.memory_space<vmem>>
      %dma_start3A_395 = tpu.memref_squeeze %dma_start3A_394 : memref<1x64xi32, #tpu.memory_space<vmem>> -> memref<64xi32, #tpu.memory_space<vmem>>
      %dma_start3A_396 = arith.constant 0 : i32
      %dma_start3A_397 = arith.constant 0 : i32
      %dma_start3A_398 = tpu.memref_slice %arg13[%dma_start3A_396, %dma_start3A_397] : memref<10112x128xf32, #tpu.memory_space<vmem_shared>> -> memref<10112x128xf32, #tpu.memory_space<vmem_shared>>
      tpu.enqueue_indirect_dma source(%arg9 : memref<64x128xf32, #tpu.memory_space<vmem>>) target(%dma_start3A_398 : memref<10112x128xf32, #tpu.memory_space<vmem_shared>>) offsets(%dma_start3A_395 : memref<64xi32, #tpu.memory_space<vmem>>) semaphore(%arg18 : memref<!tpu.dma_semaphore, #tpu.memory_space<semaphore_mem>>) {add = true}
      %dma_wait3A_399 = arith.constant 13 : i32
      %dma_wait3A_400 = arith.constant 0 : i32
      %dma_wait3A_401 = tpu.memref_slice %arg7[%dma_wait3A_399, %dma_wait3A_400] : memref<16x64xi32, #tpu.memory_space<vmem>> -> memref<1x64xi32, #tpu.memory_space<vmem>>
      %dma_wait3A_402 = tpu.memref_squeeze %dma_wait3A_401 : memref<1x64xi32, #tpu.memory_space<vmem>> -> memref<64xi32, #tpu.memory_space<vmem>>
      %dma_wait3A_403 = arith.constant 0 : i32
      %dma_wait3A_404 = arith.constant 0 : i32
      %dma_wait3A_405 = tpu.memref_slice %arg2[%dma_wait3A_403, %dma_wait3A_404] : memref<10000x128xf32, #tpu.memory_space<hbm>> -> memref<10000x128xf32, #tpu.memory_space<hbm>>
      tpu.wait_indirect_dma semaphore(%arg15 : memref<!tpu.dma_semaphore, #tpu.memory_space<semaphore_mem>>) src(%dma_wait3A_405 : memref<10000x128xf32, #tpu.memory_space<hbm>>) dst(%arg10 : memref<64x128xf32, #tpu.memory_space<vmem>>)
      %dma_start3A_406 = arith.constant 13 : i32
      %dma_start3A_407 = arith.constant 0 : i32
      %dma_start3A_408 = tpu.memref_slice %arg8[%dma_start3A_406, %dma_start3A_407] : memref<16x64xi32, #tpu.memory_space<vmem>> -> memref<1x64xi32, #tpu.memory_space<vmem>>
      %dma_start3A_409 = tpu.memref_squeeze %dma_start3A_408 : memref<1x64xi32, #tpu.memory_space<vmem>> -> memref<64xi32, #tpu.memory_space<vmem>>
      %dma_start3A_410 = arith.constant 0 : i32
      %dma_start3A_411 = arith.constant 0 : i32
      %dma_start3A_412 = tpu.memref_slice %arg13[%dma_start3A_410, %dma_start3A_411] : memref<10112x128xf32, #tpu.memory_space<vmem_shared>> -> memref<10112x128xf32, #tpu.memory_space<vmem_shared>>
      tpu.enqueue_indirect_dma source(%arg10 : memref<64x128xf32, #tpu.memory_space<vmem>>) target(%dma_start3A_412 : memref<10112x128xf32, #tpu.memory_space<vmem_shared>>) offsets(%dma_start3A_409 : memref<64xi32, #tpu.memory_space<vmem>>) semaphore(%arg19 : memref<!tpu.dma_semaphore, #tpu.memory_space<semaphore_mem>>) {add = true}
      %dma_wait3A_413 = arith.constant 14 : i32
      %dma_wait3A_414 = arith.constant 0 : i32
      %dma_wait3A_415 = tpu.memref_slice %arg7[%dma_wait3A_413, %dma_wait3A_414] : memref<16x64xi32, #tpu.memory_space<vmem>> -> memref<1x64xi32, #tpu.memory_space<vmem>>
      %dma_wait3A_416 = tpu.memref_squeeze %dma_wait3A_415 : memref<1x64xi32, #tpu.memory_space<vmem>> -> memref<64xi32, #tpu.memory_space<vmem>>
      %dma_wait3A_417 = arith.constant 0 : i32
      %dma_wait3A_418 = arith.constant 0 : i32
      %dma_wait3A_419 = tpu.memref_slice %arg2[%dma_wait3A_417, %dma_wait3A_418] : memref<10000x128xf32, #tpu.memory_space<hbm>> -> memref<10000x128xf32, #tpu.memory_space<hbm>>
      tpu.wait_indirect_dma semaphore(%arg16 : memref<!tpu.dma_semaphore, #tpu.memory_space<semaphore_mem>>) src(%dma_wait3A_419 : memref<10000x128xf32, #tpu.memory_space<hbm>>) dst(%arg11 : memref<64x128xf32, #tpu.memory_space<vmem>>)
      %dma_start3A_420 = arith.constant 14 : i32
      %dma_start3A_421 = arith.constant 0 : i32
      %dma_start3A_422 = tpu.memref_slice %arg8[%dma_start3A_420, %dma_start3A_421] : memref<16x64xi32, #tpu.memory_space<vmem>> -> memref<1x64xi32, #tpu.memory_space<vmem>>
      %dma_start3A_423 = tpu.memref_squeeze %dma_start3A_422 : memref<1x64xi32, #tpu.memory_space<vmem>> -> memref<64xi32, #tpu.memory_space<vmem>>
      %dma_start3A_424 = arith.constant 0 : i32
      %dma_start3A_425 = arith.constant 0 : i32
      %dma_start3A_426 = tpu.memref_slice %arg13[%dma_start3A_424, %dma_start3A_425] : memref<10112x128xf32, #tpu.memory_space<vmem_shared>> -> memref<10112x128xf32, #tpu.memory_space<vmem_shared>>
      tpu.enqueue_indirect_dma source(%arg11 : memref<64x128xf32, #tpu.memory_space<vmem>>) target(%dma_start3A_426 : memref<10112x128xf32, #tpu.memory_space<vmem_shared>>) offsets(%dma_start3A_423 : memref<64xi32, #tpu.memory_space<vmem>>) semaphore(%arg20 : memref<!tpu.dma_semaphore, #tpu.memory_space<semaphore_mem>>) {add = true}
      %dma_wait3A_427 = arith.constant 15 : i32
      %dma_wait3A_428 = arith.constant 0 : i32
      %dma_wait3A_429 = tpu.memref_slice %arg7[%dma_wait3A_427, %dma_wait3A_428] : memref<16x64xi32, #tpu.memory_space<vmem>> -> memref<1x64xi32, #tpu.memory_space<vmem>>
      %dma_wait3A_430 = tpu.memref_squeeze %dma_wait3A_429 : memref<1x64xi32, #tpu.memory_space<vmem>> -> memref<64xi32, #tpu.memory_space<vmem>>
      %dma_wait3A_431 = arith.constant 0 : i32
      %dma_wait3A_432 = arith.constant 0 : i32
      %dma_wait3A_433 = tpu.memref_slice %arg2[%dma_wait3A_431, %dma_wait3A_432] : memref<10000x128xf32, #tpu.memory_space<hbm>> -> memref<10000x128xf32, #tpu.memory_space<hbm>>
      tpu.wait_indirect_dma semaphore(%arg17 : memref<!tpu.dma_semaphore, #tpu.memory_space<semaphore_mem>>) src(%dma_wait3A_433 : memref<10000x128xf32, #tpu.memory_space<hbm>>) dst(%arg12 : memref<64x128xf32, #tpu.memory_space<vmem>>)
      %dma_start3A_434 = arith.constant 15 : i32
      %dma_start3A_435 = arith.constant 0 : i32
      %dma_start3A_436 = tpu.memref_slice %arg8[%dma_start3A_434, %dma_start3A_435] : memref<16x64xi32, #tpu.memory_space<vmem>> -> memref<1x64xi32, #tpu.memory_space<vmem>>
      %dma_start3A_437 = tpu.memref_squeeze %dma_start3A_436 : memref<1x64xi32, #tpu.memory_space<vmem>> -> memref<64xi32, #tpu.memory_space<vmem>>
      %dma_start3A_438 = arith.constant 0 : i32
      %dma_start3A_439 = arith.constant 0 : i32
      %dma_start3A_440 = tpu.memref_slice %arg13[%dma_start3A_438, %dma_start3A_439] : memref<10112x128xf32, #tpu.memory_space<vmem_shared>> -> memref<10112x128xf32, #tpu.memory_space<vmem_shared>>
      tpu.enqueue_indirect_dma source(%arg12 : memref<64x128xf32, #tpu.memory_space<vmem>>) target(%dma_start3A_440 : memref<10112x128xf32, #tpu.memory_space<vmem_shared>>) offsets(%dma_start3A_437 : memref<64xi32, #tpu.memory_space<vmem>>) semaphore(%arg21 : memref<!tpu.dma_semaphore, #tpu.memory_space<semaphore_mem>>) {add = true}
      %dma_wait3A_441 = arith.constant 12 : i32
      %dma_wait3A_442 = arith.constant 0 : i32
      %dma_wait3A_443 = tpu.memref_slice %arg8[%dma_wait3A_441, %dma_wait3A_442] : memref<16x64xi32, #tpu.memory_space<vmem>> -> memref<1x64xi32, #tpu.memory_space<vmem>>
      %dma_wait3A_444 = tpu.memref_squeeze %dma_wait3A_443 : memref<1x64xi32, #tpu.memory_space<vmem>> -> memref<64xi32, #tpu.memory_space<vmem>>
      %dma_wait3A_445 = arith.constant 0 : i32
      %dma_wait3A_446 = arith.constant 0 : i32
      %dma_wait3A_447 = tpu.memref_slice %arg13[%dma_wait3A_445, %dma_wait3A_446] : memref<10112x128xf32, #tpu.memory_space<vmem_shared>> -> memref<10112x128xf32, #tpu.memory_space<vmem_shared>>
      tpu.wait_indirect_dma semaphore(%arg18 : memref<!tpu.dma_semaphore, #tpu.memory_space<semaphore_mem>>) src(%arg9 : memref<64x128xf32, #tpu.memory_space<vmem>>) dst(%dma_wait3A_447 : memref<10112x128xf32, #tpu.memory_space<vmem_shared>>)
      %dma_wait3A_448 = arith.constant 13 : i32
      %dma_wait3A_449 = arith.constant 0 : i32
      %dma_wait3A_450 = tpu.memref_slice %arg8[%dma_wait3A_448, %dma_wait3A_449] : memref<16x64xi32, #tpu.memory_space<vmem>> -> memref<1x64xi32, #tpu.memory_space<vmem>>
      %dma_wait3A_451 = tpu.memref_squeeze %dma_wait3A_450 : memref<1x64xi32, #tpu.memory_space<vmem>> -> memref<64xi32, #tpu.memory_space<vmem>>
      %dma_wait3A_452 = arith.constant 0 : i32
      %dma_wait3A_453 = arith.constant 0 : i32
      %dma_wait3A_454 = tpu.memref_slice %arg13[%dma_wait3A_452, %dma_wait3A_453] : memref<10112x128xf32, #tpu.memory_space<vmem_shared>> -> memref<10112x128xf32, #tpu.memory_space<vmem_shared>>
      tpu.wait_indirect_dma semaphore(%arg19 : memref<!tpu.dma_semaphore, #tpu.memory_space<semaphore_mem>>) src(%arg10 : memref<64x128xf32, #tpu.memory_space<vmem>>) dst(%dma_wait3A_454 : memref<10112x128xf32, #tpu.memory_space<vmem_shared>>)
      %dma_wait3A_455 = arith.constant 14 : i32
      %dma_wait3A_456 = arith.constant 0 : i32
      %dma_wait3A_457 = tpu.memref_slice %arg8[%dma_wait3A_455, %dma_wait3A_456] : memref<16x64xi32, #tpu.memory_space<vmem>> -> memref<1x64xi32, #tpu.memory_space<vmem>>
      %dma_wait3A_458 = tpu.memref_squeeze %dma_wait3A_457 : memref<1x64xi32, #tpu.memory_space<vmem>> -> memref<64xi32, #tpu.memory_space<vmem>>
      %dma_wait3A_459 = arith.constant 0 : i32
      %dma_wait3A_460 = arith.constant 0 : i32
      %dma_wait3A_461 = tpu.memref_slice %arg13[%dma_wait3A_459, %dma_wait3A_460] : memref<10112x128xf32, #tpu.memory_space<vmem_shared>> -> memref<10112x128xf32, #tpu.memory_space<vmem_shared>>
      tpu.wait_indirect_dma semaphore(%arg20 : memref<!tpu.dma_semaphore, #tpu.memory_space<semaphore_mem>>) src(%arg11 : memref<64x128xf32, #tpu.memory_space<vmem>>) dst(%dma_wait3A_461 : memref<10112x128xf32, #tpu.memory_space<vmem_shared>>)
      %dma_wait3A_462 = arith.constant 15 : i32
      %dma_wait3A_463 = arith.constant 0 : i32
      %dma_wait3A_464 = tpu.memref_slice %arg8[%dma_wait3A_462, %dma_wait3A_463] : memref<16x64xi32, #tpu.memory_space<vmem>> -> memref<1x64xi32, #tpu.memory_space<vmem>>
      %dma_wait3A_465 = tpu.memref_squeeze %dma_wait3A_464 : memref<1x64xi32, #tpu.memory_space<vmem>> -> memref<64xi32, #tpu.memory_space<vmem>>
      %dma_wait3A_466 = arith.constant 0 : i32
      %dma_wait3A_467 = arith.constant 0 : i32
      %dma_wait3A_468 = tpu.memref_slice %arg13[%dma_wait3A_466, %dma_wait3A_467] : memref<10112x128xf32, #tpu.memory_space<vmem_shared>> -> memref<10112x128xf32, #tpu.memory_space<vmem_shared>>
      tpu.wait_indirect_dma semaphore(%arg21 : memref<!tpu.dma_semaphore, #tpu.memory_space<semaphore_mem>>) src(%arg12 : memref<64x128xf32, #tpu.memory_space<vmem>>) dst(%dma_wait3A_468 : memref<10112x128xf32, #tpu.memory_space<vmem_shared>>)
      %while3A_469 = arith.constant 0 : i32
      scf.yield %while3A_469 : i32
    }
    %while3A_14 = arith.constant 1 : i32
    %while3A_15 = scf.for %while3A_17 = %while3A_11 to %while3A_7 step %while3A_14 iter_args(%while3A_18 = %while3A_13) -> (i32)  : i32 {
      %mul3A_19 = arith.constant 16 : i32
      %mul3A_20 = arith.muli %while3A_17, %mul3A_19 : i32
      "tpu.region"() ({
        %run_scoped3A = tpu.sem_alloc : memref<!tpu.dma_semaphore, #tpu.memory_space<semaphore_mem>>
        %dma_start3A_470 = arith.constant 0 : i32
        %dma_start3A_471 = tpu.memref_slice %arg3[%add3A, %mul3A_20, %dma_start3A_470] : memref<32x304x64xi32, #tpu.memory_space<hbm>> -> memref<1x16x64xi32, #tpu.memory_space<hbm>>
        %dma_start3A_472 = tpu.memref_squeeze %dma_start3A_471 : memref<1x16x64xi32, #tpu.memory_space<hbm>> -> memref<16x64xi32, #tpu.memory_space<hbm>>
        %dma_start3A_473 = arith.constant 0 : i32
        %dma_start3A_474 = tpu.memref_slice %arg3[%add3A, %mul3A_20, %dma_start3A_473] : memref<32x304x64xi32, #tpu.memory_space<hbm>> -> memref<1x16x64xi32, #tpu.memory_space<hbm>>
        %dma_start3A_475 = tpu.memref_squeeze %dma_start3A_474 : memref<1x16x64xi32, #tpu.memory_space<hbm>> -> memref<16x64xi32, #tpu.memory_space<hbm>>
        tpu.enqueue_dma source(%dma_start3A_475 : memref<16x64xi32, #tpu.memory_space<hbm>>) target(%arg7 : memref<16x64xi32, #tpu.memory_space<vmem>>) target_semaphore(%run_scoped3A : memref<!tpu.dma_semaphore, #tpu.memory_space<semaphore_mem>>)
        %dma_wait3A_476 = arith.constant 0 : i32
        %dma_wait3A_477 = tpu.memref_slice %arg3[%add3A, %mul3A_20, %dma_wait3A_476] : memref<32x304x64xi32, #tpu.memory_space<hbm>> -> memref<1x16x64xi32, #tpu.memory_space<hbm>>
        %dma_wait3A_478 = tpu.memref_squeeze %dma_wait3A_477 : memref<1x16x64xi32, #tpu.memory_space<hbm>> -> memref<16x64xi32, #tpu.memory_space<hbm>>
        %dma_wait3A_479 = arith.constant 0 : i32
        %dma_wait3A_480 = tpu.memref_slice %arg3[%add3A, %mul3A_20, %dma_wait3A_479] : memref<32x304x64xi32, #tpu.memory_space<hbm>> -> memref<1x16x64xi32, #tpu.memory_space<hbm>>
        %dma_wait3A_481 = tpu.memref_squeeze %dma_wait3A_480 : memref<1x16x64xi32, #tpu.memory_space<hbm>> -> memref<16x64xi32, #tpu.memory_space<hbm>>
        tpu.wait_dma2 semaphore(%run_scoped3A : memref<!tpu.dma_semaphore, #tpu.memory_space<semaphore_mem>>) src(%dma_wait3A_481 : memref<16x64xi32, #tpu.memory_space<hbm>>) dst(%arg7 : memref<16x64xi32, #tpu.memory_space<vmem>>)
        tpu.yield
      }) : () -> ()
      %mul3A_21 = arith.constant 16 : i32
      %mul3A_22 = arith.muli %while3A_17, %mul3A_21 : i32
      "tpu.region"() ({
        %run_scoped3A = tpu.sem_alloc : memref<!tpu.dma_semaphore, #tpu.memory_space<semaphore_mem>>
        %dma_start3A_470 = arith.constant 0 : i32
        %dma_start3A_471 = tpu.memref_slice %arg4[%add3A, %mul3A_22, %dma_start3A_470] : memref<32x304x64xi32, #tpu.memory_space<hbm>> -> memref<1x16x64xi32, #tpu.memory_space<hbm>>
        %dma_start3A_472 = tpu.memref_squeeze %dma_start3A_471 : memref<1x16x64xi32, #tpu.memory_space<hbm>> -> memref<16x64xi32, #tpu.memory_space<hbm>>
        %dma_start3A_473 = arith.constant 0 : i32
        %dma_start3A_474 = tpu.memref_slice %arg4[%add3A, %mul3A_22, %dma_start3A_473] : memref<32x304x64xi32, #tpu.memory_space<hbm>> -> memref<1x16x64xi32, #tpu.memory_space<hbm>>
        %dma_start3A_475 = tpu.memref_squeeze %dma_start3A_474 : memref<1x16x64xi32, #tpu.memory_space<hbm>> -> memref<16x64xi32, #tpu.memory_space<hbm>>
        tpu.enqueue_dma source(%dma_start3A_475 : memref<16x64xi32, #tpu.memory_space<hbm>>) target(%arg8 : memref<16x64xi32, #tpu.memory_space<vmem>>) target_semaphore(%run_scoped3A : memref<!tpu.dma_semaphore, #tpu.memory_space<semaphore_mem>>)
        %dma_wait3A_476 = arith.constant 0 : i32
        %dma_wait3A_477 = tpu.memref_slice %arg4[%add3A, %mul3A_22, %dma_wait3A_476] : memref<32x304x64xi32, #tpu.memory_space<hbm>> -> memref<1x16x64xi32, #tpu.memory_space<hbm>>
        %dma_wait3A_478 = tpu.memref_squeeze %dma_wait3A_477 : memref<1x16x64xi32, #tpu.memory_space<hbm>> -> memref<16x64xi32, #tpu.memory_space<hbm>>
        %dma_wait3A_479 = arith.constant 0 : i32
        %dma_wait3A_480 = tpu.memref_slice %arg4[%add3A, %mul3A_22, %dma_wait3A_479] : memref<32x304x64xi32, #tpu.memory_space<hbm>> -> memref<1x16x64xi32, #tpu.memory_space<hbm>>
        %dma_wait3A_481 = tpu.memref_squeeze %dma_wait3A_480 : memref<1x16x64xi32, #tpu.memory_space<hbm>> -> memref<16x64xi32, #tpu.memory_space<hbm>>
        tpu.wait_dma2 semaphore(%run_scoped3A : memref<!tpu.dma_semaphore, #tpu.memory_space<semaphore_mem>>) src(%dma_wait3A_481 : memref<16x64xi32, #tpu.memory_space<hbm>>) dst(%arg8 : memref<16x64xi32, #tpu.memory_space<vmem>>)
        tpu.yield
      }) : () -> ()
      %dma_start3A = arith.constant 0 : i32
      %dma_start3A_23 = arith.constant 0 : i32
      %dma_start3A_24 = tpu.memref_slice %arg7[%dma_start3A, %dma_start3A_23] : memref<16x64xi32, #tpu.memory_space<vmem>> -> memref<1x64xi32, #tpu.memory_space<vmem>>
      %dma_start3A_25 = tpu.memref_squeeze %dma_start3A_24 : memref<1x64xi32, #tpu.memory_space<vmem>> -> memref<64xi32, #tpu.memory_space<vmem>>
      %dma_start3A_26 = arith.constant 0 : i32
      %dma_start3A_27 = arith.constant 0 : i32
      %dma_start3A_28 = tpu.memref_slice %arg2[%dma_start3A_26, %dma_start3A_27] : memref<10000x128xf32, #tpu.memory_space<hbm>> -> memref<10000x128xf32, #tpu.memory_space<hbm>>
      tpu.enqueue_indirect_dma source(%dma_start3A_28 : memref<10000x128xf32, #tpu.memory_space<hbm>>) target(%arg9 : memref<64x128xf32, #tpu.memory_space<vmem>>) offsets(%dma_start3A_25 : memref<64xi32, #tpu.memory_space<vmem>>) semaphore(%arg14 : memref<!tpu.dma_semaphore, #tpu.memory_space<semaphore_mem>>)
      %dma_start3A_29 = arith.constant 1 : i32
      %dma_start3A_30 = arith.constant 0 : i32
      %dma_start3A_31 = tpu.memref_slice %arg7[%dma_start3A_29, %dma_start3A_30] : memref<16x64xi32, #tpu.memory_space<vmem>> -> memref<1x64xi32, #tpu.memory_space<vmem>>
      %dma_start3A_32 = tpu.memref_squeeze %dma_start3A_31 : memref<1x64xi32, #tpu.memory_space<vmem>> -> memref<64xi32, #tpu.memory_space<vmem>>
      %dma_start3A_33 = arith.constant 0 : i32
      %dma_start3A_34 = arith.constant 0 : i32
      %dma_start3A_35 = tpu.memref_slice %arg2[%dma_start3A_33, %dma_start3A_34] : memref<10000x128xf32, #tpu.memory_space<hbm>> -> memref<10000x128xf32, #tpu.memory_space<hbm>>
      tpu.enqueue_indirect_dma source(%dma_start3A_35 : memref<10000x128xf32, #tpu.memory_space<hbm>>) target(%arg10 : memref<64x128xf32, #tpu.memory_space<vmem>>) offsets(%dma_start3A_32 : memref<64xi32, #tpu.memory_space<vmem>>) semaphore(%arg15 : memref<!tpu.dma_semaphore, #tpu.memory_space<semaphore_mem>>)
      %dma_start3A_36 = arith.constant 2 : i32
      %dma_start3A_37 = arith.constant 0 : i32
      %dma_start3A_38 = tpu.memref_slice %arg7[%dma_start3A_36, %dma_start3A_37] : memref<16x64xi32, #tpu.memory_space<vmem>> -> memref<1x64xi32, #tpu.memory_space<vmem>>
      %dma_start3A_39 = tpu.memref_squeeze %dma_start3A_38 : memref<1x64xi32, #tpu.memory_space<vmem>> -> memref<64xi32, #tpu.memory_space<vmem>>
      %dma_start3A_40 = arith.constant 0 : i32
      %dma_start3A_41 = arith.constant 0 : i32
      %dma_start3A_42 = tpu.memref_slice %arg2[%dma_start3A_40, %dma_start3A_41] : memref<10000x128xf32, #tpu.memory_space<hbm>> -> memref<10000x128xf32, #tpu.memory_space<hbm>>
      tpu.enqueue_indirect_dma source(%dma_start3A_42 : memref<10000x128xf32, #tpu.memory_space<hbm>>) target(%arg11 : memref<64x128xf32, #tpu.memory_space<vmem>>) offsets(%dma_start3A_39 : memref<64xi32, #tpu.memory_space<vmem>>) semaphore(%arg16 : memref<!tpu.dma_semaphore, #tpu.memory_space<semaphore_mem>>)
      %dma_wait3A = arith.constant 0 : i32
      %dma_wait3A_43 = arith.constant 0 : i32
      %dma_wait3A_44 = tpu.memref_slice %arg7[%dma_wait3A, %dma_wait3A_43] : memref<16x64xi32, #tpu.memory_space<vmem>> -> memref<1x64xi32, #tpu.memory_space<vmem>>
      %dma_wait3A_45 = tpu.memref_squeeze %dma_wait3A_44 : memref<1x64xi32, #tpu.memory_space<vmem>> -> memref<64xi32, #tpu.memory_space<vmem>>
      %dma_wait3A_46 = arith.constant 0 : i32
      %dma_wait3A_47 = arith.constant 0 : i32
      %dma_wait3A_48 = tpu.memref_slice %arg2[%dma_wait3A_46, %dma_wait3A_47] : memref<10000x128xf32, #tpu.memory_space<hbm>> -> memref<10000x128xf32, #tpu.memory_space<hbm>>
      tpu.wait_indirect_dma semaphore(%arg14 : memref<!tpu.dma_semaphore, #tpu.memory_space<semaphore_mem>>) src(%dma_wait3A_48 : memref<10000x128xf32, #tpu.memory_space<hbm>>) dst(%arg9 : memref<64x128xf32, #tpu.memory_space<vmem>>)
      %dma_start3A_49 = arith.constant 3 : i32
      %dma_start3A_50 = arith.constant 0 : i32
      %dma_start3A_51 = tpu.memref_slice %arg7[%dma_start3A_49, %dma_start3A_50] : memref<16x64xi32, #tpu.memory_space<vmem>> -> memref<1x64xi32, #tpu.memory_space<vmem>>
      %dma_start3A_52 = tpu.memref_squeeze %dma_start3A_51 : memref<1x64xi32, #tpu.memory_space<vmem>> -> memref<64xi32, #tpu.memory_space<vmem>>
      %dma_start3A_53 = arith.constant 0 : i32
      %dma_start3A_54 = arith.constant 0 : i32
      %dma_start3A_55 = tpu.memref_slice %arg2[%dma_start3A_53, %dma_start3A_54] : memref<10000x128xf32, #tpu.memory_space<hbm>> -> memref<10000x128xf32, #tpu.memory_space<hbm>>
      tpu.enqueue_indirect_dma source(%dma_start3A_55 : memref<10000x128xf32, #tpu.memory_space<hbm>>) target(%arg12 : memref<64x128xf32, #tpu.memory_space<vmem>>) offsets(%dma_start3A_52 : memref<64xi32, #tpu.memory_space<vmem>>) semaphore(%arg17 : memref<!tpu.dma_semaphore, #tpu.memory_space<semaphore_mem>>)
      %dma_start3A_56 = arith.constant 0 : i32
      %dma_start3A_57 = arith.constant 0 : i32
      %dma_start3A_58 = tpu.memref_slice %arg8[%dma_start3A_56, %dma_start3A_57] : memref<16x64xi32, #tpu.memory_space<vmem>> -> memref<1x64xi32, #tpu.memory_space<vmem>>
      %dma_start3A_59 = tpu.memref_squeeze %dma_start3A_58 : memref<1x64xi32, #tpu.memory_space<vmem>> -> memref<64xi32, #tpu.memory_space<vmem>>
      %dma_start3A_60 = arith.constant 0 : i32
      %dma_start3A_61 = arith.constant 0 : i32
      %dma_start3A_62 = tpu.memref_slice %arg13[%dma_start3A_60, %dma_start3A_61] : memref<10112x128xf32, #tpu.memory_space<vmem_shared>> -> memref<10112x128xf32, #tpu.memory_space<vmem_shared>>
      tpu.enqueue_indirect_dma source(%arg9 : memref<64x128xf32, #tpu.memory_space<vmem>>) target(%dma_start3A_62 : memref<10112x128xf32, #tpu.memory_space<vmem_shared>>) offsets(%dma_start3A_59 : memref<64xi32, #tpu.memory_space<vmem>>) semaphore(%arg18 : memref<!tpu.dma_semaphore, #tpu.memory_space<semaphore_mem>>) {add = true}
      %dma_wait3A_63 = arith.constant 1 : i32
      %dma_wait3A_64 = arith.constant 0 : i32
      %dma_wait3A_65 = tpu.memref_slice %arg7[%dma_wait3A_63, %dma_wait3A_64] : memref<16x64xi32, #tpu.memory_space<vmem>> -> memref<1x64xi32, #tpu.memory_space<vmem>>
      %dma_wait3A_66 = tpu.memref_squeeze %dma_wait3A_65 : memref<1x64xi32, #tpu.memory_space<vmem>> -> memref<64xi32, #tpu.memory_space<vmem>>
      %dma_wait3A_67 = arith.constant 0 : i32
      %dma_wait3A_68 = arith.constant 0 : i32
      %dma_wait3A_69 = tpu.memref_slice %arg2[%dma_wait3A_67, %dma_wait3A_68] : memref<10000x128xf32, #tpu.memory_space<hbm>> -> memref<10000x128xf32, #tpu.memory_space<hbm>>
      tpu.wait_indirect_dma semaphore(%arg15 : memref<!tpu.dma_semaphore, #tpu.memory_space<semaphore_mem>>) src(%dma_wait3A_69 : memref<10000x128xf32, #tpu.memory_space<hbm>>) dst(%arg10 : memref<64x128xf32, #tpu.memory_space<vmem>>)
      %dma_wait3A_70 = arith.constant 0 : i32
      %dma_wait3A_71 = arith.constant 0 : i32
      %dma_wait3A_72 = tpu.memref_slice %arg8[%dma_wait3A_70, %dma_wait3A_71] : memref<16x64xi32, #tpu.memory_space<vmem>> -> memref<1x64xi32, #tpu.memory_space<vmem>>
      %dma_wait3A_73 = tpu.memref_squeeze %dma_wait3A_72 : memref<1x64xi32, #tpu.memory_space<vmem>> -> memref<64xi32, #tpu.memory_space<vmem>>
      %dma_wait3A_74 = arith.constant 0 : i32
      %dma_wait3A_75 = arith.constant 0 : i32
      %dma_wait3A_76 = tpu.memref_slice %arg13[%dma_wait3A_74, %dma_wait3A_75] : memref<10112x128xf32, #tpu.memory_space<vmem_shared>> -> memref<10112x128xf32, #tpu.memory_space<vmem_shared>>
      tpu.wait_indirect_dma semaphore(%arg18 : memref<!tpu.dma_semaphore, #tpu.memory_space<semaphore_mem>>) src(%arg9 : memref<64x128xf32, #tpu.memory_space<vmem>>) dst(%dma_wait3A_76 : memref<10112x128xf32, #tpu.memory_space<vmem_shared>>)
      %dma_start3A_77 = arith.constant 4 : i32
      %dma_start3A_78 = arith.constant 0 : i32
      %dma_start3A_79 = tpu.memref_slice %arg7[%dma_start3A_77, %dma_start3A_78] : memref<16x64xi32, #tpu.memory_space<vmem>> -> memref<1x64xi32, #tpu.memory_space<vmem>>
      %dma_start3A_80 = tpu.memref_squeeze %dma_start3A_79 : memref<1x64xi32, #tpu.memory_space<vmem>> -> memref<64xi32, #tpu.memory_space<vmem>>
      %dma_start3A_81 = arith.constant 0 : i32
      %dma_start3A_82 = arith.constant 0 : i32
      %dma_start3A_83 = tpu.memref_slice %arg2[%dma_start3A_81, %dma_start3A_82] : memref<10000x128xf32, #tpu.memory_space<hbm>> -> memref<10000x128xf32, #tpu.memory_space<hbm>>
      tpu.enqueue_indirect_dma source(%dma_start3A_83 : memref<10000x128xf32, #tpu.memory_space<hbm>>) target(%arg9 : memref<64x128xf32, #tpu.memory_space<vmem>>) offsets(%dma_start3A_80 : memref<64xi32, #tpu.memory_space<vmem>>) semaphore(%arg14 : memref<!tpu.dma_semaphore, #tpu.memory_space<semaphore_mem>>)
      %dma_start3A_84 = arith.constant 1 : i32
      %dma_start3A_85 = arith.constant 0 : i32
      %dma_start3A_86 = tpu.memref_slice %arg8[%dma_start3A_84, %dma_start3A_85] : memref<16x64xi32, #tpu.memory_space<vmem>> -> memref<1x64xi32, #tpu.memory_space<vmem>>
      %dma_start3A_87 = tpu.memref_squeeze %dma_start3A_86 : memref<1x64xi32, #tpu.memory_space<vmem>> -> memref<64xi32, #tpu.memory_space<vmem>>
      %dma_start3A_88 = arith.constant 0 : i32
      %dma_start3A_89 = arith.constant 0 : i32
      %dma_start3A_90 = tpu.memref_slice %arg13[%dma_start3A_88, %dma_start3A_89] : memref<10112x128xf32, #tpu.memory_space<vmem_shared>> -> memref<10112x128xf32, #tpu.memory_space<vmem_shared>>
      tpu.enqueue_indirect_dma source(%arg10 : memref<64x128xf32, #tpu.memory_space<vmem>>) target(%dma_start3A_90 : memref<10112x128xf32, #tpu.memory_space<vmem_shared>>) offsets(%dma_start3A_87 : memref<64xi32, #tpu.memory_space<vmem>>) semaphore(%arg19 : memref<!tpu.dma_semaphore, #tpu.memory_space<semaphore_mem>>) {add = true}
      %dma_wait3A_91 = arith.constant 2 : i32
      %dma_wait3A_92 = arith.constant 0 : i32
      %dma_wait3A_93 = tpu.memref_slice %arg7[%dma_wait3A_91, %dma_wait3A_92] : memref<16x64xi32, #tpu.memory_space<vmem>> -> memref<1x64xi32, #tpu.memory_space<vmem>>
      %dma_wait3A_94 = tpu.memref_squeeze %dma_wait3A_93 : memref<1x64xi32, #tpu.memory_space<vmem>> -> memref<64xi32, #tpu.memory_space<vmem>>
      %dma_wait3A_95 = arith.constant 0 : i32
      %dma_wait3A_96 = arith.constant 0 : i32
      %dma_wait3A_97 = tpu.memref_slice %arg2[%dma_wait3A_95, %dma_wait3A_96] : memref<10000x128xf32, #tpu.memory_space<hbm>> -> memref<10000x128xf32, #tpu.memory_space<hbm>>
      tpu.wait_indirect_dma semaphore(%arg16 : memref<!tpu.dma_semaphore, #tpu.memory_space<semaphore_mem>>) src(%dma_wait3A_97 : memref<10000x128xf32, #tpu.memory_space<hbm>>) dst(%arg11 : memref<64x128xf32, #tpu.memory_space<vmem>>)
      %dma_wait3A_98 = arith.constant 1 : i32
      %dma_wait3A_99 = arith.constant 0 : i32
      %dma_wait3A_100 = tpu.memref_slice %arg8[%dma_wait3A_98, %dma_wait3A_99] : memref<16x64xi32, #tpu.memory_space<vmem>> -> memref<1x64xi32, #tpu.memory_space<vmem>>
      %dma_wait3A_101 = tpu.memref_squeeze %dma_wait3A_100 : memref<1x64xi32, #tpu.memory_space<vmem>> -> memref<64xi32, #tpu.memory_space<vmem>>
      %dma_wait3A_102 = arith.constant 0 : i32
      %dma_wait3A_103 = arith.constant 0 : i32
      %dma_wait3A_104 = tpu.memref_slice %arg13[%dma_wait3A_102, %dma_wait3A_103] : memref<10112x128xf32, #tpu.memory_space<vmem_shared>> -> memref<10112x128xf32, #tpu.memory_space<vmem_shared>>
      tpu.wait_indirect_dma semaphore(%arg19 : memref<!tpu.dma_semaphore, #tpu.memory_space<semaphore_mem>>) src(%arg10 : memref<64x128xf32, #tpu.memory_space<vmem>>) dst(%dma_wait3A_104 : memref<10112x128xf32, #tpu.memory_space<vmem_shared>>)
      %dma_start3A_105 = arith.constant 5 : i32
      %dma_start3A_106 = arith.constant 0 : i32
      %dma_start3A_107 = tpu.memref_slice %arg7[%dma_start3A_105, %dma_start3A_106] : memref<16x64xi32, #tpu.memory_space<vmem>> -> memref<1x64xi32, #tpu.memory_space<vmem>>
      %dma_start3A_108 = tpu.memref_squeeze %dma_start3A_107 : memref<1x64xi32, #tpu.memory_space<vmem>> -> memref<64xi32, #tpu.memory_space<vmem>>
      %dma_start3A_109 = arith.constant 0 : i32
      %dma_start3A_110 = arith.constant 0 : i32
      %dma_start3A_111 = tpu.memref_slice %arg2[%dma_start3A_109, %dma_start3A_110] : memref<10000x128xf32, #tpu.memory_space<hbm>> -> memref<10000x128xf32, #tpu.memory_space<hbm>>
      tpu.enqueue_indirect_dma source(%dma_start3A_111 : memref<10000x128xf32, #tpu.memory_space<hbm>>) target(%arg10 : memref<64x128xf32, #tpu.memory_space<vmem>>) offsets(%dma_start3A_108 : memref<64xi32, #tpu.memory_space<vmem>>) semaphore(%arg15 : memref<!tpu.dma_semaphore, #tpu.memory_space<semaphore_mem>>)
      %dma_start3A_112 = arith.constant 2 : i32
      %dma_start3A_113 = arith.constant 0 : i32
      %dma_start3A_114 = tpu.memref_slice %arg8[%dma_start3A_112, %dma_start3A_113] : memref<16x64xi32, #tpu.memory_space<vmem>> -> memref<1x64xi32, #tpu.memory_space<vmem>>
      %dma_start3A_115 = tpu.memref_squeeze %dma_start3A_114 : memref<1x64xi32, #tpu.memory_space<vmem>> -> memref<64xi32, #tpu.memory_space<vmem>>
      %dma_start3A_116 = arith.constant 0 : i32
      %dma_start3A_117 = arith.constant 0 : i32
      %dma_start3A_118 = tpu.memref_slice %arg13[%dma_start3A_116, %dma_start3A_117] : memref<10112x128xf32, #tpu.memory_space<vmem_shared>> -> memref<10112x128xf32, #tpu.memory_space<vmem_shared>>
      tpu.enqueue_indirect_dma source(%arg11 : memref<64x128xf32, #tpu.memory_space<vmem>>) target(%dma_start3A_118 : memref<10112x128xf32, #tpu.memory_space<vmem_shared>>) offsets(%dma_start3A_115 : memref<64xi32, #tpu.memory_space<vmem>>) semaphore(%arg20 : memref<!tpu.dma_semaphore, #tpu.memory_space<semaphore_mem>>) {add = true}
      %dma_wait3A_119 = arith.constant 3 : i32
      %dma_wait3A_120 = arith.constant 0 : i32
      %dma_wait3A_121 = tpu.memref_slice %arg7[%dma_wait3A_119, %dma_wait3A_120] : memref<16x64xi32, #tpu.memory_space<vmem>> -> memref<1x64xi32, #tpu.memory_space<vmem>>
      %dma_wait3A_122 = tpu.memref_squeeze %dma_wait3A_121 : memref<1x64xi32, #tpu.memory_space<vmem>> -> memref<64xi32, #tpu.memory_space<vmem>>
      %dma_wait3A_123 = arith.constant 0 : i32
      %dma_wait3A_124 = arith.constant 0 : i32
      %dma_wait3A_125 = tpu.memref_slice %arg2[%dma_wait3A_123, %dma_wait3A_124] : memref<10000x128xf32, #tpu.memory_space<hbm>> -> memref<10000x128xf32, #tpu.memory_space<hbm>>
      tpu.wait_indirect_dma semaphore(%arg17 : memref<!tpu.dma_semaphore, #tpu.memory_space<semaphore_mem>>) src(%dma_wait3A_125 : memref<10000x128xf32, #tpu.memory_space<hbm>>) dst(%arg12 : memref<64x128xf32, #tpu.memory_space<vmem>>)
      %dma_wait3A_126 = arith.constant 2 : i32
      %dma_wait3A_127 = arith.constant 0 : i32
      %dma_wait3A_128 = tpu.memref_slice %arg8[%dma_wait3A_126, %dma_wait3A_127] : memref<16x64xi32, #tpu.memory_space<vmem>> -> memref<1x64xi32, #tpu.memory_space<vmem>>
      %dma_wait3A_129 = tpu.memref_squeeze %dma_wait3A_128 : memref<1x64xi32, #tpu.memory_space<vmem>> -> memref<64xi32, #tpu.memory_space<vmem>>
      %dma_wait3A_130 = arith.constant 0 : i32
      %dma_wait3A_131 = arith.constant 0 : i32
      %dma_wait3A_132 = tpu.memref_slice %arg13[%dma_wait3A_130, %dma_wait3A_131] : memref<10112x128xf32, #tpu.memory_space<vmem_shared>> -> memref<10112x128xf32, #tpu.memory_space<vmem_shared>>
      tpu.wait_indirect_dma semaphore(%arg20 : memref<!tpu.dma_semaphore, #tpu.memory_space<semaphore_mem>>) src(%arg11 : memref<64x128xf32, #tpu.memory_space<vmem>>) dst(%dma_wait3A_132 : memref<10112x128xf32, #tpu.memory_space<vmem_shared>>)
      %dma_start3A_133 = arith.constant 6 : i32
      %dma_start3A_134 = arith.constant 0 : i32
      %dma_start3A_135 = tpu.memref_slice %arg7[%dma_start3A_133, %dma_start3A_134] : memref<16x64xi32, #tpu.memory_space<vmem>> -> memref<1x64xi32, #tpu.memory_space<vmem>>
      %dma_start3A_136 = tpu.memref_squeeze %dma_start3A_135 : memref<1x64xi32, #tpu.memory_space<vmem>> -> memref<64xi32, #tpu.memory_space<vmem>>
      %dma_start3A_137 = arith.constant 0 : i32
      %dma_start3A_138 = arith.constant 0 : i32
      %dma_start3A_139 = tpu.memref_slice %arg2[%dma_start3A_137, %dma_start3A_138] : memref<10000x128xf32, #tpu.memory_space<hbm>> -> memref<10000x128xf32, #tpu.memory_space<hbm>>
      tpu.enqueue_indirect_dma source(%dma_start3A_139 : memref<10000x128xf32, #tpu.memory_space<hbm>>) target(%arg11 : memref<64x128xf32, #tpu.memory_space<vmem>>) offsets(%dma_start3A_136 : memref<64xi32, #tpu.memory_space<vmem>>) semaphore(%arg16 : memref<!tpu.dma_semaphore, #tpu.memory_space<semaphore_mem>>)
      %dma_start3A_140 = arith.constant 3 : i32
      %dma_start3A_141 = arith.constant 0 : i32
      %dma_start3A_142 = tpu.memref_slice %arg8[%dma_start3A_140, %dma_start3A_141] : memref<16x64xi32, #tpu.memory_space<vmem>> -> memref<1x64xi32, #tpu.memory_space<vmem>>
      %dma_start3A_143 = tpu.memref_squeeze %dma_start3A_142 : memref<1x64xi32, #tpu.memory_space<vmem>> -> memref<64xi32, #tpu.memory_space<vmem>>
      %dma_start3A_144 = arith.constant 0 : i32
      %dma_start3A_145 = arith.constant 0 : i32
      %dma_start3A_146 = tpu.memref_slice %arg13[%dma_start3A_144, %dma_start3A_145] : memref<10112x128xf32, #tpu.memory_space<vmem_shared>> -> memref<10112x128xf32, #tpu.memory_space<vmem_shared>>
      tpu.enqueue_indirect_dma source(%arg12 : memref<64x128xf32, #tpu.memory_space<vmem>>) target(%dma_start3A_146 : memref<10112x128xf32, #tpu.memory_space<vmem_shared>>) offsets(%dma_start3A_143 : memref<64xi32, #tpu.memory_space<vmem>>) semaphore(%arg21 : memref<!tpu.dma_semaphore, #tpu.memory_space<semaphore_mem>>) {add = true}
      %dma_wait3A_147 = arith.constant 4 : i32
      %dma_wait3A_148 = arith.constant 0 : i32
      %dma_wait3A_149 = tpu.memref_slice %arg7[%dma_wait3A_147, %dma_wait3A_148] : memref<16x64xi32, #tpu.memory_space<vmem>> -> memref<1x64xi32, #tpu.memory_space<vmem>>
      %dma_wait3A_150 = tpu.memref_squeeze %dma_wait3A_149 : memref<1x64xi32, #tpu.memory_space<vmem>> -> memref<64xi32, #tpu.memory_space<vmem>>
      %dma_wait3A_151 = arith.constant 0 : i32
      %dma_wait3A_152 = arith.constant 0 : i32
      %dma_wait3A_153 = tpu.memref_slice %arg2[%dma_wait3A_151, %dma_wait3A_152] : memref<10000x128xf32, #tpu.memory_space<hbm>> -> memref<10000x128xf32, #tpu.memory_space<hbm>>
      tpu.wait_indirect_dma semaphore(%arg14 : memref<!tpu.dma_semaphore, #tpu.memory_space<semaphore_mem>>) src(%dma_wait3A_153 : memref<10000x128xf32, #tpu.memory_space<hbm>>) dst(%arg9 : memref<64x128xf32, #tpu.memory_space<vmem>>)
      %dma_wait3A_154 = arith.constant 3 : i32
      %dma_wait3A_155 = arith.constant 0 : i32
      %dma_wait3A_156 = tpu.memref_slice %arg8[%dma_wait3A_154, %dma_wait3A_155] : memref<16x64xi32, #tpu.memory_space<vmem>> -> memref<1x64xi32, #tpu.memory_space<vmem>>
      %dma_wait3A_157 = tpu.memref_squeeze %dma_wait3A_156 : memref<1x64xi32, #tpu.memory_space<vmem>> -> memref<64xi32, #tpu.memory_space<vmem>>
      %dma_wait3A_158 = arith.constant 0 : i32
      %dma_wait3A_159 = arith.constant 0 : i32
      %dma_wait3A_160 = tpu.memref_slice %arg13[%dma_wait3A_158, %dma_wait3A_159] : memref<10112x128xf32, #tpu.memory_space<vmem_shared>> -> memref<10112x128xf32, #tpu.memory_space<vmem_shared>>
      tpu.wait_indirect_dma semaphore(%arg21 : memref<!tpu.dma_semaphore, #tpu.memory_space<semaphore_mem>>) src(%arg12 : memref<64x128xf32, #tpu.memory_space<vmem>>) dst(%dma_wait3A_160 : memref<10112x128xf32, #tpu.memory_space<vmem_shared>>)
      %dma_start3A_161 = arith.constant 7 : i32
      %dma_start3A_162 = arith.constant 0 : i32
      %dma_start3A_163 = tpu.memref_slice %arg7[%dma_start3A_161, %dma_start3A_162] : memref<16x64xi32, #tpu.memory_space<vmem>> -> memref<1x64xi32, #tpu.memory_space<vmem>>
      %dma_start3A_164 = tpu.memref_squeeze %dma_start3A_163 : memref<1x64xi32, #tpu.memory_space<vmem>> -> memref<64xi32, #tpu.memory_space<vmem>>
      %dma_start3A_165 = arith.constant 0 : i32
      %dma_start3A_166 = arith.constant 0 : i32
      %dma_start3A_167 = tpu.memref_slice %arg2[%dma_start3A_165, %dma_start3A_166] : memref<10000x128xf32, #tpu.memory_space<hbm>> -> memref<10000x128xf32, #tpu.memory_space<hbm>>
      tpu.enqueue_indirect_dma source(%dma_start3A_167 : memref<10000x128xf32, #tpu.memory_space<hbm>>) target(%arg12 : memref<64x128xf32, #tpu.memory_space<vmem>>) offsets(%dma_start3A_164 : memref<64xi32, #tpu.memory_space<vmem>>) semaphore(%arg17 : memref<!tpu.dma_semaphore, #tpu.memory_space<semaphore_mem>>)
      %dma_start3A_168 = arith.constant 4 : i32
      %dma_start3A_169 = arith.constant 0 : i32
      %dma_start3A_170 = tpu.memref_slice %arg8[%dma_start3A_168, %dma_start3A_169] : memref<16x64xi32, #tpu.memory_space<vmem>> -> memref<1x64xi32, #tpu.memory_space<vmem>>
      %dma_start3A_171 = tpu.memref_squeeze %dma_start3A_170 : memref<1x64xi32, #tpu.memory_space<vmem>> -> memref<64xi32, #tpu.memory_space<vmem>>
      %dma_start3A_172 = arith.constant 0 : i32
      %dma_start3A_173 = arith.constant 0 : i32
      %dma_start3A_174 = tpu.memref_slice %arg13[%dma_start3A_172, %dma_start3A_173] : memref<10112x128xf32, #tpu.memory_space<vmem_shared>> -> memref<10112x128xf32, #tpu.memory_space<vmem_shared>>
      tpu.enqueue_indirect_dma source(%arg9 : memref<64x128xf32, #tpu.memory_space<vmem>>) target(%dma_start3A_174 : memref<10112x128xf32, #tpu.memory_space<vmem_shared>>) offsets(%dma_start3A_171 : memref<64xi32, #tpu.memory_space<vmem>>) semaphore(%arg18 : memref<!tpu.dma_semaphore, #tpu.memory_space<semaphore_mem>>) {add = true}
      %dma_wait3A_175 = arith.constant 5 : i32
      %dma_wait3A_176 = arith.constant 0 : i32
      %dma_wait3A_177 = tpu.memref_slice %arg7[%dma_wait3A_175, %dma_wait3A_176] : memref<16x64xi32, #tpu.memory_space<vmem>> -> memref<1x64xi32, #tpu.memory_space<vmem>>
      %dma_wait3A_178 = tpu.memref_squeeze %dma_wait3A_177 : memref<1x64xi32, #tpu.memory_space<vmem>> -> memref<64xi32, #tpu.memory_space<vmem>>
      %dma_wait3A_179 = arith.constant 0 : i32
      %dma_wait3A_180 = arith.constant 0 : i32
      %dma_wait3A_181 = tpu.memref_slice %arg2[%dma_wait3A_179, %dma_wait3A_180] : memref<10000x128xf32, #tpu.memory_space<hbm>> -> memref<10000x128xf32, #tpu.memory_space<hbm>>
      tpu.wait_indirect_dma semaphore(%arg15 : memref<!tpu.dma_semaphore, #tpu.memory_space<semaphore_mem>>) src(%dma_wait3A_181 : memref<10000x128xf32, #tpu.memory_space<hbm>>) dst(%arg10 : memref<64x128xf32, #tpu.memory_space<vmem>>)
      %dma_wait3A_182 = arith.constant 4 : i32
      %dma_wait3A_183 = arith.constant 0 : i32
      %dma_wait3A_184 = tpu.memref_slice %arg8[%dma_wait3A_182, %dma_wait3A_183] : memref<16x64xi32, #tpu.memory_space<vmem>> -> memref<1x64xi32, #tpu.memory_space<vmem>>
      %dma_wait3A_185 = tpu.memref_squeeze %dma_wait3A_184 : memref<1x64xi32, #tpu.memory_space<vmem>> -> memref<64xi32, #tpu.memory_space<vmem>>
      %dma_wait3A_186 = arith.constant 0 : i32
      %dma_wait3A_187 = arith.constant 0 : i32
      %dma_wait3A_188 = tpu.memref_slice %arg13[%dma_wait3A_186, %dma_wait3A_187] : memref<10112x128xf32, #tpu.memory_space<vmem_shared>> -> memref<10112x128xf32, #tpu.memory_space<vmem_shared>>
      tpu.wait_indirect_dma semaphore(%arg18 : memref<!tpu.dma_semaphore, #tpu.memory_space<semaphore_mem>>) src(%arg9 : memref<64x128xf32, #tpu.memory_space<vmem>>) dst(%dma_wait3A_188 : memref<10112x128xf32, #tpu.memory_space<vmem_shared>>)
      %dma_start3A_189 = arith.constant 8 : i32
      %dma_start3A_190 = arith.constant 0 : i32
      %dma_start3A_191 = tpu.memref_slice %arg7[%dma_start3A_189, %dma_start3A_190] : memref<16x64xi32, #tpu.memory_space<vmem>> -> memref<1x64xi32, #tpu.memory_space<vmem>>
      %dma_start3A_192 = tpu.memref_squeeze %dma_start3A_191 : memref<1x64xi32, #tpu.memory_space<vmem>> -> memref<64xi32, #tpu.memory_space<vmem>>
      %dma_start3A_193 = arith.constant 0 : i32
      %dma_start3A_194 = arith.constant 0 : i32
      %dma_start3A_195 = tpu.memref_slice %arg2[%dma_start3A_193, %dma_start3A_194] : memref<10000x128xf32, #tpu.memory_space<hbm>> -> memref<10000x128xf32, #tpu.memory_space<hbm>>
      tpu.enqueue_indirect_dma source(%dma_start3A_195 : memref<10000x128xf32, #tpu.memory_space<hbm>>) target(%arg9 : memref<64x128xf32, #tpu.memory_space<vmem>>) offsets(%dma_start3A_192 : memref<64xi32, #tpu.memory_space<vmem>>) semaphore(%arg14 : memref<!tpu.dma_semaphore, #tpu.memory_space<semaphore_mem>>)
      %dma_start3A_196 = arith.constant 5 : i32
      %dma_start3A_197 = arith.constant 0 : i32
      %dma_start3A_198 = tpu.memref_slice %arg8[%dma_start3A_196, %dma_start3A_197] : memref<16x64xi32, #tpu.memory_space<vmem>> -> memref<1x64xi32, #tpu.memory_space<vmem>>
      %dma_start3A_199 = tpu.memref_squeeze %dma_start3A_198 : memref<1x64xi32, #tpu.memory_space<vmem>> -> memref<64xi32, #tpu.memory_space<vmem>>
      %dma_start3A_200 = arith.constant 0 : i32
      %dma_start3A_201 = arith.constant 0 : i32
      %dma_start3A_202 = tpu.memref_slice %arg13[%dma_start3A_200, %dma_start3A_201] : memref<10112x128xf32, #tpu.memory_space<vmem_shared>> -> memref<10112x128xf32, #tpu.memory_space<vmem_shared>>
      tpu.enqueue_indirect_dma source(%arg10 : memref<64x128xf32, #tpu.memory_space<vmem>>) target(%dma_start3A_202 : memref<10112x128xf32, #tpu.memory_space<vmem_shared>>) offsets(%dma_start3A_199 : memref<64xi32, #tpu.memory_space<vmem>>) semaphore(%arg19 : memref<!tpu.dma_semaphore, #tpu.memory_space<semaphore_mem>>) {add = true}
      %dma_wait3A_203 = arith.constant 6 : i32
      %dma_wait3A_204 = arith.constant 0 : i32
      %dma_wait3A_205 = tpu.memref_slice %arg7[%dma_wait3A_203, %dma_wait3A_204] : memref<16x64xi32, #tpu.memory_space<vmem>> -> memref<1x64xi32, #tpu.memory_space<vmem>>
      %dma_wait3A_206 = tpu.memref_squeeze %dma_wait3A_205 : memref<1x64xi32, #tpu.memory_space<vmem>> -> memref<64xi32, #tpu.memory_space<vmem>>
      %dma_wait3A_207 = arith.constant 0 : i32
      %dma_wait3A_208 = arith.constant 0 : i32
      %dma_wait3A_209 = tpu.memref_slice %arg2[%dma_wait3A_207, %dma_wait3A_208] : memref<10000x128xf32, #tpu.memory_space<hbm>> -> memref<10000x128xf32, #tpu.memory_space<hbm>>
      tpu.wait_indirect_dma semaphore(%arg16 : memref<!tpu.dma_semaphore, #tpu.memory_space<semaphore_mem>>) src(%dma_wait3A_209 : memref<10000x128xf32, #tpu.memory_space<hbm>>) dst(%arg11 : memref<64x128xf32, #tpu.memory_space<vmem>>)
      %dma_wait3A_210 = arith.constant 5 : i32
      %dma_wait3A_211 = arith.constant 0 : i32
      %dma_wait3A_212 = tpu.memref_slice %arg8[%dma_wait3A_210, %dma_wait3A_211] : memref<16x64xi32, #tpu.memory_space<vmem>> -> memref<1x64xi32, #tpu.memory_space<vmem>>
      %dma_wait3A_213 = tpu.memref_squeeze %dma_wait3A_212 : memref<1x64xi32, #tpu.memory_space<vmem>> -> memref<64xi32, #tpu.memory_space<vmem>>
      %dma_wait3A_214 = arith.constant 0 : i32
      %dma_wait3A_215 = arith.constant 0 : i32
      %dma_wait3A_216 = tpu.memref_slice %arg13[%dma_wait3A_214, %dma_wait3A_215] : memref<10112x128xf32, #tpu.memory_space<vmem_shared>> -> memref<10112x128xf32, #tpu.memory_space<vmem_shared>>
      tpu.wait_indirect_dma semaphore(%arg19 : memref<!tpu.dma_semaphore, #tpu.memory_space<semaphore_mem>>) src(%arg10 : memref<64x128xf32, #tpu.memory_space<vmem>>) dst(%dma_wait3A_216 : memref<10112x128xf32, #tpu.memory_space<vmem_shared>>)
      %dma_start3A_217 = arith.constant 9 : i32
      %dma_start3A_218 = arith.constant 0 : i32
      %dma_start3A_219 = tpu.memref_slice %arg7[%dma_start3A_217, %dma_start3A_218] : memref<16x64xi32, #tpu.memory_space<vmem>> -> memref<1x64xi32, #tpu.memory_space<vmem>>
      %dma_start3A_220 = tpu.memref_squeeze %dma_start3A_219 : memref<1x64xi32, #tpu.memory_space<vmem>> -> memref<64xi32, #tpu.memory_space<vmem>>
      %dma_start3A_221 = arith.constant 0 : i32
      %dma_start3A_222 = arith.constant 0 : i32
      %dma_start3A_223 = tpu.memref_slice %arg2[%dma_start3A_221, %dma_start3A_222] : memref<10000x128xf32, #tpu.memory_space<hbm>> -> memref<10000x128xf32, #tpu.memory_space<hbm>>
      tpu.enqueue_indirect_dma source(%dma_start3A_223 : memref<10000x128xf32, #tpu.memory_space<hbm>>) target(%arg10 : memref<64x128xf32, #tpu.memory_space<vmem>>) offsets(%dma_start3A_220 : memref<64xi32, #tpu.memory_space<vmem>>) semaphore(%arg15 : memref<!tpu.dma_semaphore, #tpu.memory_space<semaphore_mem>>)
      %dma_start3A_224 = arith.constant 6 : i32
      %dma_start3A_225 = arith.constant 0 : i32
      %dma_start3A_226 = tpu.memref_slice %arg8[%dma_start3A_224, %dma_start3A_225] : memref<16x64xi32, #tpu.memory_space<vmem>> -> memref<1x64xi32, #tpu.memory_space<vmem>>
      %dma_start3A_227 = tpu.memref_squeeze %dma_start3A_226 : memref<1x64xi32, #tpu.memory_space<vmem>> -> memref<64xi32, #tpu.memory_space<vmem>>
      %dma_start3A_228 = arith.constant 0 : i32
      %dma_start3A_229 = arith.constant 0 : i32
      %dma_start3A_230 = tpu.memref_slice %arg13[%dma_start3A_228, %dma_start3A_229] : memref<10112x128xf32, #tpu.memory_space<vmem_shared>> -> memref<10112x128xf32, #tpu.memory_space<vmem_shared>>
      tpu.enqueue_indirect_dma source(%arg11 : memref<64x128xf32, #tpu.memory_space<vmem>>) target(%dma_start3A_230 : memref<10112x128xf32, #tpu.memory_space<vmem_shared>>) offsets(%dma_start3A_227 : memref<64xi32, #tpu.memory_space<vmem>>) semaphore(%arg20 : memref<!tpu.dma_semaphore, #tpu.memory_space<semaphore_mem>>) {add = true}
      %dma_wait3A_231 = arith.constant 7 : i32
      %dma_wait3A_232 = arith.constant 0 : i32
      %dma_wait3A_233 = tpu.memref_slice %arg7[%dma_wait3A_231, %dma_wait3A_232] : memref<16x64xi32, #tpu.memory_space<vmem>> -> memref<1x64xi32, #tpu.memory_space<vmem>>
      %dma_wait3A_234 = tpu.memref_squeeze %dma_wait3A_233 : memref<1x64xi32, #tpu.memory_space<vmem>> -> memref<64xi32, #tpu.memory_space<vmem>>
      %dma_wait3A_235 = arith.constant 0 : i32
      %dma_wait3A_236 = arith.constant 0 : i32
      %dma_wait3A_237 = tpu.memref_slice %arg2[%dma_wait3A_235, %dma_wait3A_236] : memref<10000x128xf32, #tpu.memory_space<hbm>> -> memref<10000x128xf32, #tpu.memory_space<hbm>>
      tpu.wait_indirect_dma semaphore(%arg17 : memref<!tpu.dma_semaphore, #tpu.memory_space<semaphore_mem>>) src(%dma_wait3A_237 : memref<10000x128xf32, #tpu.memory_space<hbm>>) dst(%arg12 : memref<64x128xf32, #tpu.memory_space<vmem>>)
      %dma_wait3A_238 = arith.constant 6 : i32
      %dma_wait3A_239 = arith.constant 0 : i32
      %dma_wait3A_240 = tpu.memref_slice %arg8[%dma_wait3A_238, %dma_wait3A_239] : memref<16x64xi32, #tpu.memory_space<vmem>> -> memref<1x64xi32, #tpu.memory_space<vmem>>
      %dma_wait3A_241 = tpu.memref_squeeze %dma_wait3A_240 : memref<1x64xi32, #tpu.memory_space<vmem>> -> memref<64xi32, #tpu.memory_space<vmem>>
      %dma_wait3A_242 = arith.constant 0 : i32
      %dma_wait3A_243 = arith.constant 0 : i32
      %dma_wait3A_244 = tpu.memref_slice %arg13[%dma_wait3A_242, %dma_wait3A_243] : memref<10112x128xf32, #tpu.memory_space<vmem_shared>> -> memref<10112x128xf32, #tpu.memory_space<vmem_shared>>
      tpu.wait_indirect_dma semaphore(%arg20 : memref<!tpu.dma_semaphore, #tpu.memory_space<semaphore_mem>>) src(%arg11 : memref<64x128xf32, #tpu.memory_space<vmem>>) dst(%dma_wait3A_244 : memref<10112x128xf32, #tpu.memory_space<vmem_shared>>)
      %dma_start3A_245 = arith.constant 10 : i32
      %dma_start3A_246 = arith.constant 0 : i32
      %dma_start3A_247 = tpu.memref_slice %arg7[%dma_start3A_245, %dma_start3A_246] : memref<16x64xi32, #tpu.memory_space<vmem>> -> memref<1x64xi32, #tpu.memory_space<vmem>>
      %dma_start3A_248 = tpu.memref_squeeze %dma_start3A_247 : memref<1x64xi32, #tpu.memory_space<vmem>> -> memref<64xi32, #tpu.memory_space<vmem>>
      %dma_start3A_249 = arith.constant 0 : i32
      %dma_start3A_250 = arith.constant 0 : i32
      %dma_start3A_251 = tpu.memref_slice %arg2[%dma_start3A_249, %dma_start3A_250] : memref<10000x128xf32, #tpu.memory_space<hbm>> -> memref<10000x128xf32, #tpu.memory_space<hbm>>
      tpu.enqueue_indirect_dma source(%dma_start3A_251 : memref<10000x128xf32, #tpu.memory_space<hbm>>) target(%arg11 : memref<64x128xf32, #tpu.memory_space<vmem>>) offsets(%dma_start3A_248 : memref<64xi32, #tpu.memory_space<vmem>>) semaphore(%arg16 : memref<!tpu.dma_semaphore, #tpu.memory_space<semaphore_mem>>)
      %dma_start3A_252 = arith.constant 7 : i32
      %dma_start3A_253 = arith.constant 0 : i32
      %dma_start3A_254 = tpu.memref_slice %arg8[%dma_start3A_252, %dma_start3A_253] : memref<16x64xi32, #tpu.memory_space<vmem>> -> memref<1x64xi32, #tpu.memory_space<vmem>>
      %dma_start3A_255 = tpu.memref_squeeze %dma_start3A_254 : memref<1x64xi32, #tpu.memory_space<vmem>> -> memref<64xi32, #tpu.memory_space<vmem>>
      %dma_start3A_256 = arith.constant 0 : i32
      %dma_start3A_257 = arith.constant 0 : i32
      %dma_start3A_258 = tpu.memref_slice %arg13[%dma_start3A_256, %dma_start3A_257] : memref<10112x128xf32, #tpu.memory_space<vmem_shared>> -> memref<10112x128xf32, #tpu.memory_space<vmem_shared>>
      tpu.enqueue_indirect_dma source(%arg12 : memref<64x128xf32, #tpu.memory_space<vmem>>) target(%dma_start3A_258 : memref<10112x128xf32, #tpu.memory_space<vmem_shared>>) offsets(%dma_start3A_255 : memref<64xi32, #tpu.memory_space<vmem>>) semaphore(%arg21 : memref<!tpu.dma_semaphore, #tpu.memory_space<semaphore_mem>>) {add = true}
      %dma_wait3A_259 = arith.constant 8 : i32
      %dma_wait3A_260 = arith.constant 0 : i32
      %dma_wait3A_261 = tpu.memref_slice %arg7[%dma_wait3A_259, %dma_wait3A_260] : memref<16x64xi32, #tpu.memory_space<vmem>> -> memref<1x64xi32, #tpu.memory_space<vmem>>
      %dma_wait3A_262 = tpu.memref_squeeze %dma_wait3A_261 : memref<1x64xi32, #tpu.memory_space<vmem>> -> memref<64xi32, #tpu.memory_space<vmem>>
      %dma_wait3A_263 = arith.constant 0 : i32
      %dma_wait3A_264 = arith.constant 0 : i32
      %dma_wait3A_265 = tpu.memref_slice %arg2[%dma_wait3A_263, %dma_wait3A_264] : memref<10000x128xf32, #tpu.memory_space<hbm>> -> memref<10000x128xf32, #tpu.memory_space<hbm>>
      tpu.wait_indirect_dma semaphore(%arg14 : memref<!tpu.dma_semaphore, #tpu.memory_space<semaphore_mem>>) src(%dma_wait3A_265 : memref<10000x128xf32, #tpu.memory_space<hbm>>) dst(%arg9 : memref<64x128xf32, #tpu.memory_space<vmem>>)
      %dma_wait3A_266 = arith.constant 7 : i32
      %dma_wait3A_267 = arith.constant 0 : i32
      %dma_wait3A_268 = tpu.memref_slice %arg8[%dma_wait3A_266, %dma_wait3A_267] : memref<16x64xi32, #tpu.memory_space<vmem>> -> memref<1x64xi32, #tpu.memory_space<vmem>>
      %dma_wait3A_269 = tpu.memref_squeeze %dma_wait3A_268 : memref<1x64xi32, #tpu.memory_space<vmem>> -> memref<64xi32, #tpu.memory_space<vmem>>
      %dma_wait3A_270 = arith.constant 0 : i32
      %dma_wait3A_271 = arith.constant 0 : i32
      %dma_wait3A_272 = tpu.memref_slice %arg13[%dma_wait3A_270, %dma_wait3A_271] : memref<10112x128xf32, #tpu.memory_space<vmem_shared>> -> memref<10112x128xf32, #tpu.memory_space<vmem_shared>>
      tpu.wait_indirect_dma semaphore(%arg21 : memref<!tpu.dma_semaphore, #tpu.memory_space<semaphore_mem>>) src(%arg12 : memref<64x128xf32, #tpu.memory_space<vmem>>) dst(%dma_wait3A_272 : memref<10112x128xf32, #tpu.memory_space<vmem_shared>>)
      %dma_start3A_273 = arith.constant 11 : i32
      %dma_start3A_274 = arith.constant 0 : i32
      %dma_start3A_275 = tpu.memref_slice %arg7[%dma_start3A_273, %dma_start3A_274] : memref<16x64xi32, #tpu.memory_space<vmem>> -> memref<1x64xi32, #tpu.memory_space<vmem>>
      %dma_start3A_276 = tpu.memref_squeeze %dma_start3A_275 : memref<1x64xi32, #tpu.memory_space<vmem>> -> memref<64xi32, #tpu.memory_space<vmem>>
      %dma_start3A_277 = arith.constant 0 : i32
      %dma_start3A_278 = arith.constant 0 : i32
      %dma_start3A_279 = tpu.memref_slice %arg2[%dma_start3A_277, %dma_start3A_278] : memref<10000x128xf32, #tpu.memory_space<hbm>> -> memref<10000x128xf32, #tpu.memory_space<hbm>>
      tpu.enqueue_indirect_dma source(%dma_start3A_279 : memref<10000x128xf32, #tpu.memory_space<hbm>>) target(%arg12 : memref<64x128xf32, #tpu.memory_space<vmem>>) offsets(%dma_start3A_276 : memref<64xi32, #tpu.memory_space<vmem>>) semaphore(%arg17 : memref<!tpu.dma_semaphore, #tpu.memory_space<semaphore_mem>>)
      %dma_start3A_280 = arith.constant 8 : i32
      %dma_start3A_281 = arith.constant 0 : i32
      %dma_start3A_282 = tpu.memref_slice %arg8[%dma_start3A_280, %dma_start3A_281] : memref<16x64xi32, #tpu.memory_space<vmem>> -> memref<1x64xi32, #tpu.memory_space<vmem>>
      %dma_start3A_283 = tpu.memref_squeeze %dma_start3A_282 : memref<1x64xi32, #tpu.memory_space<vmem>> -> memref<64xi32, #tpu.memory_space<vmem>>
      %dma_start3A_284 = arith.constant 0 : i32
      %dma_start3A_285 = arith.constant 0 : i32
      %dma_start3A_286 = tpu.memref_slice %arg13[%dma_start3A_284, %dma_start3A_285] : memref<10112x128xf32, #tpu.memory_space<vmem_shared>> -> memref<10112x128xf32, #tpu.memory_space<vmem_shared>>
      tpu.enqueue_indirect_dma source(%arg9 : memref<64x128xf32, #tpu.memory_space<vmem>>) target(%dma_start3A_286 : memref<10112x128xf32, #tpu.memory_space<vmem_shared>>) offsets(%dma_start3A_283 : memref<64xi32, #tpu.memory_space<vmem>>) semaphore(%arg18 : memref<!tpu.dma_semaphore, #tpu.memory_space<semaphore_mem>>) {add = true}
      %dma_wait3A_287 = arith.constant 9 : i32
      %dma_wait3A_288 = arith.constant 0 : i32
      %dma_wait3A_289 = tpu.memref_slice %arg7[%dma_wait3A_287, %dma_wait3A_288] : memref<16x64xi32, #tpu.memory_space<vmem>> -> memref<1x64xi32, #tpu.memory_space<vmem>>
      %dma_wait3A_290 = tpu.memref_squeeze %dma_wait3A_289 : memref<1x64xi32, #tpu.memory_space<vmem>> -> memref<64xi32, #tpu.memory_space<vmem>>
      %dma_wait3A_291 = arith.constant 0 : i32
      %dma_wait3A_292 = arith.constant 0 : i32
      %dma_wait3A_293 = tpu.memref_slice %arg2[%dma_wait3A_291, %dma_wait3A_292] : memref<10000x128xf32, #tpu.memory_space<hbm>> -> memref<10000x128xf32, #tpu.memory_space<hbm>>
      tpu.wait_indirect_dma semaphore(%arg15 : memref<!tpu.dma_semaphore, #tpu.memory_space<semaphore_mem>>) src(%dma_wait3A_293 : memref<10000x128xf32, #tpu.memory_space<hbm>>) dst(%arg10 : memref<64x128xf32, #tpu.memory_space<vmem>>)
      %dma_wait3A_294 = arith.constant 8 : i32
      %dma_wait3A_295 = arith.constant 0 : i32
      %dma_wait3A_296 = tpu.memref_slice %arg8[%dma_wait3A_294, %dma_wait3A_295] : memref<16x64xi32, #tpu.memory_space<vmem>> -> memref<1x64xi32, #tpu.memory_space<vmem>>
      %dma_wait3A_297 = tpu.memref_squeeze %dma_wait3A_296 : memref<1x64xi32, #tpu.memory_space<vmem>> -> memref<64xi32, #tpu.memory_space<vmem>>
      %dma_wait3A_298 = arith.constant 0 : i32
      %dma_wait3A_299 = arith.constant 0 : i32
      %dma_wait3A_300 = tpu.memref_slice %arg13[%dma_wait3A_298, %dma_wait3A_299] : memref<10112x128xf32, #tpu.memory_space<vmem_shared>> -> memref<10112x128xf32, #tpu.memory_space<vmem_shared>>
      tpu.wait_indirect_dma semaphore(%arg18 : memref<!tpu.dma_semaphore, #tpu.memory_space<semaphore_mem>>) src(%arg9 : memref<64x128xf32, #tpu.memory_space<vmem>>) dst(%dma_wait3A_300 : memref<10112x128xf32, #tpu.memory_space<vmem_shared>>)
      %dma_start3A_301 = arith.constant 12 : i32
      %dma_start3A_302 = arith.constant 0 : i32
      %dma_start3A_303 = tpu.memref_slice %arg7[%dma_start3A_301, %dma_start3A_302] : memref<16x64xi32, #tpu.memory_space<vmem>> -> memref<1x64xi32, #tpu.memory_space<vmem>>
      %dma_start3A_304 = tpu.memref_squeeze %dma_start3A_303 : memref<1x64xi32, #tpu.memory_space<vmem>> -> memref<64xi32, #tpu.memory_space<vmem>>
      %dma_start3A_305 = arith.constant 0 : i32
      %dma_start3A_306 = arith.constant 0 : i32
      %dma_start3A_307 = tpu.memref_slice %arg2[%dma_start3A_305, %dma_start3A_306] : memref<10000x128xf32, #tpu.memory_space<hbm>> -> memref<10000x128xf32, #tpu.memory_space<hbm>>
      tpu.enqueue_indirect_dma source(%dma_start3A_307 : memref<10000x128xf32, #tpu.memory_space<hbm>>) target(%arg9 : memref<64x128xf32, #tpu.memory_space<vmem>>) offsets(%dma_start3A_304 : memref<64xi32, #tpu.memory_space<vmem>>) semaphore(%arg14 : memref<!tpu.dma_semaphore, #tpu.memory_space<semaphore_mem>>)
      %dma_start3A_308 = arith.constant 9 : i32
      %dma_start3A_309 = arith.constant 0 : i32
      %dma_start3A_310 = tpu.memref_slice %arg8[%dma_start3A_308, %dma_start3A_309] : memref<16x64xi32, #tpu.memory_space<vmem>> -> memref<1x64xi32, #tpu.memory_space<vmem>>
      %dma_start3A_311 = tpu.memref_squeeze %dma_start3A_310 : memref<1x64xi32, #tpu.memory_space<vmem>> -> memref<64xi32, #tpu.memory_space<vmem>>
      %dma_start3A_312 = arith.constant 0 : i32
      %dma_start3A_313 = arith.constant 0 : i32
      %dma_start3A_314 = tpu.memref_slice %arg13[%dma_start3A_312, %dma_start3A_313] : memref<10112x128xf32, #tpu.memory_space<vmem_shared>> -> memref<10112x128xf32, #tpu.memory_space<vmem_shared>>
      tpu.enqueue_indirect_dma source(%arg10 : memref<64x128xf32, #tpu.memory_space<vmem>>) target(%dma_start3A_314 : memref<10112x128xf32, #tpu.memory_space<vmem_shared>>) offsets(%dma_start3A_311 : memref<64xi32, #tpu.memory_space<vmem>>) semaphore(%arg19 : memref<!tpu.dma_semaphore, #tpu.memory_space<semaphore_mem>>) {add = true}
      %dma_wait3A_315 = arith.constant 10 : i32
      %dma_wait3A_316 = arith.constant 0 : i32
      %dma_wait3A_317 = tpu.memref_slice %arg7[%dma_wait3A_315, %dma_wait3A_316] : memref<16x64xi32, #tpu.memory_space<vmem>> -> memref<1x64xi32, #tpu.memory_space<vmem>>
      %dma_wait3A_318 = tpu.memref_squeeze %dma_wait3A_317 : memref<1x64xi32, #tpu.memory_space<vmem>> -> memref<64xi32, #tpu.memory_space<vmem>>
      %dma_wait3A_319 = arith.constant 0 : i32
      %dma_wait3A_320 = arith.constant 0 : i32
      %dma_wait3A_321 = tpu.memref_slice %arg2[%dma_wait3A_319, %dma_wait3A_320] : memref<10000x128xf32, #tpu.memory_space<hbm>> -> memref<10000x128xf32, #tpu.memory_space<hbm>>
      tpu.wait_indirect_dma semaphore(%arg16 : memref<!tpu.dma_semaphore, #tpu.memory_space<semaphore_mem>>) src(%dma_wait3A_321 : memref<10000x128xf32, #tpu.memory_space<hbm>>) dst(%arg11 : memref<64x128xf32, #tpu.memory_space<vmem>>)
      %dma_wait3A_322 = arith.constant 9 : i32
      %dma_wait3A_323 = arith.constant 0 : i32
      %dma_wait3A_324 = tpu.memref_slice %arg8[%dma_wait3A_322, %dma_wait3A_323] : memref<16x64xi32, #tpu.memory_space<vmem>> -> memref<1x64xi32, #tpu.memory_space<vmem>>
      %dma_wait3A_325 = tpu.memref_squeeze %dma_wait3A_324 : memref<1x64xi32, #tpu.memory_space<vmem>> -> memref<64xi32, #tpu.memory_space<vmem>>
      %dma_wait3A_326 = arith.constant 0 : i32
      %dma_wait3A_327 = arith.constant 0 : i32
      %dma_wait3A_328 = tpu.memref_slice %arg13[%dma_wait3A_326, %dma_wait3A_327] : memref<10112x128xf32, #tpu.memory_space<vmem_shared>> -> memref<10112x128xf32, #tpu.memory_space<vmem_shared>>
      tpu.wait_indirect_dma semaphore(%arg19 : memref<!tpu.dma_semaphore, #tpu.memory_space<semaphore_mem>>) src(%arg10 : memref<64x128xf32, #tpu.memory_space<vmem>>) dst(%dma_wait3A_328 : memref<10112x128xf32, #tpu.memory_space<vmem_shared>>)
      %dma_start3A_329 = arith.constant 13 : i32
      %dma_start3A_330 = arith.constant 0 : i32
      %dma_start3A_331 = tpu.memref_slice %arg7[%dma_start3A_329, %dma_start3A_330] : memref<16x64xi32, #tpu.memory_space<vmem>> -> memref<1x64xi32, #tpu.memory_space<vmem>>
      %dma_start3A_332 = tpu.memref_squeeze %dma_start3A_331 : memref<1x64xi32, #tpu.memory_space<vmem>> -> memref<64xi32, #tpu.memory_space<vmem>>
      %dma_start3A_333 = arith.constant 0 : i32
      %dma_start3A_334 = arith.constant 0 : i32
      %dma_start3A_335 = tpu.memref_slice %arg2[%dma_start3A_333, %dma_start3A_334] : memref<10000x128xf32, #tpu.memory_space<hbm>> -> memref<10000x128xf32, #tpu.memory_space<hbm>>
      tpu.enqueue_indirect_dma source(%dma_start3A_335 : memref<10000x128xf32, #tpu.memory_space<hbm>>) target(%arg10 : memref<64x128xf32, #tpu.memory_space<vmem>>) offsets(%dma_start3A_332 : memref<64xi32, #tpu.memory_space<vmem>>) semaphore(%arg15 : memref<!tpu.dma_semaphore, #tpu.memory_space<semaphore_mem>>)
      %dma_start3A_336 = arith.constant 10 : i32
      %dma_start3A_337 = arith.constant 0 : i32
      %dma_start3A_338 = tpu.memref_slice %arg8[%dma_start3A_336, %dma_start3A_337] : memref<16x64xi32, #tpu.memory_space<vmem>> -> memref<1x64xi32, #tpu.memory_space<vmem>>
      %dma_start3A_339 = tpu.memref_squeeze %dma_start3A_338 : memref<1x64xi32, #tpu.memory_space<vmem>> -> memref<64xi32, #tpu.memory_space<vmem>>
      %dma_start3A_340 = arith.constant 0 : i32
      %dma_start3A_341 = arith.constant 0 : i32
      %dma_start3A_342 = tpu.memref_slice %arg13[%dma_start3A_340, %dma_start3A_341] : memref<10112x128xf32, #tpu.memory_space<vmem_shared>> -> memref<10112x128xf32, #tpu.memory_space<vmem_shared>>
      tpu.enqueue_indirect_dma source(%arg11 : memref<64x128xf32, #tpu.memory_space<vmem>>) target(%dma_start3A_342 : memref<10112x128xf32, #tpu.memory_space<vmem_shared>>) offsets(%dma_start3A_339 : memref<64xi32, #tpu.memory_space<vmem>>) semaphore(%arg20 : memref<!tpu.dma_semaphore, #tpu.memory_space<semaphore_mem>>) {add = true}
      %dma_wait3A_343 = arith.constant 11 : i32
      %dma_wait3A_344 = arith.constant 0 : i32
      %dma_wait3A_345 = tpu.memref_slice %arg7[%dma_wait3A_343, %dma_wait3A_344] : memref<16x64xi32, #tpu.memory_space<vmem>> -> memref<1x64xi32, #tpu.memory_space<vmem>>
      %dma_wait3A_346 = tpu.memref_squeeze %dma_wait3A_345 : memref<1x64xi32, #tpu.memory_space<vmem>> -> memref<64xi32, #tpu.memory_space<vmem>>
      %dma_wait3A_347 = arith.constant 0 : i32
      %dma_wait3A_348 = arith.constant 0 : i32
      %dma_wait3A_349 = tpu.memref_slice %arg2[%dma_wait3A_347, %dma_wait3A_348] : memref<10000x128xf32, #tpu.memory_space<hbm>> -> memref<10000x128xf32, #tpu.memory_space<hbm>>
      tpu.wait_indirect_dma semaphore(%arg17 : memref<!tpu.dma_semaphore, #tpu.memory_space<semaphore_mem>>) src(%dma_wait3A_349 : memref<10000x128xf32, #tpu.memory_space<hbm>>) dst(%arg12 : memref<64x128xf32, #tpu.memory_space<vmem>>)
      %dma_wait3A_350 = arith.constant 10 : i32
      %dma_wait3A_351 = arith.constant 0 : i32
      %dma_wait3A_352 = tpu.memref_slice %arg8[%dma_wait3A_350, %dma_wait3A_351] : memref<16x64xi32, #tpu.memory_space<vmem>> -> memref<1x64xi32, #tpu.memory_space<vmem>>
      %dma_wait3A_353 = tpu.memref_squeeze %dma_wait3A_352 : memref<1x64xi32, #tpu.memory_space<vmem>> -> memref<64xi32, #tpu.memory_space<vmem>>
      %dma_wait3A_354 = arith.constant 0 : i32
      %dma_wait3A_355 = arith.constant 0 : i32
      %dma_wait3A_356 = tpu.memref_slice %arg13[%dma_wait3A_354, %dma_wait3A_355] : memref<10112x128xf32, #tpu.memory_space<vmem_shared>> -> memref<10112x128xf32, #tpu.memory_space<vmem_shared>>
      tpu.wait_indirect_dma semaphore(%arg20 : memref<!tpu.dma_semaphore, #tpu.memory_space<semaphore_mem>>) src(%arg11 : memref<64x128xf32, #tpu.memory_space<vmem>>) dst(%dma_wait3A_356 : memref<10112x128xf32, #tpu.memory_space<vmem_shared>>)
      %dma_start3A_357 = arith.constant 14 : i32
      %dma_start3A_358 = arith.constant 0 : i32
      %dma_start3A_359 = tpu.memref_slice %arg7[%dma_start3A_357, %dma_start3A_358] : memref<16x64xi32, #tpu.memory_space<vmem>> -> memref<1x64xi32, #tpu.memory_space<vmem>>
      %dma_start3A_360 = tpu.memref_squeeze %dma_start3A_359 : memref<1x64xi32, #tpu.memory_space<vmem>> -> memref<64xi32, #tpu.memory_space<vmem>>
      %dma_start3A_361 = arith.constant 0 : i32
      %dma_start3A_362 = arith.constant 0 : i32
      %dma_start3A_363 = tpu.memref_slice %arg2[%dma_start3A_361, %dma_start3A_362] : memref<10000x128xf32, #tpu.memory_space<hbm>> -> memref<10000x128xf32, #tpu.memory_space<hbm>>
      tpu.enqueue_indirect_dma source(%dma_start3A_363 : memref<10000x128xf32, #tpu.memory_space<hbm>>) target(%arg11 : memref<64x128xf32, #tpu.memory_space<vmem>>) offsets(%dma_start3A_360 : memref<64xi32, #tpu.memory_space<vmem>>) semaphore(%arg16 : memref<!tpu.dma_semaphore, #tpu.memory_space<semaphore_mem>>)
      %dma_start3A_364 = arith.constant 11 : i32
      %dma_start3A_365 = arith.constant 0 : i32
      %dma_start3A_366 = tpu.memref_slice %arg8[%dma_start3A_364, %dma_start3A_365] : memref<16x64xi32, #tpu.memory_space<vmem>> -> memref<1x64xi32, #tpu.memory_space<vmem>>
      %dma_start3A_367 = tpu.memref_squeeze %dma_start3A_366 : memref<1x64xi32, #tpu.memory_space<vmem>> -> memref<64xi32, #tpu.memory_space<vmem>>
      %dma_start3A_368 = arith.constant 0 : i32
      %dma_start3A_369 = arith.constant 0 : i32
      %dma_start3A_370 = tpu.memref_slice %arg13[%dma_start3A_368, %dma_start3A_369] : memref<10112x128xf32, #tpu.memory_space<vmem_shared>> -> memref<10112x128xf32, #tpu.memory_space<vmem_shared>>
      tpu.enqueue_indirect_dma source(%arg12 : memref<64x128xf32, #tpu.memory_space<vmem>>) target(%dma_start3A_370 : memref<10112x128xf32, #tpu.memory_space<vmem_shared>>) offsets(%dma_start3A_367 : memref<64xi32, #tpu.memory_space<vmem>>) semaphore(%arg21 : memref<!tpu.dma_semaphore, #tpu.memory_space<semaphore_mem>>) {add = true}
      %dma_wait3A_371 = arith.constant 12 : i32
      %dma_wait3A_372 = arith.constant 0 : i32
      %dma_wait3A_373 = tpu.memref_slice %arg7[%dma_wait3A_371, %dma_wait3A_372] : memref<16x64xi32, #tpu.memory_space<vmem>> -> memref<1x64xi32, #tpu.memory_space<vmem>>
      %dma_wait3A_374 = tpu.memref_squeeze %dma_wait3A_373 : memref<1x64xi32, #tpu.memory_space<vmem>> -> memref<64xi32, #tpu.memory_space<vmem>>
      %dma_wait3A_375 = arith.constant 0 : i32
      %dma_wait3A_376 = arith.constant 0 : i32
      %dma_wait3A_377 = tpu.memref_slice %arg2[%dma_wait3A_375, %dma_wait3A_376] : memref<10000x128xf32, #tpu.memory_space<hbm>> -> memref<10000x128xf32, #tpu.memory_space<hbm>>
      tpu.wait_indirect_dma semaphore(%arg14 : memref<!tpu.dma_semaphore, #tpu.memory_space<semaphore_mem>>) src(%dma_wait3A_377 : memref<10000x128xf32, #tpu.memory_space<hbm>>) dst(%arg9 : memref<64x128xf32, #tpu.memory_space<vmem>>)
      %dma_wait3A_378 = arith.constant 11 : i32
      %dma_wait3A_379 = arith.constant 0 : i32
      %dma_wait3A_380 = tpu.memref_slice %arg8[%dma_wait3A_378, %dma_wait3A_379] : memref<16x64xi32, #tpu.memory_space<vmem>> -> memref<1x64xi32, #tpu.memory_space<vmem>>
      %dma_wait3A_381 = tpu.memref_squeeze %dma_wait3A_380 : memref<1x64xi32, #tpu.memory_space<vmem>> -> memref<64xi32, #tpu.memory_space<vmem>>
      %dma_wait3A_382 = arith.constant 0 : i32
      %dma_wait3A_383 = arith.constant 0 : i32
      %dma_wait3A_384 = tpu.memref_slice %arg13[%dma_wait3A_382, %dma_wait3A_383] : memref<10112x128xf32, #tpu.memory_space<vmem_shared>> -> memref<10112x128xf32, #tpu.memory_space<vmem_shared>>
      tpu.wait_indirect_dma semaphore(%arg21 : memref<!tpu.dma_semaphore, #tpu.memory_space<semaphore_mem>>) src(%arg12 : memref<64x128xf32, #tpu.memory_space<vmem>>) dst(%dma_wait3A_384 : memref<10112x128xf32, #tpu.memory_space<vmem_shared>>)
      %dma_start3A_385 = arith.constant 15 : i32
      %dma_start3A_386 = arith.constant 0 : i32
      %dma_start3A_387 = tpu.memref_slice %arg7[%dma_start3A_385, %dma_start3A_386] : memref<16x64xi32, #tpu.memory_space<vmem>> -> memref<1x64xi32, #tpu.memory_space<vmem>>
      %dma_start3A_388 = tpu.memref_squeeze %dma_start3A_387 : memref<1x64xi32, #tpu.memory_space<vmem>> -> memref<64xi32, #tpu.memory_space<vmem>>
      %dma_start3A_389 = arith.constant 0 : i32
      %dma_start3A_390 = arith.constant 0 : i32
      %dma_start3A_391 = tpu.memref_slice %arg2[%dma_start3A_389, %dma_start3A_390] : memref<10000x128xf32, #tpu.memory_space<hbm>> -> memref<10000x128xf32, #tpu.memory_space<hbm>>
      tpu.enqueue_indirect_dma source(%dma_start3A_391 : memref<10000x128xf32, #tpu.memory_space<hbm>>) target(%arg12 : memref<64x128xf32, #tpu.memory_space<vmem>>) offsets(%dma_start3A_388 : memref<64xi32, #tpu.memory_space<vmem>>) semaphore(%arg17 : memref<!tpu.dma_semaphore, #tpu.memory_space<semaphore_mem>>)
      %dma_start3A_392 = arith.constant 12 : i32
      %dma_start3A_393 = arith.constant 0 : i32
      %dma_start3A_394 = tpu.memref_slice %arg8[%dma_start3A_392, %dma_start3A_393] : memref<16x64xi32, #tpu.memory_space<vmem>> -> memref<1x64xi32, #tpu.memory_space<vmem>>
      %dma_start3A_395 = tpu.memref_squeeze %dma_start3A_394 : memref<1x64xi32, #tpu.memory_space<vmem>> -> memref<64xi32, #tpu.memory_space<vmem>>
      %dma_start3A_396 = arith.constant 0 : i32
      %dma_start3A_397 = arith.constant 0 : i32
      %dma_start3A_398 = tpu.memref_slice %arg13[%dma_start3A_396, %dma_start3A_397] : memref<10112x128xf32, #tpu.memory_space<vmem_shared>> -> memref<10112x128xf32, #tpu.memory_space<vmem_shared>>
      tpu.enqueue_indirect_dma source(%arg9 : memref<64x128xf32, #tpu.memory_space<vmem>>) target(%dma_start3A_398 : memref<10112x128xf32, #tpu.memory_space<vmem_shared>>) offsets(%dma_start3A_395 : memref<64xi32, #tpu.memory_space<vmem>>) semaphore(%arg18 : memref<!tpu.dma_semaphore, #tpu.memory_space<semaphore_mem>>) {add = true}
      %dma_wait3A_399 = arith.constant 13 : i32
      %dma_wait3A_400 = arith.constant 0 : i32
      %dma_wait3A_401 = tpu.memref_slice %arg7[%dma_wait3A_399, %dma_wait3A_400] : memref<16x64xi32, #tpu.memory_space<vmem>> -> memref<1x64xi32, #tpu.memory_space<vmem>>
      %dma_wait3A_402 = tpu.memref_squeeze %dma_wait3A_401 : memref<1x64xi32, #tpu.memory_space<vmem>> -> memref<64xi32, #tpu.memory_space<vmem>>
      %dma_wait3A_403 = arith.constant 0 : i32
      %dma_wait3A_404 = arith.constant 0 : i32
      %dma_wait3A_405 = tpu.memref_slice %arg2[%dma_wait3A_403, %dma_wait3A_404] : memref<10000x128xf32, #tpu.memory_space<hbm>> -> memref<10000x128xf32, #tpu.memory_space<hbm>>
      tpu.wait_indirect_dma semaphore(%arg15 : memref<!tpu.dma_semaphore, #tpu.memory_space<semaphore_mem>>) src(%dma_wait3A_405 : memref<10000x128xf32, #tpu.memory_space<hbm>>) dst(%arg10 : memref<64x128xf32, #tpu.memory_space<vmem>>)
      %dma_start3A_406 = arith.constant 13 : i32
      %dma_start3A_407 = arith.constant 0 : i32
      %dma_start3A_408 = tpu.memref_slice %arg8[%dma_start3A_406, %dma_start3A_407] : memref<16x64xi32, #tpu.memory_space<vmem>> -> memref<1x64xi32, #tpu.memory_space<vmem>>
      %dma_start3A_409 = tpu.memref_squeeze %dma_start3A_408 : memref<1x64xi32, #tpu.memory_space<vmem>> -> memref<64xi32, #tpu.memory_space<vmem>>
      %dma_start3A_410 = arith.constant 0 : i32
      %dma_start3A_411 = arith.constant 0 : i32
      %dma_start3A_412 = tpu.memref_slice %arg13[%dma_start3A_410, %dma_start3A_411] : memref<10112x128xf32, #tpu.memory_space<vmem_shared>> -> memref<10112x128xf32, #tpu.memory_space<vmem_shared>>
      tpu.enqueue_indirect_dma source(%arg10 : memref<64x128xf32, #tpu.memory_space<vmem>>) target(%dma_start3A_412 : memref<10112x128xf32, #tpu.memory_space<vmem_shared>>) offsets(%dma_start3A_409 : memref<64xi32, #tpu.memory_space<vmem>>) semaphore(%arg19 : memref<!tpu.dma_semaphore, #tpu.memory_space<semaphore_mem>>) {add = true}
      %dma_wait3A_413 = arith.constant 14 : i32
      %dma_wait3A_414 = arith.constant 0 : i32
      %dma_wait3A_415 = tpu.memref_slice %arg7[%dma_wait3A_413, %dma_wait3A_414] : memref<16x64xi32, #tpu.memory_space<vmem>> -> memref<1x64xi32, #tpu.memory_space<vmem>>
      %dma_wait3A_416 = tpu.memref_squeeze %dma_wait3A_415 : memref<1x64xi32, #tpu.memory_space<vmem>> -> memref<64xi32, #tpu.memory_space<vmem>>
      %dma_wait3A_417 = arith.constant 0 : i32
      %dma_wait3A_418 = arith.constant 0 : i32
      %dma_wait3A_419 = tpu.memref_slice %arg2[%dma_wait3A_417, %dma_wait3A_418] : memref<10000x128xf32, #tpu.memory_space<hbm>> -> memref<10000x128xf32, #tpu.memory_space<hbm>>
      tpu.wait_indirect_dma semaphore(%arg16 : memref<!tpu.dma_semaphore, #tpu.memory_space<semaphore_mem>>) src(%dma_wait3A_419 : memref<10000x128xf32, #tpu.memory_space<hbm>>) dst(%arg11 : memref<64x128xf32, #tpu.memory_space<vmem>>)
      %dma_start3A_420 = arith.constant 14 : i32
      %dma_start3A_421 = arith.constant 0 : i32
      %dma_start3A_422 = tpu.memref_slice %arg8[%dma_start3A_420, %dma_start3A_421] : memref<16x64xi32, #tpu.memory_space<vmem>> -> memref<1x64xi32, #tpu.memory_space<vmem>>
      %dma_start3A_423 = tpu.memref_squeeze %dma_start3A_422 : memref<1x64xi32, #tpu.memory_space<vmem>> -> memref<64xi32, #tpu.memory_space<vmem>>
      %dma_start3A_424 = arith.constant 0 : i32
      %dma_start3A_425 = arith.constant 0 : i32
      %dma_start3A_426 = tpu.memref_slice %arg13[%dma_start3A_424, %dma_start3A_425] : memref<10112x128xf32, #tpu.memory_space<vmem_shared>> -> memref<10112x128xf32, #tpu.memory_space<vmem_shared>>
      tpu.enqueue_indirect_dma source(%arg11 : memref<64x128xf32, #tpu.memory_space<vmem>>) target(%dma_start3A_426 : memref<10112x128xf32, #tpu.memory_space<vmem_shared>>) offsets(%dma_start3A_423 : memref<64xi32, #tpu.memory_space<vmem>>) semaphore(%arg20 : memref<!tpu.dma_semaphore, #tpu.memory_space<semaphore_mem>>) {add = true}
      %dma_wait3A_427 = arith.constant 15 : i32
      %dma_wait3A_428 = arith.constant 0 : i32
      %dma_wait3A_429 = tpu.memref_slice %arg7[%dma_wait3A_427, %dma_wait3A_428] : memref<16x64xi32, #tpu.memory_space<vmem>> -> memref<1x64xi32, #tpu.memory_space<vmem>>
      %dma_wait3A_430 = tpu.memref_squeeze %dma_wait3A_429 : memref<1x64xi32, #tpu.memory_space<vmem>> -> memref<64xi32, #tpu.memory_space<vmem>>
      %dma_wait3A_431 = arith.constant 0 : i32
      %dma_wait3A_432 = arith.constant 0 : i32
      %dma_wait3A_433 = tpu.memref_slice %arg2[%dma_wait3A_431, %dma_wait3A_432] : memref<10000x128xf32, #tpu.memory_space<hbm>> -> memref<10000x128xf32, #tpu.memory_space<hbm>>
      tpu.wait_indirect_dma semaphore(%arg17 : memref<!tpu.dma_semaphore, #tpu.memory_space<semaphore_mem>>) src(%dma_wait3A_433 : memref<10000x128xf32, #tpu.memory_space<hbm>>) dst(%arg12 : memref<64x128xf32, #tpu.memory_space<vmem>>)
      %dma_start3A_434 = arith.constant 15 : i32
      %dma_start3A_435 = arith.constant 0 : i32
      %dma_start3A_436 = tpu.memref_slice %arg8[%dma_start3A_434, %dma_start3A_435] : memref<16x64xi32, #tpu.memory_space<vmem>> -> memref<1x64xi32, #tpu.memory_space<vmem>>
      %dma_start3A_437 = tpu.memref_squeeze %dma_start3A_436 : memref<1x64xi32, #tpu.memory_space<vmem>> -> memref<64xi32, #tpu.memory_space<vmem>>
      %dma_start3A_438 = arith.constant 0 : i32
      %dma_start3A_439 = arith.constant 0 : i32
      %dma_start3A_440 = tpu.memref_slice %arg13[%dma_start3A_438, %dma_start3A_439] : memref<10112x128xf32, #tpu.memory_space<vmem_shared>> -> memref<10112x128xf32, #tpu.memory_space<vmem_shared>>
      tpu.enqueue_indirect_dma source(%arg12 : memref<64x128xf32, #tpu.memory_space<vmem>>) target(%dma_start3A_440 : memref<10112x128xf32, #tpu.memory_space<vmem_shared>>) offsets(%dma_start3A_437 : memref<64xi32, #tpu.memory_space<vmem>>) semaphore(%arg21 : memref<!tpu.dma_semaphore, #tpu.memory_space<semaphore_mem>>) {add = true}
      %dma_wait3A_441 = arith.constant 12 : i32
      %dma_wait3A_442 = arith.constant 0 : i32
      %dma_wait3A_443 = tpu.memref_slice %arg8[%dma_wait3A_441, %dma_wait3A_442] : memref<16x64xi32, #tpu.memory_space<vmem>> -> memref<1x64xi32, #tpu.memory_space<vmem>>
      %dma_wait3A_444 = tpu.memref_squeeze %dma_wait3A_443 : memref<1x64xi32, #tpu.memory_space<vmem>> -> memref<64xi32, #tpu.memory_space<vmem>>
      %dma_wait3A_445 = arith.constant 0 : i32
      %dma_wait3A_446 = arith.constant 0 : i32
      %dma_wait3A_447 = tpu.memref_slice %arg13[%dma_wait3A_445, %dma_wait3A_446] : memref<10112x128xf32, #tpu.memory_space<vmem_shared>> -> memref<10112x128xf32, #tpu.memory_space<vmem_shared>>
      tpu.wait_indirect_dma semaphore(%arg18 : memref<!tpu.dma_semaphore, #tpu.memory_space<semaphore_mem>>) src(%arg9 : memref<64x128xf32, #tpu.memory_space<vmem>>) dst(%dma_wait3A_447 : memref<10112x128xf32, #tpu.memory_space<vmem_shared>>)
      %dma_wait3A_448 = arith.constant 13 : i32
      %dma_wait3A_449 = arith.constant 0 : i32
      %dma_wait3A_450 = tpu.memref_slice %arg8[%dma_wait3A_448, %dma_wait3A_449] : memref<16x64xi32, #tpu.memory_space<vmem>> -> memref<1x64xi32, #tpu.memory_space<vmem>>
      %dma_wait3A_451 = tpu.memref_squeeze %dma_wait3A_450 : memref<1x64xi32, #tpu.memory_space<vmem>> -> memref<64xi32, #tpu.memory_space<vmem>>
      %dma_wait3A_452 = arith.constant 0 : i32
      %dma_wait3A_453 = arith.constant 0 : i32
      %dma_wait3A_454 = tpu.memref_slice %arg13[%dma_wait3A_452, %dma_wait3A_453] : memref<10112x128xf32, #tpu.memory_space<vmem_shared>> -> memref<10112x128xf32, #tpu.memory_space<vmem_shared>>
      tpu.wait_indirect_dma semaphore(%arg19 : memref<!tpu.dma_semaphore, #tpu.memory_space<semaphore_mem>>) src(%arg10 : memref<64x128xf32, #tpu.memory_space<vmem>>) dst(%dma_wait3A_454 : memref<10112x128xf32, #tpu.memory_space<vmem_shared>>)
      %dma_wait3A_455 = arith.constant 14 : i32
      %dma_wait3A_456 = arith.constant 0 : i32
      %dma_wait3A_457 = tpu.memref_slice %arg8[%dma_wait3A_455, %dma_wait3A_456] : memref<16x64xi32, #tpu.memory_space<vmem>> -> memref<1x64xi32, #tpu.memory_space<vmem>>
      %dma_wait3A_458 = tpu.memref_squeeze %dma_wait3A_457 : memref<1x64xi32, #tpu.memory_space<vmem>> -> memref<64xi32, #tpu.memory_space<vmem>>
      %dma_wait3A_459 = arith.constant 0 : i32
      %dma_wait3A_460 = arith.constant 0 : i32
      %dma_wait3A_461 = tpu.memref_slice %arg13[%dma_wait3A_459, %dma_wait3A_460] : memref<10112x128xf32, #tpu.memory_space<vmem_shared>> -> memref<10112x128xf32, #tpu.memory_space<vmem_shared>>
      tpu.wait_indirect_dma semaphore(%arg20 : memref<!tpu.dma_semaphore, #tpu.memory_space<semaphore_mem>>) src(%arg11 : memref<64x128xf32, #tpu.memory_space<vmem>>) dst(%dma_wait3A_461 : memref<10112x128xf32, #tpu.memory_space<vmem_shared>>)
      %dma_wait3A_462 = arith.constant 15 : i32
      %dma_wait3A_463 = arith.constant 0 : i32
      %dma_wait3A_464 = tpu.memref_slice %arg8[%dma_wait3A_462, %dma_wait3A_463] : memref<16x64xi32, #tpu.memory_space<vmem>> -> memref<1x64xi32, #tpu.memory_space<vmem>>
      %dma_wait3A_465 = tpu.memref_squeeze %dma_wait3A_464 : memref<1x64xi32, #tpu.memory_space<vmem>> -> memref<64xi32, #tpu.memory_space<vmem>>
      %dma_wait3A_466 = arith.constant 0 : i32
      %dma_wait3A_467 = arith.constant 0 : i32
      %dma_wait3A_468 = tpu.memref_slice %arg13[%dma_wait3A_466, %dma_wait3A_467] : memref<10112x128xf32, #tpu.memory_space<vmem_shared>> -> memref<10112x128xf32, #tpu.memory_space<vmem_shared>>
      tpu.wait_indirect_dma semaphore(%arg21 : memref<!tpu.dma_semaphore, #tpu.memory_space<semaphore_mem>>) src(%arg12 : memref<64x128xf32, #tpu.memory_space<vmem>>) dst(%dma_wait3A_468 : memref<10112x128xf32, #tpu.memory_space<vmem_shared>>)
      %while3A_469 = arith.constant 0 : i32
      scf.yield %while3A_469 : i32
    }
    %barrier3A_16 = arith.constant 0 : index
    tpu.barrier barrier_id(%barrier3A_16)
    "tpu.region"() ({
      %run_scoped3A = tpu.sem_alloc : memref<!tpu.dma_semaphore, #tpu.memory_space<semaphore_mem>>
      %dma_start3A = arith.constant 0 : i32
      %dma_start3A_17 = tpu.memref_slice %arg6[%arg0, %mul3A_2, %dma_start3A] : memref<2x10112x128xf32, #tpu.memory_space<hbm>> -> memref<1x632x128xf32, #tpu.memory_space<hbm>>
      %dma_start3A_18 = tpu.memref_squeeze %dma_start3A_17 : memref<1x632x128xf32, #tpu.memory_space<hbm>> -> memref<632x128xf32, #tpu.memory_space<hbm>>
      %dma_start3A_19 = arith.constant 0 : i32
      %dma_start3A_20 = tpu.memref_slice %arg13[%mul3A_2, %dma_start3A_19] : memref<10112x128xf32, #tpu.memory_space<vmem_shared>> -> memref<632x128xf32, #tpu.memory_space<vmem_shared>>
      tpu.enqueue_dma source(%dma_start3A_20 : memref<632x128xf32, #tpu.memory_space<vmem_shared>>) target(%dma_start3A_18 : memref<632x128xf32, #tpu.memory_space<hbm>>) target_semaphore(%run_scoped3A : memref<!tpu.dma_semaphore, #tpu.memory_space<semaphore_mem>>)
      %dma_wait3A = arith.constant 0 : i32
      %dma_wait3A_21 = tpu.memref_slice %arg6[%arg0, %mul3A_2, %dma_wait3A] : memref<2x10112x128xf32, #tpu.memory_space<hbm>> -> memref<1x632x128xf32, #tpu.memory_space<hbm>>
      %dma_wait3A_22 = tpu.memref_squeeze %dma_wait3A_21 : memref<1x632x128xf32, #tpu.memory_space<hbm>> -> memref<632x128xf32, #tpu.memory_space<hbm>>
      %dma_wait3A_23 = arith.constant 0 : i32
      %dma_wait3A_24 = tpu.memref_slice %arg13[%mul3A_2, %dma_wait3A_23] : memref<10112x128xf32, #tpu.memory_space<vmem_shared>> -> memref<632x128xf32, #tpu.memory_space<vmem_shared>>
      tpu.wait_dma2 semaphore(%run_scoped3A : memref<!tpu.dma_semaphore, #tpu.memory_space<semaphore_mem>>) src(%dma_wait3A_24 : memref<632x128xf32, #tpu.memory_space<vmem_shared>>) dst(%dma_wait3A_22 : memref<632x128xf32, #tpu.memory_space<hbm>>)
      tpu.yield
    }) : () -> ()
    return
  }
}

module attributes {stable_mosaic.version = 14 : i64} {
  func.func @body(%arg0: i32, %arg1: memref<2x1000x128xf32, #tpu.memory_space<vmem>>, %arg2: memref<2x1000x128xf32, #tpu.memory_space<vmem>>, %arg3: memref<1000x128xf32, #tpu.memory_space<vmem>>, %arg4: memref<128x128xf32, #tpu.memory_space<vmem>>, %arg5: memref<1x128xf32, #tpu.memory_space<vmem>>, %arg6: memref<1000x128xf32, #tpu.memory_space<vmem>>) attributes {dimension_semantics = [#tpu.dimension_semantics<arbitrary>], iteration_bounds = array<i64: 10>, scalar_prefetch = 0 : i64, scratch_operands = 0 : i64, tpu.core_type = #tpu.core_type<tc>, window_params = [{transform_indices = @transform_0, window_bounds = array<i64: 2, 1000, 128>}, {transform_indices = @transform_1, window_bounds = array<i64: 2, 1000, 128>}, {transform_indices = @transform_2, window_bounds = array<i64: 1000, 128>}, {pipeline_mode = #tpu.pipeline_mode<synchronous>, transform_indices = @transform_3, window_bounds = array<i64: 128, 128>}, {pipeline_mode = #tpu.pipeline_mode<synchronous>, transform_indices = @transform_4, window_bounds = array<i64: 1, 128>}, {transform_indices = @transform_5, window_bounds = array<i64: 1000, 128>}]} {
    %get3A = arith.constant 0 : index
    %get3A_0 = arith.constant 0 : index
    %get3A_1 = arith.constant 0 : index
    %get3A_2 = vector.load %arg1[%get3A, %get3A_0, %get3A_1] : memref<2x1000x128xf32, #tpu.memory_space<vmem>>, vector<1x1000x128xf32>
    %get3A_3 = vector.shape_cast %get3A_2 : vector<1x1000x128xf32> to vector<1000x128xf32>
    %get3A_4 = arith.constant 1 : index
    %get3A_5 = arith.constant 0 : index
    %get3A_6 = arith.constant 0 : index
    %get3A_7 = vector.load %arg1[%get3A_4, %get3A_5, %get3A_6] : memref<2x1000x128xf32, #tpu.memory_space<vmem>>, vector<1x1000x128xf32>
    %get3A_8 = vector.shape_cast %get3A_7 : vector<1x1000x128xf32> to vector<1000x128xf32>
    %add3A = arith.addf %get3A_3, %get3A_8 : vector<1000x128xf32>
    %get3A_9 = arith.constant 0 : index
    %get3A_10 = arith.constant 0 : index
    %get3A_11 = arith.constant 0 : index
    %get3A_12 = vector.load %arg2[%get3A_9, %get3A_10, %get3A_11] : memref<2x1000x128xf32, #tpu.memory_space<vmem>>, vector<1x1000x128xf32>
    %get3A_13 = vector.shape_cast %get3A_12 : vector<1x1000x128xf32> to vector<1000x128xf32>
    %slice3A = vector.extract_strided_slice %get3A_13 {offsets = [0, 0], sizes = [1000, 1], strides = [1, 1]} : vector<1000x128xf32> to vector<1000x1xf32>
    %get3A_14 = arith.constant 1 : index
    %get3A_15 = arith.constant 0 : index
    %get3A_16 = arith.constant 0 : index
    %get3A_17 = vector.load %arg2[%get3A_14, %get3A_15, %get3A_16] : memref<2x1000x128xf32, #tpu.memory_space<vmem>>, vector<1x1000x128xf32>
    %get3A_18 = vector.shape_cast %get3A_17 : vector<1x1000x128xf32> to vector<1000x128xf32>
    %slice3A_19 = vector.extract_strided_slice %get3A_18 {offsets = [0, 0], sizes = [1000, 1], strides = [1, 1]} : vector<1000x128xf32> to vector<1000x1xf32>
    %add3A_20 = arith.addf %slice3A, %slice3A_19 : vector<1000x1xf32>
    %max3A = arith.constant 1.000000e+00 : f32
    %max3A_21 = vector.broadcast %max3A : f32 to vector<1000x1xf32>
    %max3A_22 = arith.maximumf %add3A_20, %max3A_21 : vector<1000x1xf32>
    %div3A = vector.broadcast %max3A_22 : vector<1000x1xf32> to vector<1000x128xf32>
    %div3A_23 = arith.divf %add3A, %div3A : vector<1000x128xf32>
    %gt3A = arith.constant 0.000000e+00 : f32
    %gt3A_24 = vector.broadcast %gt3A : f32 to vector<1000x1xf32>
    %gt3A_25 = arith.cmpf ogt, %add3A_20, %gt3A_24 : vector<1000x1xf32>
    %get3A_26 = arith.constant 0 : index
    %get3A_27 = arith.constant 0 : index
    %get3A_28 = vector.load %arg3[%get3A_26, %get3A_27] : memref<1000x128xf32, #tpu.memory_space<vmem>>, vector<1000x128xf32>
    %broadcast_in_dim3A = vector.shape_cast %gt3A_25 : vector<1000x1xi1> to vector<1000x1xi1>
    %broadcast_in_dim3A_29 = vector.broadcast %broadcast_in_dim3A : vector<1000x1xi1> to vector<1000x128xi1>
    %select_n3A = arith.select %broadcast_in_dim3A_29, %div3A_23, %get3A_28 : vector<1000x128xi1>, vector<1000x128xf32>
    %get3A_30 = arith.constant 0 : index
    %get3A_31 = arith.constant 0 : index
    %get3A_32 = vector.load %arg4[%get3A_30, %get3A_31] : memref<128x128xf32, #tpu.memory_space<vmem>>, vector<128x128xf32>
    %dot_general3A = arith.constant dense<0.000000e+00> : vector<1000x128xf32>
    %dot_general3A_33 = tpu.matmul %select_n3A, %get3A_32, %dot_general3A {dimension_numbers = #tpu.dot_dimension_numbers<[1], [0], [0], [1], [0, 0, 1, 1], [], []>, transpose_lhs_hint = false} : vector<1000x128xf32>, vector<128x128xf32>, vector<1000x128xf32> -> vector<1000x128xf32>
    %get3A_34 = arith.constant 0 : index
    %get3A_35 = arith.constant 0 : index
    %get3A_36 = vector.load %arg5[%get3A_34, %get3A_35] : memref<1x128xf32, #tpu.memory_space<vmem>>, vector<1x128xf32>
    %add3A_37 = vector.broadcast %get3A_36 : vector<1x128xf32> to vector<1000x128xf32>
    %add3A_38 = arith.addf %dot_general3A_33, %add3A_37 : vector<1000x128xf32>
    %tanh3A = math.tanh %add3A_38 : vector<1000x128xf32>
    %swap3A = arith.constant 0 : index
    %swap3A_39 = arith.constant 0 : index
    %swap3A_40 = vector.load %arg6[%swap3A, %swap3A_39] : memref<1000x128xf32, #tpu.memory_space<vmem>>, vector<1000x128xf32>
    tpu.vector_store %arg6[%swap3A, %swap3A_39], %tanh3A {strides = array<i32>} : memref<1000x128xf32, #tpu.memory_space<vmem>>, vector<1000x128xf32>,
    return
  }
  func.func @transform_0(%arg0: i32) -> (i32, i32, i32) {
    %c0_i32 = arith.constant 0 : i32
    %c0_i32_0 = arith.constant 0 : i32
    %c0_i32_1 = arith.constant 0 : i32
    return %c0_i32, %arg0, %c0_i32_0 : i32, i32, i32
  }
  func.func @transform_1(%arg0: i32) -> (i32, i32, i32) {
    %c0_i32 = arith.constant 0 : i32
    %c0_i32_0 = arith.constant 0 : i32
    %c0_i32_1 = arith.constant 0 : i32
    return %c0_i32, %arg0, %c0_i32_0 : i32, i32, i32
  }
  func.func @transform_2(%arg0: i32) -> (i32, i32) {
    %c0_i32 = arith.constant 0 : i32
    %c0_i32_0 = arith.constant 0 : i32
    return %arg0, %c0_i32 : i32, i32
  }
  func.func @transform_3(%arg0: i32) -> (i32, i32) {
    %c0_i32 = arith.constant 0 : i32
    %c0_i32_0 = arith.constant 0 : i32
    %c0_i32_1 = arith.constant 0 : i32
    return %c0_i32, %c0_i32_0 : i32, i32
  }
  func.func @transform_4(%arg0: i32) -> (i32, i32) {
    %c0_i32 = arith.constant 0 : i32
    %c0_i32_0 = arith.constant 0 : i32
    %c0_i32_1 = arith.constant 0 : i32
    return %c0_i32, %c0_i32_0 : i32, i32
  }
  func.func @transform_5(%arg0: i32) -> (i32, i32) {
    %c0_i32 = arith.constant 0 : i32
    %c0_i32_0 = arith.constant 0 : i32
    return %arg0, %c0_i32 : i32, i32
  }
}

module attributes {stable_mosaic.version = 14 : i64} {
  func.func @body(%arg0: i32, %arg1: memref<2x1000x128xf32, #tpu.memory_space<vmem>>, %arg2: memref<2x1000x128xf32, #tpu.memory_space<vmem>>, %arg3: memref<1000x128xf32, #tpu.memory_space<vmem>>, %arg4: memref<128x128xf32, #tpu.memory_space<vmem>>, %arg5: memref<1x128xf32, #tpu.memory_space<vmem>>, %arg6: memref<128x128xf32, #tpu.memory_space<vmem>>, %arg7: memref<1x128xf32, #tpu.memory_space<vmem>>, %arg8: memref<1000x128xf32, #tpu.memory_space<vmem>>) attributes {dimension_semantics = [#tpu.dimension_semantics<arbitrary>], iteration_bounds = array<i64: 10>, scalar_prefetch = 0 : i64, scratch_operands = 0 : i64, tpu.core_type = #tpu.core_type<tc>, window_params = [{transform_indices = @transform_0, window_bounds = array<i64: 2, 1000, 128>}, {transform_indices = @transform_1, window_bounds = array<i64: 2, 1000, 128>}, {transform_indices = @transform_2, window_bounds = array<i64: 1000, 128>}, {pipeline_mode = #tpu.pipeline_mode<synchronous>, transform_indices = @transform_3, window_bounds = array<i64: 128, 128>}, {pipeline_mode = #tpu.pipeline_mode<synchronous>, transform_indices = @transform_4, window_bounds = array<i64: 1, 128>}, {pipeline_mode = #tpu.pipeline_mode<synchronous>, transform_indices = @transform_5, window_bounds = array<i64: 128, 128>}, {pipeline_mode = #tpu.pipeline_mode<synchronous>, transform_indices = @transform_6, window_bounds = array<i64: 1, 128>}, {transform_indices = @transform_7, window_bounds = array<i64: 1000, 128>}]} {
    %get3A = arith.constant 0 : index
    %get3A_0 = arith.constant 0 : index
    %get3A_1 = arith.constant 0 : index
    %get3A_2 = vector.load %arg1[%get3A, %get3A_0, %get3A_1] : memref<2x1000x128xf32, #tpu.memory_space<vmem>>, vector<1x1000x128xf32>
    %get3A_3 = vector.shape_cast %get3A_2 : vector<1x1000x128xf32> to vector<1000x128xf32>
    %get3A_4 = arith.constant 1 : index
    %get3A_5 = arith.constant 0 : index
    %get3A_6 = arith.constant 0 : index
    %get3A_7 = vector.load %arg1[%get3A_4, %get3A_5, %get3A_6] : memref<2x1000x128xf32, #tpu.memory_space<vmem>>, vector<1x1000x128xf32>
    %get3A_8 = vector.shape_cast %get3A_7 : vector<1x1000x128xf32> to vector<1000x128xf32>
    %add3A = arith.addf %get3A_3, %get3A_8 : vector<1000x128xf32>
    %get3A_9 = arith.constant 0 : index
    %get3A_10 = arith.constant 0 : index
    %get3A_11 = arith.constant 0 : index
    %get3A_12 = vector.load %arg2[%get3A_9, %get3A_10, %get3A_11] : memref<2x1000x128xf32, #tpu.memory_space<vmem>>, vector<1x1000x128xf32>
    %get3A_13 = vector.shape_cast %get3A_12 : vector<1x1000x128xf32> to vector<1000x128xf32>
    %slice3A = vector.extract_strided_slice %get3A_13 {offsets = [0, 0], sizes = [1000, 1], strides = [1, 1]} : vector<1000x128xf32> to vector<1000x1xf32>
    %get3A_14 = arith.constant 1 : index
    %get3A_15 = arith.constant 0 : index
    %get3A_16 = arith.constant 0 : index
    %get3A_17 = vector.load %arg2[%get3A_14, %get3A_15, %get3A_16] : memref<2x1000x128xf32, #tpu.memory_space<vmem>>, vector<1x1000x128xf32>
    %get3A_18 = vector.shape_cast %get3A_17 : vector<1x1000x128xf32> to vector<1000x128xf32>
    %slice3A_19 = vector.extract_strided_slice %get3A_18 {offsets = [0, 0], sizes = [1000, 1], strides = [1, 1]} : vector<1000x128xf32> to vector<1000x1xf32>
    %add3A_20 = arith.addf %slice3A, %slice3A_19 : vector<1000x1xf32>
    %max3A = arith.constant 1.000000e+00 : f32
    %max3A_21 = vector.broadcast %max3A : f32 to vector<1000x1xf32>
    %max3A_22 = arith.maximumf %add3A_20, %max3A_21 : vector<1000x1xf32>
    %div3A = vector.broadcast %max3A_22 : vector<1000x1xf32> to vector<1000x128xf32>
    %div3A_23 = arith.divf %add3A, %div3A : vector<1000x128xf32>
    %gt3A = arith.constant 0.000000e+00 : f32
    %gt3A_24 = vector.broadcast %gt3A : f32 to vector<1000x1xf32>
    %gt3A_25 = arith.cmpf ogt, %add3A_20, %gt3A_24 : vector<1000x1xf32>
    %get3A_26 = arith.constant 0 : index
    %get3A_27 = arith.constant 0 : index
    %get3A_28 = vector.load %arg3[%get3A_26, %get3A_27] : memref<1000x128xf32, #tpu.memory_space<vmem>>, vector<1000x128xf32>
    %broadcast_in_dim3A = vector.shape_cast %gt3A_25 : vector<1000x1xi1> to vector<1000x1xi1>
    %broadcast_in_dim3A_29 = vector.broadcast %broadcast_in_dim3A : vector<1000x1xi1> to vector<1000x128xi1>
    %select_n3A = arith.select %broadcast_in_dim3A_29, %div3A_23, %get3A_28 : vector<1000x128xi1>, vector<1000x128xf32>
    %get3A_30 = arith.constant 0 : index
    %get3A_31 = arith.constant 0 : index
    %get3A_32 = vector.load %arg4[%get3A_30, %get3A_31] : memref<128x128xf32, #tpu.memory_space<vmem>>, vector<128x128xf32>
    %dot_general3A = arith.constant dense<0.000000e+00> : vector<1000x128xf32>
    %dot_general3A_33 = tpu.matmul %select_n3A, %get3A_32, %dot_general3A {dimension_numbers = #tpu.dot_dimension_numbers<[1], [0], [0], [1], [0, 0, 1, 1], [], []>, transpose_lhs_hint = false} : vector<1000x128xf32>, vector<128x128xf32>, vector<1000x128xf32> -> vector<1000x128xf32>
    %get3A_34 = arith.constant 0 : index
    %get3A_35 = arith.constant 0 : index
    %get3A_36 = vector.load %arg5[%get3A_34, %get3A_35] : memref<1x128xf32, #tpu.memory_space<vmem>>, vector<1x128xf32>
    %add3A_37 = vector.broadcast %get3A_36 : vector<1x128xf32> to vector<1000x128xf32>
    %add3A_38 = arith.addf %dot_general3A_33, %add3A_37 : vector<1000x128xf32>
    %tanh3A = math.tanh %add3A_38 : vector<1000x128xf32>
    %get3A_39 = arith.constant 0 : index
    %get3A_40 = arith.constant 0 : index
    %get3A_41 = vector.load %arg6[%get3A_39, %get3A_40] : memref<128x128xf32, #tpu.memory_space<vmem>>, vector<128x128xf32>
    %dot_general3A_42 = arith.constant dense<0.000000e+00> : vector<1000x128xf32>
    %dot_general3A_43 = tpu.matmul %tanh3A, %get3A_41, %dot_general3A_42 {dimension_numbers = #tpu.dot_dimension_numbers<[1], [0], [0], [1], [0, 0, 1, 1], [], []>, transpose_lhs_hint = false} : vector<1000x128xf32>, vector<128x128xf32>, vector<1000x128xf32> -> vector<1000x128xf32>
    %get3A_44 = arith.constant 0 : index
    %get3A_45 = arith.constant 0 : index
    %get3A_46 = vector.load %arg7[%get3A_44, %get3A_45] : memref<1x128xf32, #tpu.memory_space<vmem>>, vector<1x128xf32>
    %add3A_47 = vector.broadcast %get3A_46 : vector<1x128xf32> to vector<1000x128xf32>
    %add3A_48 = arith.addf %dot_general3A_43, %add3A_47 : vector<1000x128xf32>
    %swap3A = arith.constant 0 : index
    %swap3A_49 = arith.constant 0 : index
    %swap3A_50 = vector.load %arg8[%swap3A, %swap3A_49] : memref<1000x128xf32, #tpu.memory_space<vmem>>, vector<1000x128xf32>
    tpu.vector_store %arg8[%swap3A, %swap3A_49], %add3A_48 {strides = array<i32>} : memref<1000x128xf32, #tpu.memory_space<vmem>>, vector<1000x128xf32>,
    return
  }
  func.func @transform_0(%arg0: i32) -> (i32, i32, i32) {
    %c0_i32 = arith.constant 0 : i32
    %c0_i32_0 = arith.constant 0 : i32
    %c0_i32_1 = arith.constant 0 : i32
    return %c0_i32, %arg0, %c0_i32_0 : i32, i32, i32
  }
  func.func @transform_1(%arg0: i32) -> (i32, i32, i32) {
    %c0_i32 = arith.constant 0 : i32
    %c0_i32_0 = arith.constant 0 : i32
    %c0_i32_1 = arith.constant 0 : i32
    return %c0_i32, %arg0, %c0_i32_0 : i32, i32, i32
  }
  func.func @transform_2(%arg0: i32) -> (i32, i32) {
    %c0_i32 = arith.constant 0 : i32
    %c0_i32_0 = arith.constant 0 : i32
    return %arg0, %c0_i32 : i32, i32
  }
  func.func @transform_3(%arg0: i32) -> (i32, i32) {
    %c0_i32 = arith.constant 0 : i32
    %c0_i32_0 = arith.constant 0 : i32
    %c0_i32_1 = arith.constant 0 : i32
    return %c0_i32, %c0_i32_0 : i32, i32
  }
  func.func @transform_4(%arg0: i32) -> (i32, i32) {
    %c0_i32 = arith.constant 0 : i32
    %c0_i32_0 = arith.constant 0 : i32
    %c0_i32_1 = arith.constant 0 : i32
    return %c0_i32, %c0_i32_0 : i32, i32
  }
  func.func @transform_5(%arg0: i32) -> (i32, i32) {
    %c0_i32 = arith.constant 0 : i32
    %c0_i32_0 = arith.constant 0 : i32
    %c0_i32_1 = arith.constant 0 : i32
    return %c0_i32, %c0_i32_0 : i32, i32
  }
  func.func @transform_6(%arg0: i32) -> (i32, i32) {
    %c0_i32 = arith.constant 0 : i32
    %c0_i32_0 = arith.constant 0 : i32
    %c0_i32_1 = arith.constant 0 : i32
    return %c0_i32, %c0_i32_0 : i32, i32
  }
  func.func @transform_7(%arg0: i32) -> (i32, i32) {
    %c0_i32 = arith.constant 0 : i32
    %c0_i32_0 = arith.constant 0 : i32
    return %arg0, %c0_i32 : i32, i32
  }
}

</mosaic_0001>

<sc_bundles>
// kernel: kernel.10.cloned.1.call-start
scs
__scs_entry_jumppad:
0x0: {  	(pc) =	sbr.rel $0x88, $3  }
0x1: {  	(tag) =	ssettag $0x0;
	lr =	simm.s32 $0x1  }
0x2: {  	[smem:$0x3F99] =	sst lr;
	_ =	strace $0xD0000000  }
0x3: {  	_ = 	snop  }
0x4: {  	_ = 	snop  }
0x5: {  	_ = 	snop  }
0x6: {  	_ = 	snop  }
0x7: {  	_ = 	snop  }
__scs_overlays_trampoline_lowered:
0x8: {  	[smem:$0x3FA8] =	sst s0  }
0x9: {  	[smem:$0x3FA9] =	sst s1  }
0xa: {  	[smem:$0x3FAA] =	sst s2  }
0xb: {  	[smem:$0x3FAB] =	sst s3  }
0xc: {  	[smem:$0x3FAC] =	sst s4  }
0xd: {  	[smem:$0x3FAD] =	sst s5  }
0xe: {  	[smem:$0x3FAE] =	sst s6  }
0xf: {  	[smem:$0x3FAF] =	sst s7  }
0x10: {  	[smem:$0x3FB0] =	sst s8  }
0x11: {  	[smem:$0x3FB1] =	sst s9;
	s0 =	simm.s32 @!p0 $0x0  }
0x12: {  	s1 =	sld [smem:$0x3F97];
	s0 =	simm.s32 @p0 $0x1  }
0x13: {  	[smem:$0x3FB2] =	sst s0;
	s0 =	simm.s32 @!p1 $0x0  }
0x14: {  	s2 =	sld [smem:$0x3F96];
	s0 =	simm.s32 @p1 $0x1  }
0x15: {  	[smem:$0x3FB3] =	sst s0;
	s0 =	simm.s32 @!p2 $0x0  }
0x16: {  	s3 =	sld [smem:$0x3FDB];
	s0 =	simm.s32 @p2 $0x1  }
0x17: {  	s4 =	simm.s32 $0x1BF5;
	[smem:$0x3FB5] =	sst s0  }
0x18: {  	s0 =	sld [smem:$0x3F98];
	_ =	swait.ge [sflag:s4], $0x0  }
0x19: {  	s7 =	sld [smem:$0x3F99]  }
0x1a: {  	s8 =	sadd.s32 $0xFFFFE003, lr  }
0x1b: {  	s9 =	sadd.s32 $0xFFFFFEF7, lr;
	s5 =	simm.s32 $0xFFFFFFFF;
	p2 =	slt.u32 s8, $0xFFFFF086  }
0x1c: {  	p1 =	slt.u32 s9, $0xF7A;
	s5 =	simm.s32 @!p2 $0x0  }
0x1d: {  	s5 =	simm.s32 @p1 $0x1;
	p0 =	seq.s32 s7, s2  }
0x1e: {  	s7 =	smul.u32 @!p0 $0xF7A, s2;
	p2 =	seq.s32 @!p0 s5, $0x0  }
0x1f: {  	s9 =	smul.u32 $0xF7A, s1;
	s8 =	simm.s32 @!p0 $0x1BF5;
	p2 =	por !p2, p0  }
0x20: {  	[sflag:s8] =	ssyncset.s32 @!p0 $0xFFFFF086;
	s6 =	sadd.s32 @!p0 s3, s7;
	s7 =	simm.s32 @!p0 $0x108  }
0x21: {  	s3 =	sadd.s32 s3, s9;
	s6 =	sadd.s32 @!p0 $0x88, s6;
	s7 =	simm.s32 @p2 $0x1082  }
0x22: {  	[simem:s7], [sflag:s8] =	dma.local @!p0 [hbm:s6], $0xF7A  }
0x23: {  	s9 =	sor.u32 $0xD0000000, s2;
	s6 =	simm.s32 $0x108;
	_ =	swait.ge @!p0 [sflag:s8], $0x0  }
0x24: {  	s3 =	sadd.s32 $0x88, s3;
	s6 =	simm.s32 @!p1 $0x1082;
	[sflag:s4] =	ssyncset.s32 $0xFFFFF086  }
0x25: {  	[simem:s6], [sflag:s4] =	dma.local [hbm:s3], $0xF7A  }
0x26: {  	[smem:$0x3F99] =	sst s1;
	(tag) =	ssettag s2;
	_ =	strace s9  }
0x27: {  	s1 =	sld [smem:$0x3FA9]  }
0x28: {  	s2 =	sld [smem:$0x3FAA]  }
0x29: {  	s4 =	sld [smem:$0x3FAC]  }
0x2a: {  	p0 =	seq.s32 s5, $0x0;
	s5 =	sld [smem:$0x3FAD]  }
0x2b: {  	s6 =	sld [smem:$0x3FAE]  }
0x2c: {  	s7 =	sld [smem:$0x3FAF]  }
0x2d: {  	s3 =	simm.s32 $0x108;
	s8 =	sld [smem:$0x3FB0]  }
0x2e: {  	s3 =	simm.s32 @!p0 $0x1082;
	s9 =	sld [smem:$0x3FB1]  }
0x2f: {  	lr =	sadd.s32 s0, s3;
	s0 =	sld [smem:$0x3FA8]  }
0x30: {  	s3 =	sld [smem:$0x3FAB]  }
0x31: {  	[smem:$0x3FB4] =	sst s10  }
0x32: {  	s10 =	sld [smem:$0x3FB2];
	_ =	sdelay $0x3  }
0x33: {  	p0 =	seq.s32 s10, $0x1;
	s10 =	sld [smem:$0x3FB4];
	_ =	sdelay $0x3  }
0x34: {  	[smem:$0x3FB4] =	sst s10  }
0x35: {  	s10 =	sld [smem:$0x3FB3];
	_ =	sdelay $0x3  }
0x36: {  	p1 =	seq.s32 s10, $0x1;
	s10 =	sld [smem:$0x3FB4];
	_ =	sdelay $0x3  }
0x37: {  	[smem:$0x3FB4] =	sst s10  }
0x38: {  	s10 =	sld [smem:$0x3FB5]  }
0x39: {  	_ = 	snop;
	(pc) =	sbr.ind lr, $3  }
0x3a: {  	_ = 	snop  }
0x3b: {  	_ = 	snop  }
0x3c: {  	p2 =	seq.s32 s10, $0x1;
	s10 =	sld [smem:$0x3FB4]  }
0x3d: {  	_ =	shalt  }
0x3e: {  	_ =	shalt  }
0x3f: {  	_ =	shalt  }
0x40: {  	_ =	shalt  }
0x41: {  	_ =	shalt  }
0x42: {  	_ =	shalt  }
0x43: {  	_ =	shalt  }
0x44: {  	_ =	shalt  }
0x45: {  	_ =	shalt  }
0x46: {  	_ =	shalt  }
0x47: {  	_ =	shalt  }
0x48: {  	_ =	shalt  }
0x49: {  	_ =	shalt  }
0x4a: {  	_ =	shalt  }
0x4b: {  	_ =	shalt  }
0x4c: {  	_ =	shalt  }
0x4d: {  	_ =	shalt  }
0x4e: {  	_ =	shalt  }
0x4f: {  	_ =	shalt  }
0x50: {  	_ =	shalt  }
0x51: {  	_ =	shalt  }
0x52: {  	_ =	shalt  }
0x53: {  	_ =	shalt  }
0x54: {  	_ =	shalt  }
0x55: {  	_ =	shalt  }
0x56: {  	_ =	shalt  }
0x57: {  	_ =	shalt  }
0x58: {  	_ =	shalt  }
0x59: {  	_ =	shalt  }
0x5a: {  	_ =	shalt  }
0x5b: {  	_ =	shalt  }
0x5c: {  	_ =	shalt  }
0x5d: {  	_ =	shalt  }
0x5e: {  	_ =	shalt  }
0x5f: {  	_ =	shalt  }
0x60: {  	_ =	shalt  }
0x61: {  	_ =	shalt  }
0x62: {  	_ =	shalt  }
0x63: {  	_ =	shalt  }
0x64: {  	_ =	shalt  }
0x65: {  	_ =	shalt  }
0x66: {  	_ =	shalt  }
0x67: {  	_ =	shalt  }
0x68: {  	_ =	shalt  }
0x69: {  	_ =	shalt  }
0x6a: {  	_ =	shalt  }
0x6b: {  	_ =	shalt  }
0x6c: {  	_ =	shalt  }
0x6d: {  	_ =	shalt  }
0x6e: {  	_ =	shalt  }
0x6f: {  	_ =	shalt  }
0x70: {  	_ =	shalt  }
0x71: {  	_ =	shalt  }
0x72: {  	_ =	shalt  }
0x73: {  	_ =	shalt  }
0x74: {  	_ =	shalt  }
0x75: {  	_ =	shalt  }
0x76: {  	_ =	shalt  }
0x77: {  	_ =	shalt  }
0x78: {  	_ =	shalt  }
0x79: {  	_ =	shalt  }
0x7a: {  	_ =	shalt  }
0x7b: {  	_ =	shalt  }
0x7c: {  	_ =	shalt  }
0x7d: {  	_ =	shalt  }
0x7e: {  	_ =	shalt  }
0x7f: {  	_ =	shalt  }
0x80: {  	_ =	shalt  }
0x81: {  	_ =	shalt  }
0x82: {  	_ =	shalt  }
0x83: {  	_ =	shalt  }
0x84: {  	_ =	shalt  }
0x85: {  	_ =	shalt  }
0x86: {  	_ =	shalt  }
0x87: {  	_ =	shalt  }
.Lfunc_end0:
.L_simem_size_0:
called_computation.1_lowered:
.L_overlay_start_0:
0x88: {  	s2 =	sld [smem:$0x3FD9]  }
0x89: {  	s3 =	sld [smem:$0x3FFE];
	_ =	sdelay $0x1  }
0x8a: {  	s1 =	srdreg.scid  }
0x8b: {  	s0 =	sand.u32 $0x1, s1  }
0x8c: {  	s17 =	sshll.u32 s0, $0xA;
	s2 =	sadd.s32 s3, s2  }
0x8d: {  	s2 =	sadd.s32 s2, s17  }
0x8e: {  	[smem:$0x3FC0] =	sst s2  }
0x8f: {  	_ = 	snop  }
0x90: {  	s2 =	sld [smem:$0x3FC9];
	(tm) =	ssettm $0x1  }
0x91: {  	s18 =	sld [smem:$0x3FFB];
	_ =	sdelay $0x3  }
0x92: {  	_ =	strace s18  }
0x93: {  	s3 =	sld [smem:$0x3FFC];
	_ =	sdelay $0x3  }
0x94: {  	_ =	strace s3  }
0x95: {  	s3 =	sld [smem:$0x3FFD];
	_ =	sdelay $0x3  }
0x96: {  	_ =	strace s3  }
0x97: {  	_ =	strace $0x8FFFFFFF  }
0x98: {  	s19 =	sld [smem:$0x3FDB];
	_ =	sdelay $0x1  }
0x99: {  	s4 =	simm.s32 $_scs_section_size  }
0x9a: {  	s5 =	simm.s32 $_size__tile_overlayer_lowered;
	s6 =	simm.s32 $_tile_overlayer_lowered  }
0x9b: {  	s22 =	simm.s32 $0x1BFF;
	s21 =	sshll.u32 s6, $0x1;
	s3 =	sadd.s32 s4, s19  }
0x9c: {  	s7 =	simm.s32 $0x0;
	s20 =	sshll.u32 s5, $0x1;
	s5 =	sadd.s32 s21, s3  }
0x9d: {  	[timem:s7], [sflag:s22] =	dma.local [hbm:s5], s20  }
0x9e: {  	_ =	swait.ge [sflag:s22], s20  }
0x9f: {  	s4 =	ssub.s32 $0x0, s20;
	[sflag:s22] =	ssyncset.done $0x0  }
0xa0: {  	[sflag:s22] =	ssyncadd.s32 s4;
	_ =	sdelay $0x1  }
0xa1: {  	s23 =	simm.s32 $0x1B8B  }
0xa2: {  	_ =	swait.ge [sflag:s23], $0x1  }
0xa3: {  	[sflag:s23] =	ssyncset.done $0x0  }
0xa4: {  	s25 =	simm.s32 $0x1B8E;
	s24 =	sld [smem:$0x3FFE];
	[sflag:s23] =	ssyncadd.s32 $0xFFFFFFFF  }
0xa5: {  	s26 =	simm.s32 $execute0_lowered;
	[smem:$0x3FD2] =	sst s25  }
0xa6: {  	s5 =	sshll.u32 s26, $0x1;
	_ =	strace $0x80000046;
	[dreg:$0x1] =	wrdreg $0xFFFFFFFF  }
0xa7: {  	s28 =	simm.s32 $_size_execute0_lowered;
	s3 =	sadd.s32 s3, s5;
	[dreg:$0x0] =	wrdreg $0x0  }
0xa8: {  	s5 =	sshll.u32 s28, $0x1;
	[dreg:$0x2] =	wrdreg s3  }
0xa9: {  	[dreg:$0x3] =	wrdreg s5  }
0xaa: {  	[dreg:$0x4] =	wrdreg $0xC0  }
0xab: {  	_ =	task [dreg:s7], $0x5FFFF  }
0xac: {  	[dreg:$0x1] =	wrdreg $0xFFFFFFFF  }
0xad: {  	[dreg:$0x0] =	wrdreg $0x60  }
0xae: {  	[dreg:$0x2] =	wrdreg s2  }
0xaf: {  	[dreg:$0x3] =	wrdreg s24  }
0xb0: {  	[dreg:$0x4] =	wrdreg $0x90000  }
0xb1: {  	[dreg:$0x5] =	wrdreg $0xA  }
0xb2: {  	_ =	task.clear_ibuf [dreg:s7], $0x6FFFF;
	_ =	strace $0x90000046  }
0xb3: {  	s29 =	simm.s32 $0xA;
	_ =	strace $0x80000048  }
0xb4: {  	_ =	swait.ge [sflag:s29], $0x1  }
0xb5: {  	[sflag:s29] =	ssyncadd.s32 $0xFFFFFFFF  }
0xb6: {  	_ =	strace $0x90000048  }
0xb7: {  	_ =	sfence  }
0xb8: {  	s30 =	sld [smem:$0x0];
	_ =	sdelay $0x2  }
0xb9: {  	s31 =	sshll.u32 s1, $0xD;
	s1 =	sshrl.u32 s1, $0x2  }
0xba: {  	s3 =	sand.u32 $0x4000, s31;
	s1 =	sadd.s32 s1, s30  }
0xbb: {  	s0 =	sor.u32 s3, s0;
	s1 =	sshll.u32 s1, $0x11  }
0xbc: {  	s0 =	sor.u32 s1, s0  }
0xbd: {  	s0 =	sadd.s32 $0x8F2B, s0  }
0xbe: {  	[sflag:s0] =	ssyncadd.remote.s32 $0x1  }
0xbf: {  	_ =	sfence.sel $0xFFFF  }
0xc0: {  	[dreg:$0x0] =	wrdreg $0xFFFFFFFF;
	(pc) =	sbr.abs _section_cstart, $3  }
0xc1: {  	[dreg:$0x1] =	wrdreg $0xFFFFFFFF  }
0xc2: {  	_ =	task.clear_ibuf [dreg:s7], $0x2FFFF;
	_ =	strace $0x9FFFFFFF  }
0xc3: {  	(tm) =	ssettm $0x7FFFFFFF  }
tec
execute0_lowered:
.L_overlay_start_1:
0x0: {  	(tag) =	ssettag $0x1  }
0x1: {  	s1 =	rddreg [dreg:$0x0]  }
0x2: {  	s0 =	srdreg.scid;
	s2 =	rddreg [dreg:$0x1]  }
0x3: {  	s10 =	stileid.u32;
	s3 =	rddreg [dreg:$0x2]  }
0x4: {  	s4 =	simm.s32 $0x0;
	s12 =	simm.s32 $0x9;
	s13 =	simm.s32 $0x800  }
0x5: {  	s14 =	simm.s32 $0x40;
	s15 =	simm.s32 $0x1000;
	s17 =	simm.s32 $0x3000  }
0x6: {  	s19 =	simm.s32 $0x5000;
	s28 =	simm.s32 $0x3;
	s5 =	smul.u32 $0x13000, s10  }
0x7: {  	s29 =	simm.s32 $0x6;
	s11 =	simm.s32 $0x780;
	s20 =	smul.u32 $0x13C00, s10  }
0x8: {  	s16 =	simm.s32 $0xE00;
	s0 =	sand.u32 $0x1, s0;
	s21 =	smul.u32 $0x4F000, s10  }
0x9: {  	s18 =	simm.s32 $0xE80;
	[smem:$0x7FF] =	sst s4;
	s6 =	smul.u32 $0x9800, s0  }
0xa: {  	s23 =	sshll.u32 s10, $0x6;
	s10 =	simm.s32 $0x700;
	s7 =	smul.u32 $0x13C000, s0  }
0xb: {  	_ =	strace $0x80000047;
	s9 =	ssub.s32 $0x2, s0;
	s30 =	sor.u32 $0x1C09, s23  }
0xc: {  	p0 =	sne.s32 s0, $0x0;
	s23 =	simm.s32 $0x2;
	s0 =	simm.s32 $0x7  }
0xd: {  	s8 =	sshrl.u32 s20, $0x3;
	s22 =	sshrl.u32 s9, $0x1;
	[dreg:$0x5] =	wrdreg s30  }
0xe: {  	s5 =	sadd.s32 s6, s5;
	s6 =	sadd.s32 s20, s7;
	s8 =	sadd.s32 s8, s2  }
0xf: {  	s7 =	sshrl.u32 s21, $0x2;
	s20 =	simm.s32 $0x1;
	s21 =	simm.s32 $0xF00  }
0x10: {  	s5 =	sshrl.u32 s5, $0x3;
	s6 =	sshrl.u32 s6, $0x3;
	s7 =	sadd.s32 s7, s3  }
0x11: {  	s8 =	sadd.s32 $0x4CC00, s8;
	s5 =	sadd.s32 s5, s2;
	s2 =	sadd.s32 s6, s2  }
0x12: {  	s6 =	ssub.s32 s9, s22;
	[dreg:$0x4] =	wrdreg s8;
	s31 =	sshrl.u32 s7, $0x3  }
0x13: {  	s22 =	simm.s32 $0x7000;
	s2 =	sadd.s32 $0x74400, s2;
	[dreg:$0xa] =	wrdreg s31  }
0x14: {  	s8 =	simm.s32 $0x8;
	s24 =	smax.u32 s6, $0x1;
	[dreg:$0x6] =	wrdreg s2  }
0x15: {  	s7 =	simm.s32 $0x680;
	s25 =	sadd.s32 $0xC00, s5;
	[dreg:$0x7] =	wrdreg s24  }
0x16: {  	s9 =	simm.s32 $0xD00;
	s26 =	sadd.s32 $0x26C00, s5;
	[dreg:$0x8] =	wrdreg s25  }
0x17: {  	s5 =	simm.s32 $0x0;
	s6 =	simm.s32 $0xD80;
	[dreg:$0x9] =	wrdreg s26  }
0x18: {  	s24 =	simm.s32 $0x5;
	s2 =	simm.s32 $0x4;
	s25 =	simm.s32 $0xF80  }
.LBB2_1:
0x19: {  	[dreg:$0xb] =	wrdreg s5  }
0x1a: {  	s26 =	rddreg [dreg:$0x4]  }
0x1b: {  	[spmem:s31], [sflag:s30] =	dma.local [hbm:s26], $0x2780  }
0x1c: {  	_ =	swait.ge [sflag:s12], $0x2780  }
0x1d: {  	[sflag:s12] =	ssyncset.done $0x0  }
0x1e: {  	[sflag:s12] =	ssyncadd.s32 $0xFFFFD880  }
0x1f: {  	[bflag:$0x0] =	sbarrier.arrive $0xFFFF  }
0x20: {  	s26 =	rddreg [dreg:$0x9]  }
0x21: {  	s31 =	simm.s32 $0x0;
	s30 =	rddreg [dreg:$0x8]  }
.LBB2_2:
0x22: {  	[tilespmem:s4], [sflag:$0x9] =	stream.linear.gather [hbm4b:s26+s4], $0x800, $0x38;
	[tilespmem:$0x1CC00] =	vst v63  }
0x23: {  	_ =	swait.ge [sflag:s12], $0x800  }
0x24: {  	[sflag:s12] =	ssyncset.done $0x0  }
0x25: {  	[sflag:s12] =	ssyncadd.s32 $0xFFFFF800  }
0x26: {  	[tilespmem:s13], [sflag:$0x9] =	stream.linear.gather [hbm4b:s30+s4], $0x800, $0x38;
	[tilespmem:$0x1CC00] =	vst v63  }
0x27: {  	_ =	swait.ge [sflag:s12], $0x800  }
0x28: {  	[sflag:s12] =	ssyncset.done $0x0  }
0x29: {  	[sflag:s12] =	ssyncadd.s32 $0xFFFFF800  }
0x2a: {  	[tilespmem:s15], [sflag:$0x1] =	stream.indirect.gather [hbm4b:s1+s14], $0x80, s4, s14, $0xb8;
	[tilespmem:$0x1CC00] =	vst v63  }
0x2b: {  	s5 =	simm.s32 $0x80  }
0x2c: {  	[tilespmem:s17], [sflag:$0x2] =	stream.indirect.gather [hbm4b:s1+s14], $0x80, s5, s14, $0xb8;
	[tilespmem:$0x1CC00] =	vst v63  }
0x2d: {  	s5 =	simm.s32 $0x100  }
0x2e: {  	[tilespmem:s19], [sflag:$0x3] =	stream.indirect.gather [hbm4b:s1+s14], $0x80, s5, s14, $0xb8;
	[tilespmem:$0x1CC00] =	vst v63  }
0x2f: {  	_ =	swait.ge [sflag:s20], $0x2000  }
0x30: {  	[sflag:s20] =	ssyncset.done $0x0  }
0x31: {  	s5 =	simm.s32 $0x180;
	[sflag:s20] =	ssyncadd.s32 $0xFFFFE000  }
0x32: {  	[tilespmem:s22], [sflag:$0x4] =	stream.indirect.gather [hbm4b:s1+s14], $0x80, s5, s14, $0xb8;
	[tilespmem:$0x1CC00] =	vst v63  }
0x33: {  	_ = 	snop  }
0x34: {  	[spmem:s3] =	stream.indirect.scatter.add.f32 [tilespmem:s15], [sflag:$0x5], $0x80, s13, s14, $0xb8;
	[tilespmem:$0x1CC00] =	vst v63  }
0x35: {  	_ =	swait.ge [sflag:s23], $0x2000  }
0x36: {  	[sflag:s23] =	ssyncset.done $0x0  }
0x37: {  	[sflag:s23] =	ssyncadd.s32 $0xFFFFE000  }
0x38: {  	_ =	swait.ge [sflag:s24], $0x2000  }
0x39: {  	[sflag:s24] =	ssyncset.done $0x0  }
0x3a: {  	s5 =	simm.s32 $0x200;
	[sflag:s24] =	ssyncadd.s32 $0xFFFFE000  }
0x3b: {  	[tilespmem:s15], [sflag:$0x1] =	stream.indirect.gather [hbm4b:s1+s14], $0x80, s5, s14, $0xb8;
	[tilespmem:$0x1CC00] =	vst v63  }
0x3c: {  	s5 =	simm.s32 $0x880  }
0x3d: {  	[spmem:s3] =	stream.indirect.scatter.add.f32 [tilespmem:s17], [sflag:$0x6], $0x80, s5, s14, $0xb8;
	[tilespmem:$0x1CC00] =	vst v63  }
0x3e: {  	_ =	swait.ge [sflag:s28], $0x2000  }
0x3f: {  	[sflag:s28] =	ssyncset.done $0x0  }
0x40: {  	[sflag:s28] =	ssyncadd.s32 $0xFFFFE000  }
0x41: {  	_ =	swait.ge [sflag:s29], $0x2000  }
0x42: {  	[sflag:s29] =	ssyncset.done $0x0  }
0x43: {  	s5 =	simm.s32 $0x280;
	[sflag:s29] =	ssyncadd.s32 $0xFFFFE000  }
0x44: {  	[tilespmem:s17], [sflag:$0x2] =	stream.indirect.gather [hbm4b:s1+s14], $0x80, s5, s14, $0xb8;
	[tilespmem:$0x1CC00] =	vst v63  }
0x45: {  	s5 =	simm.s32 $0x900  }
0x46: {  	[spmem:s3] =	stream.indirect.scatter.add.f32 [tilespmem:s19], [sflag:$0x7], $0x80, s5, s14, $0xb8;
	[tilespmem:$0x1CC00] =	vst v63  }
0x47: {  	_ =	swait.ge [sflag:s2], $0x2000  }
0x48: {  	[sflag:s2] =	ssyncset.done $0x0  }
0x49: {  	[sflag:s2] =	ssyncadd.s32 $0xFFFFE000  }
0x4a: {  	_ =	swait.ge [sflag:s0], $0x2000  }
0x4b: {  	[sflag:s0] =	ssyncset.done $0x0  }
0x4c: {  	s5 =	simm.s32 $0x300;
	[sflag:s0] =	ssyncadd.s32 $0xFFFFE000  }
0x4d: {  	[tilespmem:s19], [sflag:$0x3] =	stream.indirect.gather [hbm4b:s1+s14], $0x80, s5, s14, $0xb8;
	[tilespmem:$0x1CC00] =	vst v63  }
0x4e: {  	s5 =	simm.s32 $0x980  }
0x4f: {  	[spmem:s3] =	stream.indirect.scatter.add.f32 [tilespmem:s22], [sflag:$0x8], $0x80, s5, s14, $0xb8;
	[tilespmem:$0x1CC00] =	vst v63  }
0x50: {  	_ =	swait.ge [sflag:s20], $0x2000  }
0x51: {  	[sflag:s20] =	ssyncset.done $0x0  }
0x52: {  	[sflag:s20] =	ssyncadd.s32 $0xFFFFE000  }
0x53: {  	_ =	swait.ge [sflag:s8], $0x2000  }
0x54: {  	[sflag:s8] =	ssyncset.done $0x0  }
0x55: {  	s5 =	simm.s32 $0x380;
	[sflag:s8] =	ssyncadd.s32 $0xFFFFE000  }
0x56: {  	[tilespmem:s22], [sflag:$0x4] =	stream.indirect.gather [hbm4b:s1+s14], $0x80, s5, s14, $0xb8;
	[tilespmem:$0x1CC00] =	vst v63  }
0x57: {  	s5 =	simm.s32 $0xA00  }
0x58: {  	[spmem:s3] =	stream.indirect.scatter.add.f32 [tilespmem:s15], [sflag:$0x5], $0x80, s5, s14, $0xb8;
	[tilespmem:$0x1CC00] =	vst v63  }
0x59: {  	_ =	swait.ge [sflag:s23], $0x2000  }
0x5a: {  	[sflag:s23] =	ssyncset.done $0x0  }
0x5b: {  	[sflag:s23] =	ssyncadd.s32 $0xFFFFE000  }
0x5c: {  	_ =	swait.ge [sflag:s24], $0x2000  }
0x5d: {  	[sflag:s24] =	ssyncset.done $0x0  }
0x5e: {  	s5 =	simm.s32 $0x400;
	[sflag:s24] =	ssyncadd.s32 $0xFFFFE000  }
0x5f: {  	[tilespmem:s15], [sflag:$0x1] =	stream.indirect.gather [hbm4b:s1+s14], $0x80, s5, s14, $0xb8;
	[tilespmem:$0x1CC00] =	vst v63  }
0x60: {  	s5 =	simm.s32 $0xA80  }
0x61: {  	[spmem:s3] =	stream.indirect.scatter.add.f32 [tilespmem:s17], [sflag:$0x6], $0x80, s5, s14, $0xb8;
	[tilespmem:$0x1CC00] =	vst v63  }
0x62: {  	_ =	swait.ge [sflag:s28], $0x2000  }
0x63: {  	[sflag:s28] =	ssyncset.done $0x0  }
0x64: {  	[sflag:s28] =	ssyncadd.s32 $0xFFFFE000  }
0x65: {  	_ =	swait.ge [sflag:s29], $0x2000  }
0x66: {  	[sflag:s29] =	ssyncset.done $0x0  }
0x67: {  	s5 =	simm.s32 $0x480;
	[sflag:s29] =	ssyncadd.s32 $0xFFFFE000  }
0x68: {  	[tilespmem:s17], [sflag:$0x2] =	stream.indirect.gather [hbm4b:s1+s14], $0x80, s5, s14, $0xb8;
	[tilespmem:$0x1CC00] =	vst v63  }
0x69: {  	s5 =	simm.s32 $0xB00  }
0x6a: {  	[spmem:s3] =	stream.indirect.scatter.add.f32 [tilespmem:s19], [sflag:$0x7], $0x80, s5, s14, $0xb8;
	[tilespmem:$0x1CC00] =	vst v63  }
0x6b: {  	_ =	swait.ge [sflag:s2], $0x2000  }
0x6c: {  	[sflag:s2] =	ssyncset.done $0x0  }
0x6d: {  	[sflag:s2] =	ssyncadd.s32 $0xFFFFE000  }
0x6e: {  	_ =	swait.ge [sflag:s0], $0x2000  }
0x6f: {  	[sflag:s0] =	ssyncset.done $0x0  }
0x70: {  	s5 =	simm.s32 $0x500;
	[sflag:s0] =	ssyncadd.s32 $0xFFFFE000  }
0x71: {  	[tilespmem:s19], [sflag:$0x3] =	stream.indirect.gather [hbm4b:s1+s14], $0x80, s5, s14, $0xb8;
	[tilespmem:$0x1CC00] =	vst v63  }
0x72: {  	s5 =	simm.s32 $0xB80  }
0x73: {  	[spmem:s3] =	stream.indirect.scatter.add.f32 [tilespmem:s22], [sflag:$0x8], $0x80, s5, s14, $0xb8;
	[tilespmem:$0x1CC00] =	vst v63  }
0x74: {  	_ =	swait.ge [sflag:s20], $0x2000  }
0x75: {  	[sflag:s20] =	ssyncset.done $0x0  }
0x76: {  	[sflag:s20] =	ssyncadd.s32 $0xFFFFE000  }
0x77: {  	_ =	swait.ge [sflag:s8], $0x2000  }
0x78: {  	[sflag:s8] =	ssyncset.done $0x0  }
0x79: {  	s5 =	simm.s32 $0x580;
	[sflag:s8] =	ssyncadd.s32 $0xFFFFE000  }
0x7a: {  	[tilespmem:s22], [sflag:$0x4] =	stream.indirect.gather [hbm4b:s1+s14], $0x80, s5, s14, $0xb8;
	[tilespmem:$0x1CC00] =	vst v63  }
0x7b: {  	s5 =	simm.s32 $0xC00  }
0x7c: {  	[spmem:s3] =	stream.indirect.scatter.add.f32 [tilespmem:s15], [sflag:$0x5], $0x80, s5, s14, $0xb8;
	[tilespmem:$0x1CC00] =	vst v63  }
0x7d: {  	_ =	swait.ge [sflag:s23], $0x2000  }
0x7e: {  	[sflag:s23] =	ssyncset.done $0x0  }
0x7f: {  	[sflag:s23] =	ssyncadd.s32 $0xFFFFE000  }
0x80: {  	_ =	swait.ge [sflag:s24], $0x2000  }
0x81: {  	[sflag:s24] =	ssyncset.done $0x0  }
0x82: {  	s5 =	simm.s32 $0x600;
	[sflag:s24] =	ssyncadd.s32 $0xFFFFE000  }
0x83: {  	[tilespmem:s15], [sflag:$0x1] =	stream.indirect.gather [hbm4b:s1+s14], $0x80, s5, s14, $0xb8;
	[tilespmem:$0x1CC00] =	vst v63  }
0x84: {  	s5 =	simm.s32 $0xC80  }
0x85: {  	[spmem:s3] =	stream.indirect.scatter.add.f32 [tilespmem:s17], [sflag:$0x6], $0x80, s5, s14, $0xb8;
	[tilespmem:$0x1CC00] =	vst v63  }
0x86: {  	_ =	swait.ge [sflag:s28], $0x2000  }
0x87: {  	[sflag:s28] =	ssyncset.done $0x0  }
0x88: {  	[sflag:s28] =	ssyncadd.s32 $0xFFFFE000  }
0x89: {  	_ =	swait.ge [sflag:s29], $0x2000  }
0x8a: {  	[sflag:s29] =	ssyncset.done $0x0  }
0x8b: {  	[sflag:s29] =	ssyncadd.s32 $0xFFFFE000  }
0x8c: {  	[tilespmem:s17], [sflag:$0x2] =	stream.indirect.gather [hbm4b:s1+s14], $0x80, s7, s14, $0xb8;
	[tilespmem:$0x1CC00] =	vst v63  }
0x8d: {  	_ = 	snop  }
0x8e: {  	[spmem:s3] =	stream.indirect.scatter.add.f32 [tilespmem:s19], [sflag:$0x7], $0x80, s9, s14, $0xb8;
	[tilespmem:$0x1CC00] =	vst v63  }
0x8f: {  	_ =	swait.ge [sflag:s2], $0x2000  }
0x90: {  	[sflag:s2] =	ssyncset.done $0x0  }
0x91: {  	[sflag:s2] =	ssyncadd.s32 $0xFFFFE000  }
0x92: {  	_ =	swait.ge [sflag:s0], $0x2000  }
0x93: {  	[sflag:s0] =	ssyncset.done $0x0  }
0x94: {  	[sflag:s0] =	ssyncadd.s32 $0xFFFFE000  }
0x95: {  	[tilespmem:s19], [sflag:$0x3] =	stream.indirect.gather [hbm4b:s1+s14], $0x80, s10, s14, $0xb8;
	[tilespmem:$0x1CC00] =	vst v63  }
0x96: {  	_ = 	snop  }
0x97: {  	[spmem:s3] =	stream.indirect.scatter.add.f32 [tilespmem:s22], [sflag:$0x8], $0x80, s6, s14, $0xb8;
	[tilespmem:$0x1CC00] =	vst v63  }
0x98: {  	_ =	swait.ge [sflag:s20], $0x2000  }
0x99: {  	[sflag:s20] =	ssyncset.done $0x0  }
0x9a: {  	[sflag:s20] =	ssyncadd.s32 $0xFFFFE000  }
0x9b: {  	_ =	swait.ge [sflag:s8], $0x2000  }
0x9c: {  	[sflag:s8] =	ssyncset.done $0x0  }
0x9d: {  	[sflag:s8] =	ssyncadd.s32 $0xFFFFE000  }
0x9e: {  	[tilespmem:s22], [sflag:$0x4] =	stream.indirect.gather [hbm4b:s1+s14], $0x80, s11, s14, $0xb8;
	[tilespmem:$0x1CC00] =	vst v63  }
0x9f: {  	_ = 	snop  }
0xa0: {  	[spmem:s3] =	stream.indirect.scatter.add.f32 [tilespmem:s15], [sflag:$0x5], $0x80, s16, s14, $0xb8;
	[tilespmem:$0x1CC00] =	vst v63  }
0xa1: {  	_ =	swait.ge [sflag:s23], $0x2000  }
0xa2: {  	[sflag:s23] =	ssyncset.done $0x0  }
0xa3: {  	[sflag:s23] =	ssyncadd.s32 $0xFFFFE000  }
0xa4: {  	[spmem:s3] =	stream.indirect.scatter.add.f32 [tilespmem:s17], [sflag:$0x6], $0x80, s18, s14, $0xb8;
	[tilespmem:$0x1CC00] =	vst v63  }
0xa5: {  	_ =	swait.ge [sflag:s28], $0x2000  }
0xa6: {  	[sflag:s28] =	ssyncset.done $0x0  }
0xa7: {  	[sflag:s28] =	ssyncadd.s32 $0xFFFFE000  }
0xa8: {  	[spmem:s3] =	stream.indirect.scatter.add.f32 [tilespmem:s19], [sflag:$0x7], $0x80, s21, s14, $0xb8;
	[tilespmem:$0x1CC00] =	vst v63  }
0xa9: {  	_ =	swait.ge [sflag:s2], $0x2000  }
0xaa: {  	[sflag:s2] =	ssyncset.done $0x0  }
0xab: {  	[sflag:s2] =	ssyncadd.s32 $0xFFFFE000  }
0xac: {  	[spmem:s3] =	stream.indirect.scatter.add.f32 [tilespmem:s22], [sflag:$0x8], $0x80, s25, s14, $0xb8;
	[tilespmem:$0x1CC00] =	vst v63  }
0xad: {  	_ =	swait.ge [sflag:s24], $0x2000  }
0xae: {  	[sflag:s24] =	ssyncset.done $0x0  }
0xaf: {  	[sflag:s24] =	ssyncadd.s32 $0xFFFFE000  }
0xb0: {  	_ =	swait.ge [sflag:s29], $0x2000  }
0xb1: {  	[sflag:s29] =	ssyncset.done $0x0  }
0xb2: {  	p1 =	slt.u32 @!p0 s31, $0x12;
	[sflag:s29] =	ssyncadd.s32 $0xFFFFE000  }
0xb3: {  	p1 =	por p0, !p1;
	_ =	swait.ge [sflag:s0], $0x2000  }
.Ltmp0:
0xb4: {  	[sflag:s0] =	ssyncset.done $0x0;
	(pc) =	sbr.rel @!p1 .LBB2_2-.Ltmp0, $4  }
0xb5: {  	[sflag:s0] =	ssyncadd.s32 $0xFFFFE000  }
0xb6: {  	_ =	swait.ge [sflag:s8], $0x2000  }
0xb7: {  	s31 =	sadd.s32 $0x1, s31;
	[sflag:s8] =	ssyncset.done $0x0  }
0xb8: {  	s26 =	sadd.s32 $0x100, s26;
	s30 =	sadd.s32 $0x100, s30;
	[sflag:s8] =	ssyncadd.s32 $0xFFFFE000  }
0xb9: {  	[bflag:$0x0] =	sbarrier.arrive $0xFFFF  }
0xba: {  	s30 =	rddreg [dreg:$0x5]  }
0xbb: {  	s26 =	rddreg [dreg:$0x6]  }
0xbc: {  	s31 =	rddreg [dreg:$0xa]  }
0xbd: {  	[hbm:s26], [sflag:s30] =	dma.local [spmem:s31], $0x2780  }
0xbe: {  	_ =	swait.ge [sflag:s12], $0x2780  }
0xbf: {  	s5 =	rddreg [dreg:$0xb]  }
0xc0: {  	s26 =	rddreg [dreg:$0x7];
	s5 =	sadd.s32 $0x1, s5  }
0xc1: {  	p1 =	sne.s32 s5, s26  }
.Ltmp1:
0xc2: {  	_ = 	snop;
	(pc) =	sbr.rel @p1 .LBB2_1-.Ltmp1, $3  }
0xc3: {  	_ =	sdelay $0x1  }
0xc4: {  	[sflag:s12] =	ssyncset.done $0x0  }
0xc5: {  	[sflag:s12] =	ssyncadd.s32 $0xFFFFD880  }
0xc6: {  	_ =	sfence.sel $0x180000  }
0xc7: {  	[bflag:$0x0] =	sbarrier.arrive $0xFFFF  }
0xc8: {  	_ =	strace $0x90000047  }
0xc9: {  	s0 =	stileid.u32;
	[bflag:$0x2] =	sbarrier.arrive $0xFFFF  }
0xca: {  	p0 =	sne.s32 s0, $0x0;
	s0 =	rddreg [dreg:$0x3]  }
0xcb: {  	s0 =	sadd.s32 @!p0 $0x100000, s0  }
0xcc: {  	[sflag:s0] =	ssyncadd.tile.s32 @!p0 $0x1;
	_ =	shalt  }
.Lfunc_end2:
_tile_overlayer_lowered:
.L_overlay_start_2:
0xcd: {  	(tag) =	ssettag $0x2  }
0xce: {  	s0 =	rddreg [dreg:$0x0];
	s2 =	stileid.u32  }
0xcf: {  	s1 =	rddreg [dreg:$0x1];
	p0 =	sne.s32 s2, $0x0  }
0xd0: {  	s3 =	rddreg [dreg:$0x2];
	[bflag:$0x3] =	sbarrier.arrive $0xFFFF;
	s2 =	simm.s32 @!p0 $0x1C09  }
0xd1: {  	[timem:s3], [sflag:s2] =	dma.local @!p0 [hbm:s0], s1  }
0xd2: {  	s0 =	simm.s32 @!p0 $0x9  }
0xd3: {  	_ =	swait.ge @!p0 [sflag:s0], s1  }
0xd4: {  	s1 =	ssub.s32 @!p0 $0x0, s1;
	[sflag:s0] =	ssyncset.done @!p0 $0x0  }
0xd5: {  	[sflag:s0] =	ssyncadd.s32 @!p0 s1  }
0xd6: {  	[bflag:$0x3] =	sbarrier.arrive $0xFFFF  }
0xd7: {  	_ =	shalt  }

// kernel: kernel.13.cloned.1.call-start
scs
__scs_entry_jumppad:
0x0: {  	(pc) =	sbr.rel $0x88, $3  }
0x1: {  	(tag) =	ssettag $0x0;
	lr =	simm.s32 $0x1  }
0x2: {  	[smem:$0x3F99] =	sst lr;
	_ =	strace $0xD0000000  }
0x3: {  	_ = 	snop  }
0x4: {  	_ = 	snop  }
0x5: {  	_ = 	snop  }
0x6: {  	_ = 	snop  }
0x7: {  	_ = 	snop  }
__scs_overlays_trampoline_lowered:
0x8: {  	[smem:$0x3FA8] =	sst s0  }
0x9: {  	[smem:$0x3FA9] =	sst s1  }
0xa: {  	[smem:$0x3FAA] =	sst s2  }
0xb: {  	[smem:$0x3FAB] =	sst s3  }
0xc: {  	[smem:$0x3FAC] =	sst s4  }
0xd: {  	[smem:$0x3FAD] =	sst s5  }
0xe: {  	[smem:$0x3FAE] =	sst s6  }
0xf: {  	[smem:$0x3FAF] =	sst s7  }
0x10: {  	[smem:$0x3FB0] =	sst s8  }
0x11: {  	[smem:$0x3FB1] =	sst s9;
	s0 =	simm.s32 @!p0 $0x0  }
0x12: {  	s1 =	sld [smem:$0x3F97];
	s0 =	simm.s32 @p0 $0x1  }
0x13: {  	[smem:$0x3FB2] =	sst s0;
	s0 =	simm.s32 @!p1 $0x0  }
0x14: {  	s2 =	sld [smem:$0x3F96];
	s0 =	simm.s32 @p1 $0x1  }
0x15: {  	[smem:$0x3FB3] =	sst s0;
	s0 =	simm.s32 @!p2 $0x0  }
0x16: {  	s3 =	sld [smem:$0x3FDB];
	s0 =	simm.s32 @p2 $0x1  }
0x17: {  	s4 =	simm.s32 $0x1BF5;
	[smem:$0x3FB5] =	sst s0  }
0x18: {  	s0 =	sld [smem:$0x3F98];
	_ =	swait.ge [sflag:s4], $0x0  }
0x19: {  	s7 =	sld [smem:$0x3F99]  }
0x1a: {  	s8 =	sadd.s32 $0xFFFFE003, lr  }
0x1b: {  	s9 =	sadd.s32 $0xFFFFFEF7, lr;
	s5 =	simm.s32 $0xFFFFFFFF;
	p2 =	slt.u32 s8, $0xFFFFF086  }
0x1c: {  	p1 =	slt.u32 s9, $0xF7A;
	s5 =	simm.s32 @!p2 $0x0  }
0x1d: {  	s5 =	simm.s32 @p1 $0x1;
	p0 =	seq.s32 s7, s2  }
0x1e: {  	s7 =	smul.u32 @!p0 $0xF7A, s2;
	p2 =	seq.s32 @!p0 s5, $0x0  }
0x1f: {  	s9 =	smul.u32 $0xF7A, s1;
	s8 =	simm.s32 @!p0 $0x1BF5;
	p2 =	por !p2, p0  }
0x20: {  	[sflag:s8] =	ssyncset.s32 @!p0 $0xFFFFF086;
	s6 =	sadd.s32 @!p0 s3, s7;
	s7 =	simm.s32 @!p0 $0x108  }
0x21: {  	s3 =	sadd.s32 s3, s9;
	s6 =	sadd.s32 @!p0 $0x88, s6;
	s7 =	simm.s32 @p2 $0x1082  }
0x22: {  	[simem:s7], [sflag:s8] =	dma.local @!p0 [hbm:s6], $0xF7A  }
0x23: {  	s9 =	sor.u32 $0xD0000000, s2;
	s6 =	simm.s32 $0x108;
	_ =	swait.ge @!p0 [sflag:s8], $0x0  }
0x24: {  	s3 =	sadd.s32 $0x88, s3;
	s6 =	simm.s32 @!p1 $0x1082;
	[sflag:s4] =	ssyncset.s32 $0xFFFFF086  }
0x25: {  	[simem:s6], [sflag:s4] =	dma.local [hbm:s3], $0xF7A  }
0x26: {  	[smem:$0x3F99] =	sst s1;
	(tag) =	ssettag s2;
	_ =	strace s9  }
0x27: {  	s1 =	sld [smem:$0x3FA9]  }
0x28: {  	s2 =	sld [smem:$0x3FAA]  }
0x29: {  	s4 =	sld [smem:$0x3FAC]  }
0x2a: {  	p0 =	seq.s32 s5, $0x0;
	s5 =	sld [smem:$0x3FAD]  }
0x2b: {  	s6 =	sld [smem:$0x3FAE]  }
0x2c: {  	s7 =	sld [smem:$0x3FAF]  }
0x2d: {  	s3 =	simm.s32 $0x108;
	s8 =	sld [smem:$0x3FB0]  }
0x2e: {  	s3 =	simm.s32 @!p0 $0x1082;
	s9 =	sld [smem:$0x3FB1]  }
0x2f: {  	lr =	sadd.s32 s0, s3;
	s0 =	sld [smem:$0x3FA8]  }
0x30: {  	s3 =	sld [smem:$0x3FAB]  }
0x31: {  	[smem:$0x3FB4] =	sst s10  }
0x32: {  	s10 =	sld [smem:$0x3FB2];
	_ =	sdelay $0x3  }
0x33: {  	p0 =	seq.s32 s10, $0x1;
	s10 =	sld [smem:$0x3FB4];
	_ =	sdelay $0x3  }
0x34: {  	[smem:$0x3FB4] =	sst s10  }
0x35: {  	s10 =	sld [smem:$0x3FB3];
	_ =	sdelay $0x3  }
0x36: {  	p1 =	seq.s32 s10, $0x1;
	s10 =	sld [smem:$0x3FB4];
	_ =	sdelay $0x3  }
0x37: {  	[smem:$0x3FB4] =	sst s10  }
0x38: {  	s10 =	sld [smem:$0x3FB5]  }
0x39: {  	_ = 	snop;
	(pc) =	sbr.ind lr, $3  }
0x3a: {  	_ = 	snop  }
0x3b: {  	_ = 	snop  }
0x3c: {  	p2 =	seq.s32 s10, $0x1;
	s10 =	sld [smem:$0x3FB4]  }
0x3d: {  	_ =	shalt  }
0x3e: {  	_ =	shalt  }
0x3f: {  	_ =	shalt  }
0x40: {  	_ =	shalt  }
0x41: {  	_ =	shalt  }
0x42: {  	_ =	shalt  }
0x43: {  	_ =	shalt  }
0x44: {  	_ =	shalt  }
0x45: {  	_ =	shalt  }
0x46: {  	_ =	shalt  }
0x47: {  	_ =	shalt  }
0x48: {  	_ =	shalt  }
0x49: {  	_ =	shalt  }
0x4a: {  	_ =	shalt  }
0x4b: {  	_ =	shalt  }
0x4c: {  	_ =	shalt  }
0x4d: {  	_ =	shalt  }
0x4e: {  	_ =	shalt  }
0x4f: {  	_ =	shalt  }
0x50: {  	_ =	shalt  }
0x51: {  	_ =	shalt  }
0x52: {  	_ =	shalt  }
0x53: {  	_ =	shalt  }
0x54: {  	_ =	shalt  }
0x55: {  	_ =	shalt  }
0x56: {  	_ =	shalt  }
0x57: {  	_ =	shalt  }
0x58: {  	_ =	shalt  }
0x59: {  	_ =	shalt  }
0x5a: {  	_ =	shalt  }
0x5b: {  	_ =	shalt  }
0x5c: {  	_ =	shalt  }
0x5d: {  	_ =	shalt  }
0x5e: {  	_ =	shalt  }
0x5f: {  	_ =	shalt  }
0x60: {  	_ =	shalt  }
0x61: {  	_ =	shalt  }
0x62: {  	_ =	shalt  }
0x63: {  	_ =	shalt  }
0x64: {  	_ =	shalt  }
0x65: {  	_ =	shalt  }
0x66: {  	_ =	shalt  }
0x67: {  	_ =	shalt  }
0x68: {  	_ =	shalt  }
0x69: {  	_ =	shalt  }
0x6a: {  	_ =	shalt  }
0x6b: {  	_ =	shalt  }
0x6c: {  	_ =	shalt  }
0x6d: {  	_ =	shalt  }
0x6e: {  	_ =	shalt  }
0x6f: {  	_ =	shalt  }
0x70: {  	_ =	shalt  }
0x71: {  	_ =	shalt  }
0x72: {  	_ =	shalt  }
0x73: {  	_ =	shalt  }
0x74: {  	_ =	shalt  }
0x75: {  	_ =	shalt  }
0x76: {  	_ =	shalt  }
0x77: {  	_ =	shalt  }
0x78: {  	_ =	shalt  }
0x79: {  	_ =	shalt  }
0x7a: {  	_ =	shalt  }
0x7b: {  	_ =	shalt  }
0x7c: {  	_ =	shalt  }
0x7d: {  	_ =	shalt  }
0x7e: {  	_ =	shalt  }
0x7f: {  	_ =	shalt  }
0x80: {  	_ =	shalt  }
0x81: {  	_ =	shalt  }
0x82: {  	_ =	shalt  }
0x83: {  	_ =	shalt  }
0x84: {  	_ =	shalt  }
0x85: {  	_ =	shalt  }
0x86: {  	_ =	shalt  }
0x87: {  	_ =	shalt  }
.Lfunc_end0:
.L_simem_size_0:
called_computation.2_lowered:
.L_overlay_start_0:
0x88: {  	s2 =	sld [smem:$0x3FD9]  }
0x89: {  	s3 =	sld [smem:$0x3FFE];
	_ =	sdelay $0x1  }
0x8a: {  	s1 =	srdreg.scid  }
0x8b: {  	s0 =	sand.u32 $0x1, s1  }
0x8c: {  	s16 =	sshll.u32 s0, $0xA;
	s2 =	sadd.s32 s3, s2  }
0x8d: {  	s2 =	sadd.s32 s2, s16  }
0x8e: {  	[smem:$0x3FC0] =	sst s2  }
0x8f: {  	_ = 	snop  }
0x90: {  	(tm) =	ssettm $0x1  }
0x91: {  	s17 =	sld [smem:$0x3FFB];
	_ =	sdelay $0x3  }
0x92: {  	_ =	strace s17  }
0x93: {  	s2 =	sld [smem:$0x3FFC];
	_ =	sdelay $0x3  }
0x94: {  	_ =	strace s2  }
0x95: {  	s2 =	sld [smem:$0x3FFD];
	_ =	sdelay $0x3  }
0x96: {  	_ =	strace s2  }
0x97: {  	_ =	strace $0x8FFFFFFF  }
0x98: {  	s18 =	sld [smem:$0x3FDB];
	_ =	sdelay $0x1  }
0x99: {  	s19 =	simm.s32 $_scs_section_size  }
0x9a: {  	s4 =	simm.s32 $_size__tile_overlayer_lowered;
	s5 =	simm.s32 $_tile_overlayer_lowered  }
0x9b: {  	s22 =	simm.s32 $0x1BFF;
	s21 =	sshll.u32 s5, $0x1;
	s2 =	sadd.s32 s19, s18  }
0x9c: {  	s6 =	simm.s32 $0x0;
	s20 =	sshll.u32 s4, $0x1;
	s4 =	sadd.s32 s21, s2  }
0x9d: {  	[timem:s6], [sflag:s22] =	dma.local [hbm:s4], s20  }
0x9e: {  	_ =	swait.ge [sflag:s22], s20  }
0x9f: {  	s3 =	ssub.s32 $0x0, s20;
	[sflag:s22] =	ssyncset.done $0x0  }
0xa0: {  	[sflag:s22] =	ssyncadd.s32 s3;
	_ =	sdelay $0x1  }
0xa1: {  	s23 =	simm.s32 $0x1B8B  }
0xa2: {  	_ =	swait.ge [sflag:s23], $0x1  }
0xa3: {  	[sflag:s23] =	ssyncset.done $0x0  }
0xa4: {  	s25 =	simm.s32 $0x1B8E;
	s24 =	sld [smem:$0x3FFE];
	[sflag:s23] =	ssyncadd.s32 $0xFFFFFFFF  }
0xa5: {  	s26 =	simm.s32 $execute0_lowered;
	[smem:$0x3FD2] =	sst s25  }
0xa6: {  	s4 =	sshll.u32 s26, $0x1;
	_ =	strace $0x8000004C;
	[dreg:$0x1] =	wrdreg $0xFFFFFFFF  }
0xa7: {  	s28 =	simm.s32 $_size_execute0_lowered;
	s2 =	sadd.s32 s2, s4;
	[dreg:$0x0] =	wrdreg $0x0  }
0xa8: {  	s4 =	sshll.u32 s28, $0x1;
	[dreg:$0x2] =	wrdreg s2  }
0xa9: {  	[dreg:$0x3] =	wrdreg s4  }
0xaa: {  	[dreg:$0x4] =	wrdreg $0xC0  }
0xab: {  	_ =	task [dreg:s6], $0x5FFFF  }
0xac: {  	[dreg:$0x1] =	wrdreg $0xFFFFFFFF  }
0xad: {  	[dreg:$0x0] =	wrdreg $0x60  }
0xae: {  	[dreg:$0x2] =	wrdreg s24  }
0xaf: {  	[dreg:$0x3] =	wrdreg $0x90000  }
0xb0: {  	[dreg:$0x4] =	wrdreg $0x9  }
0xb1: {  	_ =	task.clear_ibuf [dreg:s6], $0x5FFFF;
	_ =	strace $0x9000004C  }
0xb2: {  	s29 =	simm.s32 $0x9;
	_ =	strace $0x8000004E  }
0xb3: {  	_ =	swait.ge [sflag:s29], $0x1  }
0xb4: {  	[sflag:s29] =	ssyncadd.s32 $0xFFFFFFFF  }
0xb5: {  	_ =	strace $0x9000004E  }
0xb6: {  	_ =	sfence  }
0xb7: {  	s30 =	sld [smem:$0x0];
	_ =	sdelay $0x2  }
0xb8: {  	s31 =	sshll.u32 s1, $0xD;
	s1 =	sshrl.u32 s1, $0x2  }
0xb9: {  	s3 =	sand.u32 $0x4000, s31;
	s1 =	sadd.s32 s1, s30  }
0xba: {  	s0 =	sor.u32 s3, s0;
	s1 =	sshll.u32 s1, $0x11  }
0xbb: {  	s0 =	sor.u32 s1, s0  }
0xbc: {  	s0 =	sadd.s32 $0x8F2B, s0  }
0xbd: {  	[sflag:s0] =	ssyncadd.remote.s32 $0x1  }
0xbe: {  	_ =	sfence.sel $0xFFFF  }
0xbf: {  	[dreg:$0x0] =	wrdreg $0xFFFFFFFF;
	(pc) =	sbr.abs _section_cstart, $3  }
0xc0: {  	[dreg:$0x1] =	wrdreg $0xFFFFFFFF  }
0xc1: {  	_ =	task.clear_ibuf [dreg:s6], $0x2FFFF;
	_ =	strace $0x9FFFFFFF  }
0xc2: {  	(tm) =	ssettm $0x7FFFFFFF  }
0xc3: {  	_ =	shalt  }
tec
execute0_lowered:
.L_overlay_start_1:
0x0: {  	(tag) =	ssettag $0x1  }
0x1: {  	s0 =	srdreg.scid;
	s1 =	rddreg [dreg:$0x0]  }
0x2: {  	s10 =	stileid.u32;
	s2 =	rddreg [dreg:$0x1];
	s3 =	simm.s32 $0x0  }
0x3: {  	s12 =	simm.s32 $0x9;
	s13 =	simm.s32 $0x800;
	s14 =	simm.s32 $0x40  }
0x4: {  	s15 =	simm.s32 $0x1000;
	s17 =	simm.s32 $0x3000;
	s19 =	simm.s32 $0x5000  }
0x5: {  	s28 =	simm.s32 $0x3;
	s29 =	simm.s32 $0x6;
	s4 =	smul.u32 $0x13000, s10  }
0x6: {  	s11 =	simm.s32 $0x780;
	s16 =	simm.s32 $0xE00;
	s20 =	smul.u32 $0x13C00, s10  }
0x7: {  	s18 =	simm.s32 $0xE80;
	s0 =	sand.u32 $0x1, s0;
	s21 =	smul.u32 $0x4F000, s10  }
0x8: {  	[smem:$0x7FF] =	sst s3;
	s23 =	sshll.u32 s10, $0x6;
	s5 =	smul.u32 $0x9800, s0  }
0x9: {  	s10 =	simm.s32 $0x700;
	s7 =	smul.u32 $0x13C000, s0;
	_ =	strace $0x8000004D  }
0xa: {  	s9 =	ssub.s32 $0x2, s0;
	s30 =	sor.u32 $0x1C09, s23;
	p0 =	sne.s32 s0, $0x0  }
0xb: {  	s23 =	simm.s32 $0x2;
	s0 =	simm.s32 $0x7;
	s8 =	sshrl.u32 s20, $0x3  }
0xc: {  	s22 =	sshrl.u32 s9, $0x1;
	[dreg:$0x4] =	wrdreg s30;
	s4 =	sadd.s32 s5, s4  }
0xd: {  	s5 =	sadd.s32 s20, s7;
	s8 =	sadd.s32 s8, s1;
	s7 =	sshrl.u32 s21, $0x2  }
0xe: {  	s20 =	simm.s32 $0x1;
	s21 =	simm.s32 $0xF00;
	s6 =	sshrl.u32 s4, $0x3  }
0xf: {  	s4 =	sadd.s32 $0x74400, s1;
	s5 =	sshrl.u32 s5, $0x3;
	s7 =	sadd.s32 s7, s2  }
0x10: {  	s8 =	sadd.s32 $0x4CC00, s8;
	s6 =	sadd.s32 s6, s1;
	s1 =	sadd.s32 s5, s1  }
0x11: {  	s5 =	ssub.s32 s9, s22;
	[dreg:$0x3] =	wrdreg s8;
	s31 =	sshrl.u32 s7, $0x3  }
0x12: {  	s22 =	simm.s32 $0x7000;
	s1 =	sadd.s32 $0x126400, s1;
	[dreg:$0x9] =	wrdreg s31  }
0x13: {  	s8 =	simm.s32 $0x8;
	s24 =	smax.u32 s5, $0x1;
	[dreg:$0x5] =	wrdreg s1  }
0x14: {  	s7 =	simm.s32 $0x680;
	s25 =	sadd.s32 $0xC00, s6;
	[dreg:$0x6] =	wrdreg s24  }
0x15: {  	s9 =	simm.s32 $0xD00;
	s26 =	sadd.s32 $0x26C00, s6;
	[dreg:$0x7] =	wrdreg s25  }
0x16: {  	s5 =	simm.s32 $0x0;
	s6 =	simm.s32 $0xD80;
	[dreg:$0x8] =	wrdreg s26  }
0x17: {  	s24 =	simm.s32 $0x5;
	s1 =	simm.s32 $0x4;
	s25 =	simm.s32 $0xF80  }
.LBB2_1:
0x18: {  	[dreg:$0xa] =	wrdreg s5  }
0x19: {  	s26 =	rddreg [dreg:$0x3]  }
0x1a: {  	[spmem:s31], [sflag:s30] =	dma.local [hbm:s26], $0x2780  }
0x1b: {  	_ =	swait.ge [sflag:s12], $0x2780  }
0x1c: {  	[sflag:s12] =	ssyncset.done $0x0  }
0x1d: {  	[sflag:s12] =	ssyncadd.s32 $0xFFFFD880  }
0x1e: {  	[bflag:$0x0] =	sbarrier.arrive $0xFFFF  }
0x1f: {  	s26 =	rddreg [dreg:$0x8]  }
0x20: {  	s31 =	simm.s32 $0x0;
	s30 =	rddreg [dreg:$0x7]  }
.LBB2_2:
0x21: {  	[tilespmem:s3], [sflag:$0x9] =	stream.linear.gather [hbm4b:s26+s3], $0x800, $0x38;
	[tilespmem:$0x1CC00] =	vst v63  }
0x22: {  	_ =	swait.ge [sflag:s12], $0x800  }
0x23: {  	[sflag:s12] =	ssyncset.done $0x0  }
0x24: {  	[sflag:s12] =	ssyncadd.s32 $0xFFFFF800  }
0x25: {  	[tilespmem:s13], [sflag:$0x9] =	stream.linear.gather [hbm4b:s30+s3], $0x800, $0x38;
	[tilespmem:$0x1CC00] =	vst v63  }
0x26: {  	_ =	swait.ge [sflag:s12], $0x800  }
0x27: {  	[sflag:s12] =	ssyncset.done $0x0  }
0x28: {  	[sflag:s12] =	ssyncadd.s32 $0xFFFFF800  }
0x29: {  	[tilespmem:s15], [sflag:$0x1] =	stream.indirect.gather [hbm4b:s4+s14], $0x80, s3, s14, $0xb8;
	[tilespmem:$0x1CC00] =	vst v63  }
0x2a: {  	s5 =	simm.s32 $0x80  }
0x2b: {  	[tilespmem:s17], [sflag:$0x2] =	stream.indirect.gather [hbm4b:s4+s14], $0x80, s5, s14, $0xb8;
	[tilespmem:$0x1CC00] =	vst v63  }
0x2c: {  	s5 =	simm.s32 $0x100  }
0x2d: {  	[tilespmem:s19], [sflag:$0x3] =	stream.indirect.gather [hbm4b:s4+s14], $0x80, s5, s14, $0xb8;
	[tilespmem:$0x1CC00] =	vst v63  }
0x2e: {  	_ =	swait.ge [sflag:s20], $0x2000  }
0x2f: {  	[sflag:s20] =	ssyncset.done $0x0  }
0x30: {  	s5 =	simm.s32 $0x180;
	[sflag:s20] =	ssyncadd.s32 $0xFFFFE000  }
0x31: {  	[tilespmem:s22], [sflag:$0x4] =	stream.indirect.gather [hbm4b:s4+s14], $0x80, s5, s14, $0xb8;
	[tilespmem:$0x1CC00] =	vst v63  }
0x32: {  	_ = 	snop  }
0x33: {  	[spmem:s2] =	stream.indirect.scatter.add.f32 [tilespmem:s15], [sflag:$0x5], $0x80, s13, s14, $0xb8;
	[tilespmem:$0x1CC00] =	vst v63  }
0x34: {  	_ =	swait.ge [sflag:s23], $0x2000  }
0x35: {  	[sflag:s23] =	ssyncset.done $0x0  }
0x36: {  	[sflag:s23] =	ssyncadd.s32 $0xFFFFE000  }
0x37: {  	_ =	swait.ge [sflag:s24], $0x2000  }
0x38: {  	[sflag:s24] =	ssyncset.done $0x0  }
0x39: {  	s5 =	simm.s32 $0x200;
	[sflag:s24] =	ssyncadd.s32 $0xFFFFE000  }
0x3a: {  	[tilespmem:s15], [sflag:$0x1] =	stream.indirect.gather [hbm4b:s4+s14], $0x80, s5, s14, $0xb8;
	[tilespmem:$0x1CC00] =	vst v63  }
0x3b: {  	s5 =	simm.s32 $0x880  }
0x3c: {  	[spmem:s2] =	stream.indirect.scatter.add.f32 [tilespmem:s17], [sflag:$0x6], $0x80, s5, s14, $0xb8;
	[tilespmem:$0x1CC00] =	vst v63  }
0x3d: {  	_ =	swait.ge [sflag:s28], $0x2000  }
0x3e: {  	[sflag:s28] =	ssyncset.done $0x0  }
0x3f: {  	[sflag:s28] =	ssyncadd.s32 $0xFFFFE000  }
0x40: {  	_ =	swait.ge [sflag:s29], $0x2000  }
0x41: {  	[sflag:s29] =	ssyncset.done $0x0  }
0x42: {  	s5 =	simm.s32 $0x280;
	[sflag:s29] =	ssyncadd.s32 $0xFFFFE000  }
0x43: {  	[tilespmem:s17], [sflag:$0x2] =	stream.indirect.gather [hbm4b:s4+s14], $0x80, s5, s14, $0xb8;
	[tilespmem:$0x1CC00] =	vst v63  }
0x44: {  	s5 =	simm.s32 $0x900  }
0x45: {  	[spmem:s2] =	stream.indirect.scatter.add.f32 [tilespmem:s19], [sflag:$0x7], $0x80, s5, s14, $0xb8;
	[tilespmem:$0x1CC00] =	vst v63  }
0x46: {  	_ =	swait.ge [sflag:s1], $0x2000  }
0x47: {  	[sflag:s1] =	ssyncset.done $0x0  }
0x48: {  	[sflag:s1] =	ssyncadd.s32 $0xFFFFE000  }
0x49: {  	_ =	swait.ge [sflag:s0], $0x2000  }
0x4a: {  	[sflag:s0] =	ssyncset.done $0x0  }
0x4b: {  	s5 =	simm.s32 $0x300;
	[sflag:s0] =	ssyncadd.s32 $0xFFFFE000  }
0x4c: {  	[tilespmem:s19], [sflag:$0x3] =	stream.indirect.gather [hbm4b:s4+s14], $0x80, s5, s14, $0xb8;
	[tilespmem:$0x1CC00] =	vst v63  }
0x4d: {  	s5 =	simm.s32 $0x980  }
0x4e: {  	[spmem:s2] =	stream.indirect.scatter.add.f32 [tilespmem:s22], [sflag:$0x8], $0x80, s5, s14, $0xb8;
	[tilespmem:$0x1CC00] =	vst v63  }
0x4f: {  	_ =	swait.ge [sflag:s20], $0x2000  }
0x50: {  	[sflag:s20] =	ssyncset.done $0x0  }
0x51: {  	[sflag:s20] =	ssyncadd.s32 $0xFFFFE000  }
0x52: {  	_ =	swait.ge [sflag:s8], $0x2000  }
0x53: {  	[sflag:s8] =	ssyncset.done $0x0  }
0x54: {  	s5 =	simm.s32 $0x380;
	[sflag:s8] =	ssyncadd.s32 $0xFFFFE000  }
0x55: {  	[tilespmem:s22], [sflag:$0x4] =	stream.indirect.gather [hbm4b:s4+s14], $0x80, s5, s14, $0xb8;
	[tilespmem:$0x1CC00] =	vst v63  }
0x56: {  	s5 =	simm.s32 $0xA00  }
0x57: {  	[spmem:s2] =	stream.indirect.scatter.add.f32 [tilespmem:s15], [sflag:$0x5], $0x80, s5, s14, $0xb8;
	[tilespmem:$0x1CC00] =	vst v63  }
0x58: {  	_ =	swait.ge [sflag:s23], $0x2000  }
0x59: {  	[sflag:s23] =	ssyncset.done $0x0  }
0x5a: {  	[sflag:s23] =	ssyncadd.s32 $0xFFFFE000  }
0x5b: {  	_ =	swait.ge [sflag:s24], $0x2000  }
0x5c: {  	[sflag:s24] =	ssyncset.done $0x0  }
0x5d: {  	s5 =	simm.s32 $0x400;
	[sflag:s24] =	ssyncadd.s32 $0xFFFFE000  }
0x5e: {  	[tilespmem:s15], [sflag:$0x1] =	stream.indirect.gather [hbm4b:s4+s14], $0x80, s5, s14, $0xb8;
	[tilespmem:$0x1CC00] =	vst v63  }
0x5f: {  	s5 =	simm.s32 $0xA80  }
0x60: {  	[spmem:s2] =	stream.indirect.scatter.add.f32 [tilespmem:s17], [sflag:$0x6], $0x80, s5, s14, $0xb8;
	[tilespmem:$0x1CC00] =	vst v63  }
0x61: {  	_ =	swait.ge [sflag:s28], $0x2000  }
0x62: {  	[sflag:s28] =	ssyncset.done $0x0  }
0x63: {  	[sflag:s28] =	ssyncadd.s32 $0xFFFFE000  }
0x64: {  	_ =	swait.ge [sflag:s29], $0x2000  }
0x65: {  	[sflag:s29] =	ssyncset.done $0x0  }
0x66: {  	s5 =	simm.s32 $0x480;
	[sflag:s29] =	ssyncadd.s32 $0xFFFFE000  }
0x67: {  	[tilespmem:s17], [sflag:$0x2] =	stream.indirect.gather [hbm4b:s4+s14], $0x80, s5, s14, $0xb8;
	[tilespmem:$0x1CC00] =	vst v63  }
0x68: {  	s5 =	simm.s32 $0xB00  }
0x69: {  	[spmem:s2] =	stream.indirect.scatter.add.f32 [tilespmem:s19], [sflag:$0x7], $0x80, s5, s14, $0xb8;
	[tilespmem:$0x1CC00] =	vst v63  }
0x6a: {  	_ =	swait.ge [sflag:s1], $0x2000  }
0x6b: {  	[sflag:s1] =	ssyncset.done $0x0  }
0x6c: {  	[sflag:s1] =	ssyncadd.s32 $0xFFFFE000  }
0x6d: {  	_ =	swait.ge [sflag:s0], $0x2000  }
0x6e: {  	[sflag:s0] =	ssyncset.done $0x0  }
0x6f: {  	s5 =	simm.s32 $0x500;
	[sflag:s0] =	ssyncadd.s32 $0xFFFFE000  }
0x70: {  	[tilespmem:s19], [sflag:$0x3] =	stream.indirect.gather [hbm4b:s4+s14], $0x80, s5, s14, $0xb8;
	[tilespmem:$0x1CC00] =	vst v63  }
0x71: {  	s5 =	simm.s32 $0xB80  }
0x72: {  	[spmem:s2] =	stream.indirect.scatter.add.f32 [tilespmem:s22], [sflag:$0x8], $0x80, s5, s14, $0xb8;
	[tilespmem:$0x1CC00] =	vst v63  }
0x73: {  	_ =	swait.ge [sflag:s20], $0x2000  }
0x74: {  	[sflag:s20] =	ssyncset.done $0x0  }
0x75: {  	[sflag:s20] =	ssyncadd.s32 $0xFFFFE000  }
0x76: {  	_ =	swait.ge [sflag:s8], $0x2000  }
0x77: {  	[sflag:s8] =	ssyncset.done $0x0  }
0x78: {  	s5 =	simm.s32 $0x580;
	[sflag:s8] =	ssyncadd.s32 $0xFFFFE000  }
0x79: {  	[tilespmem:s22], [sflag:$0x4] =	stream.indirect.gather [hbm4b:s4+s14], $0x80, s5, s14, $0xb8;
	[tilespmem:$0x1CC00] =	vst v63  }
0x7a: {  	s5 =	simm.s32 $0xC00  }
0x7b: {  	[spmem:s2] =	stream.indirect.scatter.add.f32 [tilespmem:s15], [sflag:$0x5], $0x80, s5, s14, $0xb8;
	[tilespmem:$0x1CC00] =	vst v63  }
0x7c: {  	_ =	swait.ge [sflag:s23], $0x2000  }
0x7d: {  	[sflag:s23] =	ssyncset.done $0x0  }
0x7e: {  	[sflag:s23] =	ssyncadd.s32 $0xFFFFE000  }
0x7f: {  	_ =	swait.ge [sflag:s24], $0x2000  }
0x80: {  	[sflag:s24] =	ssyncset.done $0x0  }
0x81: {  	s5 =	simm.s32 $0x600;
	[sflag:s24] =	ssyncadd.s32 $0xFFFFE000  }
0x82: {  	[tilespmem:s15], [sflag:$0x1] =	stream.indirect.gather [hbm4b:s4+s14], $0x80, s5, s14, $0xb8;
	[tilespmem:$0x1CC00] =	vst v63  }
0x83: {  	s5 =	simm.s32 $0xC80  }
0x84: {  	[spmem:s2] =	stream.indirect.scatter.add.f32 [tilespmem:s17], [sflag:$0x6], $0x80, s5, s14, $0xb8;
	[tilespmem:$0x1CC00] =	vst v63  }
0x85: {  	_ =	swait.ge [sflag:s28], $0x2000  }
0x86: {  	[sflag:s28] =	ssyncset.done $0x0  }
0x87: {  	[sflag:s28] =	ssyncadd.s32 $0xFFFFE000  }
0x88: {  	_ =	swait.ge [sflag:s29], $0x2000  }
0x89: {  	[sflag:s29] =	ssyncset.done $0x0  }
0x8a: {  	[sflag:s29] =	ssyncadd.s32 $0xFFFFE000  }
0x8b: {  	[tilespmem:s17], [sflag:$0x2] =	stream.indirect.gather [hbm4b:s4+s14], $0x80, s7, s14, $0xb8;
	[tilespmem:$0x1CC00] =	vst v63  }
0x8c: {  	_ = 	snop  }
0x8d: {  	[spmem:s2] =	stream.indirect.scatter.add.f32 [tilespmem:s19], [sflag:$0x7], $0x80, s9, s14, $0xb8;
	[tilespmem:$0x1CC00] =	vst v63  }
0x8e: {  	_ =	swait.ge [sflag:s1], $0x2000  }
0x8f: {  	[sflag:s1] =	ssyncset.done $0x0  }
0x90: {  	[sflag:s1] =	ssyncadd.s32 $0xFFFFE000  }
0x91: {  	_ =	swait.ge [sflag:s0], $0x2000  }
0x92: {  	[sflag:s0] =	ssyncset.done $0x0  }
0x93: {  	[sflag:s0] =	ssyncadd.s32 $0xFFFFE000  }
0x94: {  	[tilespmem:s19], [sflag:$0x3] =	stream.indirect.gather [hbm4b:s4+s14], $0x80, s10, s14, $0xb8;
	[tilespmem:$0x1CC00] =	vst v63  }
0x95: {  	_ = 	snop  }
0x96: {  	[spmem:s2] =	stream.indirect.scatter.add.f32 [tilespmem:s22], [sflag:$0x8], $0x80, s6, s14, $0xb8;
	[tilespmem:$0x1CC00] =	vst v63  }
0x97: {  	_ =	swait.ge [sflag:s20], $0x2000  }
0x98: {  	[sflag:s20] =	ssyncset.done $0x0  }
0x99: {  	[sflag:s20] =	ssyncadd.s32 $0xFFFFE000  }
0x9a: {  	_ =	swait.ge [sflag:s8], $0x2000  }
0x9b: {  	[sflag:s8] =	ssyncset.done $0x0  }
0x9c: {  	[sflag:s8] =	ssyncadd.s32 $0xFFFFE000  }
0x9d: {  	[tilespmem:s22], [sflag:$0x4] =	stream.indirect.gather [hbm4b:s4+s14], $0x80, s11, s14, $0xb8;
	[tilespmem:$0x1CC00] =	vst v63  }
0x9e: {  	_ = 	snop  }
0x9f: {  	[spmem:s2] =	stream.indirect.scatter.add.f32 [tilespmem:s15], [sflag:$0x5], $0x80, s16, s14, $0xb8;
	[tilespmem:$0x1CC00] =	vst v63  }
0xa0: {  	_ =	swait.ge [sflag:s23], $0x2000  }
0xa1: {  	[sflag:s23] =	ssyncset.done $0x0  }
0xa2: {  	[sflag:s23] =	ssyncadd.s32 $0xFFFFE000  }
0xa3: {  	[spmem:s2] =	stream.indirect.scatter.add.f32 [tilespmem:s17], [sflag:$0x6], $0x80, s18, s14, $0xb8;
	[tilespmem:$0x1CC00] =	vst v63  }
0xa4: {  	_ =	swait.ge [sflag:s28], $0x2000  }
0xa5: {  	[sflag:s28] =	ssyncset.done $0x0  }
0xa6: {  	[sflag:s28] =	ssyncadd.s32 $0xFFFFE000  }
0xa7: {  	[spmem:s2] =	stream.indirect.scatter.add.f32 [tilespmem:s19], [sflag:$0x7], $0x80, s21, s14, $0xb8;
	[tilespmem:$0x1CC00] =	vst v63  }
0xa8: {  	_ =	swait.ge [sflag:s1], $0x2000  }
0xa9: {  	[sflag:s1] =	ssyncset.done $0x0  }
0xaa: {  	[sflag:s1] =	ssyncadd.s32 $0xFFFFE000  }
0xab: {  	[spmem:s2] =	stream.indirect.scatter.add.f32 [tilespmem:s22], [sflag:$0x8], $0x80, s25, s14, $0xb8;
	[tilespmem:$0x1CC00] =	vst v63  }
0xac: {  	_ =	swait.ge [sflag:s24], $0x2000  }
0xad: {  	[sflag:s24] =	ssyncset.done $0x0  }
0xae: {  	[sflag:s24] =	ssyncadd.s32 $0xFFFFE000  }
0xaf: {  	_ =	swait.ge [sflag:s29], $0x2000  }
0xb0: {  	[sflag:s29] =	ssyncset.done $0x0  }
0xb1: {  	p1 =	slt.u32 @!p0 s31, $0x12;
	[sflag:s29] =	ssyncadd.s32 $0xFFFFE000  }
0xb2: {  	p1 =	por p0, !p1;
	_ =	swait.ge [sflag:s0], $0x2000  }
.Ltmp0:
0xb3: {  	[sflag:s0] =	ssyncset.done $0x0;
	(pc) =	sbr.rel @!p1 .LBB2_2-.Ltmp0, $4  }
0xb4: {  	[sflag:s0] =	ssyncadd.s32 $0xFFFFE000  }
0xb5: {  	_ =	swait.ge [sflag:s8], $0x2000  }
0xb6: {  	s31 =	sadd.s32 $0x1, s31;
	[sflag:s8] =	ssyncset.done $0x0  }
0xb7: {  	s26 =	sadd.s32 $0x100, s26;
	s30 =	sadd.s32 $0x100, s30;
	[sflag:s8] =	ssyncadd.s32 $0xFFFFE000  }
0xb8: {  	[bflag:$0x0] =	sbarrier.arrive $0xFFFF  }
0xb9: {  	s30 =	rddreg [dreg:$0x4]  }
0xba: {  	s26 =	rddreg [dreg:$0x5]  }
0xbb: {  	s31 =	rddreg [dreg:$0x9]  }
0xbc: {  	[hbm:s26], [sflag:s30] =	dma.local [spmem:s31], $0x2780  }
0xbd: {  	_ =	swait.ge [sflag:s12], $0x2780  }
0xbe: {  	s5 =	rddreg [dreg:$0xa]  }
0xbf: {  	s26 =	rddreg [dreg:$0x6];
	s5 =	sadd.s32 $0x1, s5  }
0xc0: {  	p1 =	sne.s32 s5, s26  }
.Ltmp1:
0xc1: {  	_ = 	snop;
	(pc) =	sbr.rel @p1 .LBB2_1-.Ltmp1, $3  }
0xc2: {  	_ =	sdelay $0x1  }
0xc3: {  	[sflag:s12] =	ssyncset.done $0x0  }
0xc4: {  	[sflag:s12] =	ssyncadd.s32 $0xFFFFD880  }
0xc5: {  	_ =	sfence.sel $0x180000  }
0xc6: {  	[bflag:$0x0] =	sbarrier.arrive $0xFFFF  }
0xc7: {  	_ =	strace $0x9000004D  }
0xc8: {  	s0 =	stileid.u32;
	[bflag:$0x2] =	sbarrier.arrive $0xFFFF  }
0xc9: {  	p0 =	sne.s32 s0, $0x0;
	s0 =	rddreg [dreg:$0x2]  }
0xca: {  	s0 =	sadd.s32 @!p0 $0x100000, s0  }
0xcb: {  	[sflag:s0] =	ssyncadd.tile.s32 @!p0 $0x1;
	_ =	shalt  }
.Lfunc_end2:
_tile_overlayer_lowered:
.L_overlay_start_2:
0xcc: {  	(tag) =	ssettag $0x2  }
0xcd: {  	s0 =	rddreg [dreg:$0x0];
	s2 =	stileid.u32  }
0xce: {  	s1 =	rddreg [dreg:$0x1];
	p0 =	sne.s32 s2, $0x0  }
0xcf: {  	s3 =	rddreg [dreg:$0x2];
	[bflag:$0x3] =	sbarrier.arrive $0xFFFF;
	s2 =	simm.s32 @!p0 $0x1C09  }
0xd0: {  	[timem:s3], [sflag:s2] =	dma.local @!p0 [hbm:s0], s1  }
0xd1: {  	s0 =	simm.s32 @!p0 $0x9  }
0xd2: {  	_ =	swait.ge @!p0 [sflag:s0], s1  }
0xd3: {  	s1 =	ssub.s32 @!p0 $0x0, s1;
	[sflag:s0] =	ssyncset.done @!p0 $0x0  }
0xd4: {  	[sflag:s0] =	ssyncadd.s32 @!p0 s1  }
0xd5: {  	[bflag:$0x3] =	sbarrier.arrive $0xFFFF  }
0xd6: {  	_ =	shalt  }

// kernel: kernel.7.cloned.1.call-start
scs
__scs_entry_jumppad:
0x0: {  	(pc) =	sbr.rel $0x88, $3  }
0x1: {  	(tag) =	ssettag $0x0;
	lr =	simm.s32 $0x1  }
0x2: {  	[smem:$0x3F99] =	sst lr;
	_ =	strace $0xD0000000  }
0x3: {  	_ = 	snop  }
0x4: {  	_ = 	snop  }
0x5: {  	_ = 	snop  }
0x6: {  	_ = 	snop  }
0x7: {  	_ = 	snop  }
__scs_overlays_trampoline_lowered:
0x8: {  	[smem:$0x3FA8] =	sst s0  }
0x9: {  	[smem:$0x3FA9] =	sst s1  }
0xa: {  	[smem:$0x3FAA] =	sst s2  }
0xb: {  	[smem:$0x3FAB] =	sst s3  }
0xc: {  	[smem:$0x3FAC] =	sst s4  }
0xd: {  	[smem:$0x3FAD] =	sst s5  }
0xe: {  	[smem:$0x3FAE] =	sst s6  }
0xf: {  	[smem:$0x3FAF] =	sst s7  }
0x10: {  	[smem:$0x3FB0] =	sst s8  }
0x11: {  	[smem:$0x3FB1] =	sst s9;
	s0 =	simm.s32 @!p0 $0x0  }
0x12: {  	s1 =	sld [smem:$0x3F97];
	s0 =	simm.s32 @p0 $0x1  }
0x13: {  	[smem:$0x3FB2] =	sst s0;
	s0 =	simm.s32 @!p1 $0x0  }
0x14: {  	s2 =	sld [smem:$0x3F96];
	s0 =	simm.s32 @p1 $0x1  }
0x15: {  	[smem:$0x3FB3] =	sst s0;
	s0 =	simm.s32 @!p2 $0x0  }
0x16: {  	s3 =	sld [smem:$0x3FDB];
	s0 =	simm.s32 @p2 $0x1  }
0x17: {  	s4 =	simm.s32 $0x1BF5;
	[smem:$0x3FB5] =	sst s0  }
0x18: {  	s0 =	sld [smem:$0x3F98];
	_ =	swait.ge [sflag:s4], $0x0  }
0x19: {  	s7 =	sld [smem:$0x3F99]  }
0x1a: {  	s8 =	sadd.s32 $0xFFFFE003, lr  }
0x1b: {  	s9 =	sadd.s32 $0xFFFFFEF7, lr;
	s5 =	simm.s32 $0xFFFFFFFF;
	p2 =	slt.u32 s8, $0xFFFFF086  }
0x1c: {  	p1 =	slt.u32 s9, $0xF7A;
	s5 =	simm.s32 @!p2 $0x0  }
0x1d: {  	s5 =	simm.s32 @p1 $0x1;
	p0 =	seq.s32 s7, s2  }
0x1e: {  	s7 =	smul.u32 @!p0 $0xF7A, s2;
	p2 =	seq.s32 @!p0 s5, $0x0  }
0x1f: {  	s9 =	smul.u32 $0xF7A, s1;
	s8 =	simm.s32 @!p0 $0x1BF5;
	p2 =	por !p2, p0  }
0x20: {  	[sflag:s8] =	ssyncset.s32 @!p0 $0xFFFFF086;
	s6 =	sadd.s32 @!p0 s3, s7;
	s7 =	simm.s32 @!p0 $0x108  }
0x21: {  	s3 =	sadd.s32 s3, s9;
	s6 =	sadd.s32 @!p0 $0x88, s6;
	s7 =	simm.s32 @p2 $0x1082  }
0x22: {  	[simem:s7], [sflag:s8] =	dma.local @!p0 [hbm:s6], $0xF7A  }
0x23: {  	s9 =	sor.u32 $0xD0000000, s2;
	s6 =	simm.s32 $0x108;
	_ =	swait.ge @!p0 [sflag:s8], $0x0  }
0x24: {  	s3 =	sadd.s32 $0x88, s3;
	s6 =	simm.s32 @!p1 $0x1082;
	[sflag:s4] =	ssyncset.s32 $0xFFFFF086  }
0x25: {  	[simem:s6], [sflag:s4] =	dma.local [hbm:s3], $0xF7A  }
0x26: {  	[smem:$0x3F99] =	sst s1;
	(tag) =	ssettag s2;
	_ =	strace s9  }
0x27: {  	s1 =	sld [smem:$0x3FA9]  }
0x28: {  	s2 =	sld [smem:$0x3FAA]  }
0x29: {  	s4 =	sld [smem:$0x3FAC]  }
0x2a: {  	p0 =	seq.s32 s5, $0x0;
	s5 =	sld [smem:$0x3FAD]  }
0x2b: {  	s6 =	sld [smem:$0x3FAE]  }
0x2c: {  	s7 =	sld [smem:$0x3FAF]  }
0x2d: {  	s3 =	simm.s32 $0x108;
	s8 =	sld [smem:$0x3FB0]  }
0x2e: {  	s3 =	simm.s32 @!p0 $0x1082;
	s9 =	sld [smem:$0x3FB1]  }
0x2f: {  	lr =	sadd.s32 s0, s3;
	s0 =	sld [smem:$0x3FA8]  }
0x30: {  	s3 =	sld [smem:$0x3FAB]  }
0x31: {  	[smem:$0x3FB4] =	sst s10  }
0x32: {  	s10 =	sld [smem:$0x3FB2];
	_ =	sdelay $0x3  }
0x33: {  	p0 =	seq.s32 s10, $0x1;
	s10 =	sld [smem:$0x3FB4];
	_ =	sdelay $0x3  }
0x34: {  	[smem:$0x3FB4] =	sst s10  }
0x35: {  	s10 =	sld [smem:$0x3FB3];
	_ =	sdelay $0x3  }
0x36: {  	p1 =	seq.s32 s10, $0x1;
	s10 =	sld [smem:$0x3FB4];
	_ =	sdelay $0x3  }
0x37: {  	[smem:$0x3FB4] =	sst s10  }
0x38: {  	s10 =	sld [smem:$0x3FB5]  }
0x39: {  	_ = 	snop;
	(pc) =	sbr.ind lr, $3  }
0x3a: {  	_ = 	snop  }
0x3b: {  	_ = 	snop  }
0x3c: {  	p2 =	seq.s32 s10, $0x1;
	s10 =	sld [smem:$0x3FB4]  }
0x3d: {  	_ =	shalt  }
0x3e: {  	_ =	shalt  }
0x3f: {  	_ =	shalt  }
0x40: {  	_ =	shalt  }
0x41: {  	_ =	shalt  }
0x42: {  	_ =	shalt  }
0x43: {  	_ =	shalt  }
0x44: {  	_ =	shalt  }
0x45: {  	_ =	shalt  }
0x46: {  	_ =	shalt  }
0x47: {  	_ =	shalt  }
0x48: {  	_ =	shalt  }
0x49: {  	_ =	shalt  }
0x4a: {  	_ =	shalt  }
0x4b: {  	_ =	shalt  }
0x4c: {  	_ =	shalt  }
0x4d: {  	_ =	shalt  }
0x4e: {  	_ =	shalt  }
0x4f: {  	_ =	shalt  }
0x50: {  	_ =	shalt  }
0x51: {  	_ =	shalt  }
0x52: {  	_ =	shalt  }
0x53: {  	_ =	shalt  }
0x54: {  	_ =	shalt  }
0x55: {  	_ =	shalt  }
0x56: {  	_ =	shalt  }
0x57: {  	_ =	shalt  }
0x58: {  	_ =	shalt  }
0x59: {  	_ =	shalt  }
0x5a: {  	_ =	shalt  }
0x5b: {  	_ =	shalt  }
0x5c: {  	_ =	shalt  }
0x5d: {  	_ =	shalt  }
0x5e: {  	_ =	shalt  }
0x5f: {  	_ =	shalt  }
0x60: {  	_ =	shalt  }
0x61: {  	_ =	shalt  }
0x62: {  	_ =	shalt  }
0x63: {  	_ =	shalt  }
0x64: {  	_ =	shalt  }
0x65: {  	_ =	shalt  }
0x66: {  	_ =	shalt  }
0x67: {  	_ =	shalt  }
0x68: {  	_ =	shalt  }
0x69: {  	_ =	shalt  }
0x6a: {  	_ =	shalt  }
0x6b: {  	_ =	shalt  }
0x6c: {  	_ =	shalt  }
0x6d: {  	_ =	shalt  }
0x6e: {  	_ =	shalt  }
0x6f: {  	_ =	shalt  }
0x70: {  	_ =	shalt  }
0x71: {  	_ =	shalt  }
0x72: {  	_ =	shalt  }
0x73: {  	_ =	shalt  }
0x74: {  	_ =	shalt  }
0x75: {  	_ =	shalt  }
0x76: {  	_ =	shalt  }
0x77: {  	_ =	shalt  }
0x78: {  	_ =	shalt  }
0x79: {  	_ =	shalt  }
0x7a: {  	_ =	shalt  }
0x7b: {  	_ =	shalt  }
0x7c: {  	_ =	shalt  }
0x7d: {  	_ =	shalt  }
0x7e: {  	_ =	shalt  }
0x7f: {  	_ =	shalt  }
0x80: {  	_ =	shalt  }
0x81: {  	_ =	shalt  }
0x82: {  	_ =	shalt  }
0x83: {  	_ =	shalt  }
0x84: {  	_ =	shalt  }
0x85: {  	_ =	shalt  }
0x86: {  	_ =	shalt  }
0x87: {  	_ =	shalt  }
.Lfunc_end0:
.L_simem_size_0:
called_computation_lowered:
.L_overlay_start_0:
0x88: {  	s2 =	sld [smem:$0x3FD9]  }
0x89: {  	s3 =	sld [smem:$0x3FFE];
	_ =	sdelay $0x1  }
0x8a: {  	s1 =	srdreg.scid  }
0x8b: {  	s0 =	sand.u32 $0x1, s1  }
0x8c: {  	s17 =	sshll.u32 s0, $0xA;
	s2 =	sadd.s32 s3, s2  }
0x8d: {  	s2 =	sadd.s32 s2, s17  }
0x8e: {  	[smem:$0x3FC0] =	sst s2  }
0x8f: {  	_ = 	snop  }
0x90: {  	s18 =	sld [smem:$0x3FD0];
	(tm) =	ssettm $0x1  }
0x91: {  	s19 =	sld [smem:$0x3FFB];
	_ =	sdelay $0x3  }
0x92: {  	_ =	strace s19  }
0x93: {  	s2 =	sld [smem:$0x3FFC];
	_ =	sdelay $0x3  }
0x94: {  	_ =	strace s2  }
0x95: {  	s2 =	sld [smem:$0x3FFD];
	_ =	sdelay $0x3  }
0x96: {  	_ =	strace s2  }
0x97: {  	_ =	strace $0x8FFFFFFF  }
0x98: {  	s20 =	sld [smem:$0x3FDB];
	_ =	sdelay $0x1  }
0x99: {  	s4 =	simm.s32 $_scs_section_size  }
0x9a: {  	s5 =	simm.s32 $_size__tile_overlayer_lowered;
	s6 =	simm.s32 $_tile_overlayer_lowered  }
0x9b: {  	s7 =	simm.s32 $0x1BFF;
	s21 =	sshll.u32 s6, $0x1;
	s4 =	sadd.s32 s4, s20  }
0x9c: {  	s22 =	simm.s32 $0x0;
	s5 =	sshll.u32 s5, $0x1;
	s6 =	sadd.s32 s21, s4  }
0x9d: {  	[timem:s22], [sflag:s7] =	dma.local [hbm:s6], s5  }
0x9e: {  	_ =	swait.ge [sflag:s7], s5  }
0x9f: {  	s5 =	ssub.s32 $0x0, s5;
	[sflag:s7] =	ssyncset.done $0x0  }
0xa0: {  	[sflag:s7] =	ssyncadd.s32 s5;
	_ =	sdelay $0x1  }
0xa1: {  	s23 =	simm.s32 $0x1B8B  }
0xa2: {  	_ =	swait.ge [sflag:s23], $0x1  }
0xa3: {  	[sflag:s23] =	ssyncset.done $0x0  }
0xa4: {  	[sflag:s23] =	ssyncadd.s32 $0xFFFFFFFF  }
0xa5: {  	s5 =	sld [smem:$0x0]  }
0xa6: {  	s6 =	sand.u32 $0xFFFFFFFE, s1  }
0xa7: {  	p0 =	sne.s32 s1, s6  }
0xa8: {  	s6 =	sshll.u32 @p0 s6, $0xE  }
0xa9: {  	s6 =	sadd.s32 @p0 $0x11B8D, s6;
	s7 =	sshll.u32 @p0 s5, $0x11  }
0xaa: {  	s6 =	sor.u32 @p0 s7, s6  }
0xab: {  	[sflag:s6] =	ssyncadd.remote.s32 @p0 $0x1;
	_ =	sdelay $0x1  }
0xac: {  	s6 =	simm.s32 @p0 $0x1B8D  }
0xad: {  	_ =	swait.eq @p0 [sflag:s6], $0x1  }
0xae: {  	[sflag:s6] =	ssyncadd.s32 @p0 $0xFFFFFFFF  }
0xaf: {  	s7 =	sshll.u32 @!p0 s1, $0xE  }
0xb0: {  	s7 =	sor.u32 @!p0 $0x4000, s7;
	s6 =	simm.s32 @!p0 $0x1B8D  }
0xb1: {  	s5 =	sshll.u32 @!p0 s5, $0x11;
	s7 =	sadd.s32 @!p0 $0x11B8D, s7;
	_ =	swait.eq @!p0 [sflag:s6], $0x1  }
0xb2: {  	s5 =	sor.u32 @!p0 s5, s7;
	[sflag:s6] =	ssyncadd.s32 @!p0 $0xFFFFFFFF  }
0xb3: {  	s25 =	simm.s32 $0x1B8E;
	s24 =	sld [smem:$0x3FFE];
	[sflag:s5] =	ssyncadd.remote.s32 @!p0 $0x1  }
0xb4: {  	s26 =	simm.s32 $execute0_lowered;
	[smem:$0x3FD2] =	sst s25  }
0xb5: {  	s6 =	sshll.u32 s26, $0x1;
	_ =	strace $0x80000049;
	[dreg:$0x1] =	wrdreg $0xFFFFFFFF  }
0xb6: {  	s28 =	simm.s32 $_size_execute0_lowered;
	s4 =	sadd.s32 s4, s6;
	[dreg:$0x0] =	wrdreg $0x0  }
0xb7: {  	s6 =	sshll.u32 s28, $0x1;
	[dreg:$0x2] =	wrdreg s4  }
0xb8: {  	[dreg:$0x3] =	wrdreg s6  }
0xb9: {  	[dreg:$0x4] =	wrdreg $0xC0  }
0xba: {  	_ =	task [dreg:s22], $0x5FFFF  }
0xbb: {  	[dreg:$0x1] =	wrdreg $0xFFFFFFFF  }
0xbc: {  	[dreg:$0x0] =	wrdreg $0x60  }
0xbd: {  	[dreg:$0x2] =	wrdreg s24  }
0xbe: {  	[dreg:$0x3] =	wrdreg s18  }
0xbf: {  	[dreg:$0x4] =	wrdreg $0x28000  }
0xc0: {  	[dreg:$0x5] =	wrdreg $0x9  }
0xc1: {  	_ =	task.clear_ibuf [dreg:s22], $0x6FFFF;
	_ =	strace $0x90000049  }
0xc2: {  	s29 =	simm.s32 $0x9;
	_ =	strace $0x8000004B  }
0xc3: {  	_ =	swait.ge [sflag:s29], $0x1  }
0xc4: {  	[sflag:s29] =	ssyncadd.s32 $0xFFFFFFFF  }
0xc5: {  	_ =	strace $0x9000004B  }
0xc6: {  	_ =	sfence  }
0xc7: {  	s30 =	sld [smem:$0x0];
	_ =	sdelay $0x2  }
0xc8: {  	s31 =	sshll.u32 s1, $0xD;
	s1 =	sshrl.u32 s1, $0x2  }
0xc9: {  	s4 =	sand.u32 $0x4000, s31;
	s1 =	sadd.s32 s1, s30  }
0xca: {  	s0 =	sor.u32 s4, s0;
	s1 =	sshll.u32 s1, $0x11  }
0xcb: {  	s0 =	sor.u32 s1, s0  }
0xcc: {  	s0 =	sadd.s32 $0x8F2B, s0  }
0xcd: {  	[sflag:s0] =	ssyncadd.remote.s32 $0x1  }
0xce: {  	_ =	sfence.sel $0xFFFF  }
0xcf: {  	[dreg:$0x0] =	wrdreg $0xFFFFFFFF;
	(pc) =	sbr.abs _section_cstart, $3  }
0xd0: {  	[dreg:$0x1] =	wrdreg $0xFFFFFFFF  }
0xd1: {  	_ =	task.clear_ibuf [dreg:s22], $0x2FFFF;
	_ =	strace $0x9FFFFFFF  }
0xd2: {  	(tm) =	ssettm $0x7FFFFFFF  }
0xd3: {  	_ =	shalt  }
tec
execute0_lowered:
.L_overlay_start_1:
0x0: {  	(tag) =	ssettag $0x1  }
0x1: {  	s0 =	rddreg [dreg:$0x0]  }
0x2: {  	s1 =	srdreg.scid;
	s8 =	stileid.u32  }
0x3: {  	s3 =	rddreg [dreg:$0x2];
	s4 =	simm.s32 $0x0;
	s11 =	simm.s32 $0x2  }
0x4: {  	s12 =	simm.s32 $0x800;
	s13 =	simm.s32 $0x40;
	s14 =	simm.s32 $0x80  }
0x5: {  	s15 =	simm.s32 $0x100;
	s16 =	simm.s32 $0x180;
	s17 =	simm.s32 $0x200  }
0x6: {  	s18 =	simm.s32 $0x280;
	s19 =	simm.s32 $0x300;
	s2 =	smul.u32 $0xA000, s8  }
0x7: {  	s20 =	simm.s32 $0x380;
	s28 =	simm.s32 $0x700;
	s6 =	smul.u32 $0x13C00, s8  }
0x8: {  	s29 =	simm.s32 $0x780;
	s1 =	sand.u32 $0x1, s1;
	s22 =	smul.u32 $0x4F000, s8  }
0x9: {  	s30 =	simm.s32 $0x1;
	s31 =	simm.s32 $0x0;
	s5 =	smul.u32 $0x5000, s1  }
0xa: {  	[smem:$0x7FF] =	sst s4;
	s25 =	sshll.u32 s8, $0x6;
	s21 =	smul.u32 $0x13C000, s1  }
0xb: {  	_ =	strace $0x8000004A;
	s1 =	ssub.s32 $0x2, s1;
	s7 =	sshrl.u32 s6, $0x3  }
0xc: {  	s23 =	sshrl.u32 s1, $0x1;
	s24 =	sshrl.u32 s22, $0x2;
	s22 =	simm.s32 $0x480  }
0xd: {  	s2 =	sadd.s32 s5, s2;
	s5 =	sadd.s32 s6, s21;
	s7 =	sadd.s32 s7, s0  }
0xe: {  	s1 =	ssub.s32 s1, s23;
	s10 =	sadd.s32 s24, s3;
	s6 =	sor.u32 $0x1C02, s25  }
0xf: {  	s21 =	simm.s32 $0x400;
	s23 =	simm.s32 $0x500;
	s24 =	simm.s32 $0x580  }
0x10: {  	s25 =	simm.s32 $0x600;
	s2 =	sshrl.u32 s2, $0x3;
	s5 =	sshrl.u32 s5, $0x3  }
0x11: {  	s26 =	sadd.s32 $0x4CC00, s7;
	s8 =	smax.u32 s1, $0x1;
	s10 =	sshrl.u32 s10, $0x3  }
0x12: {  	s2 =	sadd.s32 s2, s0;
	s0 =	sadd.s32 s5, s0;
	[dreg:$0x4] =	wrdreg s26  }
0x13: {  	s26 =	simm.s32 $0x680;
	s7 =	sadd.s32 $0xD7400, s0;
	s9 =	sadd.s32 $0xC3400, s2  }
.LBB2_1:
0x14: {  	s0 =	rddreg [dreg:$0x4]  }
0x15: {  	[spmem:s10], [sflag:s6] =	dma.local [hbm:s0], $0x2780  }
0x16: {  	_ =	swait.ge [sflag:s11], $0x2780  }
0x17: {  	[sflag:s11] =	ssyncset.done $0x0  }
0x18: {  	[sflag:s11] =	ssyncadd.s32 $0xFFFFD880  }
0x19: {  	s2 =	rddreg [dreg:$0x1]  }
0x1a: {  	[tilespmem:s12], [sflag:$0x2] =	stream.linear.gather [hbm4b:s2+s4], $0x2000, $0x38;
	[tilespmem:$0x16400] =	vst v63  }
0x1b: {  	_ =	swait.ge [sflag:s11], $0x2000  }
0x1c: {  	[sflag:s11] =	ssyncset.done $0x0  }
0x1d: {  	[sflag:s11] =	ssyncadd.s32 $0xFFFFE000  }
0x1e: {  	s5 =	sadd.s32 $0x0, s9;
	[bflag:$0x0] =	sbarrier.arrive $0xFFFF  }
0x1f: {  	[tilespmem:s4], [sflag:$0x2] =	stream.linear.gather [hbm4b:s5+s4], $0x800, $0x38;
	[tilespmem:$0x16400] =	vst v63  }
0x20: {  	_ =	swait.ge [sflag:s11], $0x800  }
0x21: {  	[sflag:s11] =	ssyncset.done $0x0  }
0x22: {  	[sflag:s11] =	ssyncadd.s32 $0xFFFFF800  }
0x23: {  	[spmem:s3] =	stream.indirect.scatter.add.f32 [tilespmem:s12], [sflag:$0x1], $0x80, s4, s13, $0xb8;
	[tilespmem:$0x16400] =	vst v63  }
0x24: {  	_ = 	snop  }
0x25: {  	[spmem:s3] =	stream.indirect.scatter.add.f32 [tilespmem:s12], [sflag:$0x1], $0x80, s14, s13, $0xb8;
	[tilespmem:$0x16400] =	vst v63  }
0x26: {  	_ = 	snop  }
0x27: {  	[spmem:s3] =	stream.indirect.scatter.add.f32 [tilespmem:s12], [sflag:$0x1], $0x80, s15, s13, $0xb8;
	[tilespmem:$0x16400] =	vst v63  }
0x28: {  	_ = 	snop  }
0x29: {  	[spmem:s3] =	stream.indirect.scatter.add.f32 [tilespmem:s12], [sflag:$0x1], $0x80, s16, s13, $0xb8;
	[tilespmem:$0x16400] =	vst v63  }
0x2a: {  	_ = 	snop  }
0x2b: {  	[spmem:s3] =	stream.indirect.scatter.add.f32 [tilespmem:s12], [sflag:$0x1], $0x80, s17, s13, $0xb8;
	[tilespmem:$0x16400] =	vst v63  }
0x2c: {  	_ = 	snop  }
0x2d: {  	[spmem:s3] =	stream.indirect.scatter.add.f32 [tilespmem:s12], [sflag:$0x1], $0x80, s18, s13, $0xb8;
	[tilespmem:$0x16400] =	vst v63  }
0x2e: {  	_ = 	snop  }
0x2f: {  	[spmem:s3] =	stream.indirect.scatter.add.f32 [tilespmem:s12], [sflag:$0x1], $0x80, s19, s13, $0xb8;
	[tilespmem:$0x16400] =	vst v63  }
0x30: {  	_ = 	snop  }
0x31: {  	[spmem:s3] =	stream.indirect.scatter.add.f32 [tilespmem:s12], [sflag:$0x1], $0x80, s20, s13, $0xb8;
	[tilespmem:$0x16400] =	vst v63  }
0x32: {  	_ = 	snop  }
0x33: {  	[spmem:s3] =	stream.indirect.scatter.add.f32 [tilespmem:s12], [sflag:$0x1], $0x80, s21, s13, $0xb8;
	[tilespmem:$0x16400] =	vst v63  }
0x34: {  	_ = 	snop  }
0x35: {  	[spmem:s3] =	stream.indirect.scatter.add.f32 [tilespmem:s12], [sflag:$0x1], $0x80, s22, s13, $0xb8;
	[tilespmem:$0x16400] =	vst v63  }
0x36: {  	_ = 	snop  }
0x37: {  	[spmem:s3] =	stream.indirect.scatter.add.f32 [tilespmem:s12], [sflag:$0x1], $0x80, s23, s13, $0xb8;
	[tilespmem:$0x16400] =	vst v63  }
0x38: {  	_ = 	snop  }
0x39: {  	[spmem:s3] =	stream.indirect.scatter.add.f32 [tilespmem:s12], [sflag:$0x1], $0x80, s24, s13, $0xb8;
	[tilespmem:$0x16400] =	vst v63  }
0x3a: {  	_ = 	snop  }
0x3b: {  	[spmem:s3] =	stream.indirect.scatter.add.f32 [tilespmem:s12], [sflag:$0x1], $0x80, s25, s13, $0xb8;
	[tilespmem:$0x16400] =	vst v63  }
0x3c: {  	_ = 	snop  }
0x3d: {  	[spmem:s3] =	stream.indirect.scatter.add.f32 [tilespmem:s12], [sflag:$0x1], $0x80, s26, s13, $0xb8;
	[tilespmem:$0x16400] =	vst v63  }
0x3e: {  	_ = 	snop  }
0x3f: {  	[spmem:s3] =	stream.indirect.scatter.add.f32 [tilespmem:s12], [sflag:$0x1], $0x80, s28, s13, $0xb8;
	[tilespmem:$0x16400] =	vst v63  }
0x40: {  	_ = 	snop  }
0x41: {  	[spmem:s3] =	stream.indirect.scatter.add.f32 [tilespmem:s12], [sflag:$0x1], $0x80, s29, s13, $0xb8;
	[tilespmem:$0x16400] =	vst v63  }
0x42: {  	_ =	swait.ge [sflag:s30], $0x2000  }
0x43: {  	[sflag:s30] =	ssyncset.done $0x0  }
0x44: {  	[sflag:s30] =	ssyncadd.s32 $0xFFFFE000  }
0x45: {  	_ =	swait.ge [sflag:s30], $0x2000  }
0x46: {  	[sflag:s30] =	ssyncset.done $0x0  }
0x47: {  	[sflag:s30] =	ssyncadd.s32 $0xFFFFE000  }
0x48: {  	_ =	swait.ge [sflag:s30], $0x2000  }
0x49: {  	[sflag:s30] =	ssyncset.done $0x0  }
0x4a: {  	[sflag:s30] =	ssyncadd.s32 $0xFFFFE000  }
0x4b: {  	_ =	swait.ge [sflag:s30], $0x2000  }
0x4c: {  	[sflag:s30] =	ssyncset.done $0x0  }
0x4d: {  	[sflag:s30] =	ssyncadd.s32 $0xFFFFE000  }
0x4e: {  	_ =	swait.ge [sflag:s30], $0x2000  }
0x4f: {  	[sflag:s30] =	ssyncset.done $0x0  }
0x50: {  	[sflag:s30] =	ssyncadd.s32 $0xFFFFE000  }
0x51: {  	_ =	swait.ge [sflag:s30], $0x2000  }
0x52: {  	[sflag:s30] =	ssyncset.done $0x0  }
0x53: {  	[sflag:s30] =	ssyncadd.s32 $0xFFFFE000  }
0x54: {  	_ =	swait.ge [sflag:s30], $0x2000  }
0x55: {  	[sflag:s30] =	ssyncset.done $0x0  }
0x56: {  	[sflag:s30] =	ssyncadd.s32 $0xFFFFE000  }
0x57: {  	_ =	swait.ge [sflag:s30], $0x2000  }
0x58: {  	[sflag:s30] =	ssyncset.done $0x0  }
0x59: {  	[sflag:s30] =	ssyncadd.s32 $0xFFFFE000  }
0x5a: {  	_ =	swait.ge [sflag:s30], $0x2000  }
0x5b: {  	[sflag:s30] =	ssyncset.done $0x0  }
0x5c: {  	[sflag:s30] =	ssyncadd.s32 $0xFFFFE000  }
0x5d: {  	_ =	swait.ge [sflag:s30], $0x2000  }
0x5e: {  	[sflag:s30] =	ssyncset.done $0x0  }
0x5f: {  	[sflag:s30] =	ssyncadd.s32 $0xFFFFE000  }
0x60: {  	_ =	swait.ge [sflag:s30], $0x2000  }
0x61: {  	[sflag:s30] =	ssyncset.done $0x0  }
0x62: {  	[sflag:s30] =	ssyncadd.s32 $0xFFFFE000  }
0x63: {  	_ =	swait.ge [sflag:s30], $0x2000  }
0x64: {  	[sflag:s30] =	ssyncset.done $0x0  }
0x65: {  	[sflag:s30] =	ssyncadd.s32 $0xFFFFE000  }
0x66: {  	_ =	swait.ge [sflag:s30], $0x2000  }
0x67: {  	[sflag:s30] =	ssyncset.done $0x0  }
0x68: {  	[sflag:s30] =	ssyncadd.s32 $0xFFFFE000  }
0x69: {  	_ =	swait.ge [sflag:s30], $0x2000  }
0x6a: {  	[sflag:s30] =	ssyncset.done $0x0  }
0x6b: {  	[sflag:s30] =	ssyncadd.s32 $0xFFFFE000  }
0x6c: {  	_ =	swait.ge [sflag:s30], $0x2000  }
0x6d: {  	[sflag:s30] =	ssyncset.done $0x0  }
0x6e: {  	[sflag:s30] =	ssyncadd.s32 $0xFFFFE000  }
0x6f: {  	_ =	swait.ge [sflag:s30], $0x2000  }
0x70: {  	s1 =	simm.s32 $0x100;
	s0 =	simm.s32 $0x200;
	[sflag:s30] =	ssyncset.done $0x0  }
.LBB2_2:
0x71: {  	s5 =	sadd.s32 s1, s9  }
0x72: {  	[sflag:s30] =	ssyncadd.s32 $0xFFFFE000;
	s1 =	smov.u32 s0;
	s2 =	sadd.s32 $0x100, s0  }
0x73: {  	[tilespmem:s4], [sflag:$0x2] =	stream.linear.gather [hbm4b:s5+s4], $0x800, $0x38;
	[tilespmem:$0x16400] =	vst v63  }
0x74: {  	p0 =	sne.s32 s0, $0x900;
	_ =	swait.ge [sflag:s11], $0x800  }
0x75: {  	[sflag:s11] =	ssyncset.done $0x0  }
0x76: {  	[sflag:s11] =	ssyncadd.s32 $0xFFFFF800  }
0x77: {  	[spmem:s3] =	stream.indirect.scatter.add.f32 [tilespmem:s12], [sflag:$0x1], $0x80, s4, s13, $0xb8;
	[tilespmem:$0x16400] =	vst v63  }
0x78: {  	_ = 	snop  }
0x79: {  	[spmem:s3] =	stream.indirect.scatter.add.f32 [tilespmem:s12], [sflag:$0x1], $0x80, s14, s13, $0xb8;
	[tilespmem:$0x16400] =	vst v63  }
0x7a: {  	_ = 	snop  }
0x7b: {  	[spmem:s3] =	stream.indirect.scatter.add.f32 [tilespmem:s12], [sflag:$0x1], $0x80, s15, s13, $0xb8;
	[tilespmem:$0x16400] =	vst v63  }
0x7c: {  	_ = 	snop  }
0x7d: {  	[spmem:s3] =	stream.indirect.scatter.add.f32 [tilespmem:s12], [sflag:$0x1], $0x80, s16, s13, $0xb8;
	[tilespmem:$0x16400] =	vst v63  }
0x7e: {  	_ = 	snop  }
0x7f: {  	[spmem:s3] =	stream.indirect.scatter.add.f32 [tilespmem:s12], [sflag:$0x1], $0x80, s17, s13, $0xb8;
	[tilespmem:$0x16400] =	vst v63  }
0x80: {  	_ = 	snop  }
0x81: {  	[spmem:s3] =	stream.indirect.scatter.add.f32 [tilespmem:s12], [sflag:$0x1], $0x80, s18, s13, $0xb8;
	[tilespmem:$0x16400] =	vst v63  }
0x82: {  	_ = 	snop  }
0x83: {  	[spmem:s3] =	stream.indirect.scatter.add.f32 [tilespmem:s12], [sflag:$0x1], $0x80, s19, s13, $0xb8;
	[tilespmem:$0x16400] =	vst v63  }
0x84: {  	_ = 	snop  }
0x85: {  	[spmem:s3] =	stream.indirect.scatter.add.f32 [tilespmem:s12], [sflag:$0x1], $0x80, s20, s13, $0xb8;
	[tilespmem:$0x16400] =	vst v63  }
0x86: {  	_ = 	snop  }
0x87: {  	[spmem:s3] =	stream.indirect.scatter.add.f32 [tilespmem:s12], [sflag:$0x1], $0x80, s21, s13, $0xb8;
	[tilespmem:$0x16400] =	vst v63  }
0x88: {  	_ = 	snop  }
0x89: {  	[spmem:s3] =	stream.indirect.scatter.add.f32 [tilespmem:s12], [sflag:$0x1], $0x80, s22, s13, $0xb8;
	[tilespmem:$0x16400] =	vst v63  }
0x8a: {  	_ = 	snop  }
0x8b: {  	[spmem:s3] =	stream.indirect.scatter.add.f32 [tilespmem:s12], [sflag:$0x1], $0x80, s23, s13, $0xb8;
	[tilespmem:$0x16400] =	vst v63  }
0x8c: {  	_ = 	snop  }
0x8d: {  	[spmem:s3] =	stream.indirect.scatter.add.f32 [tilespmem:s12], [sflag:$0x1], $0x80, s24, s13, $0xb8;
	[tilespmem:$0x16400] =	vst v63  }
0x8e: {  	_ = 	snop  }
0x8f: {  	[spmem:s3] =	stream.indirect.scatter.add.f32 [tilespmem:s12], [sflag:$0x1], $0x80, s25, s13, $0xb8;
	[tilespmem:$0x16400] =	vst v63  }
0x90: {  	_ = 	snop  }
0x91: {  	[spmem:s3] =	stream.indirect.scatter.add.f32 [tilespmem:s12], [sflag:$0x1], $0x80, s26, s13, $0xb8;
	[tilespmem:$0x16400] =	vst v63  }
0x92: {  	_ = 	snop  }
0x93: {  	[spmem:s3] =	stream.indirect.scatter.add.f32 [tilespmem:s12], [sflag:$0x1], $0x80, s28, s13, $0xb8;
	[tilespmem:$0x16400] =	vst v63  }
0x94: {  	_ = 	snop  }
0x95: {  	[spmem:s3] =	stream.indirect.scatter.add.f32 [tilespmem:s12], [sflag:$0x1], $0x80, s29, s13, $0xb8;
	[tilespmem:$0x16400] =	vst v63  }
0x96: {  	_ =	swait.ge [sflag:s30], $0x2000  }
0x97: {  	[sflag:s30] =	ssyncset.done $0x0  }
0x98: {  	[sflag:s30] =	ssyncadd.s32 $0xFFFFE000  }
0x99: {  	_ =	swait.ge [sflag:s30], $0x2000  }
0x9a: {  	[sflag:s30] =	ssyncset.done $0x0  }
0x9b: {  	[sflag:s30] =	ssyncadd.s32 $0xFFFFE000  }
0x9c: {  	_ =	swait.ge [sflag:s30], $0x2000  }
0x9d: {  	[sflag:s30] =	ssyncset.done $0x0  }
0x9e: {  	[sflag:s30] =	ssyncadd.s32 $0xFFFFE000  }
0x9f: {  	_ =	swait.ge [sflag:s30], $0x2000  }
0xa0: {  	[sflag:s30] =	ssyncset.done $0x0  }
0xa1: {  	[sflag:s30] =	ssyncadd.s32 $0xFFFFE000  }
0xa2: {  	_ =	swait.ge [sflag:s30], $0x2000  }
0xa3: {  	[sflag:s30] =	ssyncset.done $0x0  }
0xa4: {  	[sflag:s30] =	ssyncadd.s32 $0xFFFFE000  }
0xa5: {  	_ =	swait.ge [sflag:s30], $0x2000  }
0xa6: {  	[sflag:s30] =	ssyncset.done $0x0  }
0xa7: {  	[sflag:s30] =	ssyncadd.s32 $0xFFFFE000  }
0xa8: {  	_ =	swait.ge [sflag:s30], $0x2000  }
0xa9: {  	[sflag:s30] =	ssyncset.done $0x0  }
0xaa: {  	[sflag:s30] =	ssyncadd.s32 $0xFFFFE000  }
0xab: {  	_ =	swait.ge [sflag:s30], $0x2000  }
0xac: {  	[sflag:s30] =	ssyncset.done $0x0  }
0xad: {  	[sflag:s30] =	ssyncadd.s32 $0xFFFFE000  }
0xae: {  	_ =	swait.ge [sflag:s30], $0x2000  }
0xaf: {  	[sflag:s30] =	ssyncset.done $0x0  }
0xb0: {  	[sflag:s30] =	ssyncadd.s32 $0xFFFFE000  }
0xb1: {  	_ =	swait.ge [sflag:s30], $0x2000  }
0xb2: {  	[sflag:s30] =	ssyncset.done $0x0  }
0xb3: {  	[sflag:s30] =	ssyncadd.s32 $0xFFFFE000  }
0xb4: {  	_ =	swait.ge [sflag:s30], $0x2000  }
0xb5: {  	[sflag:s30] =	ssyncset.done $0x0  }
0xb6: {  	[sflag:s30] =	ssyncadd.s32 $0xFFFFE000  }
0xb7: {  	_ =	swait.ge [sflag:s30], $0x2000  }
0xb8: {  	[sflag:s30] =	ssyncset.done $0x0  }
0xb9: {  	[sflag:s30] =	ssyncadd.s32 $0xFFFFE000  }
0xba: {  	_ =	swait.ge [sflag:s30], $0x2000  }
0xbb: {  	[sflag:s30] =	ssyncset.done $0x0  }
0xbc: {  	[sflag:s30] =	ssyncadd.s32 $0xFFFFE000  }
0xbd: {  	_ =	swait.ge [sflag:s30], $0x2000  }
0xbe: {  	[sflag:s30] =	ssyncset.done $0x0  }
0xbf: {  	[sflag:s30] =	ssyncadd.s32 $0xFFFFE000  }
.Ltmp0:
0xc0: {  	_ =	swait.ge [sflag:s30], $0x2000;
	(pc) =	sbr.rel @p0 .LBB2_2-.Ltmp0, $4  }
0xc1: {  	[sflag:s30] =	ssyncset.done $0x0  }
0xc2: {  	[sflag:s30] =	ssyncadd.s32 $0xFFFFE000  }
0xc3: {  	_ =	swait.ge [sflag:s30], $0x2000  }
0xc4: {  	s0 =	smov.u32 s2;
	[sflag:s30] =	ssyncset.done $0x0  }
0xc5: {  	s0 =	sadd.s32 s1, s9;
	[sflag:s30] =	ssyncadd.s32 $0xFFFFE000  }
0xc6: {  	[tilespmem:s4], [sflag:$0x2] =	stream.linear.gather [hbm4b:s0+s4], $0x800, $0x38;
	[tilespmem:$0x16400] =	vst v63  }
0xc7: {  	_ =	swait.ge [sflag:s11], $0x800  }
0xc8: {  	[sflag:s11] =	ssyncset.done $0x0  }
0xc9: {  	[sflag:s11] =	ssyncadd.s32 $0xFFFFF800  }
0xca: {  	[spmem:s3] =	stream.indirect.scatter.add.f32 [tilespmem:s12], [sflag:$0x1], $0x80, s4, s13, $0xb8;
	[tilespmem:$0x16400] =	vst v63  }
0xcb: {  	_ = 	snop  }
0xcc: {  	[spmem:s3] =	stream.indirect.scatter.add.f32 [tilespmem:s12], [sflag:$0x1], $0x80, s14, s13, $0xb8;
	[tilespmem:$0x16400] =	vst v63  }
0xcd: {  	_ = 	snop  }
0xce: {  	[spmem:s3] =	stream.indirect.scatter.add.f32 [tilespmem:s12], [sflag:$0x1], $0x80, s15, s13, $0xb8;
	[tilespmem:$0x16400] =	vst v63  }
0xcf: {  	_ = 	snop  }
0xd0: {  	[spmem:s3] =	stream.indirect.scatter.add.f32 [tilespmem:s12], [sflag:$0x1], $0x80, s16, s13, $0xb8;
	[tilespmem:$0x16400] =	vst v63  }
0xd1: {  	_ = 	snop  }
0xd2: {  	[spmem:s3] =	stream.indirect.scatter.add.f32 [tilespmem:s12], [sflag:$0x1], $0x80, s17, s13, $0xb8;
	[tilespmem:$0x16400] =	vst v63  }
0xd3: {  	_ = 	snop  }
0xd4: {  	[spmem:s3] =	stream.indirect.scatter.add.f32 [tilespmem:s12], [sflag:$0x1], $0x80, s18, s13, $0xb8;
	[tilespmem:$0x16400] =	vst v63  }
0xd5: {  	_ = 	snop  }
0xd6: {  	[spmem:s3] =	stream.indirect.scatter.add.f32 [tilespmem:s12], [sflag:$0x1], $0x80, s19, s13, $0xb8;
	[tilespmem:$0x16400] =	vst v63  }
0xd7: {  	_ = 	snop  }
0xd8: {  	[spmem:s3] =	stream.indirect.scatter.add.f32 [tilespmem:s12], [sflag:$0x1], $0x80, s20, s13, $0xb8;
	[tilespmem:$0x16400] =	vst v63  }
0xd9: {  	_ = 	snop  }
0xda: {  	[spmem:s3] =	stream.indirect.scatter.add.f32 [tilespmem:s12], [sflag:$0x1], $0x80, s21, s13, $0xb8;
	[tilespmem:$0x16400] =	vst v63  }
0xdb: {  	_ = 	snop  }
0xdc: {  	[spmem:s3] =	stream.indirect.scatter.add.f32 [tilespmem:s12], [sflag:$0x1], $0x80, s22, s13, $0xb8;
	[tilespmem:$0x16400] =	vst v63  }
0xdd: {  	_ = 	snop  }
0xde: {  	[spmem:s3] =	stream.indirect.scatter.add.f32 [tilespmem:s12], [sflag:$0x1], $0x80, s23, s13, $0xb8;
	[tilespmem:$0x16400] =	vst v63  }
0xdf: {  	_ = 	snop  }
0xe0: {  	[spmem:s3] =	stream.indirect.scatter.add.f32 [tilespmem:s12], [sflag:$0x1], $0x80, s24, s13, $0xb8;
	[tilespmem:$0x16400] =	vst v63  }
0xe1: {  	_ = 	snop  }
0xe2: {  	[spmem:s3] =	stream.indirect.scatter.add.f32 [tilespmem:s12], [sflag:$0x1], $0x80, s25, s13, $0xb8;
	[tilespmem:$0x16400] =	vst v63  }
0xe3: {  	_ = 	snop  }
0xe4: {  	[spmem:s3] =	stream.indirect.scatter.add.f32 [tilespmem:s12], [sflag:$0x1], $0x80, s26, s13, $0xb8;
	[tilespmem:$0x16400] =	vst v63  }
0xe5: {  	_ = 	snop  }
0xe6: {  	[spmem:s3] =	stream.indirect.scatter.add.f32 [tilespmem:s12], [sflag:$0x1], $0x80, s28, s13, $0xb8;
	[tilespmem:$0x16400] =	vst v63  }
0xe7: {  	_ = 	snop  }
0xe8: {  	[spmem:s3] =	stream.indirect.scatter.add.f32 [tilespmem:s12], [sflag:$0x1], $0x80, s29, s13, $0xb8;
	[tilespmem:$0x16400] =	vst v63  }
0xe9: {  	_ =	swait.ge [sflag:s30], $0x2000  }
0xea: {  	[sflag:s30] =	ssyncset.done $0x0  }
0xeb: {  	[sflag:s30] =	ssyncadd.s32 $0xFFFFE000  }
0xec: {  	_ =	swait.ge [sflag:s30], $0x2000  }
0xed: {  	[sflag:s30] =	ssyncset.done $0x0  }
0xee: {  	[sflag:s30] =	ssyncadd.s32 $0xFFFFE000  }
0xef: {  	_ =	swait.ge [sflag:s30], $0x2000  }
0xf0: {  	[sflag:s30] =	ssyncset.done $0x0  }
0xf1: {  	[sflag:s30] =	ssyncadd.s32 $0xFFFFE000  }
0xf2: {  	_ =	swait.ge [sflag:s30], $0x2000  }
0xf3: {  	[sflag:s30] =	ssyncset.done $0x0  }
0xf4: {  	[sflag:s30] =	ssyncadd.s32 $0xFFFFE000  }
0xf5: {  	_ =	swait.ge [sflag:s30], $0x2000  }
0xf6: {  	[sflag:s30] =	ssyncset.done $0x0  }
0xf7: {  	[sflag:s30] =	ssyncadd.s32 $0xFFFFE000  }
0xf8: {  	_ =	swait.ge [sflag:s30], $0x2000  }
0xf9: {  	[sflag:s30] =	ssyncset.done $0x0  }
0xfa: {  	[sflag:s30] =	ssyncadd.s32 $0xFFFFE000  }
0xfb: {  	_ =	swait.ge [sflag:s30], $0x2000  }
0xfc: {  	[sflag:s30] =	ssyncset.done $0x0  }
0xfd: {  	[sflag:s30] =	ssyncadd.s32 $0xFFFFE000  }
0xfe: {  	_ =	swait.ge [sflag:s30], $0x2000  }
0xff: {  	[sflag:s30] =	ssyncset.done $0x0  }
0x100: {  	[sflag:s30] =	ssyncadd.s32 $0xFFFFE000  }
0x101: {  	_ =	swait.ge [sflag:s30], $0x2000  }
0x102: {  	[sflag:s30] =	ssyncset.done $0x0  }
0x103: {  	[sflag:s30] =	ssyncadd.s32 $0xFFFFE000  }
0x104: {  	_ =	swait.ge [sflag:s30], $0x2000  }
0x105: {  	[sflag:s30] =	ssyncset.done $0x0  }
0x106: {  	[sflag:s30] =	ssyncadd.s32 $0xFFFFE000  }
0x107: {  	_ =	swait.ge [sflag:s30], $0x2000  }
0x108: {  	[sflag:s30] =	ssyncset.done $0x0  }
0x109: {  	[sflag:s30] =	ssyncadd.s32 $0xFFFFE000  }
0x10a: {  	_ =	swait.ge [sflag:s30], $0x2000  }
0x10b: {  	[sflag:s30] =	ssyncset.done $0x0  }
0x10c: {  	[sflag:s30] =	ssyncadd.s32 $0xFFFFE000  }
0x10d: {  	_ =	swait.ge [sflag:s30], $0x2000  }
0x10e: {  	[sflag:s30] =	ssyncset.done $0x0  }
0x10f: {  	[sflag:s30] =	ssyncadd.s32 $0xFFFFE000  }
0x110: {  	_ =	swait.ge [sflag:s30], $0x2000  }
0x111: {  	[sflag:s30] =	ssyncset.done $0x0  }
0x112: {  	[sflag:s30] =	ssyncadd.s32 $0xFFFFE000  }
0x113: {  	_ =	swait.ge [sflag:s30], $0x2000  }
0x114: {  	[sflag:s30] =	ssyncset.done $0x0  }
0x115: {  	[sflag:s30] =	ssyncadd.s32 $0xFFFFE000  }
0x116: {  	_ =	swait.ge [sflag:s30], $0x2000  }
0x117: {  	s31 =	sadd.s32 $0x1, s31;
	[sflag:s30] =	ssyncset.done $0x0  }
0x118: {  	p0 =	sne.s32 s31, s8;
	[sflag:s30] =	ssyncadd.s32 $0xFFFFE000  }
.Ltmp1:
0x119: {  	[bflag:$0x0] =	sbarrier.arrive $0xFFFF;
	(pc) =	sbr.rel @p0 .LBB2_1-.Ltmp1, $4  }
0x11a: {  	[hbm:s7], [sflag:s6] =	dma.local [spmem:s10], $0x2780  }
0x11b: {  	_ =	swait.ge [sflag:s11], $0x2780  }
0x11c: {  	[sflag:s11] =	ssyncset.done $0x0  }
0x11d: {  	[sflag:s11] =	ssyncadd.s32 $0xFFFFD880  }
0x11e: {  	_ =	sfence.sel $0x180000  }
0x11f: {  	[bflag:$0x0] =	sbarrier.arrive $0xFFFF  }
0x120: {  	_ =	strace $0x9000004A  }
0x121: {  	s0 =	stileid.u32;
	[bflag:$0x2] =	sbarrier.arrive $0xFFFF  }
0x122: {  	p0 =	sne.s32 s0, $0x0;
	s0 =	rddreg [dreg:$0x3]  }
0x123: {  	s0 =	sadd.s32 @!p0 $0x100000, s0  }
0x124: {  	[sflag:s0] =	ssyncadd.tile.s32 @!p0 $0x1;
	_ =	shalt  }
.Lfunc_end2:
_tile_overlayer_lowered:
.L_overlay_start_2:
0x125: {  	(tag) =	ssettag $0x2  }
0x126: {  	s0 =	rddreg [dreg:$0x0];
	s2 =	stileid.u32  }
0x127: {  	s1 =	rddreg [dreg:$0x1];
	p0 =	sne.s32 s2, $0x0  }
0x128: {  	s3 =	rddreg [dreg:$0x2];
	[bflag:$0x3] =	sbarrier.arrive $0xFFFF;
	s2 =	simm.s32 @!p0 $0x1C02  }
0x129: {  	[timem:s3], [sflag:s2] =	dma.local @!p0 [hbm:s0], s1  }
0x12a: {  	s0 =	simm.s32 @!p0 $0x2  }
0x12b: {  	_ =	swait.ge @!p0 [sflag:s0], s1  }
0x12c: {  	s1 =	ssub.s32 @!p0 $0x0, s1;
	[sflag:s0] =	ssyncset.done @!p0 $0x0  }
0x12d: {  	[sflag:s0] =	ssyncadd.s32 @!p0 s1  }
0x12e: {  	[bflag:$0x3] =	sbarrier.arrive $0xFFFF  }
0x12f: {  	_ =	shalt  }

</sc_bundles>
